<compile_context>
chip_gen: v7x
topology: tpu7x:2x2x1
jax: 0.10.2.dev20260603
libtpu: 0.0.44.dev20260713+nightly
codegen_flags: <defaults>
</compile_context>

<pallas_src>
import functools

import jax
import jax.numpy as jnp
from jax import lax
from jax.experimental import pallas as pl
from jax.experimental.pallas import tpu as pltpu
from jax.experimental.pallas import tpu_sc as plsc

_NC, _NS, _L = 2, 16, 16
_NW = _NC * _NS
_P = 16
_NSLOT = 5
_DEPTH = 3


def kernel(x, pos_table):
    batch, seq, d = x.shape
    pos_per_w = seq // _NW
    nchunks = pos_per_w // _P
    cw = _P * d
    steps = nchunks * batch

    mesh = plsc.VectorSubcoreMesh(core_axis_name="c", subcore_axis_name="s")

    @functools.partial(
        pl.kernel,
        out_type=jax.ShapeDtypeStruct((batch, seq, d), x.dtype),
        mesh=mesh,
        compiler_params=pltpu.CompilerParams(use_tc_tiling_on_sc=True),
        scratch_types=(
            [pltpu.VMEM((_P, d), jnp.float32) for _ in range(_NSLOT)]
            + [pltpu.VMEM((_P, d), jnp.float32) for _ in range(2)]
            + [pltpu.SemaphoreType.DMA for _ in range(_NSLOT * 2 + 2)]
        ),
    )
    def sc_add(x_hbm, pos_hbm, out_hbm, *scr):
        xb = scr[0:_NSLOT]
        pb = scr[_NSLOT:_NSLOT + 2]
        isem = scr[_NSLOT + 2:_NSLOT * 2 + 2]
        osem = scr[_NSLOT * 2 + 2:_NSLOT * 3 + 2]
        psem = scr[_NSLOT * 3 + 2:]

        wid = lax.axis_index("s") * _NC + lax.axis_index("c")
        row0 = wid * pos_per_w

        def in_copy(t):
            c, b = divmod(t, batch)
            s = t % _NSLOT
            return pltpu.async_copy(
                x_hbm.at[b, pl.ds(row0 + c * _P, _P)], xb[s], isem[s])

        def out_copy(t):
            c, b = divmod(t, batch)
            s = t % _NSLOT
            return pltpu.async_copy(
                xb[s], out_hbm.at[b, pl.ds(row0 + c * _P, _P)], osem[s])

        def pos_copy(c):
            return pltpu.async_copy(
                pos_hbm.at[pl.ds(row0 + c * _P, _P)], pb[c % 2], psem[c % 2])

        pos_h, in_h, out_h = {}, {}, {}
        waited_out = set()

        for c in range(min(2, nchunks)):
            pos_h[c] = pos_copy(c)
        for t in range(min(_DEPTH, steps)):
            in_h[t] = in_copy(t)

        for t in range(steps):
            s = t % _NSLOT
            c, b = divmod(t, batch)
            in_h[t].wait()
            if b == 0:
                pos_h[c].wait()
            xv, pv = xb[s], pb[c % 2]

            @plsc.parallel_loop(0, cw, step=_L, unroll=8)
            def _body(i, xv=xv, pv=pv):
                r = i // d
                cc = i % d
                plsc.addupdate(xv.at[r, pl.ds(cc, _L)], pv[r, pl.ds(cc, _L)])

            if t >= 1:
                out_h[t - 1] = out_copy(t - 1)
            if b == 0 and c >= 1 and c + 1 < nchunks:
                pos_h[c + 1] = pos_copy(c + 1)
            nt = t + _DEPTH
            if nt < steps:
                pt = nt - _NSLOT
                if pt >= 0:
                    out_h[pt].wait()
                    waited_out.add(pt)
                in_h[nt] = in_copy(nt)

        out_h[steps - 1] = out_copy(steps - 1)
        for t in range(steps):
            if t not in waited_out:
                out_h[t].wait()

    return sc_add(x, pos_table)

# --- scband reference (transcript-rebuilt; emitter-appended) ---
"""Pipeline reference for scband-learned-positional-encoding-44590350467330 (READ-ONLY COPY).

The authoritative reference and input builder live on the scoring server;
editing this copy changes nothing except your own understanding.
"""

import jax, jax.numpy as jnp
import numpy as np

D_MODEL = 1024
MAX_LEN = 8192

def setup_inputs(seed: int = 0) -> dict:
    key = jax.random.key(seed)
    k1, k2 = jax.random.split(key)
    x = jax.random.normal(k1, (4, 4096, D_MODEL), dtype=jnp.float32)
    # Learned positional embedding table, initialized from a normal distribution
    pos_table = jax.random.normal(k2, (MAX_LEN, D_MODEL), dtype=jnp.float32) * 0.02
    return {"x": x, "pos_table": pos_table}

def reference(x, pos_table):
    batch, seq_len, d_model = x.shape
    # assertion analog: seq_len must be <= max_len (guaranteed by setup)
    positions = jnp.arange(seq_len)
    pos_emb = jnp.take(pos_table, positions, axis=0)  # [seq_len, d_model]
    return x + pos_emb[None, :, :]

if __name__ == "__main__":
    import jax
    _d = setup_inputs()
    print(jax.jit(kernel)(*tuple(_d.values())))

</pallas_src>

<mosaic_0001>
#map = affine_map<(d0, d1) -> (0, 0, 0)>
#map1 = affine_map<(d0, d1) -> (0, 0)>
module attributes {stable_mosaic.version = 14 : i64} {
  func.func @sc_add(%arg0: i32, %arg1: i32, %arg2: memref<4x4096x1024xf32, #tpu.memory_space<hbm>>, %arg3: memref<8192x1024xf32, #tpu.memory_space<hbm>>, %arg4: memref<4x4096x1024xf32, #tpu.memory_space<hbm>>, %arg5: memref<16x1024xf32, #tpu.memory_space<vmem>>, %arg6: memref<16x1024xf32, #tpu.memory_space<vmem>>, %arg7: memref<16x1024xf32, #tpu.memory_space<vmem>>, %arg8: memref<16x1024xf32, #tpu.memory_space<vmem>>, %arg9: memref<16x1024xf32, #tpu.memory_space<vmem>>, %arg10: memref<16x1024xf32, #tpu.memory_space<vmem>>, %arg11: memref<16x1024xf32, #tpu.memory_space<vmem>>, %arg12: memref<!tpu.dma_semaphore, #tpu.memory_space<semaphore_mem>>, %arg13: memref<!tpu.dma_semaphore, #tpu.memory_space<semaphore_mem>>, %arg14: memref<!tpu.dma_semaphore, #tpu.memory_space<semaphore_mem>>, %arg15: memref<!tpu.dma_semaphore, #tpu.memory_space<semaphore_mem>>, %arg16: memref<!tpu.dma_semaphore, #tpu.memory_space<semaphore_mem>>, %arg17: memref<!tpu.dma_semaphore, #tpu.memory_space<semaphore_mem>>, %arg18: memref<!tpu.dma_semaphore, #tpu.memory_space<semaphore_mem>>, %arg19: memref<!tpu.dma_semaphore, #tpu.memory_space<semaphore_mem>>, %arg20: memref<!tpu.dma_semaphore, #tpu.memory_space<semaphore_mem>>, %arg21: memref<!tpu.dma_semaphore, #tpu.memory_space<semaphore_mem>>, %arg22: memref<!tpu.dma_semaphore, #tpu.memory_space<semaphore_mem>>, %arg23: memref<!tpu.dma_semaphore, #tpu.memory_space<semaphore_mem>>) attributes {dimension_semantics = [#tpu.dimension_semantics<core_parallel>, #tpu.dimension_semantics<subcore_parallel>], iteration_bounds = array<i64: 2, 16>, scalar_prefetch = 0 : i64, scratch_operands = 19 : i64, tpu.core_type = #tpu.core_type<sc_vector_subcore>, window_params = [{transform_indices = #map}, {transform_indices = #map1}, {transform_indices = #map}]} {
    %mul3A = arith.constant 2 : i32
    %mul3A_0 = arith.muli %arg1, %mul3A : i32
    %add3A = arith.addi %mul3A_0, %arg0 : i32
    %mul3A_1 = arith.constant 128 : i32
    %mul3A_2 = arith.muli %add3A, %mul3A_1 : i32
    %add3A_3 = arith.constant 0 : i32
    %add3A_4 = arith.addi %mul3A_2, %add3A_3 : i32
    %dma_start3A = arith.constant 0 : i32
    %dma_start3A_5 = tpu.memref_slice %arg3[%add3A_4, %dma_start3A] : memref<8192x1024xf32, #tpu.memory_space<hbm>> -> memref<16x1024xf32, #tpu.memory_space<hbm>>
    %dma_start3A_6 = arith.constant 0 : i32
    %dma_start3A_7 = tpu.memref_slice %arg3[%add3A_4, %dma_start3A_6] : memref<8192x1024xf32, #tpu.memory_space<hbm>> -> memref<16x1024xf32, #tpu.memory_space<hbm>>
    tpu.enqueue_dma source(%dma_start3A_7 : memref<16x1024xf32, #tpu.memory_space<hbm>>) target(%arg10 : memref<16x1024xf32, #tpu.memory_space<vmem>>) target_semaphore(%arg22 : memref<!tpu.dma_semaphore, #tpu.memory_space<semaphore_mem>>)
    %add3A_8 = arith.constant 16 : i32
    %add3A_9 = arith.addi %mul3A_2, %add3A_8 : i32
    %dma_start3A_10 = arith.constant 0 : i32
    %dma_start3A_11 = tpu.memref_slice %arg3[%add3A_9, %dma_start3A_10] : memref<8192x1024xf32, #tpu.memory_space<hbm>> -> memref<16x1024xf32, #tpu.memory_space<hbm>>
    %dma_start3A_12 = arith.constant 0 : i32
    %dma_start3A_13 = tpu.memref_slice %arg3[%add3A_9, %dma_start3A_12] : memref<8192x1024xf32, #tpu.memory_space<hbm>> -> memref<16x1024xf32, #tpu.memory_space<hbm>>
    tpu.enqueue_dma source(%dma_start3A_13 : memref<16x1024xf32, #tpu.memory_space<hbm>>) target(%arg11 : memref<16x1024xf32, #tpu.memory_space<vmem>>) target_semaphore(%arg23 : memref<!tpu.dma_semaphore, #tpu.memory_space<semaphore_mem>>)
    %add3A_14 = arith.constant 0 : i32
    %add3A_15 = arith.addi %mul3A_2, %add3A_14 : i32
    %dma_start3A_16 = arith.constant 0 : i32
    %dma_start3A_17 = arith.constant 0 : i32
    %dma_start3A_18 = tpu.memref_slice %arg2[%dma_start3A_16, %add3A_15, %dma_start3A_17] : memref<4x4096x1024xf32, #tpu.memory_space<hbm>> -> memref<1x16x1024xf32, #tpu.memory_space<hbm>>
    %dma_start3A_19 = tpu.memref_squeeze %dma_start3A_18 : memref<1x16x1024xf32, #tpu.memory_space<hbm>> -> memref<16x1024xf32, #tpu.memory_space<hbm>>
    %dma_start3A_20 = arith.constant 0 : i32
    %dma_start3A_21 = tpu.memref_slice %arg2[%dma_start3A_16, %add3A_15, %dma_start3A_20] : memref<4x4096x1024xf32, #tpu.memory_space<hbm>> -> memref<1x16x1024xf32, #tpu.memory_space<hbm>>
    %dma_start3A_22 = tpu.memref_squeeze %dma_start3A_21 : memref<1x16x1024xf32, #tpu.memory_space<hbm>> -> memref<16x1024xf32, #tpu.memory_space<hbm>>
    tpu.enqueue_dma source(%dma_start3A_22 : memref<16x1024xf32, #tpu.memory_space<hbm>>) target(%arg5 : memref<16x1024xf32, #tpu.memory_space<vmem>>) target_semaphore(%arg12 : memref<!tpu.dma_semaphore, #tpu.memory_space<semaphore_mem>>)
    %add3A_23 = arith.constant 0 : i32
    %add3A_24 = arith.addi %mul3A_2, %add3A_23 : i32
    %dma_start3A_25 = arith.constant 1 : i32
    %dma_start3A_26 = arith.constant 0 : i32
    %dma_start3A_27 = tpu.memref_slice %arg2[%dma_start3A_25, %add3A_24, %dma_start3A_26] : memref<4x4096x1024xf32, #tpu.memory_space<hbm>> -> memref<1x16x1024xf32, #tpu.memory_space<hbm>>
    %dma_start3A_28 = tpu.memref_squeeze %dma_start3A_27 : memref<1x16x1024xf32, #tpu.memory_space<hbm>> -> memref<16x1024xf32, #tpu.memory_space<hbm>>
    %dma_start3A_29 = arith.constant 0 : i32
    %dma_start3A_30 = tpu.memref_slice %arg2[%dma_start3A_25, %add3A_24, %dma_start3A_29] : memref<4x4096x1024xf32, #tpu.memory_space<hbm>> -> memref<1x16x1024xf32, #tpu.memory_space<hbm>>
    %dma_start3A_31 = tpu.memref_squeeze %dma_start3A_30 : memref<1x16x1024xf32, #tpu.memory_space<hbm>> -> memref<16x1024xf32, #tpu.memory_space<hbm>>
    tpu.enqueue_dma source(%dma_start3A_31 : memref<16x1024xf32, #tpu.memory_space<hbm>>) target(%arg6 : memref<16x1024xf32, #tpu.memory_space<vmem>>) target_semaphore(%arg13 : memref<!tpu.dma_semaphore, #tpu.memory_space<semaphore_mem>>)
    %add3A_32 = arith.constant 0 : i32
    %add3A_33 = arith.addi %mul3A_2, %add3A_32 : i32
    %dma_start3A_34 = arith.constant 2 : i32
    %dma_start3A_35 = arith.constant 0 : i32
    %dma_start3A_36 = tpu.memref_slice %arg2[%dma_start3A_34, %add3A_33, %dma_start3A_35] : memref<4x4096x1024xf32, #tpu.memory_space<hbm>> -> memref<1x16x1024xf32, #tpu.memory_space<hbm>>
    %dma_start3A_37 = tpu.memref_squeeze %dma_start3A_36 : memref<1x16x1024xf32, #tpu.memory_space<hbm>> -> memref<16x1024xf32, #tpu.memory_space<hbm>>
    %dma_start3A_38 = arith.constant 0 : i32
    %dma_start3A_39 = tpu.memref_slice %arg2[%dma_start3A_34, %add3A_33, %dma_start3A_38] : memref<4x4096x1024xf32, #tpu.memory_space<hbm>> -> memref<1x16x1024xf32, #tpu.memory_space<hbm>>
    %dma_start3A_40 = tpu.memref_squeeze %dma_start3A_39 : memref<1x16x1024xf32, #tpu.memory_space<hbm>> -> memref<16x1024xf32, #tpu.memory_space<hbm>>
    tpu.enqueue_dma source(%dma_start3A_40 : memref<16x1024xf32, #tpu.memory_space<hbm>>) target(%arg7 : memref<16x1024xf32, #tpu.memory_space<vmem>>) target_semaphore(%arg14 : memref<!tpu.dma_semaphore, #tpu.memory_space<semaphore_mem>>)
    %dma_wait3A = arith.constant 0 : i32
    %dma_wait3A_41 = arith.constant 0 : i32
    %dma_wait3A_42 = tpu.memref_slice %arg2[%dma_wait3A, %add3A_15, %dma_wait3A_41] : memref<4x4096x1024xf32, #tpu.memory_space<hbm>> -> memref<1x16x1024xf32, #tpu.memory_space<hbm>>
    %dma_wait3A_43 = tpu.memref_squeeze %dma_wait3A_42 : memref<1x16x1024xf32, #tpu.memory_space<hbm>> -> memref<16x1024xf32, #tpu.memory_space<hbm>>
    %dma_wait3A_44 = arith.constant 0 : i32
    %dma_wait3A_45 = tpu.memref_slice %arg2[%dma_wait3A, %add3A_15, %dma_wait3A_44] : memref<4x4096x1024xf32, #tpu.memory_space<hbm>> -> memref<1x16x1024xf32, #tpu.memory_space<hbm>>
    %dma_wait3A_46 = tpu.memref_squeeze %dma_wait3A_45 : memref<1x16x1024xf32, #tpu.memory_space<hbm>> -> memref<16x1024xf32, #tpu.memory_space<hbm>>
    tpu.wait_dma2 semaphore(%arg12 : memref<!tpu.dma_semaphore, #tpu.memory_space<semaphore_mem>>) src(%dma_wait3A_46 : memref<16x1024xf32, #tpu.memory_space<hbm>>) dst(%arg5 : memref<16x1024xf32, #tpu.memory_space<vmem>>)
    %dma_wait3A_47 = arith.constant 0 : i32
    %dma_wait3A_48 = tpu.memref_slice %arg3[%add3A_4, %dma_wait3A_47] : memref<8192x1024xf32, #tpu.memory_space<hbm>> -> memref<16x1024xf32, #tpu.memory_space<hbm>>
    %dma_wait3A_49 = arith.constant 0 : i32
    %dma_wait3A_50 = tpu.memref_slice %arg3[%add3A_4, %dma_wait3A_49] : memref<8192x1024xf32, #tpu.memory_space<hbm>> -> memref<16x1024xf32, #tpu.memory_space<hbm>>
    tpu.wait_dma2 semaphore(%arg22 : memref<!tpu.dma_semaphore, #tpu.memory_space<semaphore_mem>>) src(%dma_wait3A_50 : memref<16x1024xf32, #tpu.memory_space<hbm>>) dst(%arg10 : memref<16x1024xf32, #tpu.memory_space<vmem>>)
    %parallel_loop3A = arith.constant 0 : i32
    %parallel_loop3A_51 = arith.constant 16384 : i32
    %parallel_loop3A_52 = arith.constant 16 : i32
    scf.for %parallel_loop3A_1200 = %parallel_loop3A to %parallel_loop3A_51 step %parallel_loop3A_52  : i32 {
      %parallel_loop3A_1201 = arith.constant 1024 : i32
      %parallel_loop3A_1202 = arith.divsi %parallel_loop3A_1200, %parallel_loop3A_1201 : i32
      %parallel_loop3A_1203 = arith.constant 0 : i32
      %parallel_loop3A_1204 = arith.cmpi sgt, %parallel_loop3A_1200, %parallel_loop3A_1203 : i32
      %parallel_loop3A_1205 = arith.extui %parallel_loop3A_1204 : i1 to i32
      %parallel_loop3A_1206 = arith.constant 0 : i32
      %parallel_loop3A_1207 = arith.cmpi slt, %parallel_loop3A_1200, %parallel_loop3A_1206 : i32
      %parallel_loop3A_1208 = arith.extui %parallel_loop3A_1207 : i1 to i32
      %parallel_loop3A_1209 = arith.subi %parallel_loop3A_1205, %parallel_loop3A_1208 : i32
      %parallel_loop3A_1210 = arith.constant 0 : i32
      %parallel_loop3A_1211 = arith.cmpi sgt, %parallel_loop3A_1201, %parallel_loop3A_1210 : i32
      %parallel_loop3A_1212 = arith.extui %parallel_loop3A_1211 : i1 to i32
      %parallel_loop3A_1213 = arith.constant 0 : i32
      %parallel_loop3A_1214 = arith.cmpi slt, %parallel_loop3A_1201, %parallel_loop3A_1213 : i32
      %parallel_loop3A_1215 = arith.extui %parallel_loop3A_1214 : i1 to i32
      %parallel_loop3A_1216 = arith.subi %parallel_loop3A_1212, %parallel_loop3A_1215 : i32
      %parallel_loop3A_1217 = arith.cmpi ne, %parallel_loop3A_1209, %parallel_loop3A_1216 : i32
      %parallel_loop3A_1218 = arith.remsi %parallel_loop3A_1200, %parallel_loop3A_1201 : i32
      %parallel_loop3A_1219 = arith.constant 0 : i32
      %parallel_loop3A_1220 = arith.cmpi ne, %parallel_loop3A_1218, %parallel_loop3A_1219 : i32
      %parallel_loop3A_1221 = arith.andi %parallel_loop3A_1217, %parallel_loop3A_1220 : i1
      %parallel_loop3A_1222 = arith.constant 1 : i32
      %parallel_loop3A_1223 = arith.subi %parallel_loop3A_1202, %parallel_loop3A_1222 : i32
      %parallel_loop3A_1224 = arith.select %parallel_loop3A_1221, %parallel_loop3A_1223, %parallel_loop3A_1202 : i32
      %parallel_loop3A_1225 = arith.constant 1024 : i32
      %parallel_loop3A_1226 = arith.constant 0 : i32
      %parallel_loop3A_1227 = arith.cmpi eq, %parallel_loop3A_1225, %parallel_loop3A_1226 : i32
      %parallel_loop3A_1228 = arith.constant 1 : i32
      %parallel_loop3A_1229 = arith.select %parallel_loop3A_1227, %parallel_loop3A_1228, %parallel_loop3A_1225 : i32
      %parallel_loop3A_1230 = arith.remsi %parallel_loop3A_1200, %parallel_loop3A_1229 : i32
      %parallel_loop3A_1231 = arith.constant 0 : i32
      %parallel_loop3A_1232 = arith.cmpi ne, %parallel_loop3A_1230, %parallel_loop3A_1231 : i32
      %parallel_loop3A_1233 = arith.constant 0 : i32
      %parallel_loop3A_1234 = arith.cmpi slt, %parallel_loop3A_1230, %parallel_loop3A_1233 : i32
      %parallel_loop3A_1235 = arith.constant 0 : i32
      %parallel_loop3A_1236 = arith.cmpi slt, %parallel_loop3A_1229, %parallel_loop3A_1235 : i32
      %parallel_loop3A_1237 = arith.xori %parallel_loop3A_1234, %parallel_loop3A_1236 : i1
      %parallel_loop3A_1238 = arith.andi %parallel_loop3A_1237, %parallel_loop3A_1232 : i1
      %parallel_loop3A_1239 = arith.addi %parallel_loop3A_1230, %parallel_loop3A_1229 : i32
      %parallel_loop3A_1240 = arith.select %parallel_loop3A_1238, %parallel_loop3A_1239, %parallel_loop3A_1230 : i32
      %parallel_loop3A_1241 = arith.index_cast %parallel_loop3A_1224 : i32 to index
      %parallel_loop3A_1242 = arith.index_cast %parallel_loop3A_1240 : i32 to index
      %parallel_loop3A_1243 = tpu.vector_load %arg10[%parallel_loop3A_1241, %parallel_loop3A_1242] {strides = array<i32>} : memref<16x1024xf32, #tpu.memory_space<vmem>>, vector<1x16xf32>,
      %parallel_loop3A_1244 = vector.shape_cast %parallel_loop3A_1243 : vector<1x16xf32> to vector<16xf32>
      %parallel_loop3A_1245 = arith.index_cast %parallel_loop3A_1224 : i32 to index
      %parallel_loop3A_1246 = arith.index_cast %parallel_loop3A_1240 : i32 to index
      %parallel_loop3A_1247 = tpu.vector_load %arg5[%parallel_loop3A_1245, %parallel_loop3A_1246] {strides = array<i32>} : memref<16x1024xf32, #tpu.memory_space<vmem>>, vector<1x16xf32>,
      %parallel_loop3A_1248 = vector.shape_cast %parallel_loop3A_1247 : vector<1x16xf32> to vector<16xf32>
      %parallel_loop3A_1249 = vector.shape_cast %parallel_loop3A_1244 : vector<16xf32> to vector<1x16xf32>
      tpu.vector_store %arg5[%parallel_loop3A_1245, %parallel_loop3A_1246], %parallel_loop3A_1249 {add = true, strides = array<i32>} : memref<16x1024xf32, #tpu.memory_space<vmem>>, vector<1x16xf32>,
    } {sc.loop_unroll_factor = 8 : i64, sc.parallel_access}
    %add3A_53 = arith.constant 0 : i32
    %add3A_54 = arith.addi %mul3A_2, %add3A_53 : i32
    %dma_start3A_55 = arith.constant 3 : i32
    %dma_start3A_56 = arith.constant 0 : i32
    %dma_start3A_57 = tpu.memref_slice %arg2[%dma_start3A_55, %add3A_54, %dma_start3A_56] : memref<4x4096x1024xf32, #tpu.memory_space<hbm>> -> memref<1x16x1024xf32, #tpu.memory_space<hbm>>
    %dma_start3A_58 = tpu.memref_squeeze %dma_start3A_57 : memref<1x16x1024xf32, #tpu.memory_space<hbm>> -> memref<16x1024xf32, #tpu.memory_space<hbm>>
    %dma_start3A_59 = arith.constant 0 : i32
    %dma_start3A_60 = tpu.memref_slice %arg2[%dma_start3A_55, %add3A_54, %dma_start3A_59] : memref<4x4096x1024xf32, #tpu.memory_space<hbm>> -> memref<1x16x1024xf32, #tpu.memory_space<hbm>>
    %dma_start3A_61 = tpu.memref_squeeze %dma_start3A_60 : memref<1x16x1024xf32, #tpu.memory_space<hbm>> -> memref<16x1024xf32, #tpu.memory_space<hbm>>
    tpu.enqueue_dma source(%dma_start3A_61 : memref<16x1024xf32, #tpu.memory_space<hbm>>) target(%arg8 : memref<16x1024xf32, #tpu.memory_space<vmem>>) target_semaphore(%arg15 : memref<!tpu.dma_semaphore, #tpu.memory_space<semaphore_mem>>)
    %dma_wait3A_62 = arith.constant 1 : i32
    %dma_wait3A_63 = arith.constant 0 : i32
    %dma_wait3A_64 = tpu.memref_slice %arg2[%dma_wait3A_62, %add3A_24, %dma_wait3A_63] : memref<4x4096x1024xf32, #tpu.memory_space<hbm>> -> memref<1x16x1024xf32, #tpu.memory_space<hbm>>
    %dma_wait3A_65 = tpu.memref_squeeze %dma_wait3A_64 : memref<1x16x1024xf32, #tpu.memory_space<hbm>> -> memref<16x1024xf32, #tpu.memory_space<hbm>>
    %dma_wait3A_66 = arith.constant 0 : i32
    %dma_wait3A_67 = tpu.memref_slice %arg2[%dma_wait3A_62, %add3A_24, %dma_wait3A_66] : memref<4x4096x1024xf32, #tpu.memory_space<hbm>> -> memref<1x16x1024xf32, #tpu.memory_space<hbm>>
    %dma_wait3A_68 = tpu.memref_squeeze %dma_wait3A_67 : memref<1x16x1024xf32, #tpu.memory_space<hbm>> -> memref<16x1024xf32, #tpu.memory_space<hbm>>
    tpu.wait_dma2 semaphore(%arg13 : memref<!tpu.dma_semaphore, #tpu.memory_space<semaphore_mem>>) src(%dma_wait3A_68 : memref<16x1024xf32, #tpu.memory_space<hbm>>) dst(%arg6 : memref<16x1024xf32, #tpu.memory_space<vmem>>)
    %parallel_loop3A_69 = arith.constant 0 : i32
    %parallel_loop3A_70 = arith.constant 16384 : i32
    %parallel_loop3A_71 = arith.constant 16 : i32
    scf.for %parallel_loop3A_1200 = %parallel_loop3A_69 to %parallel_loop3A_70 step %parallel_loop3A_71  : i32 {
      %parallel_loop3A_1201 = arith.constant 1024 : i32
      %parallel_loop3A_1202 = arith.divsi %parallel_loop3A_1200, %parallel_loop3A_1201 : i32
      %parallel_loop3A_1203 = arith.constant 0 : i32
      %parallel_loop3A_1204 = arith.cmpi sgt, %parallel_loop3A_1200, %parallel_loop3A_1203 : i32
      %parallel_loop3A_1205 = arith.extui %parallel_loop3A_1204 : i1 to i32
      %parallel_loop3A_1206 = arith.constant 0 : i32
      %parallel_loop3A_1207 = arith.cmpi slt, %parallel_loop3A_1200, %parallel_loop3A_1206 : i32
      %parallel_loop3A_1208 = arith.extui %parallel_loop3A_1207 : i1 to i32
      %parallel_loop3A_1209 = arith.subi %parallel_loop3A_1205, %parallel_loop3A_1208 : i32
      %parallel_loop3A_1210 = arith.constant 0 : i32
      %parallel_loop3A_1211 = arith.cmpi sgt, %parallel_loop3A_1201, %parallel_loop3A_1210 : i32
      %parallel_loop3A_1212 = arith.extui %parallel_loop3A_1211 : i1 to i32
      %parallel_loop3A_1213 = arith.constant 0 : i32
      %parallel_loop3A_1214 = arith.cmpi slt, %parallel_loop3A_1201, %parallel_loop3A_1213 : i32
      %parallel_loop3A_1215 = arith.extui %parallel_loop3A_1214 : i1 to i32
      %parallel_loop3A_1216 = arith.subi %parallel_loop3A_1212, %parallel_loop3A_1215 : i32
      %parallel_loop3A_1217 = arith.cmpi ne, %parallel_loop3A_1209, %parallel_loop3A_1216 : i32
      %parallel_loop3A_1218 = arith.remsi %parallel_loop3A_1200, %parallel_loop3A_1201 : i32
      %parallel_loop3A_1219 = arith.constant 0 : i32
      %parallel_loop3A_1220 = arith.cmpi ne, %parallel_loop3A_1218, %parallel_loop3A_1219 : i32
      %parallel_loop3A_1221 = arith.andi %parallel_loop3A_1217, %parallel_loop3A_1220 : i1
      %parallel_loop3A_1222 = arith.constant 1 : i32
      %parallel_loop3A_1223 = arith.subi %parallel_loop3A_1202, %parallel_loop3A_1222 : i32
      %parallel_loop3A_1224 = arith.select %parallel_loop3A_1221, %parallel_loop3A_1223, %parallel_loop3A_1202 : i32
      %parallel_loop3A_1225 = arith.constant 1024 : i32
      %parallel_loop3A_1226 = arith.constant 0 : i32
      %parallel_loop3A_1227 = arith.cmpi eq, %parallel_loop3A_1225, %parallel_loop3A_1226 : i32
      %parallel_loop3A_1228 = arith.constant 1 : i32
      %parallel_loop3A_1229 = arith.select %parallel_loop3A_1227, %parallel_loop3A_1228, %parallel_loop3A_1225 : i32
      %parallel_loop3A_1230 = arith.remsi %parallel_loop3A_1200, %parallel_loop3A_1229 : i32
      %parallel_loop3A_1231 = arith.constant 0 : i32
      %parallel_loop3A_1232 = arith.cmpi ne, %parallel_loop3A_1230, %parallel_loop3A_1231 : i32
      %parallel_loop3A_1233 = arith.constant 0 : i32
      %parallel_loop3A_1234 = arith.cmpi slt, %parallel_loop3A_1230, %parallel_loop3A_1233 : i32
      %parallel_loop3A_1235 = arith.constant 0 : i32
      %parallel_loop3A_1236 = arith.cmpi slt, %parallel_loop3A_1229, %parallel_loop3A_1235 : i32
      %parallel_loop3A_1237 = arith.xori %parallel_loop3A_1234, %parallel_loop3A_1236 : i1
      %parallel_loop3A_1238 = arith.andi %parallel_loop3A_1237, %parallel_loop3A_1232 : i1
      %parallel_loop3A_1239 = arith.addi %parallel_loop3A_1230, %parallel_loop3A_1229 : i32
      %parallel_loop3A_1240 = arith.select %parallel_loop3A_1238, %parallel_loop3A_1239, %parallel_loop3A_1230 : i32
      %parallel_loop3A_1241 = arith.index_cast %parallel_loop3A_1224 : i32 to index
      %parallel_loop3A_1242 = arith.index_cast %parallel_loop3A_1240 : i32 to index
      %parallel_loop3A_1243 = tpu.vector_load %arg10[%parallel_loop3A_1241, %parallel_loop3A_1242] {strides = array<i32>} : memref<16x1024xf32, #tpu.memory_space<vmem>>, vector<1x16xf32>,
      %parallel_loop3A_1244 = vector.shape_cast %parallel_loop3A_1243 : vector<1x16xf32> to vector<16xf32>
      %parallel_loop3A_1245 = arith.index_cast %parallel_loop3A_1224 : i32 to index
      %parallel_loop3A_1246 = arith.index_cast %parallel_loop3A_1240 : i32 to index
      %parallel_loop3A_1247 = tpu.vector_load %arg6[%parallel_loop3A_1245, %parallel_loop3A_1246] {strides = array<i32>} : memref<16x1024xf32, #tpu.memory_space<vmem>>, vector<1x16xf32>,
      %parallel_loop3A_1248 = vector.shape_cast %parallel_loop3A_1247 : vector<1x16xf32> to vector<16xf32>
      %parallel_loop3A_1249 = vector.shape_cast %parallel_loop3A_1244 : vector<16xf32> to vector<1x16xf32>
      tpu.vector_store %arg6[%parallel_loop3A_1245, %parallel_loop3A_1246], %parallel_loop3A_1249 {add = true, strides = array<i32>} : memref<16x1024xf32, #tpu.memory_space<vmem>>, vector<1x16xf32>,
    } {sc.loop_unroll_factor = 8 : i64, sc.parallel_access}
    %add3A_72 = arith.constant 0 : i32
    %add3A_73 = arith.addi %mul3A_2, %add3A_72 : i32
    %dma_start3A_74 = arith.constant 0 : i32
    %dma_start3A_75 = arith.constant 0 : i32
    %dma_start3A_76 = tpu.memref_slice %arg4[%dma_start3A_74, %add3A_73, %dma_start3A_75] : memref<4x4096x1024xf32, #tpu.memory_space<hbm>> -> memref<1x16x1024xf32, #tpu.memory_space<hbm>>
    %dma_start3A_77 = tpu.memref_squeeze %dma_start3A_76 : memref<1x16x1024xf32, #tpu.memory_space<hbm>> -> memref<16x1024xf32, #tpu.memory_space<hbm>>
    %dma_start3A_78 = arith.constant 0 : i32
    %dma_start3A_79 = tpu.memref_slice %arg4[%dma_start3A_74, %add3A_73, %dma_start3A_78] : memref<4x4096x1024xf32, #tpu.memory_space<hbm>> -> memref<1x16x1024xf32, #tpu.memory_space<hbm>>
    %dma_start3A_80 = tpu.memref_squeeze %dma_start3A_79 : memref<1x16x1024xf32, #tpu.memory_space<hbm>> -> memref<16x1024xf32, #tpu.memory_space<hbm>>
    tpu.enqueue_dma source(%arg5 : memref<16x1024xf32, #tpu.memory_space<vmem>>) target(%dma_start3A_80 : memref<16x1024xf32, #tpu.memory_space<hbm>>) target_semaphore(%arg17 : memref<!tpu.dma_semaphore, #tpu.memory_space<semaphore_mem>>)
    %add3A_81 = arith.constant 16 : i32
    %add3A_82 = arith.addi %mul3A_2, %add3A_81 : i32
    %dma_start3A_83 = arith.constant 0 : i32
    %dma_start3A_84 = arith.constant 0 : i32
    %dma_start3A_85 = tpu.memref_slice %arg2[%dma_start3A_83, %add3A_82, %dma_start3A_84] : memref<4x4096x1024xf32, #tpu.memory_space<hbm>> -> memref<1x16x1024xf32, #tpu.memory_space<hbm>>
    %dma_start3A_86 = tpu.memref_squeeze %dma_start3A_85 : memref<1x16x1024xf32, #tpu.memory_space<hbm>> -> memref<16x1024xf32, #tpu.memory_space<hbm>>
    %dma_start3A_87 = arith.constant 0 : i32
    %dma_start3A_88 = tpu.memref_slice %arg2[%dma_start3A_83, %add3A_82, %dma_start3A_87] : memref<4x4096x1024xf32, #tpu.memory_space<hbm>> -> memref<1x16x1024xf32, #tpu.memory_space<hbm>>
    %dma_start3A_89 = tpu.memref_squeeze %dma_start3A_88 : memref<1x16x1024xf32, #tpu.memory_space<hbm>> -> memref<16x1024xf32, #tpu.memory_space<hbm>>
    tpu.enqueue_dma source(%dma_start3A_89 : memref<16x1024xf32, #tpu.memory_space<hbm>>) target(%arg9 : memref<16x1024xf32, #tpu.memory_space<vmem>>) target_semaphore(%arg16 : memref<!tpu.dma_semaphore, #tpu.memory_space<semaphore_mem>>)
    %dma_wait3A_90 = arith.constant 2 : i32
    %dma_wait3A_91 = arith.constant 0 : i32
    %dma_wait3A_92 = tpu.memref_slice %arg2[%dma_wait3A_90, %add3A_33, %dma_wait3A_91] : memref<4x4096x1024xf32, #tpu.memory_space<hbm>> -> memref<1x16x1024xf32, #tpu.memory_space<hbm>>
    %dma_wait3A_93 = tpu.memref_squeeze %dma_wait3A_92 : memref<1x16x1024xf32, #tpu.memory_space<hbm>> -> memref<16x1024xf32, #tpu.memory_space<hbm>>
    %dma_wait3A_94 = arith.constant 0 : i32
    %dma_wait3A_95 = tpu.memref_slice %arg2[%dma_wait3A_90, %add3A_33, %dma_wait3A_94] : memref<4x4096x1024xf32, #tpu.memory_space<hbm>> -> memref<1x16x1024xf32, #tpu.memory_space<hbm>>
    %dma_wait3A_96 = tpu.memref_squeeze %dma_wait3A_95 : memref<1x16x1024xf32, #tpu.memory_space<hbm>> -> memref<16x1024xf32, #tpu.memory_space<hbm>>
    tpu.wait_dma2 semaphore(%arg14 : memref<!tpu.dma_semaphore, #tpu.memory_space<semaphore_mem>>) src(%dma_wait3A_96 : memref<16x1024xf32, #tpu.memory_space<hbm>>) dst(%arg7 : memref<16x1024xf32, #tpu.memory_space<vmem>>)
    %parallel_loop3A_97 = arith.constant 0 : i32
    %parallel_loop3A_98 = arith.constant 16384 : i32
    %parallel_loop3A_99 = arith.constant 16 : i32
    scf.for %parallel_loop3A_1200 = %parallel_loop3A_97 to %parallel_loop3A_98 step %parallel_loop3A_99  : i32 {
      %parallel_loop3A_1201 = arith.constant 1024 : i32
      %parallel_loop3A_1202 = arith.divsi %parallel_loop3A_1200, %parallel_loop3A_1201 : i32
      %parallel_loop3A_1203 = arith.constant 0 : i32
      %parallel_loop3A_1204 = arith.cmpi sgt, %parallel_loop3A_1200, %parallel_loop3A_1203 : i32
      %parallel_loop3A_1205 = arith.extui %parallel_loop3A_1204 : i1 to i32
      %parallel_loop3A_1206 = arith.constant 0 : i32
      %parallel_loop3A_1207 = arith.cmpi slt, %parallel_loop3A_1200, %parallel_loop3A_1206 : i32
      %parallel_loop3A_1208 = arith.extui %parallel_loop3A_1207 : i1 to i32
      %parallel_loop3A_1209 = arith.subi %parallel_loop3A_1205, %parallel_loop3A_1208 : i32
      %parallel_loop3A_1210 = arith.constant 0 : i32
      %parallel_loop3A_1211 = arith.cmpi sgt, %parallel_loop3A_1201, %parallel_loop3A_1210 : i32
      %parallel_loop3A_1212 = arith.extui %parallel_loop3A_1211 : i1 to i32
      %parallel_loop3A_1213 = arith.constant 0 : i32
      %parallel_loop3A_1214 = arith.cmpi slt, %parallel_loop3A_1201, %parallel_loop3A_1213 : i32
      %parallel_loop3A_1215 = arith.extui %parallel_loop3A_1214 : i1 to i32
      %parallel_loop3A_1216 = arith.subi %parallel_loop3A_1212, %parallel_loop3A_1215 : i32
      %parallel_loop3A_1217 = arith.cmpi ne, %parallel_loop3A_1209, %parallel_loop3A_1216 : i32
      %parallel_loop3A_1218 = arith.remsi %parallel_loop3A_1200, %parallel_loop3A_1201 : i32
      %parallel_loop3A_1219 = arith.constant 0 : i32
      %parallel_loop3A_1220 = arith.cmpi ne, %parallel_loop3A_1218, %parallel_loop3A_1219 : i32
      %parallel_loop3A_1221 = arith.andi %parallel_loop3A_1217, %parallel_loop3A_1220 : i1
      %parallel_loop3A_1222 = arith.constant 1 : i32
      %parallel_loop3A_1223 = arith.subi %parallel_loop3A_1202, %parallel_loop3A_1222 : i32
      %parallel_loop3A_1224 = arith.select %parallel_loop3A_1221, %parallel_loop3A_1223, %parallel_loop3A_1202 : i32
      %parallel_loop3A_1225 = arith.constant 1024 : i32
      %parallel_loop3A_1226 = arith.constant 0 : i32
      %parallel_loop3A_1227 = arith.cmpi eq, %parallel_loop3A_1225, %parallel_loop3A_1226 : i32
      %parallel_loop3A_1228 = arith.constant 1 : i32
      %parallel_loop3A_1229 = arith.select %parallel_loop3A_1227, %parallel_loop3A_1228, %parallel_loop3A_1225 : i32
      %parallel_loop3A_1230 = arith.remsi %parallel_loop3A_1200, %parallel_loop3A_1229 : i32
      %parallel_loop3A_1231 = arith.constant 0 : i32
      %parallel_loop3A_1232 = arith.cmpi ne, %parallel_loop3A_1230, %parallel_loop3A_1231 : i32
      %parallel_loop3A_1233 = arith.constant 0 : i32
      %parallel_loop3A_1234 = arith.cmpi slt, %parallel_loop3A_1230, %parallel_loop3A_1233 : i32
      %parallel_loop3A_1235 = arith.constant 0 : i32
      %parallel_loop3A_1236 = arith.cmpi slt, %parallel_loop3A_1229, %parallel_loop3A_1235 : i32
      %parallel_loop3A_1237 = arith.xori %parallel_loop3A_1234, %parallel_loop3A_1236 : i1
      %parallel_loop3A_1238 = arith.andi %parallel_loop3A_1237, %parallel_loop3A_1232 : i1
      %parallel_loop3A_1239 = arith.addi %parallel_loop3A_1230, %parallel_loop3A_1229 : i32
      %parallel_loop3A_1240 = arith.select %parallel_loop3A_1238, %parallel_loop3A_1239, %parallel_loop3A_1230 : i32
      %parallel_loop3A_1241 = arith.index_cast %parallel_loop3A_1224 : i32 to index
      %parallel_loop3A_1242 = arith.index_cast %parallel_loop3A_1240 : i32 to index
      %parallel_loop3A_1243 = tpu.vector_load %arg10[%parallel_loop3A_1241, %parallel_loop3A_1242] {strides = array<i32>} : memref<16x1024xf32, #tpu.memory_space<vmem>>, vector<1x16xf32>,
      %parallel_loop3A_1244 = vector.shape_cast %parallel_loop3A_1243 : vector<1x16xf32> to vector<16xf32>
      %parallel_loop3A_1245 = arith.index_cast %parallel_loop3A_1224 : i32 to index
      %parallel_loop3A_1246 = arith.index_cast %parallel_loop3A_1240 : i32 to index
      %parallel_loop3A_1247 = tpu.vector_load %arg7[%parallel_loop3A_1245, %parallel_loop3A_1246] {strides = array<i32>} : memref<16x1024xf32, #tpu.memory_space<vmem>>, vector<1x16xf32>,
      %parallel_loop3A_1248 = vector.shape_cast %parallel_loop3A_1247 : vector<1x16xf32> to vector<16xf32>
      %parallel_loop3A_1249 = vector.shape_cast %parallel_loop3A_1244 : vector<16xf32> to vector<1x16xf32>
      tpu.vector_store %arg7[%parallel_loop3A_1245, %parallel_loop3A_1246], %parallel_loop3A_1249 {add = true, strides = array<i32>} : memref<16x1024xf32, #tpu.memory_space<vmem>>, vector<1x16xf32>,
    } {sc.loop_unroll_factor = 8 : i64, sc.parallel_access}
    %add3A_100 = arith.constant 0 : i32
    %add3A_101 = arith.addi %mul3A_2, %add3A_100 : i32
    %dma_start3A_102 = arith.constant 1 : i32
    %dma_start3A_103 = arith.constant 0 : i32
    %dma_start3A_104 = tpu.memref_slice %arg4[%dma_start3A_102, %add3A_101, %dma_start3A_103] : memref<4x4096x1024xf32, #tpu.memory_space<hbm>> -> memref<1x16x1024xf32, #tpu.memory_space<hbm>>
    %dma_start3A_105 = tpu.memref_squeeze %dma_start3A_104 : memref<1x16x1024xf32, #tpu.memory_space<hbm>> -> memref<16x1024xf32, #tpu.memory_space<hbm>>
    %dma_start3A_106 = arith.constant 0 : i32
    %dma_start3A_107 = tpu.memref_slice %arg4[%dma_start3A_102, %add3A_101, %dma_start3A_106] : memref<4x4096x1024xf32, #tpu.memory_space<hbm>> -> memref<1x16x1024xf32, #tpu.memory_space<hbm>>
    %dma_start3A_108 = tpu.memref_squeeze %dma_start3A_107 : memref<1x16x1024xf32, #tpu.memory_space<hbm>> -> memref<16x1024xf32, #tpu.memory_space<hbm>>
    tpu.enqueue_dma source(%arg6 : memref<16x1024xf32, #tpu.memory_space<vmem>>) target(%dma_start3A_108 : memref<16x1024xf32, #tpu.memory_space<hbm>>) target_semaphore(%arg18 : memref<!tpu.dma_semaphore, #tpu.memory_space<semaphore_mem>>)
    %dma_wait3A_109 = arith.constant 0 : i32
    %dma_wait3A_110 = arith.constant 0 : i32
    %dma_wait3A_111 = tpu.memref_slice %arg4[%dma_wait3A_109, %add3A_73, %dma_wait3A_110] : memref<4x4096x1024xf32, #tpu.memory_space<hbm>> -> memref<1x16x1024xf32, #tpu.memory_space<hbm>>
    %dma_wait3A_112 = tpu.memref_squeeze %dma_wait3A_111 : memref<1x16x1024xf32, #tpu.memory_space<hbm>> -> memref<16x1024xf32, #tpu.memory_space<hbm>>
    %dma_wait3A_113 = arith.constant 0 : i32
    %dma_wait3A_114 = tpu.memref_slice %arg4[%dma_wait3A_109, %add3A_73, %dma_wait3A_113] : memref<4x4096x1024xf32, #tpu.memory_space<hbm>> -> memref<1x16x1024xf32, #tpu.memory_space<hbm>>
    %dma_wait3A_115 = tpu.memref_squeeze %dma_wait3A_114 : memref<1x16x1024xf32, #tpu.memory_space<hbm>> -> memref<16x1024xf32, #tpu.memory_space<hbm>>
    tpu.wait_dma2 semaphore(%arg17 : memref<!tpu.dma_semaphore, #tpu.memory_space<semaphore_mem>>) src(%arg5 : memref<16x1024xf32, #tpu.memory_space<vmem>>) dst(%dma_wait3A_115 : memref<16x1024xf32, #tpu.memory_space<hbm>>)
    %add3A_116 = arith.constant 16 : i32
    %add3A_117 = arith.addi %mul3A_2, %add3A_116 : i32
    %dma_start3A_118 = arith.constant 1 : i32
    %dma_start3A_119 = arith.constant 0 : i32
    %dma_start3A_120 = tpu.memref_slice %arg2[%dma_start3A_118, %add3A_117, %dma_start3A_119] : memref<4x4096x1024xf32, #tpu.memory_space<hbm>> -> memref<1x16x1024xf32, #tpu.memory_space<hbm>>
    %dma_start3A_121 = tpu.memref_squeeze %dma_start3A_120 : memref<1x16x1024xf32, #tpu.memory_space<hbm>> -> memref<16x1024xf32, #tpu.memory_space<hbm>>
    %dma_start3A_122 = arith.constant 0 : i32
    %dma_start3A_123 = tpu.memref_slice %arg2[%dma_start3A_118, %add3A_117, %dma_start3A_122] : memref<4x4096x1024xf32, #tpu.memory_space<hbm>> -> memref<1x16x1024xf32, #tpu.memory_space<hbm>>
    %dma_start3A_124 = tpu.memref_squeeze %dma_start3A_123 : memref<1x16x1024xf32, #tpu.memory_space<hbm>> -> memref<16x1024xf32, #tpu.memory_space<hbm>>
    tpu.enqueue_dma source(%dma_start3A_124 : memref<16x1024xf32, #tpu.memory_space<hbm>>) target(%arg5 : memref<16x1024xf32, #tpu.memory_space<vmem>>) target_semaphore(%arg12 : memref<!tpu.dma_semaphore, #tpu.memory_space<semaphore_mem>>)
    %dma_wait3A_125 = arith.constant 3 : i32
    %dma_wait3A_126 = arith.constant 0 : i32
    %dma_wait3A_127 = tpu.memref_slice %arg2[%dma_wait3A_125, %add3A_54, %dma_wait3A_126] : memref<4x4096x1024xf32, #tpu.memory_space<hbm>> -> memref<1x16x1024xf32, #tpu.memory_space<hbm>>
    %dma_wait3A_128 = tpu.memref_squeeze %dma_wait3A_127 : memref<1x16x1024xf32, #tpu.memory_space<hbm>> -> memref<16x1024xf32, #tpu.memory_space<hbm>>
    %dma_wait3A_129 = arith.constant 0 : i32
    %dma_wait3A_130 = tpu.memref_slice %arg2[%dma_wait3A_125, %add3A_54, %dma_wait3A_129] : memref<4x4096x1024xf32, #tpu.memory_space<hbm>> -> memref<1x16x1024xf32, #tpu.memory_space<hbm>>
    %dma_wait3A_131 = tpu.memref_squeeze %dma_wait3A_130 : memref<1x16x1024xf32, #tpu.memory_space<hbm>> -> memref<16x1024xf32, #tpu.memory_space<hbm>>
    tpu.wait_dma2 semaphore(%arg15 : memref<!tpu.dma_semaphore, #tpu.memory_space<semaphore_mem>>) src(%dma_wait3A_131 : memref<16x1024xf32, #tpu.memory_space<hbm>>) dst(%arg8 : memref<16x1024xf32, #tpu.memory_space<vmem>>)
    %parallel_loop3A_132 = arith.constant 0 : i32
    %parallel_loop3A_133 = arith.constant 16384 : i32
    %parallel_loop3A_134 = arith.constant 16 : i32
    scf.for %parallel_loop3A_1200 = %parallel_loop3A_132 to %parallel_loop3A_133 step %parallel_loop3A_134  : i32 {
      %parallel_loop3A_1201 = arith.constant 1024 : i32
      %parallel_loop3A_1202 = arith.divsi %parallel_loop3A_1200, %parallel_loop3A_1201 : i32
      %parallel_loop3A_1203 = arith.constant 0 : i32
      %parallel_loop3A_1204 = arith.cmpi sgt, %parallel_loop3A_1200, %parallel_loop3A_1203 : i32
      %parallel_loop3A_1205 = arith.extui %parallel_loop3A_1204 : i1 to i32
      %parallel_loop3A_1206 = arith.constant 0 : i32
      %parallel_loop3A_1207 = arith.cmpi slt, %parallel_loop3A_1200, %parallel_loop3A_1206 : i32
      %parallel_loop3A_1208 = arith.extui %parallel_loop3A_1207 : i1 to i32
      %parallel_loop3A_1209 = arith.subi %parallel_loop3A_1205, %parallel_loop3A_1208 : i32
      %parallel_loop3A_1210 = arith.constant 0 : i32
      %parallel_loop3A_1211 = arith.cmpi sgt, %parallel_loop3A_1201, %parallel_loop3A_1210 : i32
      %parallel_loop3A_1212 = arith.extui %parallel_loop3A_1211 : i1 to i32
      %parallel_loop3A_1213 = arith.constant 0 : i32
      %parallel_loop3A_1214 = arith.cmpi slt, %parallel_loop3A_1201, %parallel_loop3A_1213 : i32
      %parallel_loop3A_1215 = arith.extui %parallel_loop3A_1214 : i1 to i32
      %parallel_loop3A_1216 = arith.subi %parallel_loop3A_1212, %parallel_loop3A_1215 : i32
      %parallel_loop3A_1217 = arith.cmpi ne, %parallel_loop3A_1209, %parallel_loop3A_1216 : i32
      %parallel_loop3A_1218 = arith.remsi %parallel_loop3A_1200, %parallel_loop3A_1201 : i32
      %parallel_loop3A_1219 = arith.constant 0 : i32
      %parallel_loop3A_1220 = arith.cmpi ne, %parallel_loop3A_1218, %parallel_loop3A_1219 : i32
      %parallel_loop3A_1221 = arith.andi %parallel_loop3A_1217, %parallel_loop3A_1220 : i1
      %parallel_loop3A_1222 = arith.constant 1 : i32
      %parallel_loop3A_1223 = arith.subi %parallel_loop3A_1202, %parallel_loop3A_1222 : i32
      %parallel_loop3A_1224 = arith.select %parallel_loop3A_1221, %parallel_loop3A_1223, %parallel_loop3A_1202 : i32
      %parallel_loop3A_1225 = arith.constant 1024 : i32
      %parallel_loop3A_1226 = arith.constant 0 : i32
      %parallel_loop3A_1227 = arith.cmpi eq, %parallel_loop3A_1225, %parallel_loop3A_1226 : i32
      %parallel_loop3A_1228 = arith.constant 1 : i32
      %parallel_loop3A_1229 = arith.select %parallel_loop3A_1227, %parallel_loop3A_1228, %parallel_loop3A_1225 : i32
      %parallel_loop3A_1230 = arith.remsi %parallel_loop3A_1200, %parallel_loop3A_1229 : i32
      %parallel_loop3A_1231 = arith.constant 0 : i32
      %parallel_loop3A_1232 = arith.cmpi ne, %parallel_loop3A_1230, %parallel_loop3A_1231 : i32
      %parallel_loop3A_1233 = arith.constant 0 : i32
      %parallel_loop3A_1234 = arith.cmpi slt, %parallel_loop3A_1230, %parallel_loop3A_1233 : i32
      %parallel_loop3A_1235 = arith.constant 0 : i32
      %parallel_loop3A_1236 = arith.cmpi slt, %parallel_loop3A_1229, %parallel_loop3A_1235 : i32
      %parallel_loop3A_1237 = arith.xori %parallel_loop3A_1234, %parallel_loop3A_1236 : i1
      %parallel_loop3A_1238 = arith.andi %parallel_loop3A_1237, %parallel_loop3A_1232 : i1
      %parallel_loop3A_1239 = arith.addi %parallel_loop3A_1230, %parallel_loop3A_1229 : i32
      %parallel_loop3A_1240 = arith.select %parallel_loop3A_1238, %parallel_loop3A_1239, %parallel_loop3A_1230 : i32
      %parallel_loop3A_1241 = arith.index_cast %parallel_loop3A_1224 : i32 to index
      %parallel_loop3A_1242 = arith.index_cast %parallel_loop3A_1240 : i32 to index
      %parallel_loop3A_1243 = tpu.vector_load %arg10[%parallel_loop3A_1241, %parallel_loop3A_1242] {strides = array<i32>} : memref<16x1024xf32, #tpu.memory_space<vmem>>, vector<1x16xf32>,
      %parallel_loop3A_1244 = vector.shape_cast %parallel_loop3A_1243 : vector<1x16xf32> to vector<16xf32>
      %parallel_loop3A_1245 = arith.index_cast %parallel_loop3A_1224 : i32 to index
      %parallel_loop3A_1246 = arith.index_cast %parallel_loop3A_1240 : i32 to index
      %parallel_loop3A_1247 = tpu.vector_load %arg8[%parallel_loop3A_1245, %parallel_loop3A_1246] {strides = array<i32>} : memref<16x1024xf32, #tpu.memory_space<vmem>>, vector<1x16xf32>,
      %parallel_loop3A_1248 = vector.shape_cast %parallel_loop3A_1247 : vector<1x16xf32> to vector<16xf32>
      %parallel_loop3A_1249 = vector.shape_cast %parallel_loop3A_1244 : vector<16xf32> to vector<1x16xf32>
      tpu.vector_store %arg8[%parallel_loop3A_1245, %parallel_loop3A_1246], %parallel_loop3A_1249 {add = true, strides = array<i32>} : memref<16x1024xf32, #tpu.memory_space<vmem>>, vector<1x16xf32>,
    } {sc.loop_unroll_factor = 8 : i64, sc.parallel_access}
    %add3A_135 = arith.constant 0 : i32
    %add3A_136 = arith.addi %mul3A_2, %add3A_135 : i32
    %dma_start3A_137 = arith.constant 2 : i32
    %dma_start3A_138 = arith.constant 0 : i32
    %dma_start3A_139 = tpu.memref_slice %arg4[%dma_start3A_137, %add3A_136, %dma_start3A_138] : memref<4x4096x1024xf32, #tpu.memory_space<hbm>> -> memref<1x16x1024xf32, #tpu.memory_space<hbm>>
    %dma_start3A_140 = tpu.memref_squeeze %dma_start3A_139 : memref<1x16x1024xf32, #tpu.memory_space<hbm>> -> memref<16x1024xf32, #tpu.memory_space<hbm>>
    %dma_start3A_141 = arith.constant 0 : i32
    %dma_start3A_142 = tpu.memref_slice %arg4[%dma_start3A_137, %add3A_136, %dma_start3A_141] : memref<4x4096x1024xf32, #tpu.memory_space<hbm>> -> memref<1x16x1024xf32, #tpu.memory_space<hbm>>
    %dma_start3A_143 = tpu.memref_squeeze %dma_start3A_142 : memref<1x16x1024xf32, #tpu.memory_space<hbm>> -> memref<16x1024xf32, #tpu.memory_space<hbm>>
    tpu.enqueue_dma source(%arg7 : memref<16x1024xf32, #tpu.memory_space<vmem>>) target(%dma_start3A_143 : memref<16x1024xf32, #tpu.memory_space<hbm>>) target_semaphore(%arg19 : memref<!tpu.dma_semaphore, #tpu.memory_space<semaphore_mem>>)
    %dma_wait3A_144 = arith.constant 1 : i32
    %dma_wait3A_145 = arith.constant 0 : i32
    %dma_wait3A_146 = tpu.memref_slice %arg4[%dma_wait3A_144, %add3A_101, %dma_wait3A_145] : memref<4x4096x1024xf32, #tpu.memory_space<hbm>> -> memref<1x16x1024xf32, #tpu.memory_space<hbm>>
    %dma_wait3A_147 = tpu.memref_squeeze %dma_wait3A_146 : memref<1x16x1024xf32, #tpu.memory_space<hbm>> -> memref<16x1024xf32, #tpu.memory_space<hbm>>
    %dma_wait3A_148 = arith.constant 0 : i32
    %dma_wait3A_149 = tpu.memref_slice %arg4[%dma_wait3A_144, %add3A_101, %dma_wait3A_148] : memref<4x4096x1024xf32, #tpu.memory_space<hbm>> -> memref<1x16x1024xf32, #tpu.memory_space<hbm>>
    %dma_wait3A_150 = tpu.memref_squeeze %dma_wait3A_149 : memref<1x16x1024xf32, #tpu.memory_space<hbm>> -> memref<16x1024xf32, #tpu.memory_space<hbm>>
    tpu.wait_dma2 semaphore(%arg18 : memref<!tpu.dma_semaphore, #tpu.memory_space<semaphore_mem>>) src(%arg6 : memref<16x1024xf32, #tpu.memory_space<vmem>>) dst(%dma_wait3A_150 : memref<16x1024xf32, #tpu.memory_space<hbm>>)
    %add3A_151 = arith.constant 16 : i32
    %add3A_152 = arith.addi %mul3A_2, %add3A_151 : i32
    %dma_start3A_153 = arith.constant 2 : i32
    %dma_start3A_154 = arith.constant 0 : i32
    %dma_start3A_155 = tpu.memref_slice %arg2[%dma_start3A_153, %add3A_152, %dma_start3A_154] : memref<4x4096x1024xf32, #tpu.memory_space<hbm>> -> memref<1x16x1024xf32, #tpu.memory_space<hbm>>
    %dma_start3A_156 = tpu.memref_squeeze %dma_start3A_155 : memref<1x16x1024xf32, #tpu.memory_space<hbm>> -> memref<16x1024xf32, #tpu.memory_space<hbm>>
    %dma_start3A_157 = arith.constant 0 : i32
    %dma_start3A_158 = tpu.memref_slice %arg2[%dma_start3A_153, %add3A_152, %dma_start3A_157] : memref<4x4096x1024xf32, #tpu.memory_space<hbm>> -> memref<1x16x1024xf32, #tpu.memory_space<hbm>>
    %dma_start3A_159 = tpu.memref_squeeze %dma_start3A_158 : memref<1x16x1024xf32, #tpu.memory_space<hbm>> -> memref<16x1024xf32, #tpu.memory_space<hbm>>
    tpu.enqueue_dma source(%dma_start3A_159 : memref<16x1024xf32, #tpu.memory_space<hbm>>) target(%arg6 : memref<16x1024xf32, #tpu.memory_space<vmem>>) target_semaphore(%arg13 : memref<!tpu.dma_semaphore, #tpu.memory_space<semaphore_mem>>)
    %dma_wait3A_160 = arith.constant 0 : i32
    %dma_wait3A_161 = arith.constant 0 : i32
    %dma_wait3A_162 = tpu.memref_slice %arg2[%dma_wait3A_160, %add3A_82, %dma_wait3A_161] : memref<4x4096x1024xf32, #tpu.memory_space<hbm>> -> memref<1x16x1024xf32, #tpu.memory_space<hbm>>
    %dma_wait3A_163 = tpu.memref_squeeze %dma_wait3A_162 : memref<1x16x1024xf32, #tpu.memory_space<hbm>> -> memref<16x1024xf32, #tpu.memory_space<hbm>>
    %dma_wait3A_164 = arith.constant 0 : i32
    %dma_wait3A_165 = tpu.memref_slice %arg2[%dma_wait3A_160, %add3A_82, %dma_wait3A_164] : memref<4x4096x1024xf32, #tpu.memory_space<hbm>> -> memref<1x16x1024xf32, #tpu.memory_space<hbm>>
    %dma_wait3A_166 = tpu.memref_squeeze %dma_wait3A_165 : memref<1x16x1024xf32, #tpu.memory_space<hbm>> -> memref<16x1024xf32, #tpu.memory_space<hbm>>
    tpu.wait_dma2 semaphore(%arg16 : memref<!tpu.dma_semaphore, #tpu.memory_space<semaphore_mem>>) src(%dma_wait3A_166 : memref<16x1024xf32, #tpu.memory_space<hbm>>) dst(%arg9 : memref<16x1024xf32, #tpu.memory_space<vmem>>)
    %dma_wait3A_167 = arith.constant 0 : i32
    %dma_wait3A_168 = tpu.memref_slice %arg3[%add3A_9, %dma_wait3A_167] : memref<8192x1024xf32, #tpu.memory_space<hbm>> -> memref<16x1024xf32, #tpu.memory_space<hbm>>
    %dma_wait3A_169 = arith.constant 0 : i32
    %dma_wait3A_170 = tpu.memref_slice %arg3[%add3A_9, %dma_wait3A_169] : memref<8192x1024xf32, #tpu.memory_space<hbm>> -> memref<16x1024xf32, #tpu.memory_space<hbm>>
    tpu.wait_dma2 semaphore(%arg23 : memref<!tpu.dma_semaphore, #tpu.memory_space<semaphore_mem>>) src(%dma_wait3A_170 : memref<16x1024xf32, #tpu.memory_space<hbm>>) dst(%arg11 : memref<16x1024xf32, #tpu.memory_space<vmem>>)
    %parallel_loop3A_171 = arith.constant 0 : i32
    %parallel_loop3A_172 = arith.constant 16384 : i32
    %parallel_loop3A_173 = arith.constant 16 : i32
    scf.for %parallel_loop3A_1200 = %parallel_loop3A_171 to %parallel_loop3A_172 step %parallel_loop3A_173  : i32 {
      %parallel_loop3A_1201 = arith.constant 1024 : i32
      %parallel_loop3A_1202 = arith.divsi %parallel_loop3A_1200, %parallel_loop3A_1201 : i32
      %parallel_loop3A_1203 = arith.constant 0 : i32
      %parallel_loop3A_1204 = arith.cmpi sgt, %parallel_loop3A_1200, %parallel_loop3A_1203 : i32
      %parallel_loop3A_1205 = arith.extui %parallel_loop3A_1204 : i1 to i32
      %parallel_loop3A_1206 = arith.constant 0 : i32
      %parallel_loop3A_1207 = arith.cmpi slt, %parallel_loop3A_1200, %parallel_loop3A_1206 : i32
      %parallel_loop3A_1208 = arith.extui %parallel_loop3A_1207 : i1 to i32
      %parallel_loop3A_1209 = arith.subi %parallel_loop3A_1205, %parallel_loop3A_1208 : i32
      %parallel_loop3A_1210 = arith.constant 0 : i32
      %parallel_loop3A_1211 = arith.cmpi sgt, %parallel_loop3A_1201, %parallel_loop3A_1210 : i32
      %parallel_loop3A_1212 = arith.extui %parallel_loop3A_1211 : i1 to i32
      %parallel_loop3A_1213 = arith.constant 0 : i32
      %parallel_loop3A_1214 = arith.cmpi slt, %parallel_loop3A_1201, %parallel_loop3A_1213 : i32
      %parallel_loop3A_1215 = arith.extui %parallel_loop3A_1214 : i1 to i32
      %parallel_loop3A_1216 = arith.subi %parallel_loop3A_1212, %parallel_loop3A_1215 : i32
      %parallel_loop3A_1217 = arith.cmpi ne, %parallel_loop3A_1209, %parallel_loop3A_1216 : i32
      %parallel_loop3A_1218 = arith.remsi %parallel_loop3A_1200, %parallel_loop3A_1201 : i32
      %parallel_loop3A_1219 = arith.constant 0 : i32
      %parallel_loop3A_1220 = arith.cmpi ne, %parallel_loop3A_1218, %parallel_loop3A_1219 : i32
      %parallel_loop3A_1221 = arith.andi %parallel_loop3A_1217, %parallel_loop3A_1220 : i1
      %parallel_loop3A_1222 = arith.constant 1 : i32
      %parallel_loop3A_1223 = arith.subi %parallel_loop3A_1202, %parallel_loop3A_1222 : i32
      %parallel_loop3A_1224 = arith.select %parallel_loop3A_1221, %parallel_loop3A_1223, %parallel_loop3A_1202 : i32
      %parallel_loop3A_1225 = arith.constant 1024 : i32
      %parallel_loop3A_1226 = arith.constant 0 : i32
      %parallel_loop3A_1227 = arith.cmpi eq, %parallel_loop3A_1225, %parallel_loop3A_1226 : i32
      %parallel_loop3A_1228 = arith.constant 1 : i32
      %parallel_loop3A_1229 = arith.select %parallel_loop3A_1227, %parallel_loop3A_1228, %parallel_loop3A_1225 : i32
      %parallel_loop3A_1230 = arith.remsi %parallel_loop3A_1200, %parallel_loop3A_1229 : i32
      %parallel_loop3A_1231 = arith.constant 0 : i32
      %parallel_loop3A_1232 = arith.cmpi ne, %parallel_loop3A_1230, %parallel_loop3A_1231 : i32
      %parallel_loop3A_1233 = arith.constant 0 : i32
      %parallel_loop3A_1234 = arith.cmpi slt, %parallel_loop3A_1230, %parallel_loop3A_1233 : i32
      %parallel_loop3A_1235 = arith.constant 0 : i32
      %parallel_loop3A_1236 = arith.cmpi slt, %parallel_loop3A_1229, %parallel_loop3A_1235 : i32
      %parallel_loop3A_1237 = arith.xori %parallel_loop3A_1234, %parallel_loop3A_1236 : i1
      %parallel_loop3A_1238 = arith.andi %parallel_loop3A_1237, %parallel_loop3A_1232 : i1
      %parallel_loop3A_1239 = arith.addi %parallel_loop3A_1230, %parallel_loop3A_1229 : i32
      %parallel_loop3A_1240 = arith.select %parallel_loop3A_1238, %parallel_loop3A_1239, %parallel_loop3A_1230 : i32
      %parallel_loop3A_1241 = arith.index_cast %parallel_loop3A_1224 : i32 to index
      %parallel_loop3A_1242 = arith.index_cast %parallel_loop3A_1240 : i32 to index
      %parallel_loop3A_1243 = tpu.vector_load %arg11[%parallel_loop3A_1241, %parallel_loop3A_1242] {strides = array<i32>} : memref<16x1024xf32, #tpu.memory_space<vmem>>, vector<1x16xf32>,
      %parallel_loop3A_1244 = vector.shape_cast %parallel_loop3A_1243 : vector<1x16xf32> to vector<16xf32>
      %parallel_loop3A_1245 = arith.index_cast %parallel_loop3A_1224 : i32 to index
      %parallel_loop3A_1246 = arith.index_cast %parallel_loop3A_1240 : i32 to index
      %parallel_loop3A_1247 = tpu.vector_load %arg9[%parallel_loop3A_1245, %parallel_loop3A_1246] {strides = array<i32>} : memref<16x1024xf32, #tpu.memory_space<vmem>>, vector<1x16xf32>,
      %parallel_loop3A_1248 = vector.shape_cast %parallel_loop3A_1247 : vector<1x16xf32> to vector<16xf32>
      %parallel_loop3A_1249 = vector.shape_cast %parallel_loop3A_1244 : vector<16xf32> to vector<1x16xf32>
      tpu.vector_store %arg9[%parallel_loop3A_1245, %parallel_loop3A_1246], %parallel_loop3A_1249 {add = true, strides = array<i32>} : memref<16x1024xf32, #tpu.memory_space<vmem>>, vector<1x16xf32>,
    } {sc.loop_unroll_factor = 8 : i64, sc.parallel_access}
    %add3A_174 = arith.constant 0 : i32
    %add3A_175 = arith.addi %mul3A_2, %add3A_174 : i32
    %dma_start3A_176 = arith.constant 3 : i32
    %dma_start3A_177 = arith.constant 0 : i32
    %dma_start3A_178 = tpu.memref_slice %arg4[%dma_start3A_176, %add3A_175, %dma_start3A_177] : memref<4x4096x1024xf32, #tpu.memory_space<hbm>> -> memref<1x16x1024xf32, #tpu.memory_space<hbm>>
    %dma_start3A_179 = tpu.memref_squeeze %dma_start3A_178 : memref<1x16x1024xf32, #tpu.memory_space<hbm>> -> memref<16x1024xf32, #tpu.memory_space<hbm>>
    %dma_start3A_180 = arith.constant 0 : i32
    %dma_start3A_181 = tpu.memref_slice %arg4[%dma_start3A_176, %add3A_175, %dma_start3A_180] : memref<4x4096x1024xf32, #tpu.memory_space<hbm>> -> memref<1x16x1024xf32, #tpu.memory_space<hbm>>
    %dma_start3A_182 = tpu.memref_squeeze %dma_start3A_181 : memref<1x16x1024xf32, #tpu.memory_space<hbm>> -> memref<16x1024xf32, #tpu.memory_space<hbm>>
    tpu.enqueue_dma source(%arg8 : memref<16x1024xf32, #tpu.memory_space<vmem>>) target(%dma_start3A_182 : memref<16x1024xf32, #tpu.memory_space<hbm>>) target_semaphore(%arg20 : memref<!tpu.dma_semaphore, #tpu.memory_space<semaphore_mem>>)
    %add3A_183 = arith.constant 32 : i32
    %add3A_184 = arith.addi %mul3A_2, %add3A_183 : i32
    %dma_start3A_185 = arith.constant 0 : i32
    %dma_start3A_186 = tpu.memref_slice %arg3[%add3A_184, %dma_start3A_185] : memref<8192x1024xf32, #tpu.memory_space<hbm>> -> memref<16x1024xf32, #tpu.memory_space<hbm>>
    %dma_start3A_187 = arith.constant 0 : i32
    %dma_start3A_188 = tpu.memref_slice %arg3[%add3A_184, %dma_start3A_187] : memref<8192x1024xf32, #tpu.memory_space<hbm>> -> memref<16x1024xf32, #tpu.memory_space<hbm>>
    tpu.enqueue_dma source(%dma_start3A_188 : memref<16x1024xf32, #tpu.memory_space<hbm>>) target(%arg10 : memref<16x1024xf32, #tpu.memory_space<vmem>>) target_semaphore(%arg22 : memref<!tpu.dma_semaphore, #tpu.memory_space<semaphore_mem>>)
    %dma_wait3A_189 = arith.constant 2 : i32
    %dma_wait3A_190 = arith.constant 0 : i32
    %dma_wait3A_191 = tpu.memref_slice %arg4[%dma_wait3A_189, %add3A_136, %dma_wait3A_190] : memref<4x4096x1024xf32, #tpu.memory_space<hbm>> -> memref<1x16x1024xf32, #tpu.memory_space<hbm>>
    %dma_wait3A_192 = tpu.memref_squeeze %dma_wait3A_191 : memref<1x16x1024xf32, #tpu.memory_space<hbm>> -> memref<16x1024xf32, #tpu.memory_space<hbm>>
    %dma_wait3A_193 = arith.constant 0 : i32
    %dma_wait3A_194 = tpu.memref_slice %arg4[%dma_wait3A_189, %add3A_136, %dma_wait3A_193] : memref<4x4096x1024xf32, #tpu.memory_space<hbm>> -> memref<1x16x1024xf32, #tpu.memory_space<hbm>>
    %dma_wait3A_195 = tpu.memref_squeeze %dma_wait3A_194 : memref<1x16x1024xf32, #tpu.memory_space<hbm>> -> memref<16x1024xf32, #tpu.memory_space<hbm>>
    tpu.wait_dma2 semaphore(%arg19 : memref<!tpu.dma_semaphore, #tpu.memory_space<semaphore_mem>>) src(%arg7 : memref<16x1024xf32, #tpu.memory_space<vmem>>) dst(%dma_wait3A_195 : memref<16x1024xf32, #tpu.memory_space<hbm>>)
    %add3A_196 = arith.constant 16 : i32
    %add3A_197 = arith.addi %mul3A_2, %add3A_196 : i32
    %dma_start3A_198 = arith.constant 3 : i32
    %dma_start3A_199 = arith.constant 0 : i32
    %dma_start3A_200 = tpu.memref_slice %arg2[%dma_start3A_198, %add3A_197, %dma_start3A_199] : memref<4x4096x1024xf32, #tpu.memory_space<hbm>> -> memref<1x16x1024xf32, #tpu.memory_space<hbm>>
    %dma_start3A_201 = tpu.memref_squeeze %dma_start3A_200 : memref<1x16x1024xf32, #tpu.memory_space<hbm>> -> memref<16x1024xf32, #tpu.memory_space<hbm>>
    %dma_start3A_202 = arith.constant 0 : i32
    %dma_start3A_203 = tpu.memref_slice %arg2[%dma_start3A_198, %add3A_197, %dma_start3A_202] : memref<4x4096x1024xf32, #tpu.memory_space<hbm>> -> memref<1x16x1024xf32, #tpu.memory_space<hbm>>
    %dma_start3A_204 = tpu.memref_squeeze %dma_start3A_203 : memref<1x16x1024xf32, #tpu.memory_space<hbm>> -> memref<16x1024xf32, #tpu.memory_space<hbm>>
    tpu.enqueue_dma source(%dma_start3A_204 : memref<16x1024xf32, #tpu.memory_space<hbm>>) target(%arg7 : memref<16x1024xf32, #tpu.memory_space<vmem>>) target_semaphore(%arg14 : memref<!tpu.dma_semaphore, #tpu.memory_space<semaphore_mem>>)
    %dma_wait3A_205 = arith.constant 1 : i32
    %dma_wait3A_206 = arith.constant 0 : i32
    %dma_wait3A_207 = tpu.memref_slice %arg2[%dma_wait3A_205, %add3A_117, %dma_wait3A_206] : memref<4x4096x1024xf32, #tpu.memory_space<hbm>> -> memref<1x16x1024xf32, #tpu.memory_space<hbm>>
    %dma_wait3A_208 = tpu.memref_squeeze %dma_wait3A_207 : memref<1x16x1024xf32, #tpu.memory_space<hbm>> -> memref<16x1024xf32, #tpu.memory_space<hbm>>
    %dma_wait3A_209 = arith.constant 0 : i32
    %dma_wait3A_210 = tpu.memref_slice %arg2[%dma_wait3A_205, %add3A_117, %dma_wait3A_209] : memref<4x4096x1024xf32, #tpu.memory_space<hbm>> -> memref<1x16x1024xf32, #tpu.memory_space<hbm>>
    %dma_wait3A_211 = tpu.memref_squeeze %dma_wait3A_210 : memref<1x16x1024xf32, #tpu.memory_space<hbm>> -> memref<16x1024xf32, #tpu.memory_space<hbm>>
    tpu.wait_dma2 semaphore(%arg12 : memref<!tpu.dma_semaphore, #tpu.memory_space<semaphore_mem>>) src(%dma_wait3A_211 : memref<16x1024xf32, #tpu.memory_space<hbm>>) dst(%arg5 : memref<16x1024xf32, #tpu.memory_space<vmem>>)
    %parallel_loop3A_212 = arith.constant 0 : i32
    %parallel_loop3A_213 = arith.constant 16384 : i32
    %parallel_loop3A_214 = arith.constant 16 : i32
    scf.for %parallel_loop3A_1200 = %parallel_loop3A_212 to %parallel_loop3A_213 step %parallel_loop3A_214  : i32 {
      %parallel_loop3A_1201 = arith.constant 1024 : i32
      %parallel_loop3A_1202 = arith.divsi %parallel_loop3A_1200, %parallel_loop3A_1201 : i32
      %parallel_loop3A_1203 = arith.constant 0 : i32
      %parallel_loop3A_1204 = arith.cmpi sgt, %parallel_loop3A_1200, %parallel_loop3A_1203 : i32
      %parallel_loop3A_1205 = arith.extui %parallel_loop3A_1204 : i1 to i32
      %parallel_loop3A_1206 = arith.constant 0 : i32
      %parallel_loop3A_1207 = arith.cmpi slt, %parallel_loop3A_1200, %parallel_loop3A_1206 : i32
      %parallel_loop3A_1208 = arith.extui %parallel_loop3A_1207 : i1 to i32
      %parallel_loop3A_1209 = arith.subi %parallel_loop3A_1205, %parallel_loop3A_1208 : i32
      %parallel_loop3A_1210 = arith.constant 0 : i32
      %parallel_loop3A_1211 = arith.cmpi sgt, %parallel_loop3A_1201, %parallel_loop3A_1210 : i32
      %parallel_loop3A_1212 = arith.extui %parallel_loop3A_1211 : i1 to i32
      %parallel_loop3A_1213 = arith.constant 0 : i32
      %parallel_loop3A_1214 = arith.cmpi slt, %parallel_loop3A_1201, %parallel_loop3A_1213 : i32
      %parallel_loop3A_1215 = arith.extui %parallel_loop3A_1214 : i1 to i32
      %parallel_loop3A_1216 = arith.subi %parallel_loop3A_1212, %parallel_loop3A_1215 : i32
      %parallel_loop3A_1217 = arith.cmpi ne, %parallel_loop3A_1209, %parallel_loop3A_1216 : i32
      %parallel_loop3A_1218 = arith.remsi %parallel_loop3A_1200, %parallel_loop3A_1201 : i32
      %parallel_loop3A_1219 = arith.constant 0 : i32
      %parallel_loop3A_1220 = arith.cmpi ne, %parallel_loop3A_1218, %parallel_loop3A_1219 : i32
      %parallel_loop3A_1221 = arith.andi %parallel_loop3A_1217, %parallel_loop3A_1220 : i1
      %parallel_loop3A_1222 = arith.constant 1 : i32
      %parallel_loop3A_1223 = arith.subi %parallel_loop3A_1202, %parallel_loop3A_1222 : i32
      %parallel_loop3A_1224 = arith.select %parallel_loop3A_1221, %parallel_loop3A_1223, %parallel_loop3A_1202 : i32
      %parallel_loop3A_1225 = arith.constant 1024 : i32
      %parallel_loop3A_1226 = arith.constant 0 : i32
      %parallel_loop3A_1227 = arith.cmpi eq, %parallel_loop3A_1225, %parallel_loop3A_1226 : i32
      %parallel_loop3A_1228 = arith.constant 1 : i32
      %parallel_loop3A_1229 = arith.select %parallel_loop3A_1227, %parallel_loop3A_1228, %parallel_loop3A_1225 : i32
      %parallel_loop3A_1230 = arith.remsi %parallel_loop3A_1200, %parallel_loop3A_1229 : i32
      %parallel_loop3A_1231 = arith.constant 0 : i32
      %parallel_loop3A_1232 = arith.cmpi ne, %parallel_loop3A_1230, %parallel_loop3A_1231 : i32
      %parallel_loop3A_1233 = arith.constant 0 : i32
      %parallel_loop3A_1234 = arith.cmpi slt, %parallel_loop3A_1230, %parallel_loop3A_1233 : i32
      %parallel_loop3A_1235 = arith.constant 0 : i32
      %parallel_loop3A_1236 = arith.cmpi slt, %parallel_loop3A_1229, %parallel_loop3A_1235 : i32
      %parallel_loop3A_1237 = arith.xori %parallel_loop3A_1234, %parallel_loop3A_1236 : i1
      %parallel_loop3A_1238 = arith.andi %parallel_loop3A_1237, %parallel_loop3A_1232 : i1
      %parallel_loop3A_1239 = arith.addi %parallel_loop3A_1230, %parallel_loop3A_1229 : i32
      %parallel_loop3A_1240 = arith.select %parallel_loop3A_1238, %parallel_loop3A_1239, %parallel_loop3A_1230 : i32
      %parallel_loop3A_1241 = arith.index_cast %parallel_loop3A_1224 : i32 to index
      %parallel_loop3A_1242 = arith.index_cast %parallel_loop3A_1240 : i32 to index
      %parallel_loop3A_1243 = tpu.vector_load %arg11[%parallel_loop3A_1241, %parallel_loop3A_1242] {strides = array<i32>} : memref<16x1024xf32, #tpu.memory_space<vmem>>, vector<1x16xf32>,
      %parallel_loop3A_1244 = vector.shape_cast %parallel_loop3A_1243 : vector<1x16xf32> to vector<16xf32>
      %parallel_loop3A_1245 = arith.index_cast %parallel_loop3A_1224 : i32 to index
      %parallel_loop3A_1246 = arith.index_cast %parallel_loop3A_1240 : i32 to index
      %parallel_loop3A_1247 = tpu.vector_load %arg5[%parallel_loop3A_1245, %parallel_loop3A_1246] {strides = array<i32>} : memref<16x1024xf32, #tpu.memory_space<vmem>>, vector<1x16xf32>,
      %parallel_loop3A_1248 = vector.shape_cast %parallel_loop3A_1247 : vector<1x16xf32> to vector<16xf32>
      %parallel_loop3A_1249 = vector.shape_cast %parallel_loop3A_1244 : vector<16xf32> to vector<1x16xf32>
      tpu.vector_store %arg5[%parallel_loop3A_1245, %parallel_loop3A_1246], %parallel_loop3A_1249 {add = true, strides = array<i32>} : memref<16x1024xf32, #tpu.memory_space<vmem>>, vector<1x16xf32>,
    } {sc.loop_unroll_factor = 8 : i64, sc.parallel_access}
    %add3A_215 = arith.constant 16 : i32
    %add3A_216 = arith.addi %mul3A_2, %add3A_215 : i32
    %dma_start3A_217 = arith.constant 0 : i32
    %dma_start3A_218 = arith.constant 0 : i32
    %dma_start3A_219 = tpu.memref_slice %arg4[%dma_start3A_217, %add3A_216, %dma_start3A_218] : memref<4x4096x1024xf32, #tpu.memory_space<hbm>> -> memref<1x16x1024xf32, #tpu.memory_space<hbm>>
    %dma_start3A_220 = tpu.memref_squeeze %dma_start3A_219 : memref<1x16x1024xf32, #tpu.memory_space<hbm>> -> memref<16x1024xf32, #tpu.memory_space<hbm>>
    %dma_start3A_221 = arith.constant 0 : i32
    %dma_start3A_222 = tpu.memref_slice %arg4[%dma_start3A_217, %add3A_216, %dma_start3A_221] : memref<4x4096x1024xf32, #tpu.memory_space<hbm>> -> memref<1x16x1024xf32, #tpu.memory_space<hbm>>
    %dma_start3A_223 = tpu.memref_squeeze %dma_start3A_222 : memref<1x16x1024xf32, #tpu.memory_space<hbm>> -> memref<16x1024xf32, #tpu.memory_space<hbm>>
    tpu.enqueue_dma source(%arg9 : memref<16x1024xf32, #tpu.memory_space<vmem>>) target(%dma_start3A_223 : memref<16x1024xf32, #tpu.memory_space<hbm>>) target_semaphore(%arg21 : memref<!tpu.dma_semaphore, #tpu.memory_space<semaphore_mem>>)
    %dma_wait3A_224 = arith.constant 3 : i32
    %dma_wait3A_225 = arith.constant 0 : i32
    %dma_wait3A_226 = tpu.memref_slice %arg4[%dma_wait3A_224, %add3A_175, %dma_wait3A_225] : memref<4x4096x1024xf32, #tpu.memory_space<hbm>> -> memref<1x16x1024xf32, #tpu.memory_space<hbm>>
    %dma_wait3A_227 = tpu.memref_squeeze %dma_wait3A_226 : memref<1x16x1024xf32, #tpu.memory_space<hbm>> -> memref<16x1024xf32, #tpu.memory_space<hbm>>
    %dma_wait3A_228 = arith.constant 0 : i32
    %dma_wait3A_229 = tpu.memref_slice %arg4[%dma_wait3A_224, %add3A_175, %dma_wait3A_228] : memref<4x4096x1024xf32, #tpu.memory_space<hbm>> -> memref<1x16x1024xf32, #tpu.memory_space<hbm>>
    %dma_wait3A_230 = tpu.memref_squeeze %dma_wait3A_229 : memref<1x16x1024xf32, #tpu.memory_space<hbm>> -> memref<16x1024xf32, #tpu.memory_space<hbm>>
    tpu.wait_dma2 semaphore(%arg20 : memref<!tpu.dma_semaphore, #tpu.memory_space<semaphore_mem>>) src(%arg8 : memref<16x1024xf32, #tpu.memory_space<vmem>>) dst(%dma_wait3A_230 : memref<16x1024xf32, #tpu.memory_space<hbm>>)
    %add3A_231 = arith.constant 32 : i32
    %add3A_232 = arith.addi %mul3A_2, %add3A_231 : i32
    %dma_start3A_233 = arith.constant 0 : i32
    %dma_start3A_234 = arith.constant 0 : i32
    %dma_start3A_235 = tpu.memref_slice %arg2[%dma_start3A_233, %add3A_232, %dma_start3A_234] : memref<4x4096x1024xf32, #tpu.memory_space<hbm>> -> memref<1x16x1024xf32, #tpu.memory_space<hbm>>
    %dma_start3A_236 = tpu.memref_squeeze %dma_start3A_235 : memref<1x16x1024xf32, #tpu.memory_space<hbm>> -> memref<16x1024xf32, #tpu.memory_space<hbm>>
    %dma_start3A_237 = arith.constant 0 : i32
    %dma_start3A_238 = tpu.memref_slice %arg2[%dma_start3A_233, %add3A_232, %dma_start3A_237] : memref<4x4096x1024xf32, #tpu.memory_space<hbm>> -> memref<1x16x1024xf32, #tpu.memory_space<hbm>>
    %dma_start3A_239 = tpu.memref_squeeze %dma_start3A_238 : memref<1x16x1024xf32, #tpu.memory_space<hbm>> -> memref<16x1024xf32, #tpu.memory_space<hbm>>
    tpu.enqueue_dma source(%dma_start3A_239 : memref<16x1024xf32, #tpu.memory_space<hbm>>) target(%arg8 : memref<16x1024xf32, #tpu.memory_space<vmem>>) target_semaphore(%arg15 : memref<!tpu.dma_semaphore, #tpu.memory_space<semaphore_mem>>)
    %dma_wait3A_240 = arith.constant 2 : i32
    %dma_wait3A_241 = arith.constant 0 : i32
    %dma_wait3A_242 = tpu.memref_slice %arg2[%dma_wait3A_240, %add3A_152, %dma_wait3A_241] : memref<4x4096x1024xf32, #tpu.memory_space<hbm>> -> memref<1x16x1024xf32, #tpu.memory_space<hbm>>
    %dma_wait3A_243 = tpu.memref_squeeze %dma_wait3A_242 : memref<1x16x1024xf32, #tpu.memory_space<hbm>> -> memref<16x1024xf32, #tpu.memory_space<hbm>>
    %dma_wait3A_244 = arith.constant 0 : i32
    %dma_wait3A_245 = tpu.memref_slice %arg2[%dma_wait3A_240, %add3A_152, %dma_wait3A_244] : memref<4x4096x1024xf32, #tpu.memory_space<hbm>> -> memref<1x16x1024xf32, #tpu.memory_space<hbm>>
    %dma_wait3A_246 = tpu.memref_squeeze %dma_wait3A_245 : memref<1x16x1024xf32, #tpu.memory_space<hbm>> -> memref<16x1024xf32, #tpu.memory_space<hbm>>
    tpu.wait_dma2 semaphore(%arg13 : memref<!tpu.dma_semaphore, #tpu.memory_space<semaphore_mem>>) src(%dma_wait3A_246 : memref<16x1024xf32, #tpu.memory_space<hbm>>) dst(%arg6 : memref<16x1024xf32, #tpu.memory_space<vmem>>)
    %parallel_loop3A_247 = arith.constant 0 : i32
    %parallel_loop3A_248 = arith.constant 16384 : i32
    %parallel_loop3A_249 = arith.constant 16 : i32
    scf.for %parallel_loop3A_1200 = %parallel_loop3A_247 to %parallel_loop3A_248 step %parallel_loop3A_249  : i32 {
      %parallel_loop3A_1201 = arith.constant 1024 : i32
      %parallel_loop3A_1202 = arith.divsi %parallel_loop3A_1200, %parallel_loop3A_1201 : i32
      %parallel_loop3A_1203 = arith.constant 0 : i32
      %parallel_loop3A_1204 = arith.cmpi sgt, %parallel_loop3A_1200, %parallel_loop3A_1203 : i32
      %parallel_loop3A_1205 = arith.extui %parallel_loop3A_1204 : i1 to i32
      %parallel_loop3A_1206 = arith.constant 0 : i32
      %parallel_loop3A_1207 = arith.cmpi slt, %parallel_loop3A_1200, %parallel_loop3A_1206 : i32
      %parallel_loop3A_1208 = arith.extui %parallel_loop3A_1207 : i1 to i32
      %parallel_loop3A_1209 = arith.subi %parallel_loop3A_1205, %parallel_loop3A_1208 : i32
      %parallel_loop3A_1210 = arith.constant 0 : i32
      %parallel_loop3A_1211 = arith.cmpi sgt, %parallel_loop3A_1201, %parallel_loop3A_1210 : i32
      %parallel_loop3A_1212 = arith.extui %parallel_loop3A_1211 : i1 to i32
      %parallel_loop3A_1213 = arith.constant 0 : i32
      %parallel_loop3A_1214 = arith.cmpi slt, %parallel_loop3A_1201, %parallel_loop3A_1213 : i32
      %parallel_loop3A_1215 = arith.extui %parallel_loop3A_1214 : i1 to i32
      %parallel_loop3A_1216 = arith.subi %parallel_loop3A_1212, %parallel_loop3A_1215 : i32
      %parallel_loop3A_1217 = arith.cmpi ne, %parallel_loop3A_1209, %parallel_loop3A_1216 : i32
      %parallel_loop3A_1218 = arith.remsi %parallel_loop3A_1200, %parallel_loop3A_1201 : i32
      %parallel_loop3A_1219 = arith.constant 0 : i32
      %parallel_loop3A_1220 = arith.cmpi ne, %parallel_loop3A_1218, %parallel_loop3A_1219 : i32
      %parallel_loop3A_1221 = arith.andi %parallel_loop3A_1217, %parallel_loop3A_1220 : i1
      %parallel_loop3A_1222 = arith.constant 1 : i32
      %parallel_loop3A_1223 = arith.subi %parallel_loop3A_1202, %parallel_loop3A_1222 : i32
      %parallel_loop3A_1224 = arith.select %parallel_loop3A_1221, %parallel_loop3A_1223, %parallel_loop3A_1202 : i32
      %parallel_loop3A_1225 = arith.constant 1024 : i32
      %parallel_loop3A_1226 = arith.constant 0 : i32
      %parallel_loop3A_1227 = arith.cmpi eq, %parallel_loop3A_1225, %parallel_loop3A_1226 : i32
      %parallel_loop3A_1228 = arith.constant 1 : i32
      %parallel_loop3A_1229 = arith.select %parallel_loop3A_1227, %parallel_loop3A_1228, %parallel_loop3A_1225 : i32
      %parallel_loop3A_1230 = arith.remsi %parallel_loop3A_1200, %parallel_loop3A_1229 : i32
      %parallel_loop3A_1231 = arith.constant 0 : i32
      %parallel_loop3A_1232 = arith.cmpi ne, %parallel_loop3A_1230, %parallel_loop3A_1231 : i32
      %parallel_loop3A_1233 = arith.constant 0 : i32
      %parallel_loop3A_1234 = arith.cmpi slt, %parallel_loop3A_1230, %parallel_loop3A_1233 : i32
      %parallel_loop3A_1235 = arith.constant 0 : i32
      %parallel_loop3A_1236 = arith.cmpi slt, %parallel_loop3A_1229, %parallel_loop3A_1235 : i32
      %parallel_loop3A_1237 = arith.xori %parallel_loop3A_1234, %parallel_loop3A_1236 : i1
      %parallel_loop3A_1238 = arith.andi %parallel_loop3A_1237, %parallel_loop3A_1232 : i1
      %parallel_loop3A_1239 = arith.addi %parallel_loop3A_1230, %parallel_loop3A_1229 : i32
      %parallel_loop3A_1240 = arith.select %parallel_loop3A_1238, %parallel_loop3A_1239, %parallel_loop3A_1230 : i32
      %parallel_loop3A_1241 = arith.index_cast %parallel_loop3A_1224 : i32 to index
      %parallel_loop3A_1242 = arith.index_cast %parallel_loop3A_1240 : i32 to index
      %parallel_loop3A_1243 = tpu.vector_load %arg11[%parallel_loop3A_1241, %parallel_loop3A_1242] {strides = array<i32>} : memref<16x1024xf32, #tpu.memory_space<vmem>>, vector<1x16xf32>,
      %parallel_loop3A_1244 = vector.shape_cast %parallel_loop3A_1243 : vector<1x16xf32> to vector<16xf32>
      %parallel_loop3A_1245 = arith.index_cast %parallel_loop3A_1224 : i32 to index
      %parallel_loop3A_1246 = arith.index_cast %parallel_loop3A_1240 : i32 to index
      %parallel_loop3A_1247 = tpu.vector_load %arg6[%parallel_loop3A_1245, %parallel_loop3A_1246] {strides = array<i32>} : memref<16x1024xf32, #tpu.memory_space<vmem>>, vector<1x16xf32>,
      %parallel_loop3A_1248 = vector.shape_cast %parallel_loop3A_1247 : vector<1x16xf32> to vector<16xf32>
      %parallel_loop3A_1249 = vector.shape_cast %parallel_loop3A_1244 : vector<16xf32> to vector<1x16xf32>
      tpu.vector_store %arg6[%parallel_loop3A_1245, %parallel_loop3A_1246], %parallel_loop3A_1249 {add = true, strides = array<i32>} : memref<16x1024xf32, #tpu.memory_space<vmem>>, vector<1x16xf32>,
    } {sc.loop_unroll_factor = 8 : i64, sc.parallel_access}
    %add3A_250 = arith.constant 16 : i32
    %add3A_251 = arith.addi %mul3A_2, %add3A_250 : i32
    %dma_start3A_252 = arith.constant 1 : i32
    %dma_start3A_253 = arith.constant 0 : i32
    %dma_start3A_254 = tpu.memref_slice %arg4[%dma_start3A_252, %add3A_251, %dma_start3A_253] : memref<4x4096x1024xf32, #tpu.memory_space<hbm>> -> memref<1x16x1024xf32, #tpu.memory_space<hbm>>
    %dma_start3A_255 = tpu.memref_squeeze %dma_start3A_254 : memref<1x16x1024xf32, #tpu.memory_space<hbm>> -> memref<16x1024xf32, #tpu.memory_space<hbm>>
    %dma_start3A_256 = arith.constant 0 : i32
    %dma_start3A_257 = tpu.memref_slice %arg4[%dma_start3A_252, %add3A_251, %dma_start3A_256] : memref<4x4096x1024xf32, #tpu.memory_space<hbm>> -> memref<1x16x1024xf32, #tpu.memory_space<hbm>>
    %dma_start3A_258 = tpu.memref_squeeze %dma_start3A_257 : memref<1x16x1024xf32, #tpu.memory_space<hbm>> -> memref<16x1024xf32, #tpu.memory_space<hbm>>
    tpu.enqueue_dma source(%arg5 : memref<16x1024xf32, #tpu.memory_space<vmem>>) target(%dma_start3A_258 : memref<16x1024xf32, #tpu.memory_space<hbm>>) target_semaphore(%arg17 : memref<!tpu.dma_semaphore, #tpu.memory_space<semaphore_mem>>)
    %dma_wait3A_259 = arith.constant 0 : i32
    %dma_wait3A_260 = arith.constant 0 : i32
    %dma_wait3A_261 = tpu.memref_slice %arg4[%dma_wait3A_259, %add3A_216, %dma_wait3A_260] : memref<4x4096x1024xf32, #tpu.memory_space<hbm>> -> memref<1x16x1024xf32, #tpu.memory_space<hbm>>
    %dma_wait3A_262 = tpu.memref_squeeze %dma_wait3A_261 : memref<1x16x1024xf32, #tpu.memory_space<hbm>> -> memref<16x1024xf32, #tpu.memory_space<hbm>>
    %dma_wait3A_263 = arith.constant 0 : i32
    %dma_wait3A_264 = tpu.memref_slice %arg4[%dma_wait3A_259, %add3A_216, %dma_wait3A_263] : memref<4x4096x1024xf32, #tpu.memory_space<hbm>> -> memref<1x16x1024xf32, #tpu.memory_space<hbm>>
    %dma_wait3A_265 = tpu.memref_squeeze %dma_wait3A_264 : memref<1x16x1024xf32, #tpu.memory_space<hbm>> -> memref<16x1024xf32, #tpu.memory_space<hbm>>
    tpu.wait_dma2 semaphore(%arg21 : memref<!tpu.dma_semaphore, #tpu.memory_space<semaphore_mem>>) src(%arg9 : memref<16x1024xf32, #tpu.memory_space<vmem>>) dst(%dma_wait3A_265 : memref<16x1024xf32, #tpu.memory_space<hbm>>)
    %add3A_266 = arith.constant 32 : i32
    %add3A_267 = arith.addi %mul3A_2, %add3A_266 : i32
    %dma_start3A_268 = arith.constant 1 : i32
    %dma_start3A_269 = arith.constant 0 : i32
    %dma_start3A_270 = tpu.memref_slice %arg2[%dma_start3A_268, %add3A_267, %dma_start3A_269] : memref<4x4096x1024xf32, #tpu.memory_space<hbm>> -> memref<1x16x1024xf32, #tpu.memory_space<hbm>>
    %dma_start3A_271 = tpu.memref_squeeze %dma_start3A_270 : memref<1x16x1024xf32, #tpu.memory_space<hbm>> -> memref<16x1024xf32, #tpu.memory_space<hbm>>
    %dma_start3A_272 = arith.constant 0 : i32
    %dma_start3A_273 = tpu.memref_slice %arg2[%dma_start3A_268, %add3A_267, %dma_start3A_272] : memref<4x4096x1024xf32, #tpu.memory_space<hbm>> -> memref<1x16x1024xf32, #tpu.memory_space<hbm>>
    %dma_start3A_274 = tpu.memref_squeeze %dma_start3A_273 : memref<1x16x1024xf32, #tpu.memory_space<hbm>> -> memref<16x1024xf32, #tpu.memory_space<hbm>>
    tpu.enqueue_dma source(%dma_start3A_274 : memref<16x1024xf32, #tpu.memory_space<hbm>>) target(%arg9 : memref<16x1024xf32, #tpu.memory_space<vmem>>) target_semaphore(%arg16 : memref<!tpu.dma_semaphore, #tpu.memory_space<semaphore_mem>>)
    %dma_wait3A_275 = arith.constant 3 : i32
    %dma_wait3A_276 = arith.constant 0 : i32
    %dma_wait3A_277 = tpu.memref_slice %arg2[%dma_wait3A_275, %add3A_197, %dma_wait3A_276] : memref<4x4096x1024xf32, #tpu.memory_space<hbm>> -> memref<1x16x1024xf32, #tpu.memory_space<hbm>>
    %dma_wait3A_278 = tpu.memref_squeeze %dma_wait3A_277 : memref<1x16x1024xf32, #tpu.memory_space<hbm>> -> memref<16x1024xf32, #tpu.memory_space<hbm>>
    %dma_wait3A_279 = arith.constant 0 : i32
    %dma_wait3A_280 = tpu.memref_slice %arg2[%dma_wait3A_275, %add3A_197, %dma_wait3A_279] : memref<4x4096x1024xf32, #tpu.memory_space<hbm>> -> memref<1x16x1024xf32, #tpu.memory_space<hbm>>
    %dma_wait3A_281 = tpu.memref_squeeze %dma_wait3A_280 : memref<1x16x1024xf32, #tpu.memory_space<hbm>> -> memref<16x1024xf32, #tpu.memory_space<hbm>>
    tpu.wait_dma2 semaphore(%arg14 : memref<!tpu.dma_semaphore, #tpu.memory_space<semaphore_mem>>) src(%dma_wait3A_281 : memref<16x1024xf32, #tpu.memory_space<hbm>>) dst(%arg7 : memref<16x1024xf32, #tpu.memory_space<vmem>>)
    %parallel_loop3A_282 = arith.constant 0 : i32
    %parallel_loop3A_283 = arith.constant 16384 : i32
    %parallel_loop3A_284 = arith.constant 16 : i32
    scf.for %parallel_loop3A_1200 = %parallel_loop3A_282 to %parallel_loop3A_283 step %parallel_loop3A_284  : i32 {
      %parallel_loop3A_1201 = arith.constant 1024 : i32
      %parallel_loop3A_1202 = arith.divsi %parallel_loop3A_1200, %parallel_loop3A_1201 : i32
      %parallel_loop3A_1203 = arith.constant 0 : i32
      %parallel_loop3A_1204 = arith.cmpi sgt, %parallel_loop3A_1200, %parallel_loop3A_1203 : i32
      %parallel_loop3A_1205 = arith.extui %parallel_loop3A_1204 : i1 to i32
      %parallel_loop3A_1206 = arith.constant 0 : i32
      %parallel_loop3A_1207 = arith.cmpi slt, %parallel_loop3A_1200, %parallel_loop3A_1206 : i32
      %parallel_loop3A_1208 = arith.extui %parallel_loop3A_1207 : i1 to i32
      %parallel_loop3A_1209 = arith.subi %parallel_loop3A_1205, %parallel_loop3A_1208 : i32
      %parallel_loop3A_1210 = arith.constant 0 : i32
      %parallel_loop3A_1211 = arith.cmpi sgt, %parallel_loop3A_1201, %parallel_loop3A_1210 : i32
      %parallel_loop3A_1212 = arith.extui %parallel_loop3A_1211 : i1 to i32
      %parallel_loop3A_1213 = arith.constant 0 : i32
      %parallel_loop3A_1214 = arith.cmpi slt, %parallel_loop3A_1201, %parallel_loop3A_1213 : i32
      %parallel_loop3A_1215 = arith.extui %parallel_loop3A_1214 : i1 to i32
      %parallel_loop3A_1216 = arith.subi %parallel_loop3A_1212, %parallel_loop3A_1215 : i32
      %parallel_loop3A_1217 = arith.cmpi ne, %parallel_loop3A_1209, %parallel_loop3A_1216 : i32
      %parallel_loop3A_1218 = arith.remsi %parallel_loop3A_1200, %parallel_loop3A_1201 : i32
      %parallel_loop3A_1219 = arith.constant 0 : i32
      %parallel_loop3A_1220 = arith.cmpi ne, %parallel_loop3A_1218, %parallel_loop3A_1219 : i32
      %parallel_loop3A_1221 = arith.andi %parallel_loop3A_1217, %parallel_loop3A_1220 : i1
      %parallel_loop3A_1222 = arith.constant 1 : i32
      %parallel_loop3A_1223 = arith.subi %parallel_loop3A_1202, %parallel_loop3A_1222 : i32
      %parallel_loop3A_1224 = arith.select %parallel_loop3A_1221, %parallel_loop3A_1223, %parallel_loop3A_1202 : i32
      %parallel_loop3A_1225 = arith.constant 1024 : i32
      %parallel_loop3A_1226 = arith.constant 0 : i32
      %parallel_loop3A_1227 = arith.cmpi eq, %parallel_loop3A_1225, %parallel_loop3A_1226 : i32
      %parallel_loop3A_1228 = arith.constant 1 : i32
      %parallel_loop3A_1229 = arith.select %parallel_loop3A_1227, %parallel_loop3A_1228, %parallel_loop3A_1225 : i32
      %parallel_loop3A_1230 = arith.remsi %parallel_loop3A_1200, %parallel_loop3A_1229 : i32
      %parallel_loop3A_1231 = arith.constant 0 : i32
      %parallel_loop3A_1232 = arith.cmpi ne, %parallel_loop3A_1230, %parallel_loop3A_1231 : i32
      %parallel_loop3A_1233 = arith.constant 0 : i32
      %parallel_loop3A_1234 = arith.cmpi slt, %parallel_loop3A_1230, %parallel_loop3A_1233 : i32
      %parallel_loop3A_1235 = arith.constant 0 : i32
      %parallel_loop3A_1236 = arith.cmpi slt, %parallel_loop3A_1229, %parallel_loop3A_1235 : i32
      %parallel_loop3A_1237 = arith.xori %parallel_loop3A_1234, %parallel_loop3A_1236 : i1
      %parallel_loop3A_1238 = arith.andi %parallel_loop3A_1237, %parallel_loop3A_1232 : i1
      %parallel_loop3A_1239 = arith.addi %parallel_loop3A_1230, %parallel_loop3A_1229 : i32
      %parallel_loop3A_1240 = arith.select %parallel_loop3A_1238, %parallel_loop3A_1239, %parallel_loop3A_1230 : i32
      %parallel_loop3A_1241 = arith.index_cast %parallel_loop3A_1224 : i32 to index
      %parallel_loop3A_1242 = arith.index_cast %parallel_loop3A_1240 : i32 to index
      %parallel_loop3A_1243 = tpu.vector_load %arg11[%parallel_loop3A_1241, %parallel_loop3A_1242] {strides = array<i32>} : memref<16x1024xf32, #tpu.memory_space<vmem>>, vector<1x16xf32>,
      %parallel_loop3A_1244 = vector.shape_cast %parallel_loop3A_1243 : vector<1x16xf32> to vector<16xf32>
      %parallel_loop3A_1245 = arith.index_cast %parallel_loop3A_1224 : i32 to index
      %parallel_loop3A_1246 = arith.index_cast %parallel_loop3A_1240 : i32 to index
      %parallel_loop3A_1247 = tpu.vector_load %arg7[%parallel_loop3A_1245, %parallel_loop3A_1246] {strides = array<i32>} : memref<16x1024xf32, #tpu.memory_space<vmem>>, vector<1x16xf32>,
      %parallel_loop3A_1248 = vector.shape_cast %parallel_loop3A_1247 : vector<1x16xf32> to vector<16xf32>
      %parallel_loop3A_1249 = vector.shape_cast %parallel_loop3A_1244 : vector<16xf32> to vector<1x16xf32>
      tpu.vector_store %arg7[%parallel_loop3A_1245, %parallel_loop3A_1246], %parallel_loop3A_1249 {add = true, strides = array<i32>} : memref<16x1024xf32, #tpu.memory_space<vmem>>, vector<1x16xf32>,
    } {sc.loop_unroll_factor = 8 : i64, sc.parallel_access}
    %add3A_285 = arith.constant 16 : i32
    %add3A_286 = arith.addi %mul3A_2, %add3A_285 : i32
    %dma_start3A_287 = arith.constant 2 : i32
    %dma_start3A_288 = arith.constant 0 : i32
    %dma_start3A_289 = tpu.memref_slice %arg4[%dma_start3A_287, %add3A_286, %dma_start3A_288] : memref<4x4096x1024xf32, #tpu.memory_space<hbm>> -> memref<1x16x1024xf32, #tpu.memory_space<hbm>>
    %dma_start3A_290 = tpu.memref_squeeze %dma_start3A_289 : memref<1x16x1024xf32, #tpu.memory_space<hbm>> -> memref<16x1024xf32, #tpu.memory_space<hbm>>
    %dma_start3A_291 = arith.constant 0 : i32
    %dma_start3A_292 = tpu.memref_slice %arg4[%dma_start3A_287, %add3A_286, %dma_start3A_291] : memref<4x4096x1024xf32, #tpu.memory_space<hbm>> -> memref<1x16x1024xf32, #tpu.memory_space<hbm>>
    %dma_start3A_293 = tpu.memref_squeeze %dma_start3A_292 : memref<1x16x1024xf32, #tpu.memory_space<hbm>> -> memref<16x1024xf32, #tpu.memory_space<hbm>>
    tpu.enqueue_dma source(%arg6 : memref<16x1024xf32, #tpu.memory_space<vmem>>) target(%dma_start3A_293 : memref<16x1024xf32, #tpu.memory_space<hbm>>) target_semaphore(%arg18 : memref<!tpu.dma_semaphore, #tpu.memory_space<semaphore_mem>>)
    %dma_wait3A_294 = arith.constant 1 : i32
    %dma_wait3A_295 = arith.constant 0 : i32
    %dma_wait3A_296 = tpu.memref_slice %arg4[%dma_wait3A_294, %add3A_251, %dma_wait3A_295] : memref<4x4096x1024xf32, #tpu.memory_space<hbm>> -> memref<1x16x1024xf32, #tpu.memory_space<hbm>>
    %dma_wait3A_297 = tpu.memref_squeeze %dma_wait3A_296 : memref<1x16x1024xf32, #tpu.memory_space<hbm>> -> memref<16x1024xf32, #tpu.memory_space<hbm>>
    %dma_wait3A_298 = arith.constant 0 : i32
    %dma_wait3A_299 = tpu.memref_slice %arg4[%dma_wait3A_294, %add3A_251, %dma_wait3A_298] : memref<4x4096x1024xf32, #tpu.memory_space<hbm>> -> memref<1x16x1024xf32, #tpu.memory_space<hbm>>
    %dma_wait3A_300 = tpu.memref_squeeze %dma_wait3A_299 : memref<1x16x1024xf32, #tpu.memory_space<hbm>> -> memref<16x1024xf32, #tpu.memory_space<hbm>>
    tpu.wait_dma2 semaphore(%arg17 : memref<!tpu.dma_semaphore, #tpu.memory_space<semaphore_mem>>) src(%arg5 : memref<16x1024xf32, #tpu.memory_space<vmem>>) dst(%dma_wait3A_300 : memref<16x1024xf32, #tpu.memory_space<hbm>>)
    %add3A_301 = arith.constant 32 : i32
    %add3A_302 = arith.addi %mul3A_2, %add3A_301 : i32
    %dma_start3A_303 = arith.constant 2 : i32
    %dma_start3A_304 = arith.constant 0 : i32
    %dma_start3A_305 = tpu.memref_slice %arg2[%dma_start3A_303, %add3A_302, %dma_start3A_304] : memref<4x4096x1024xf32, #tpu.memory_space<hbm>> -> memref<1x16x1024xf32, #tpu.memory_space<hbm>>
    %dma_start3A_306 = tpu.memref_squeeze %dma_start3A_305 : memref<1x16x1024xf32, #tpu.memory_space<hbm>> -> memref<16x1024xf32, #tpu.memory_space<hbm>>
    %dma_start3A_307 = arith.constant 0 : i32
    %dma_start3A_308 = tpu.memref_slice %arg2[%dma_start3A_303, %add3A_302, %dma_start3A_307] : memref<4x4096x1024xf32, #tpu.memory_space<hbm>> -> memref<1x16x1024xf32, #tpu.memory_space<hbm>>
    %dma_start3A_309 = tpu.memref_squeeze %dma_start3A_308 : memref<1x16x1024xf32, #tpu.memory_space<hbm>> -> memref<16x1024xf32, #tpu.memory_space<hbm>>
    tpu.enqueue_dma source(%dma_start3A_309 : memref<16x1024xf32, #tpu.memory_space<hbm>>) target(%arg5 : memref<16x1024xf32, #tpu.memory_space<vmem>>) target_semaphore(%arg12 : memref<!tpu.dma_semaphore, #tpu.memory_space<semaphore_mem>>)
    %dma_wait3A_310 = arith.constant 0 : i32
    %dma_wait3A_311 = arith.constant 0 : i32
    %dma_wait3A_312 = tpu.memref_slice %arg2[%dma_wait3A_310, %add3A_232, %dma_wait3A_311] : memref<4x4096x1024xf32, #tpu.memory_space<hbm>> -> memref<1x16x1024xf32, #tpu.memory_space<hbm>>
    %dma_wait3A_313 = tpu.memref_squeeze %dma_wait3A_312 : memref<1x16x1024xf32, #tpu.memory_space<hbm>> -> memref<16x1024xf32, #tpu.memory_space<hbm>>
    %dma_wait3A_314 = arith.constant 0 : i32
    %dma_wait3A_315 = tpu.memref_slice %arg2[%dma_wait3A_310, %add3A_232, %dma_wait3A_314] : memref<4x4096x1024xf32, #tpu.memory_space<hbm>> -> memref<1x16x1024xf32, #tpu.memory_space<hbm>>
    %dma_wait3A_316 = tpu.memref_squeeze %dma_wait3A_315 : memref<1x16x1024xf32, #tpu.memory_space<hbm>> -> memref<16x1024xf32, #tpu.memory_space<hbm>>
    tpu.wait_dma2 semaphore(%arg15 : memref<!tpu.dma_semaphore, #tpu.memory_space<semaphore_mem>>) src(%dma_wait3A_316 : memref<16x1024xf32, #tpu.memory_space<hbm>>) dst(%arg8 : memref<16x1024xf32, #tpu.memory_space<vmem>>)
    %dma_wait3A_317 = arith.constant 0 : i32
    %dma_wait3A_318 = tpu.memref_slice %arg3[%add3A_184, %dma_wait3A_317] : memref<8192x1024xf32, #tpu.memory_space<hbm>> -> memref<16x1024xf32, #tpu.memory_space<hbm>>
    %dma_wait3A_319 = arith.constant 0 : i32
    %dma_wait3A_320 = tpu.memref_slice %arg3[%add3A_184, %dma_wait3A_319] : memref<8192x1024xf32, #tpu.memory_space<hbm>> -> memref<16x1024xf32, #tpu.memory_space<hbm>>
    tpu.wait_dma2 semaphore(%arg22 : memref<!tpu.dma_semaphore, #tpu.memory_space<semaphore_mem>>) src(%dma_wait3A_320 : memref<16x1024xf32, #tpu.memory_space<hbm>>) dst(%arg10 : memref<16x1024xf32, #tpu.memory_space<vmem>>)
    %parallel_loop3A_321 = arith.constant 0 : i32
    %parallel_loop3A_322 = arith.constant 16384 : i32
    %parallel_loop3A_323 = arith.constant 16 : i32
    scf.for %parallel_loop3A_1200 = %parallel_loop3A_321 to %parallel_loop3A_322 step %parallel_loop3A_323  : i32 {
      %parallel_loop3A_1201 = arith.constant 1024 : i32
      %parallel_loop3A_1202 = arith.divsi %parallel_loop3A_1200, %parallel_loop3A_1201 : i32
      %parallel_loop3A_1203 = arith.constant 0 : i32
      %parallel_loop3A_1204 = arith.cmpi sgt, %parallel_loop3A_1200, %parallel_loop3A_1203 : i32
      %parallel_loop3A_1205 = arith.extui %parallel_loop3A_1204 : i1 to i32
      %parallel_loop3A_1206 = arith.constant 0 : i32
      %parallel_loop3A_1207 = arith.cmpi slt, %parallel_loop3A_1200, %parallel_loop3A_1206 : i32
      %parallel_loop3A_1208 = arith.extui %parallel_loop3A_1207 : i1 to i32
      %parallel_loop3A_1209 = arith.subi %parallel_loop3A_1205, %parallel_loop3A_1208 : i32
      %parallel_loop3A_1210 = arith.constant 0 : i32
      %parallel_loop3A_1211 = arith.cmpi sgt, %parallel_loop3A_1201, %parallel_loop3A_1210 : i32
      %parallel_loop3A_1212 = arith.extui %parallel_loop3A_1211 : i1 to i32
      %parallel_loop3A_1213 = arith.constant 0 : i32
      %parallel_loop3A_1214 = arith.cmpi slt, %parallel_loop3A_1201, %parallel_loop3A_1213 : i32
      %parallel_loop3A_1215 = arith.extui %parallel_loop3A_1214 : i1 to i32
      %parallel_loop3A_1216 = arith.subi %parallel_loop3A_1212, %parallel_loop3A_1215 : i32
      %parallel_loop3A_1217 = arith.cmpi ne, %parallel_loop3A_1209, %parallel_loop3A_1216 : i32
      %parallel_loop3A_1218 = arith.remsi %parallel_loop3A_1200, %parallel_loop3A_1201 : i32
      %parallel_loop3A_1219 = arith.constant 0 : i32
      %parallel_loop3A_1220 = arith.cmpi ne, %parallel_loop3A_1218, %parallel_loop3A_1219 : i32
      %parallel_loop3A_1221 = arith.andi %parallel_loop3A_1217, %parallel_loop3A_1220 : i1
      %parallel_loop3A_1222 = arith.constant 1 : i32
      %parallel_loop3A_1223 = arith.subi %parallel_loop3A_1202, %parallel_loop3A_1222 : i32
      %parallel_loop3A_1224 = arith.select %parallel_loop3A_1221, %parallel_loop3A_1223, %parallel_loop3A_1202 : i32
      %parallel_loop3A_1225 = arith.constant 1024 : i32
      %parallel_loop3A_1226 = arith.constant 0 : i32
      %parallel_loop3A_1227 = arith.cmpi eq, %parallel_loop3A_1225, %parallel_loop3A_1226 : i32
      %parallel_loop3A_1228 = arith.constant 1 : i32
      %parallel_loop3A_1229 = arith.select %parallel_loop3A_1227, %parallel_loop3A_1228, %parallel_loop3A_1225 : i32
      %parallel_loop3A_1230 = arith.remsi %parallel_loop3A_1200, %parallel_loop3A_1229 : i32
      %parallel_loop3A_1231 = arith.constant 0 : i32
      %parallel_loop3A_1232 = arith.cmpi ne, %parallel_loop3A_1230, %parallel_loop3A_1231 : i32
      %parallel_loop3A_1233 = arith.constant 0 : i32
      %parallel_loop3A_1234 = arith.cmpi slt, %parallel_loop3A_1230, %parallel_loop3A_1233 : i32
      %parallel_loop3A_1235 = arith.constant 0 : i32
      %parallel_loop3A_1236 = arith.cmpi slt, %parallel_loop3A_1229, %parallel_loop3A_1235 : i32
      %parallel_loop3A_1237 = arith.xori %parallel_loop3A_1234, %parallel_loop3A_1236 : i1
      %parallel_loop3A_1238 = arith.andi %parallel_loop3A_1237, %parallel_loop3A_1232 : i1
      %parallel_loop3A_1239 = arith.addi %parallel_loop3A_1230, %parallel_loop3A_1229 : i32
      %parallel_loop3A_1240 = arith.select %parallel_loop3A_1238, %parallel_loop3A_1239, %parallel_loop3A_1230 : i32
      %parallel_loop3A_1241 = arith.index_cast %parallel_loop3A_1224 : i32 to index
      %parallel_loop3A_1242 = arith.index_cast %parallel_loop3A_1240 : i32 to index
      %parallel_loop3A_1243 = tpu.vector_load %arg10[%parallel_loop3A_1241, %parallel_loop3A_1242] {strides = array<i32>} : memref<16x1024xf32, #tpu.memory_space<vmem>>, vector<1x16xf32>,
      %parallel_loop3A_1244 = vector.shape_cast %parallel_loop3A_1243 : vector<1x16xf32> to vector<16xf32>
      %parallel_loop3A_1245 = arith.index_cast %parallel_loop3A_1224 : i32 to index
      %parallel_loop3A_1246 = arith.index_cast %parallel_loop3A_1240 : i32 to index
      %parallel_loop3A_1247 = tpu.vector_load %arg8[%parallel_loop3A_1245, %parallel_loop3A_1246] {strides = array<i32>} : memref<16x1024xf32, #tpu.memory_space<vmem>>, vector<1x16xf32>,
      %parallel_loop3A_1248 = vector.shape_cast %parallel_loop3A_1247 : vector<1x16xf32> to vector<16xf32>
      %parallel_loop3A_1249 = vector.shape_cast %parallel_loop3A_1244 : vector<16xf32> to vector<1x16xf32>
      tpu.vector_store %arg8[%parallel_loop3A_1245, %parallel_loop3A_1246], %parallel_loop3A_1249 {add = true, strides = array<i32>} : memref<16x1024xf32, #tpu.memory_space<vmem>>, vector<1x16xf32>,
    } {sc.loop_unroll_factor = 8 : i64, sc.parallel_access}
    %add3A_324 = arith.constant 16 : i32
    %add3A_325 = arith.addi %mul3A_2, %add3A_324 : i32
    %dma_start3A_326 = arith.constant 3 : i32
    %dma_start3A_327 = arith.constant 0 : i32
    %dma_start3A_328 = tpu.memref_slice %arg4[%dma_start3A_326, %add3A_325, %dma_start3A_327] : memref<4x4096x1024xf32, #tpu.memory_space<hbm>> -> memref<1x16x1024xf32, #tpu.memory_space<hbm>>
    %dma_start3A_329 = tpu.memref_squeeze %dma_start3A_328 : memref<1x16x1024xf32, #tpu.memory_space<hbm>> -> memref<16x1024xf32, #tpu.memory_space<hbm>>
    %dma_start3A_330 = arith.constant 0 : i32
    %dma_start3A_331 = tpu.memref_slice %arg4[%dma_start3A_326, %add3A_325, %dma_start3A_330] : memref<4x4096x1024xf32, #tpu.memory_space<hbm>> -> memref<1x16x1024xf32, #tpu.memory_space<hbm>>
    %dma_start3A_332 = tpu.memref_squeeze %dma_start3A_331 : memref<1x16x1024xf32, #tpu.memory_space<hbm>> -> memref<16x1024xf32, #tpu.memory_space<hbm>>
    tpu.enqueue_dma source(%arg7 : memref<16x1024xf32, #tpu.memory_space<vmem>>) target(%dma_start3A_332 : memref<16x1024xf32, #tpu.memory_space<hbm>>) target_semaphore(%arg19 : memref<!tpu.dma_semaphore, #tpu.memory_space<semaphore_mem>>)
    %add3A_333 = arith.constant 48 : i32
    %add3A_334 = arith.addi %mul3A_2, %add3A_333 : i32
    %dma_start3A_335 = arith.constant 0 : i32
    %dma_start3A_336 = tpu.memref_slice %arg3[%add3A_334, %dma_start3A_335] : memref<8192x1024xf32, #tpu.memory_space<hbm>> -> memref<16x1024xf32, #tpu.memory_space<hbm>>
    %dma_start3A_337 = arith.constant 0 : i32
    %dma_start3A_338 = tpu.memref_slice %arg3[%add3A_334, %dma_start3A_337] : memref<8192x1024xf32, #tpu.memory_space<hbm>> -> memref<16x1024xf32, #tpu.memory_space<hbm>>
    tpu.enqueue_dma source(%dma_start3A_338 : memref<16x1024xf32, #tpu.memory_space<hbm>>) target(%arg11 : memref<16x1024xf32, #tpu.memory_space<vmem>>) target_semaphore(%arg23 : memref<!tpu.dma_semaphore, #tpu.memory_space<semaphore_mem>>)
    %dma_wait3A_339 = arith.constant 2 : i32
    %dma_wait3A_340 = arith.constant 0 : i32
    %dma_wait3A_341 = tpu.memref_slice %arg4[%dma_wait3A_339, %add3A_286, %dma_wait3A_340] : memref<4x4096x1024xf32, #tpu.memory_space<hbm>> -> memref<1x16x1024xf32, #tpu.memory_space<hbm>>
    %dma_wait3A_342 = tpu.memref_squeeze %dma_wait3A_341 : memref<1x16x1024xf32, #tpu.memory_space<hbm>> -> memref<16x1024xf32, #tpu.memory_space<hbm>>
    %dma_wait3A_343 = arith.constant 0 : i32
    %dma_wait3A_344 = tpu.memref_slice %arg4[%dma_wait3A_339, %add3A_286, %dma_wait3A_343] : memref<4x4096x1024xf32, #tpu.memory_space<hbm>> -> memref<1x16x1024xf32, #tpu.memory_space<hbm>>
    %dma_wait3A_345 = tpu.memref_squeeze %dma_wait3A_344 : memref<1x16x1024xf32, #tpu.memory_space<hbm>> -> memref<16x1024xf32, #tpu.memory_space<hbm>>
    tpu.wait_dma2 semaphore(%arg18 : memref<!tpu.dma_semaphore, #tpu.memory_space<semaphore_mem>>) src(%arg6 : memref<16x1024xf32, #tpu.memory_space<vmem>>) dst(%dma_wait3A_345 : memref<16x1024xf32, #tpu.memory_space<hbm>>)
    %add3A_346 = arith.constant 32 : i32
    %add3A_347 = arith.addi %mul3A_2, %add3A_346 : i32
    %dma_start3A_348 = arith.constant 3 : i32
    %dma_start3A_349 = arith.constant 0 : i32
    %dma_start3A_350 = tpu.memref_slice %arg2[%dma_start3A_348, %add3A_347, %dma_start3A_349] : memref<4x4096x1024xf32, #tpu.memory_space<hbm>> -> memref<1x16x1024xf32, #tpu.memory_space<hbm>>
    %dma_start3A_351 = tpu.memref_squeeze %dma_start3A_350 : memref<1x16x1024xf32, #tpu.memory_space<hbm>> -> memref<16x1024xf32, #tpu.memory_space<hbm>>
    %dma_start3A_352 = arith.constant 0 : i32
    %dma_start3A_353 = tpu.memref_slice %arg2[%dma_start3A_348, %add3A_347, %dma_start3A_352] : memref<4x4096x1024xf32, #tpu.memory_space<hbm>> -> memref<1x16x1024xf32, #tpu.memory_space<hbm>>
    %dma_start3A_354 = tpu.memref_squeeze %dma_start3A_353 : memref<1x16x1024xf32, #tpu.memory_space<hbm>> -> memref<16x1024xf32, #tpu.memory_space<hbm>>
    tpu.enqueue_dma source(%dma_start3A_354 : memref<16x1024xf32, #tpu.memory_space<hbm>>) target(%arg6 : memref<16x1024xf32, #tpu.memory_space<vmem>>) target_semaphore(%arg13 : memref<!tpu.dma_semaphore, #tpu.memory_space<semaphore_mem>>)
    %dma_wait3A_355 = arith.constant 1 : i32
    %dma_wait3A_356 = arith.constant 0 : i32
    %dma_wait3A_357 = tpu.memref_slice %arg2[%dma_wait3A_355, %add3A_267, %dma_wait3A_356] : memref<4x4096x1024xf32, #tpu.memory_space<hbm>> -> memref<1x16x1024xf32, #tpu.memory_space<hbm>>
    %dma_wait3A_358 = tpu.memref_squeeze %dma_wait3A_357 : memref<1x16x1024xf32, #tpu.memory_space<hbm>> -> memref<16x1024xf32, #tpu.memory_space<hbm>>
    %dma_wait3A_359 = arith.constant 0 : i32
    %dma_wait3A_360 = tpu.memref_slice %arg2[%dma_wait3A_355, %add3A_267, %dma_wait3A_359] : memref<4x4096x1024xf32, #tpu.memory_space<hbm>> -> memref<1x16x1024xf32, #tpu.memory_space<hbm>>
    %dma_wait3A_361 = tpu.memref_squeeze %dma_wait3A_360 : memref<1x16x1024xf32, #tpu.memory_space<hbm>> -> memref<16x1024xf32, #tpu.memory_space<hbm>>
    tpu.wait_dma2 semaphore(%arg16 : memref<!tpu.dma_semaphore, #tpu.memory_space<semaphore_mem>>) src(%dma_wait3A_361 : memref<16x1024xf32, #tpu.memory_space<hbm>>) dst(%arg9 : memref<16x1024xf32, #tpu.memory_space<vmem>>)
    %parallel_loop3A_362 = arith.constant 0 : i32
    %parallel_loop3A_363 = arith.constant 16384 : i32
    %parallel_loop3A_364 = arith.constant 16 : i32
    scf.for %parallel_loop3A_1200 = %parallel_loop3A_362 to %parallel_loop3A_363 step %parallel_loop3A_364  : i32 {
      %parallel_loop3A_1201 = arith.constant 1024 : i32
      %parallel_loop3A_1202 = arith.divsi %parallel_loop3A_1200, %parallel_loop3A_1201 : i32
      %parallel_loop3A_1203 = arith.constant 0 : i32
      %parallel_loop3A_1204 = arith.cmpi sgt, %parallel_loop3A_1200, %parallel_loop3A_1203 : i32
      %parallel_loop3A_1205 = arith.extui %parallel_loop3A_1204 : i1 to i32
      %parallel_loop3A_1206 = arith.constant 0 : i32
      %parallel_loop3A_1207 = arith.cmpi slt, %parallel_loop3A_1200, %parallel_loop3A_1206 : i32
      %parallel_loop3A_1208 = arith.extui %parallel_loop3A_1207 : i1 to i32
      %parallel_loop3A_1209 = arith.subi %parallel_loop3A_1205, %parallel_loop3A_1208 : i32
      %parallel_loop3A_1210 = arith.constant 0 : i32
      %parallel_loop3A_1211 = arith.cmpi sgt, %parallel_loop3A_1201, %parallel_loop3A_1210 : i32
      %parallel_loop3A_1212 = arith.extui %parallel_loop3A_1211 : i1 to i32
      %parallel_loop3A_1213 = arith.constant 0 : i32
      %parallel_loop3A_1214 = arith.cmpi slt, %parallel_loop3A_1201, %parallel_loop3A_1213 : i32
      %parallel_loop3A_1215 = arith.extui %parallel_loop3A_1214 : i1 to i32
      %parallel_loop3A_1216 = arith.subi %parallel_loop3A_1212, %parallel_loop3A_1215 : i32
      %parallel_loop3A_1217 = arith.cmpi ne, %parallel_loop3A_1209, %parallel_loop3A_1216 : i32
      %parallel_loop3A_1218 = arith.remsi %parallel_loop3A_1200, %parallel_loop3A_1201 : i32
      %parallel_loop3A_1219 = arith.constant 0 : i32
      %parallel_loop3A_1220 = arith.cmpi ne, %parallel_loop3A_1218, %parallel_loop3A_1219 : i32
      %parallel_loop3A_1221 = arith.andi %parallel_loop3A_1217, %parallel_loop3A_1220 : i1
      %parallel_loop3A_1222 = arith.constant 1 : i32
      %parallel_loop3A_1223 = arith.subi %parallel_loop3A_1202, %parallel_loop3A_1222 : i32
      %parallel_loop3A_1224 = arith.select %parallel_loop3A_1221, %parallel_loop3A_1223, %parallel_loop3A_1202 : i32
      %parallel_loop3A_1225 = arith.constant 1024 : i32
      %parallel_loop3A_1226 = arith.constant 0 : i32
      %parallel_loop3A_1227 = arith.cmpi eq, %parallel_loop3A_1225, %parallel_loop3A_1226 : i32
      %parallel_loop3A_1228 = arith.constant 1 : i32
      %parallel_loop3A_1229 = arith.select %parallel_loop3A_1227, %parallel_loop3A_1228, %parallel_loop3A_1225 : i32
      %parallel_loop3A_1230 = arith.remsi %parallel_loop3A_1200, %parallel_loop3A_1229 : i32
      %parallel_loop3A_1231 = arith.constant 0 : i32
      %parallel_loop3A_1232 = arith.cmpi ne, %parallel_loop3A_1230, %parallel_loop3A_1231 : i32
      %parallel_loop3A_1233 = arith.constant 0 : i32
      %parallel_loop3A_1234 = arith.cmpi slt, %parallel_loop3A_1230, %parallel_loop3A_1233 : i32
      %parallel_loop3A_1235 = arith.constant 0 : i32
      %parallel_loop3A_1236 = arith.cmpi slt, %parallel_loop3A_1229, %parallel_loop3A_1235 : i32
      %parallel_loop3A_1237 = arith.xori %parallel_loop3A_1234, %parallel_loop3A_1236 : i1
      %parallel_loop3A_1238 = arith.andi %parallel_loop3A_1237, %parallel_loop3A_1232 : i1
      %parallel_loop3A_1239 = arith.addi %parallel_loop3A_1230, %parallel_loop3A_1229 : i32
      %parallel_loop3A_1240 = arith.select %parallel_loop3A_1238, %parallel_loop3A_1239, %parallel_loop3A_1230 : i32
      %parallel_loop3A_1241 = arith.index_cast %parallel_loop3A_1224 : i32 to index
      %parallel_loop3A_1242 = arith.index_cast %parallel_loop3A_1240 : i32 to index
      %parallel_loop3A_1243 = tpu.vector_load %arg10[%parallel_loop3A_1241, %parallel_loop3A_1242] {strides = array<i32>} : memref<16x1024xf32, #tpu.memory_space<vmem>>, vector<1x16xf32>,
      %parallel_loop3A_1244 = vector.shape_cast %parallel_loop3A_1243 : vector<1x16xf32> to vector<16xf32>
      %parallel_loop3A_1245 = arith.index_cast %parallel_loop3A_1224 : i32 to index
      %parallel_loop3A_1246 = arith.index_cast %parallel_loop3A_1240 : i32 to index
      %parallel_loop3A_1247 = tpu.vector_load %arg9[%parallel_loop3A_1245, %parallel_loop3A_1246] {strides = array<i32>} : memref<16x1024xf32, #tpu.memory_space<vmem>>, vector<1x16xf32>,
      %parallel_loop3A_1248 = vector.shape_cast %parallel_loop3A_1247 : vector<1x16xf32> to vector<16xf32>
      %parallel_loop3A_1249 = vector.shape_cast %parallel_loop3A_1244 : vector<16xf32> to vector<1x16xf32>
      tpu.vector_store %arg9[%parallel_loop3A_1245, %parallel_loop3A_1246], %parallel_loop3A_1249 {add = true, strides = array<i32>} : memref<16x1024xf32, #tpu.memory_space<vmem>>, vector<1x16xf32>,
    } {sc.loop_unroll_factor = 8 : i64, sc.parallel_access}
    %add3A_365 = arith.constant 32 : i32
    %add3A_366 = arith.addi %mul3A_2, %add3A_365 : i32
    %dma_start3A_367 = arith.constant 0 : i32
    %dma_start3A_368 = arith.constant 0 : i32
    %dma_start3A_369 = tpu.memref_slice %arg4[%dma_start3A_367, %add3A_366, %dma_start3A_368] : memref<4x4096x1024xf32, #tpu.memory_space<hbm>> -> memref<1x16x1024xf32, #tpu.memory_space<hbm>>
    %dma_start3A_370 = tpu.memref_squeeze %dma_start3A_369 : memref<1x16x1024xf32, #tpu.memory_space<hbm>> -> memref<16x1024xf32, #tpu.memory_space<hbm>>
    %dma_start3A_371 = arith.constant 0 : i32
    %dma_start3A_372 = tpu.memref_slice %arg4[%dma_start3A_367, %add3A_366, %dma_start3A_371] : memref<4x4096x1024xf32, #tpu.memory_space<hbm>> -> memref<1x16x1024xf32, #tpu.memory_space<hbm>>
    %dma_start3A_373 = tpu.memref_squeeze %dma_start3A_372 : memref<1x16x1024xf32, #tpu.memory_space<hbm>> -> memref<16x1024xf32, #tpu.memory_space<hbm>>
    tpu.enqueue_dma source(%arg8 : memref<16x1024xf32, #tpu.memory_space<vmem>>) target(%dma_start3A_373 : memref<16x1024xf32, #tpu.memory_space<hbm>>) target_semaphore(%arg20 : memref<!tpu.dma_semaphore, #tpu.memory_space<semaphore_mem>>)
    %dma_wait3A_374 = arith.constant 3 : i32
    %dma_wait3A_375 = arith.constant 0 : i32
    %dma_wait3A_376 = tpu.memref_slice %arg4[%dma_wait3A_374, %add3A_325, %dma_wait3A_375] : memref<4x4096x1024xf32, #tpu.memory_space<hbm>> -> memref<1x16x1024xf32, #tpu.memory_space<hbm>>
    %dma_wait3A_377 = tpu.memref_squeeze %dma_wait3A_376 : memref<1x16x1024xf32, #tpu.memory_space<hbm>> -> memref<16x1024xf32, #tpu.memory_space<hbm>>
    %dma_wait3A_378 = arith.constant 0 : i32
    %dma_wait3A_379 = tpu.memref_slice %arg4[%dma_wait3A_374, %add3A_325, %dma_wait3A_378] : memref<4x4096x1024xf32, #tpu.memory_space<hbm>> -> memref<1x16x1024xf32, #tpu.memory_space<hbm>>
    %dma_wait3A_380 = tpu.memref_squeeze %dma_wait3A_379 : memref<1x16x1024xf32, #tpu.memory_space<hbm>> -> memref<16x1024xf32, #tpu.memory_space<hbm>>
    tpu.wait_dma2 semaphore(%arg19 : memref<!tpu.dma_semaphore, #tpu.memory_space<semaphore_mem>>) src(%arg7 : memref<16x1024xf32, #tpu.memory_space<vmem>>) dst(%dma_wait3A_380 : memref<16x1024xf32, #tpu.memory_space<hbm>>)
    %add3A_381 = arith.constant 48 : i32
    %add3A_382 = arith.addi %mul3A_2, %add3A_381 : i32
    %dma_start3A_383 = arith.constant 0 : i32
    %dma_start3A_384 = arith.constant 0 : i32
    %dma_start3A_385 = tpu.memref_slice %arg2[%dma_start3A_383, %add3A_382, %dma_start3A_384] : memref<4x4096x1024xf32, #tpu.memory_space<hbm>> -> memref<1x16x1024xf32, #tpu.memory_space<hbm>>
    %dma_start3A_386 = tpu.memref_squeeze %dma_start3A_385 : memref<1x16x1024xf32, #tpu.memory_space<hbm>> -> memref<16x1024xf32, #tpu.memory_space<hbm>>
    %dma_start3A_387 = arith.constant 0 : i32
    %dma_start3A_388 = tpu.memref_slice %arg2[%dma_start3A_383, %add3A_382, %dma_start3A_387] : memref<4x4096x1024xf32, #tpu.memory_space<hbm>> -> memref<1x16x1024xf32, #tpu.memory_space<hbm>>
    %dma_start3A_389 = tpu.memref_squeeze %dma_start3A_388 : memref<1x16x1024xf32, #tpu.memory_space<hbm>> -> memref<16x1024xf32, #tpu.memory_space<hbm>>
    tpu.enqueue_dma source(%dma_start3A_389 : memref<16x1024xf32, #tpu.memory_space<hbm>>) target(%arg7 : memref<16x1024xf32, #tpu.memory_space<vmem>>) target_semaphore(%arg14 : memref<!tpu.dma_semaphore, #tpu.memory_space<semaphore_mem>>)
    %dma_wait3A_390 = arith.constant 2 : i32
    %dma_wait3A_391 = arith.constant 0 : i32
    %dma_wait3A_392 = tpu.memref_slice %arg2[%dma_wait3A_390, %add3A_302, %dma_wait3A_391] : memref<4x4096x1024xf32, #tpu.memory_space<hbm>> -> memref<1x16x1024xf32, #tpu.memory_space<hbm>>
    %dma_wait3A_393 = tpu.memref_squeeze %dma_wait3A_392 : memref<1x16x1024xf32, #tpu.memory_space<hbm>> -> memref<16x1024xf32, #tpu.memory_space<hbm>>
    %dma_wait3A_394 = arith.constant 0 : i32
    %dma_wait3A_395 = tpu.memref_slice %arg2[%dma_wait3A_390, %add3A_302, %dma_wait3A_394] : memref<4x4096x1024xf32, #tpu.memory_space<hbm>> -> memref<1x16x1024xf32, #tpu.memory_space<hbm>>
    %dma_wait3A_396 = tpu.memref_squeeze %dma_wait3A_395 : memref<1x16x1024xf32, #tpu.memory_space<hbm>> -> memref<16x1024xf32, #tpu.memory_space<hbm>>
    tpu.wait_dma2 semaphore(%arg12 : memref<!tpu.dma_semaphore, #tpu.memory_space<semaphore_mem>>) src(%dma_wait3A_396 : memref<16x1024xf32, #tpu.memory_space<hbm>>) dst(%arg5 : memref<16x1024xf32, #tpu.memory_space<vmem>>)
    %parallel_loop3A_397 = arith.constant 0 : i32
    %parallel_loop3A_398 = arith.constant 16384 : i32
    %parallel_loop3A_399 = arith.constant 16 : i32
    scf.for %parallel_loop3A_1200 = %parallel_loop3A_397 to %parallel_loop3A_398 step %parallel_loop3A_399  : i32 {
      %parallel_loop3A_1201 = arith.constant 1024 : i32
      %parallel_loop3A_1202 = arith.divsi %parallel_loop3A_1200, %parallel_loop3A_1201 : i32
      %parallel_loop3A_1203 = arith.constant 0 : i32
      %parallel_loop3A_1204 = arith.cmpi sgt, %parallel_loop3A_1200, %parallel_loop3A_1203 : i32
      %parallel_loop3A_1205 = arith.extui %parallel_loop3A_1204 : i1 to i32
      %parallel_loop3A_1206 = arith.constant 0 : i32
      %parallel_loop3A_1207 = arith.cmpi slt, %parallel_loop3A_1200, %parallel_loop3A_1206 : i32
      %parallel_loop3A_1208 = arith.extui %parallel_loop3A_1207 : i1 to i32
      %parallel_loop3A_1209 = arith.subi %parallel_loop3A_1205, %parallel_loop3A_1208 : i32
      %parallel_loop3A_1210 = arith.constant 0 : i32
      %parallel_loop3A_1211 = arith.cmpi sgt, %parallel_loop3A_1201, %parallel_loop3A_1210 : i32
      %parallel_loop3A_1212 = arith.extui %parallel_loop3A_1211 : i1 to i32
      %parallel_loop3A_1213 = arith.constant 0 : i32
      %parallel_loop3A_1214 = arith.cmpi slt, %parallel_loop3A_1201, %parallel_loop3A_1213 : i32
      %parallel_loop3A_1215 = arith.extui %parallel_loop3A_1214 : i1 to i32
      %parallel_loop3A_1216 = arith.subi %parallel_loop3A_1212, %parallel_loop3A_1215 : i32
      %parallel_loop3A_1217 = arith.cmpi ne, %parallel_loop3A_1209, %parallel_loop3A_1216 : i32
      %parallel_loop3A_1218 = arith.remsi %parallel_loop3A_1200, %parallel_loop3A_1201 : i32
      %parallel_loop3A_1219 = arith.constant 0 : i32
      %parallel_loop3A_1220 = arith.cmpi ne, %parallel_loop3A_1218, %parallel_loop3A_1219 : i32
      %parallel_loop3A_1221 = arith.andi %parallel_loop3A_1217, %parallel_loop3A_1220 : i1
      %parallel_loop3A_1222 = arith.constant 1 : i32
      %parallel_loop3A_1223 = arith.subi %parallel_loop3A_1202, %parallel_loop3A_1222 : i32
      %parallel_loop3A_1224 = arith.select %parallel_loop3A_1221, %parallel_loop3A_1223, %parallel_loop3A_1202 : i32
      %parallel_loop3A_1225 = arith.constant 1024 : i32
      %parallel_loop3A_1226 = arith.constant 0 : i32
      %parallel_loop3A_1227 = arith.cmpi eq, %parallel_loop3A_1225, %parallel_loop3A_1226 : i32
      %parallel_loop3A_1228 = arith.constant 1 : i32
      %parallel_loop3A_1229 = arith.select %parallel_loop3A_1227, %parallel_loop3A_1228, %parallel_loop3A_1225 : i32
      %parallel_loop3A_1230 = arith.remsi %parallel_loop3A_1200, %parallel_loop3A_1229 : i32
      %parallel_loop3A_1231 = arith.constant 0 : i32
      %parallel_loop3A_1232 = arith.cmpi ne, %parallel_loop3A_1230, %parallel_loop3A_1231 : i32
      %parallel_loop3A_1233 = arith.constant 0 : i32
      %parallel_loop3A_1234 = arith.cmpi slt, %parallel_loop3A_1230, %parallel_loop3A_1233 : i32
      %parallel_loop3A_1235 = arith.constant 0 : i32
      %parallel_loop3A_1236 = arith.cmpi slt, %parallel_loop3A_1229, %parallel_loop3A_1235 : i32
      %parallel_loop3A_1237 = arith.xori %parallel_loop3A_1234, %parallel_loop3A_1236 : i1
      %parallel_loop3A_1238 = arith.andi %parallel_loop3A_1237, %parallel_loop3A_1232 : i1
      %parallel_loop3A_1239 = arith.addi %parallel_loop3A_1230, %parallel_loop3A_1229 : i32
      %parallel_loop3A_1240 = arith.select %parallel_loop3A_1238, %parallel_loop3A_1239, %parallel_loop3A_1230 : i32
      %parallel_loop3A_1241 = arith.index_cast %parallel_loop3A_1224 : i32 to index
      %parallel_loop3A_1242 = arith.index_cast %parallel_loop3A_1240 : i32 to index
      %parallel_loop3A_1243 = tpu.vector_load %arg10[%parallel_loop3A_1241, %parallel_loop3A_1242] {strides = array<i32>} : memref<16x1024xf32, #tpu.memory_space<vmem>>, vector<1x16xf32>,
      %parallel_loop3A_1244 = vector.shape_cast %parallel_loop3A_1243 : vector<1x16xf32> to vector<16xf32>
      %parallel_loop3A_1245 = arith.index_cast %parallel_loop3A_1224 : i32 to index
      %parallel_loop3A_1246 = arith.index_cast %parallel_loop3A_1240 : i32 to index
      %parallel_loop3A_1247 = tpu.vector_load %arg5[%parallel_loop3A_1245, %parallel_loop3A_1246] {strides = array<i32>} : memref<16x1024xf32, #tpu.memory_space<vmem>>, vector<1x16xf32>,
      %parallel_loop3A_1248 = vector.shape_cast %parallel_loop3A_1247 : vector<1x16xf32> to vector<16xf32>
      %parallel_loop3A_1249 = vector.shape_cast %parallel_loop3A_1244 : vector<16xf32> to vector<1x16xf32>
      tpu.vector_store %arg5[%parallel_loop3A_1245, %parallel_loop3A_1246], %parallel_loop3A_1249 {add = true, strides = array<i32>} : memref<16x1024xf32, #tpu.memory_space<vmem>>, vector<1x16xf32>,
    } {sc.loop_unroll_factor = 8 : i64, sc.parallel_access}
    %add3A_400 = arith.constant 32 : i32
    %add3A_401 = arith.addi %mul3A_2, %add3A_400 : i32
    %dma_start3A_402 = arith.constant 1 : i32
    %dma_start3A_403 = arith.constant 0 : i32
    %dma_start3A_404 = tpu.memref_slice %arg4[%dma_start3A_402, %add3A_401, %dma_start3A_403] : memref<4x4096x1024xf32, #tpu.memory_space<hbm>> -> memref<1x16x1024xf32, #tpu.memory_space<hbm>>
    %dma_start3A_405 = tpu.memref_squeeze %dma_start3A_404 : memref<1x16x1024xf32, #tpu.memory_space<hbm>> -> memref<16x1024xf32, #tpu.memory_space<hbm>>
    %dma_start3A_406 = arith.constant 0 : i32
    %dma_start3A_407 = tpu.memref_slice %arg4[%dma_start3A_402, %add3A_401, %dma_start3A_406] : memref<4x4096x1024xf32, #tpu.memory_space<hbm>> -> memref<1x16x1024xf32, #tpu.memory_space<hbm>>
    %dma_start3A_408 = tpu.memref_squeeze %dma_start3A_407 : memref<1x16x1024xf32, #tpu.memory_space<hbm>> -> memref<16x1024xf32, #tpu.memory_space<hbm>>
    tpu.enqueue_dma source(%arg9 : memref<16x1024xf32, #tpu.memory_space<vmem>>) target(%dma_start3A_408 : memref<16x1024xf32, #tpu.memory_space<hbm>>) target_semaphore(%arg21 : memref<!tpu.dma_semaphore, #tpu.memory_space<semaphore_mem>>)
    %dma_wait3A_409 = arith.constant 0 : i32
    %dma_wait3A_410 = arith.constant 0 : i32
    %dma_wait3A_411 = tpu.memref_slice %arg4[%dma_wait3A_409, %add3A_366, %dma_wait3A_410] : memref<4x4096x1024xf32, #tpu.memory_space<hbm>> -> memref<1x16x1024xf32, #tpu.memory_space<hbm>>
    %dma_wait3A_412 = tpu.memref_squeeze %dma_wait3A_411 : memref<1x16x1024xf32, #tpu.memory_space<hbm>> -> memref<16x1024xf32, #tpu.memory_space<hbm>>
    %dma_wait3A_413 = arith.constant 0 : i32
    %dma_wait3A_414 = tpu.memref_slice %arg4[%dma_wait3A_409, %add3A_366, %dma_wait3A_413] : memref<4x4096x1024xf32, #tpu.memory_space<hbm>> -> memref<1x16x1024xf32, #tpu.memory_space<hbm>>
    %dma_wait3A_415 = tpu.memref_squeeze %dma_wait3A_414 : memref<1x16x1024xf32, #tpu.memory_space<hbm>> -> memref<16x1024xf32, #tpu.memory_space<hbm>>
    tpu.wait_dma2 semaphore(%arg20 : memref<!tpu.dma_semaphore, #tpu.memory_space<semaphore_mem>>) src(%arg8 : memref<16x1024xf32, #tpu.memory_space<vmem>>) dst(%dma_wait3A_415 : memref<16x1024xf32, #tpu.memory_space<hbm>>)
    %add3A_416 = arith.constant 48 : i32
    %add3A_417 = arith.addi %mul3A_2, %add3A_416 : i32
    %dma_start3A_418 = arith.constant 1 : i32
    %dma_start3A_419 = arith.constant 0 : i32
    %dma_start3A_420 = tpu.memref_slice %arg2[%dma_start3A_418, %add3A_417, %dma_start3A_419] : memref<4x4096x1024xf32, #tpu.memory_space<hbm>> -> memref<1x16x1024xf32, #tpu.memory_space<hbm>>
    %dma_start3A_421 = tpu.memref_squeeze %dma_start3A_420 : memref<1x16x1024xf32, #tpu.memory_space<hbm>> -> memref<16x1024xf32, #tpu.memory_space<hbm>>
    %dma_start3A_422 = arith.constant 0 : i32
    %dma_start3A_423 = tpu.memref_slice %arg2[%dma_start3A_418, %add3A_417, %dma_start3A_422] : memref<4x4096x1024xf32, #tpu.memory_space<hbm>> -> memref<1x16x1024xf32, #tpu.memory_space<hbm>>
    %dma_start3A_424 = tpu.memref_squeeze %dma_start3A_423 : memref<1x16x1024xf32, #tpu.memory_space<hbm>> -> memref<16x1024xf32, #tpu.memory_space<hbm>>
    tpu.enqueue_dma source(%dma_start3A_424 : memref<16x1024xf32, #tpu.memory_space<hbm>>) target(%arg8 : memref<16x1024xf32, #tpu.memory_space<vmem>>) target_semaphore(%arg15 : memref<!tpu.dma_semaphore, #tpu.memory_space<semaphore_mem>>)
    %dma_wait3A_425 = arith.constant 3 : i32
    %dma_wait3A_426 = arith.constant 0 : i32
    %dma_wait3A_427 = tpu.memref_slice %arg2[%dma_wait3A_425, %add3A_347, %dma_wait3A_426] : memref<4x4096x1024xf32, #tpu.memory_space<hbm>> -> memref<1x16x1024xf32, #tpu.memory_space<hbm>>
    %dma_wait3A_428 = tpu.memref_squeeze %dma_wait3A_427 : memref<1x16x1024xf32, #tpu.memory_space<hbm>> -> memref<16x1024xf32, #tpu.memory_space<hbm>>
    %dma_wait3A_429 = arith.constant 0 : i32
    %dma_wait3A_430 = tpu.memref_slice %arg2[%dma_wait3A_425, %add3A_347, %dma_wait3A_429] : memref<4x4096x1024xf32, #tpu.memory_space<hbm>> -> memref<1x16x1024xf32, #tpu.memory_space<hbm>>
    %dma_wait3A_431 = tpu.memref_squeeze %dma_wait3A_430 : memref<1x16x1024xf32, #tpu.memory_space<hbm>> -> memref<16x1024xf32, #tpu.memory_space<hbm>>
    tpu.wait_dma2 semaphore(%arg13 : memref<!tpu.dma_semaphore, #tpu.memory_space<semaphore_mem>>) src(%dma_wait3A_431 : memref<16x1024xf32, #tpu.memory_space<hbm>>) dst(%arg6 : memref<16x1024xf32, #tpu.memory_space<vmem>>)
    %parallel_loop3A_432 = arith.constant 0 : i32
    %parallel_loop3A_433 = arith.constant 16384 : i32
    %parallel_loop3A_434 = arith.constant 16 : i32
    scf.for %parallel_loop3A_1200 = %parallel_loop3A_432 to %parallel_loop3A_433 step %parallel_loop3A_434  : i32 {
      %parallel_loop3A_1201 = arith.constant 1024 : i32
      %parallel_loop3A_1202 = arith.divsi %parallel_loop3A_1200, %parallel_loop3A_1201 : i32
      %parallel_loop3A_1203 = arith.constant 0 : i32
      %parallel_loop3A_1204 = arith.cmpi sgt, %parallel_loop3A_1200, %parallel_loop3A_1203 : i32
      %parallel_loop3A_1205 = arith.extui %parallel_loop3A_1204 : i1 to i32
      %parallel_loop3A_1206 = arith.constant 0 : i32
      %parallel_loop3A_1207 = arith.cmpi slt, %parallel_loop3A_1200, %parallel_loop3A_1206 : i32
      %parallel_loop3A_1208 = arith.extui %parallel_loop3A_1207 : i1 to i32
      %parallel_loop3A_1209 = arith.subi %parallel_loop3A_1205, %parallel_loop3A_1208 : i32
      %parallel_loop3A_1210 = arith.constant 0 : i32
      %parallel_loop3A_1211 = arith.cmpi sgt, %parallel_loop3A_1201, %parallel_loop3A_1210 : i32
      %parallel_loop3A_1212 = arith.extui %parallel_loop3A_1211 : i1 to i32
      %parallel_loop3A_1213 = arith.constant 0 : i32
      %parallel_loop3A_1214 = arith.cmpi slt, %parallel_loop3A_1201, %parallel_loop3A_1213 : i32
      %parallel_loop3A_1215 = arith.extui %parallel_loop3A_1214 : i1 to i32
      %parallel_loop3A_1216 = arith.subi %parallel_loop3A_1212, %parallel_loop3A_1215 : i32
      %parallel_loop3A_1217 = arith.cmpi ne, %parallel_loop3A_1209, %parallel_loop3A_1216 : i32
      %parallel_loop3A_1218 = arith.remsi %parallel_loop3A_1200, %parallel_loop3A_1201 : i32
      %parallel_loop3A_1219 = arith.constant 0 : i32
      %parallel_loop3A_1220 = arith.cmpi ne, %parallel_loop3A_1218, %parallel_loop3A_1219 : i32
      %parallel_loop3A_1221 = arith.andi %parallel_loop3A_1217, %parallel_loop3A_1220 : i1
      %parallel_loop3A_1222 = arith.constant 1 : i32
      %parallel_loop3A_1223 = arith.subi %parallel_loop3A_1202, %parallel_loop3A_1222 : i32
      %parallel_loop3A_1224 = arith.select %parallel_loop3A_1221, %parallel_loop3A_1223, %parallel_loop3A_1202 : i32
      %parallel_loop3A_1225 = arith.constant 1024 : i32
      %parallel_loop3A_1226 = arith.constant 0 : i32
      %parallel_loop3A_1227 = arith.cmpi eq, %parallel_loop3A_1225, %parallel_loop3A_1226 : i32
      %parallel_loop3A_1228 = arith.constant 1 : i32
      %parallel_loop3A_1229 = arith.select %parallel_loop3A_1227, %parallel_loop3A_1228, %parallel_loop3A_1225 : i32
      %parallel_loop3A_1230 = arith.remsi %parallel_loop3A_1200, %parallel_loop3A_1229 : i32
      %parallel_loop3A_1231 = arith.constant 0 : i32
      %parallel_loop3A_1232 = arith.cmpi ne, %parallel_loop3A_1230, %parallel_loop3A_1231 : i32
      %parallel_loop3A_1233 = arith.constant 0 : i32
      %parallel_loop3A_1234 = arith.cmpi slt, %parallel_loop3A_1230, %parallel_loop3A_1233 : i32
      %parallel_loop3A_1235 = arith.constant 0 : i32
      %parallel_loop3A_1236 = arith.cmpi slt, %parallel_loop3A_1229, %parallel_loop3A_1235 : i32
      %parallel_loop3A_1237 = arith.xori %parallel_loop3A_1234, %parallel_loop3A_1236 : i1
      %parallel_loop3A_1238 = arith.andi %parallel_loop3A_1237, %parallel_loop3A_1232 : i1
      %parallel_loop3A_1239 = arith.addi %parallel_loop3A_1230, %parallel_loop3A_1229 : i32
      %parallel_loop3A_1240 = arith.select %parallel_loop3A_1238, %parallel_loop3A_1239, %parallel_loop3A_1230 : i32
      %parallel_loop3A_1241 = arith.index_cast %parallel_loop3A_1224 : i32 to index
      %parallel_loop3A_1242 = arith.index_cast %parallel_loop3A_1240 : i32 to index
      %parallel_loop3A_1243 = tpu.vector_load %arg10[%parallel_loop3A_1241, %parallel_loop3A_1242] {strides = array<i32>} : memref<16x1024xf32, #tpu.memory_space<vmem>>, vector<1x16xf32>,
      %parallel_loop3A_1244 = vector.shape_cast %parallel_loop3A_1243 : vector<1x16xf32> to vector<16xf32>
      %parallel_loop3A_1245 = arith.index_cast %parallel_loop3A_1224 : i32 to index
      %parallel_loop3A_1246 = arith.index_cast %parallel_loop3A_1240 : i32 to index
      %parallel_loop3A_1247 = tpu.vector_load %arg6[%parallel_loop3A_1245, %parallel_loop3A_1246] {strides = array<i32>} : memref<16x1024xf32, #tpu.memory_space<vmem>>, vector<1x16xf32>,
      %parallel_loop3A_1248 = vector.shape_cast %parallel_loop3A_1247 : vector<1x16xf32> to vector<16xf32>
      %parallel_loop3A_1249 = vector.shape_cast %parallel_loop3A_1244 : vector<16xf32> to vector<1x16xf32>
      tpu.vector_store %arg6[%parallel_loop3A_1245, %parallel_loop3A_1246], %parallel_loop3A_1249 {add = true, strides = array<i32>} : memref<16x1024xf32, #tpu.memory_space<vmem>>, vector<1x16xf32>,
    } {sc.loop_unroll_factor = 8 : i64, sc.parallel_access}
    %add3A_435 = arith.constant 32 : i32
    %add3A_436 = arith.addi %mul3A_2, %add3A_435 : i32
    %dma_start3A_437 = arith.constant 2 : i32
    %dma_start3A_438 = arith.constant 0 : i32
    %dma_start3A_439 = tpu.memref_slice %arg4[%dma_start3A_437, %add3A_436, %dma_start3A_438] : memref<4x4096x1024xf32, #tpu.memory_space<hbm>> -> memref<1x16x1024xf32, #tpu.memory_space<hbm>>
    %dma_start3A_440 = tpu.memref_squeeze %dma_start3A_439 : memref<1x16x1024xf32, #tpu.memory_space<hbm>> -> memref<16x1024xf32, #tpu.memory_space<hbm>>
    %dma_start3A_441 = arith.constant 0 : i32
    %dma_start3A_442 = tpu.memref_slice %arg4[%dma_start3A_437, %add3A_436, %dma_start3A_441] : memref<4x4096x1024xf32, #tpu.memory_space<hbm>> -> memref<1x16x1024xf32, #tpu.memory_space<hbm>>
    %dma_start3A_443 = tpu.memref_squeeze %dma_start3A_442 : memref<1x16x1024xf32, #tpu.memory_space<hbm>> -> memref<16x1024xf32, #tpu.memory_space<hbm>>
    tpu.enqueue_dma source(%arg5 : memref<16x1024xf32, #tpu.memory_space<vmem>>) target(%dma_start3A_443 : memref<16x1024xf32, #tpu.memory_space<hbm>>) target_semaphore(%arg17 : memref<!tpu.dma_semaphore, #tpu.memory_space<semaphore_mem>>)
    %dma_wait3A_444 = arith.constant 1 : i32
    %dma_wait3A_445 = arith.constant 0 : i32
    %dma_wait3A_446 = tpu.memref_slice %arg4[%dma_wait3A_444, %add3A_401, %dma_wait3A_445] : memref<4x4096x1024xf32, #tpu.memory_space<hbm>> -> memref<1x16x1024xf32, #tpu.memory_space<hbm>>
    %dma_wait3A_447 = tpu.memref_squeeze %dma_wait3A_446 : memref<1x16x1024xf32, #tpu.memory_space<hbm>> -> memref<16x1024xf32, #tpu.memory_space<hbm>>
    %dma_wait3A_448 = arith.constant 0 : i32
    %dma_wait3A_449 = tpu.memref_slice %arg4[%dma_wait3A_444, %add3A_401, %dma_wait3A_448] : memref<4x4096x1024xf32, #tpu.memory_space<hbm>> -> memref<1x16x1024xf32, #tpu.memory_space<hbm>>
    %dma_wait3A_450 = tpu.memref_squeeze %dma_wait3A_449 : memref<1x16x1024xf32, #tpu.memory_space<hbm>> -> memref<16x1024xf32, #tpu.memory_space<hbm>>
    tpu.wait_dma2 semaphore(%arg21 : memref<!tpu.dma_semaphore, #tpu.memory_space<semaphore_mem>>) src(%arg9 : memref<16x1024xf32, #tpu.memory_space<vmem>>) dst(%dma_wait3A_450 : memref<16x1024xf32, #tpu.memory_space<hbm>>)
    %add3A_451 = arith.constant 48 : i32
    %add3A_452 = arith.addi %mul3A_2, %add3A_451 : i32
    %dma_start3A_453 = arith.constant 2 : i32
    %dma_start3A_454 = arith.constant 0 : i32
    %dma_start3A_455 = tpu.memref_slice %arg2[%dma_start3A_453, %add3A_452, %dma_start3A_454] : memref<4x4096x1024xf32, #tpu.memory_space<hbm>> -> memref<1x16x1024xf32, #tpu.memory_space<hbm>>
    %dma_start3A_456 = tpu.memref_squeeze %dma_start3A_455 : memref<1x16x1024xf32, #tpu.memory_space<hbm>> -> memref<16x1024xf32, #tpu.memory_space<hbm>>
    %dma_start3A_457 = arith.constant 0 : i32
    %dma_start3A_458 = tpu.memref_slice %arg2[%dma_start3A_453, %add3A_452, %dma_start3A_457] : memref<4x4096x1024xf32, #tpu.memory_space<hbm>> -> memref<1x16x1024xf32, #tpu.memory_space<hbm>>
    %dma_start3A_459 = tpu.memref_squeeze %dma_start3A_458 : memref<1x16x1024xf32, #tpu.memory_space<hbm>> -> memref<16x1024xf32, #tpu.memory_space<hbm>>
    tpu.enqueue_dma source(%dma_start3A_459 : memref<16x1024xf32, #tpu.memory_space<hbm>>) target(%arg9 : memref<16x1024xf32, #tpu.memory_space<vmem>>) target_semaphore(%arg16 : memref<!tpu.dma_semaphore, #tpu.memory_space<semaphore_mem>>)
    %dma_wait3A_460 = arith.constant 0 : i32
    %dma_wait3A_461 = arith.constant 0 : i32
    %dma_wait3A_462 = tpu.memref_slice %arg2[%dma_wait3A_460, %add3A_382, %dma_wait3A_461] : memref<4x4096x1024xf32, #tpu.memory_space<hbm>> -> memref<1x16x1024xf32, #tpu.memory_space<hbm>>
    %dma_wait3A_463 = tpu.memref_squeeze %dma_wait3A_462 : memref<1x16x1024xf32, #tpu.memory_space<hbm>> -> memref<16x1024xf32, #tpu.memory_space<hbm>>
    %dma_wait3A_464 = arith.constant 0 : i32
    %dma_wait3A_465 = tpu.memref_slice %arg2[%dma_wait3A_460, %add3A_382, %dma_wait3A_464] : memref<4x4096x1024xf32, #tpu.memory_space<hbm>> -> memref<1x16x1024xf32, #tpu.memory_space<hbm>>
    %dma_wait3A_466 = tpu.memref_squeeze %dma_wait3A_465 : memref<1x16x1024xf32, #tpu.memory_space<hbm>> -> memref<16x1024xf32, #tpu.memory_space<hbm>>
    tpu.wait_dma2 semaphore(%arg14 : memref<!tpu.dma_semaphore, #tpu.memory_space<semaphore_mem>>) src(%dma_wait3A_466 : memref<16x1024xf32, #tpu.memory_space<hbm>>) dst(%arg7 : memref<16x1024xf32, #tpu.memory_space<vmem>>)
    %dma_wait3A_467 = arith.constant 0 : i32
    %dma_wait3A_468 = tpu.memref_slice %arg3[%add3A_334, %dma_wait3A_467] : memref<8192x1024xf32, #tpu.memory_space<hbm>> -> memref<16x1024xf32, #tpu.memory_space<hbm>>
    %dma_wait3A_469 = arith.constant 0 : i32
    %dma_wait3A_470 = tpu.memref_slice %arg3[%add3A_334, %dma_wait3A_469] : memref<8192x1024xf32, #tpu.memory_space<hbm>> -> memref<16x1024xf32, #tpu.memory_space<hbm>>
    tpu.wait_dma2 semaphore(%arg23 : memref<!tpu.dma_semaphore, #tpu.memory_space<semaphore_mem>>) src(%dma_wait3A_470 : memref<16x1024xf32, #tpu.memory_space<hbm>>) dst(%arg11 : memref<16x1024xf32, #tpu.memory_space<vmem>>)
    %parallel_loop3A_471 = arith.constant 0 : i32
    %parallel_loop3A_472 = arith.constant 16384 : i32
    %parallel_loop3A_473 = arith.constant 16 : i32
    scf.for %parallel_loop3A_1200 = %parallel_loop3A_471 to %parallel_loop3A_472 step %parallel_loop3A_473  : i32 {
      %parallel_loop3A_1201 = arith.constant 1024 : i32
      %parallel_loop3A_1202 = arith.divsi %parallel_loop3A_1200, %parallel_loop3A_1201 : i32
      %parallel_loop3A_1203 = arith.constant 0 : i32
      %parallel_loop3A_1204 = arith.cmpi sgt, %parallel_loop3A_1200, %parallel_loop3A_1203 : i32
      %parallel_loop3A_1205 = arith.extui %parallel_loop3A_1204 : i1 to i32
      %parallel_loop3A_1206 = arith.constant 0 : i32
      %parallel_loop3A_1207 = arith.cmpi slt, %parallel_loop3A_1200, %parallel_loop3A_1206 : i32
      %parallel_loop3A_1208 = arith.extui %parallel_loop3A_1207 : i1 to i32
      %parallel_loop3A_1209 = arith.subi %parallel_loop3A_1205, %parallel_loop3A_1208 : i32
      %parallel_loop3A_1210 = arith.constant 0 : i32
      %parallel_loop3A_1211 = arith.cmpi sgt, %parallel_loop3A_1201, %parallel_loop3A_1210 : i32
      %parallel_loop3A_1212 = arith.extui %parallel_loop3A_1211 : i1 to i32
      %parallel_loop3A_1213 = arith.constant 0 : i32
      %parallel_loop3A_1214 = arith.cmpi slt, %parallel_loop3A_1201, %parallel_loop3A_1213 : i32
      %parallel_loop3A_1215 = arith.extui %parallel_loop3A_1214 : i1 to i32
      %parallel_loop3A_1216 = arith.subi %parallel_loop3A_1212, %parallel_loop3A_1215 : i32
      %parallel_loop3A_1217 = arith.cmpi ne, %parallel_loop3A_1209, %parallel_loop3A_1216 : i32
      %parallel_loop3A_1218 = arith.remsi %parallel_loop3A_1200, %parallel_loop3A_1201 : i32
      %parallel_loop3A_1219 = arith.constant 0 : i32
      %parallel_loop3A_1220 = arith.cmpi ne, %parallel_loop3A_1218, %parallel_loop3A_1219 : i32
      %parallel_loop3A_1221 = arith.andi %parallel_loop3A_1217, %parallel_loop3A_1220 : i1
      %parallel_loop3A_1222 = arith.constant 1 : i32
      %parallel_loop3A_1223 = arith.subi %parallel_loop3A_1202, %parallel_loop3A_1222 : i32
      %parallel_loop3A_1224 = arith.select %parallel_loop3A_1221, %parallel_loop3A_1223, %parallel_loop3A_1202 : i32
      %parallel_loop3A_1225 = arith.constant 1024 : i32
      %parallel_loop3A_1226 = arith.constant 0 : i32
      %parallel_loop3A_1227 = arith.cmpi eq, %parallel_loop3A_1225, %parallel_loop3A_1226 : i32
      %parallel_loop3A_1228 = arith.constant 1 : i32
      %parallel_loop3A_1229 = arith.select %parallel_loop3A_1227, %parallel_loop3A_1228, %parallel_loop3A_1225 : i32
      %parallel_loop3A_1230 = arith.remsi %parallel_loop3A_1200, %parallel_loop3A_1229 : i32
      %parallel_loop3A_1231 = arith.constant 0 : i32
      %parallel_loop3A_1232 = arith.cmpi ne, %parallel_loop3A_1230, %parallel_loop3A_1231 : i32
      %parallel_loop3A_1233 = arith.constant 0 : i32
      %parallel_loop3A_1234 = arith.cmpi slt, %parallel_loop3A_1230, %parallel_loop3A_1233 : i32
      %parallel_loop3A_1235 = arith.constant 0 : i32
      %parallel_loop3A_1236 = arith.cmpi slt, %parallel_loop3A_1229, %parallel_loop3A_1235 : i32
      %parallel_loop3A_1237 = arith.xori %parallel_loop3A_1234, %parallel_loop3A_1236 : i1
      %parallel_loop3A_1238 = arith.andi %parallel_loop3A_1237, %parallel_loop3A_1232 : i1
      %parallel_loop3A_1239 = arith.addi %parallel_loop3A_1230, %parallel_loop3A_1229 : i32
      %parallel_loop3A_1240 = arith.select %parallel_loop3A_1238, %parallel_loop3A_1239, %parallel_loop3A_1230 : i32
      %parallel_loop3A_1241 = arith.index_cast %parallel_loop3A_1224 : i32 to index
      %parallel_loop3A_1242 = arith.index_cast %parallel_loop3A_1240 : i32 to index
      %parallel_loop3A_1243 = tpu.vector_load %arg11[%parallel_loop3A_1241, %parallel_loop3A_1242] {strides = array<i32>} : memref<16x1024xf32, #tpu.memory_space<vmem>>, vector<1x16xf32>,
      %parallel_loop3A_1244 = vector.shape_cast %parallel_loop3A_1243 : vector<1x16xf32> to vector<16xf32>
      %parallel_loop3A_1245 = arith.index_cast %parallel_loop3A_1224 : i32 to index
      %parallel_loop3A_1246 = arith.index_cast %parallel_loop3A_1240 : i32 to index
      %parallel_loop3A_1247 = tpu.vector_load %arg7[%parallel_loop3A_1245, %parallel_loop3A_1246] {strides = array<i32>} : memref<16x1024xf32, #tpu.memory_space<vmem>>, vector<1x16xf32>,
      %parallel_loop3A_1248 = vector.shape_cast %parallel_loop3A_1247 : vector<1x16xf32> to vector<16xf32>
      %parallel_loop3A_1249 = vector.shape_cast %parallel_loop3A_1244 : vector<16xf32> to vector<1x16xf32>
      tpu.vector_store %arg7[%parallel_loop3A_1245, %parallel_loop3A_1246], %parallel_loop3A_1249 {add = true, strides = array<i32>} : memref<16x1024xf32, #tpu.memory_space<vmem>>, vector<1x16xf32>,
    } {sc.loop_unroll_factor = 8 : i64, sc.parallel_access}
    %add3A_474 = arith.constant 32 : i32
    %add3A_475 = arith.addi %mul3A_2, %add3A_474 : i32
    %dma_start3A_476 = arith.constant 3 : i32
    %dma_start3A_477 = arith.constant 0 : i32
    %dma_start3A_478 = tpu.memref_slice %arg4[%dma_start3A_476, %add3A_475, %dma_start3A_477] : memref<4x4096x1024xf32, #tpu.memory_space<hbm>> -> memref<1x16x1024xf32, #tpu.memory_space<hbm>>
    %dma_start3A_479 = tpu.memref_squeeze %dma_start3A_478 : memref<1x16x1024xf32, #tpu.memory_space<hbm>> -> memref<16x1024xf32, #tpu.memory_space<hbm>>
    %dma_start3A_480 = arith.constant 0 : i32
    %dma_start3A_481 = tpu.memref_slice %arg4[%dma_start3A_476, %add3A_475, %dma_start3A_480] : memref<4x4096x1024xf32, #tpu.memory_space<hbm>> -> memref<1x16x1024xf32, #tpu.memory_space<hbm>>
    %dma_start3A_482 = tpu.memref_squeeze %dma_start3A_481 : memref<1x16x1024xf32, #tpu.memory_space<hbm>> -> memref<16x1024xf32, #tpu.memory_space<hbm>>
    tpu.enqueue_dma source(%arg6 : memref<16x1024xf32, #tpu.memory_space<vmem>>) target(%dma_start3A_482 : memref<16x1024xf32, #tpu.memory_space<hbm>>) target_semaphore(%arg18 : memref<!tpu.dma_semaphore, #tpu.memory_space<semaphore_mem>>)
    %add3A_483 = arith.constant 64 : i32
    %add3A_484 = arith.addi %mul3A_2, %add3A_483 : i32
    %dma_start3A_485 = arith.constant 0 : i32
    %dma_start3A_486 = tpu.memref_slice %arg3[%add3A_484, %dma_start3A_485] : memref<8192x1024xf32, #tpu.memory_space<hbm>> -> memref<16x1024xf32, #tpu.memory_space<hbm>>
    %dma_start3A_487 = arith.constant 0 : i32
    %dma_start3A_488 = tpu.memref_slice %arg3[%add3A_484, %dma_start3A_487] : memref<8192x1024xf32, #tpu.memory_space<hbm>> -> memref<16x1024xf32, #tpu.memory_space<hbm>>
    tpu.enqueue_dma source(%dma_start3A_488 : memref<16x1024xf32, #tpu.memory_space<hbm>>) target(%arg10 : memref<16x1024xf32, #tpu.memory_space<vmem>>) target_semaphore(%arg22 : memref<!tpu.dma_semaphore, #tpu.memory_space<semaphore_mem>>)
    %dma_wait3A_489 = arith.constant 2 : i32
    %dma_wait3A_490 = arith.constant 0 : i32
    %dma_wait3A_491 = tpu.memref_slice %arg4[%dma_wait3A_489, %add3A_436, %dma_wait3A_490] : memref<4x4096x1024xf32, #tpu.memory_space<hbm>> -> memref<1x16x1024xf32, #tpu.memory_space<hbm>>
    %dma_wait3A_492 = tpu.memref_squeeze %dma_wait3A_491 : memref<1x16x1024xf32, #tpu.memory_space<hbm>> -> memref<16x1024xf32, #tpu.memory_space<hbm>>
    %dma_wait3A_493 = arith.constant 0 : i32
    %dma_wait3A_494 = tpu.memref_slice %arg4[%dma_wait3A_489, %add3A_436, %dma_wait3A_493] : memref<4x4096x1024xf32, #tpu.memory_space<hbm>> -> memref<1x16x1024xf32, #tpu.memory_space<hbm>>
    %dma_wait3A_495 = tpu.memref_squeeze %dma_wait3A_494 : memref<1x16x1024xf32, #tpu.memory_space<hbm>> -> memref<16x1024xf32, #tpu.memory_space<hbm>>
    tpu.wait_dma2 semaphore(%arg17 : memref<!tpu.dma_semaphore, #tpu.memory_space<semaphore_mem>>) src(%arg5 : memref<16x1024xf32, #tpu.memory_space<vmem>>) dst(%dma_wait3A_495 : memref<16x1024xf32, #tpu.memory_space<hbm>>)
    %add3A_496 = arith.constant 48 : i32
    %add3A_497 = arith.addi %mul3A_2, %add3A_496 : i32
    %dma_start3A_498 = arith.constant 3 : i32
    %dma_start3A_499 = arith.constant 0 : i32
    %dma_start3A_500 = tpu.memref_slice %arg2[%dma_start3A_498, %add3A_497, %dma_start3A_499] : memref<4x4096x1024xf32, #tpu.memory_space<hbm>> -> memref<1x16x1024xf32, #tpu.memory_space<hbm>>
    %dma_start3A_501 = tpu.memref_squeeze %dma_start3A_500 : memref<1x16x1024xf32, #tpu.memory_space<hbm>> -> memref<16x1024xf32, #tpu.memory_space<hbm>>
    %dma_start3A_502 = arith.constant 0 : i32
    %dma_start3A_503 = tpu.memref_slice %arg2[%dma_start3A_498, %add3A_497, %dma_start3A_502] : memref<4x4096x1024xf32, #tpu.memory_space<hbm>> -> memref<1x16x1024xf32, #tpu.memory_space<hbm>>
    %dma_start3A_504 = tpu.memref_squeeze %dma_start3A_503 : memref<1x16x1024xf32, #tpu.memory_space<hbm>> -> memref<16x1024xf32, #tpu.memory_space<hbm>>
    tpu.enqueue_dma source(%dma_start3A_504 : memref<16x1024xf32, #tpu.memory_space<hbm>>) target(%arg5 : memref<16x1024xf32, #tpu.memory_space<vmem>>) target_semaphore(%arg12 : memref<!tpu.dma_semaphore, #tpu.memory_space<semaphore_mem>>)
    %dma_wait3A_505 = arith.constant 1 : i32
    %dma_wait3A_506 = arith.constant 0 : i32
    %dma_wait3A_507 = tpu.memref_slice %arg2[%dma_wait3A_505, %add3A_417, %dma_wait3A_506] : memref<4x4096x1024xf32, #tpu.memory_space<hbm>> -> memref<1x16x1024xf32, #tpu.memory_space<hbm>>
    %dma_wait3A_508 = tpu.memref_squeeze %dma_wait3A_507 : memref<1x16x1024xf32, #tpu.memory_space<hbm>> -> memref<16x1024xf32, #tpu.memory_space<hbm>>
    %dma_wait3A_509 = arith.constant 0 : i32
    %dma_wait3A_510 = tpu.memref_slice %arg2[%dma_wait3A_505, %add3A_417, %dma_wait3A_509] : memref<4x4096x1024xf32, #tpu.memory_space<hbm>> -> memref<1x16x1024xf32, #tpu.memory_space<hbm>>
    %dma_wait3A_511 = tpu.memref_squeeze %dma_wait3A_510 : memref<1x16x1024xf32, #tpu.memory_space<hbm>> -> memref<16x1024xf32, #tpu.memory_space<hbm>>
    tpu.wait_dma2 semaphore(%arg15 : memref<!tpu.dma_semaphore, #tpu.memory_space<semaphore_mem>>) src(%dma_wait3A_511 : memref<16x1024xf32, #tpu.memory_space<hbm>>) dst(%arg8 : memref<16x1024xf32, #tpu.memory_space<vmem>>)
    %parallel_loop3A_512 = arith.constant 0 : i32
    %parallel_loop3A_513 = arith.constant 16384 : i32
    %parallel_loop3A_514 = arith.constant 16 : i32
    scf.for %parallel_loop3A_1200 = %parallel_loop3A_512 to %parallel_loop3A_513 step %parallel_loop3A_514  : i32 {
      %parallel_loop3A_1201 = arith.constant 1024 : i32
      %parallel_loop3A_1202 = arith.divsi %parallel_loop3A_1200, %parallel_loop3A_1201 : i32
      %parallel_loop3A_1203 = arith.constant 0 : i32
      %parallel_loop3A_1204 = arith.cmpi sgt, %parallel_loop3A_1200, %parallel_loop3A_1203 : i32
      %parallel_loop3A_1205 = arith.extui %parallel_loop3A_1204 : i1 to i32
      %parallel_loop3A_1206 = arith.constant 0 : i32
      %parallel_loop3A_1207 = arith.cmpi slt, %parallel_loop3A_1200, %parallel_loop3A_1206 : i32
      %parallel_loop3A_1208 = arith.extui %parallel_loop3A_1207 : i1 to i32
      %parallel_loop3A_1209 = arith.subi %parallel_loop3A_1205, %parallel_loop3A_1208 : i32
      %parallel_loop3A_1210 = arith.constant 0 : i32
      %parallel_loop3A_1211 = arith.cmpi sgt, %parallel_loop3A_1201, %parallel_loop3A_1210 : i32
      %parallel_loop3A_1212 = arith.extui %parallel_loop3A_1211 : i1 to i32
      %parallel_loop3A_1213 = arith.constant 0 : i32
      %parallel_loop3A_1214 = arith.cmpi slt, %parallel_loop3A_1201, %parallel_loop3A_1213 : i32
      %parallel_loop3A_1215 = arith.extui %parallel_loop3A_1214 : i1 to i32
      %parallel_loop3A_1216 = arith.subi %parallel_loop3A_1212, %parallel_loop3A_1215 : i32
      %parallel_loop3A_1217 = arith.cmpi ne, %parallel_loop3A_1209, %parallel_loop3A_1216 : i32
      %parallel_loop3A_1218 = arith.remsi %parallel_loop3A_1200, %parallel_loop3A_1201 : i32
      %parallel_loop3A_1219 = arith.constant 0 : i32
      %parallel_loop3A_1220 = arith.cmpi ne, %parallel_loop3A_1218, %parallel_loop3A_1219 : i32
      %parallel_loop3A_1221 = arith.andi %parallel_loop3A_1217, %parallel_loop3A_1220 : i1
      %parallel_loop3A_1222 = arith.constant 1 : i32
      %parallel_loop3A_1223 = arith.subi %parallel_loop3A_1202, %parallel_loop3A_1222 : i32
      %parallel_loop3A_1224 = arith.select %parallel_loop3A_1221, %parallel_loop3A_1223, %parallel_loop3A_1202 : i32
      %parallel_loop3A_1225 = arith.constant 1024 : i32
      %parallel_loop3A_1226 = arith.constant 0 : i32
      %parallel_loop3A_1227 = arith.cmpi eq, %parallel_loop3A_1225, %parallel_loop3A_1226 : i32
      %parallel_loop3A_1228 = arith.constant 1 : i32
      %parallel_loop3A_1229 = arith.select %parallel_loop3A_1227, %parallel_loop3A_1228, %parallel_loop3A_1225 : i32
      %parallel_loop3A_1230 = arith.remsi %parallel_loop3A_1200, %parallel_loop3A_1229 : i32
      %parallel_loop3A_1231 = arith.constant 0 : i32
      %parallel_loop3A_1232 = arith.cmpi ne, %parallel_loop3A_1230, %parallel_loop3A_1231 : i32
      %parallel_loop3A_1233 = arith.constant 0 : i32
      %parallel_loop3A_1234 = arith.cmpi slt, %parallel_loop3A_1230, %parallel_loop3A_1233 : i32
      %parallel_loop3A_1235 = arith.constant 0 : i32
      %parallel_loop3A_1236 = arith.cmpi slt, %parallel_loop3A_1229, %parallel_loop3A_1235 : i32
      %parallel_loop3A_1237 = arith.xori %parallel_loop3A_1234, %parallel_loop3A_1236 : i1
      %parallel_loop3A_1238 = arith.andi %parallel_loop3A_1237, %parallel_loop3A_1232 : i1
      %parallel_loop3A_1239 = arith.addi %parallel_loop3A_1230, %parallel_loop3A_1229 : i32
      %parallel_loop3A_1240 = arith.select %parallel_loop3A_1238, %parallel_loop3A_1239, %parallel_loop3A_1230 : i32
      %parallel_loop3A_1241 = arith.index_cast %parallel_loop3A_1224 : i32 to index
      %parallel_loop3A_1242 = arith.index_cast %parallel_loop3A_1240 : i32 to index
      %parallel_loop3A_1243 = tpu.vector_load %arg11[%parallel_loop3A_1241, %parallel_loop3A_1242] {strides = array<i32>} : memref<16x1024xf32, #tpu.memory_space<vmem>>, vector<1x16xf32>,
      %parallel_loop3A_1244 = vector.shape_cast %parallel_loop3A_1243 : vector<1x16xf32> to vector<16xf32>
      %parallel_loop3A_1245 = arith.index_cast %parallel_loop3A_1224 : i32 to index
      %parallel_loop3A_1246 = arith.index_cast %parallel_loop3A_1240 : i32 to index
      %parallel_loop3A_1247 = tpu.vector_load %arg8[%parallel_loop3A_1245, %parallel_loop3A_1246] {strides = array<i32>} : memref<16x1024xf32, #tpu.memory_space<vmem>>, vector<1x16xf32>,
      %parallel_loop3A_1248 = vector.shape_cast %parallel_loop3A_1247 : vector<1x16xf32> to vector<16xf32>
      %parallel_loop3A_1249 = vector.shape_cast %parallel_loop3A_1244 : vector<16xf32> to vector<1x16xf32>
      tpu.vector_store %arg8[%parallel_loop3A_1245, %parallel_loop3A_1246], %parallel_loop3A_1249 {add = true, strides = array<i32>} : memref<16x1024xf32, #tpu.memory_space<vmem>>, vector<1x16xf32>,
    } {sc.loop_unroll_factor = 8 : i64, sc.parallel_access}
    %add3A_515 = arith.constant 48 : i32
    %add3A_516 = arith.addi %mul3A_2, %add3A_515 : i32
    %dma_start3A_517 = arith.constant 0 : i32
    %dma_start3A_518 = arith.constant 0 : i32
    %dma_start3A_519 = tpu.memref_slice %arg4[%dma_start3A_517, %add3A_516, %dma_start3A_518] : memref<4x4096x1024xf32, #tpu.memory_space<hbm>> -> memref<1x16x1024xf32, #tpu.memory_space<hbm>>
    %dma_start3A_520 = tpu.memref_squeeze %dma_start3A_519 : memref<1x16x1024xf32, #tpu.memory_space<hbm>> -> memref<16x1024xf32, #tpu.memory_space<hbm>>
    %dma_start3A_521 = arith.constant 0 : i32
    %dma_start3A_522 = tpu.memref_slice %arg4[%dma_start3A_517, %add3A_516, %dma_start3A_521] : memref<4x4096x1024xf32, #tpu.memory_space<hbm>> -> memref<1x16x1024xf32, #tpu.memory_space<hbm>>
    %dma_start3A_523 = tpu.memref_squeeze %dma_start3A_522 : memref<1x16x1024xf32, #tpu.memory_space<hbm>> -> memref<16x1024xf32, #tpu.memory_space<hbm>>
    tpu.enqueue_dma source(%arg7 : memref<16x1024xf32, #tpu.memory_space<vmem>>) target(%dma_start3A_523 : memref<16x1024xf32, #tpu.memory_space<hbm>>) target_semaphore(%arg19 : memref<!tpu.dma_semaphore, #tpu.memory_space<semaphore_mem>>)
    %dma_wait3A_524 = arith.constant 3 : i32
    %dma_wait3A_525 = arith.constant 0 : i32
    %dma_wait3A_526 = tpu.memref_slice %arg4[%dma_wait3A_524, %add3A_475, %dma_wait3A_525] : memref<4x4096x1024xf32, #tpu.memory_space<hbm>> -> memref<1x16x1024xf32, #tpu.memory_space<hbm>>
    %dma_wait3A_527 = tpu.memref_squeeze %dma_wait3A_526 : memref<1x16x1024xf32, #tpu.memory_space<hbm>> -> memref<16x1024xf32, #tpu.memory_space<hbm>>
    %dma_wait3A_528 = arith.constant 0 : i32
    %dma_wait3A_529 = tpu.memref_slice %arg4[%dma_wait3A_524, %add3A_475, %dma_wait3A_528] : memref<4x4096x1024xf32, #tpu.memory_space<hbm>> -> memref<1x16x1024xf32, #tpu.memory_space<hbm>>
    %dma_wait3A_530 = tpu.memref_squeeze %dma_wait3A_529 : memref<1x16x1024xf32, #tpu.memory_space<hbm>> -> memref<16x1024xf32, #tpu.memory_space<hbm>>
    tpu.wait_dma2 semaphore(%arg18 : memref<!tpu.dma_semaphore, #tpu.memory_space<semaphore_mem>>) src(%arg6 : memref<16x1024xf32, #tpu.memory_space<vmem>>) dst(%dma_wait3A_530 : memref<16x1024xf32, #tpu.memory_space<hbm>>)
    %add3A_531 = arith.constant 64 : i32
    %add3A_532 = arith.addi %mul3A_2, %add3A_531 : i32
    %dma_start3A_533 = arith.constant 0 : i32
    %dma_start3A_534 = arith.constant 0 : i32
    %dma_start3A_535 = tpu.memref_slice %arg2[%dma_start3A_533, %add3A_532, %dma_start3A_534] : memref<4x4096x1024xf32, #tpu.memory_space<hbm>> -> memref<1x16x1024xf32, #tpu.memory_space<hbm>>
    %dma_start3A_536 = tpu.memref_squeeze %dma_start3A_535 : memref<1x16x1024xf32, #tpu.memory_space<hbm>> -> memref<16x1024xf32, #tpu.memory_space<hbm>>
    %dma_start3A_537 = arith.constant 0 : i32
    %dma_start3A_538 = tpu.memref_slice %arg2[%dma_start3A_533, %add3A_532, %dma_start3A_537] : memref<4x4096x1024xf32, #tpu.memory_space<hbm>> -> memref<1x16x1024xf32, #tpu.memory_space<hbm>>
    %dma_start3A_539 = tpu.memref_squeeze %dma_start3A_538 : memref<1x16x1024xf32, #tpu.memory_space<hbm>> -> memref<16x1024xf32, #tpu.memory_space<hbm>>
    tpu.enqueue_dma source(%dma_start3A_539 : memref<16x1024xf32, #tpu.memory_space<hbm>>) target(%arg6 : memref<16x1024xf32, #tpu.memory_space<vmem>>) target_semaphore(%arg13 : memref<!tpu.dma_semaphore, #tpu.memory_space<semaphore_mem>>)
    %dma_wait3A_540 = arith.constant 2 : i32
    %dma_wait3A_541 = arith.constant 0 : i32
    %dma_wait3A_542 = tpu.memref_slice %arg2[%dma_wait3A_540, %add3A_452, %dma_wait3A_541] : memref<4x4096x1024xf32, #tpu.memory_space<hbm>> -> memref<1x16x1024xf32, #tpu.memory_space<hbm>>
    %dma_wait3A_543 = tpu.memref_squeeze %dma_wait3A_542 : memref<1x16x1024xf32, #tpu.memory_space<hbm>> -> memref<16x1024xf32, #tpu.memory_space<hbm>>
    %dma_wait3A_544 = arith.constant 0 : i32
    %dma_wait3A_545 = tpu.memref_slice %arg2[%dma_wait3A_540, %add3A_452, %dma_wait3A_544] : memref<4x4096x1024xf32, #tpu.memory_space<hbm>> -> memref<1x16x1024xf32, #tpu.memory_space<hbm>>
    %dma_wait3A_546 = tpu.memref_squeeze %dma_wait3A_545 : memref<1x16x1024xf32, #tpu.memory_space<hbm>> -> memref<16x1024xf32, #tpu.memory_space<hbm>>
    tpu.wait_dma2 semaphore(%arg16 : memref<!tpu.dma_semaphore, #tpu.memory_space<semaphore_mem>>) src(%dma_wait3A_546 : memref<16x1024xf32, #tpu.memory_space<hbm>>) dst(%arg9 : memref<16x1024xf32, #tpu.memory_space<vmem>>)
    %parallel_loop3A_547 = arith.constant 0 : i32
    %parallel_loop3A_548 = arith.constant 16384 : i32
    %parallel_loop3A_549 = arith.constant 16 : i32
    scf.for %parallel_loop3A_1200 = %parallel_loop3A_547 to %parallel_loop3A_548 step %parallel_loop3A_549  : i32 {
      %parallel_loop3A_1201 = arith.constant 1024 : i32
      %parallel_loop3A_1202 = arith.divsi %parallel_loop3A_1200, %parallel_loop3A_1201 : i32
      %parallel_loop3A_1203 = arith.constant 0 : i32
      %parallel_loop3A_1204 = arith.cmpi sgt, %parallel_loop3A_1200, %parallel_loop3A_1203 : i32
      %parallel_loop3A_1205 = arith.extui %parallel_loop3A_1204 : i1 to i32
      %parallel_loop3A_1206 = arith.constant 0 : i32
      %parallel_loop3A_1207 = arith.cmpi slt, %parallel_loop3A_1200, %parallel_loop3A_1206 : i32
      %parallel_loop3A_1208 = arith.extui %parallel_loop3A_1207 : i1 to i32
      %parallel_loop3A_1209 = arith.subi %parallel_loop3A_1205, %parallel_loop3A_1208 : i32
      %parallel_loop3A_1210 = arith.constant 0 : i32
      %parallel_loop3A_1211 = arith.cmpi sgt, %parallel_loop3A_1201, %parallel_loop3A_1210 : i32
      %parallel_loop3A_1212 = arith.extui %parallel_loop3A_1211 : i1 to i32
      %parallel_loop3A_1213 = arith.constant 0 : i32
      %parallel_loop3A_1214 = arith.cmpi slt, %parallel_loop3A_1201, %parallel_loop3A_1213 : i32
      %parallel_loop3A_1215 = arith.extui %parallel_loop3A_1214 : i1 to i32
      %parallel_loop3A_1216 = arith.subi %parallel_loop3A_1212, %parallel_loop3A_1215 : i32
      %parallel_loop3A_1217 = arith.cmpi ne, %parallel_loop3A_1209, %parallel_loop3A_1216 : i32
      %parallel_loop3A_1218 = arith.remsi %parallel_loop3A_1200, %parallel_loop3A_1201 : i32
      %parallel_loop3A_1219 = arith.constant 0 : i32
      %parallel_loop3A_1220 = arith.cmpi ne, %parallel_loop3A_1218, %parallel_loop3A_1219 : i32
      %parallel_loop3A_1221 = arith.andi %parallel_loop3A_1217, %parallel_loop3A_1220 : i1
      %parallel_loop3A_1222 = arith.constant 1 : i32
      %parallel_loop3A_1223 = arith.subi %parallel_loop3A_1202, %parallel_loop3A_1222 : i32
      %parallel_loop3A_1224 = arith.select %parallel_loop3A_1221, %parallel_loop3A_1223, %parallel_loop3A_1202 : i32
      %parallel_loop3A_1225 = arith.constant 1024 : i32
      %parallel_loop3A_1226 = arith.constant 0 : i32
      %parallel_loop3A_1227 = arith.cmpi eq, %parallel_loop3A_1225, %parallel_loop3A_1226 : i32
      %parallel_loop3A_1228 = arith.constant 1 : i32
      %parallel_loop3A_1229 = arith.select %parallel_loop3A_1227, %parallel_loop3A_1228, %parallel_loop3A_1225 : i32
      %parallel_loop3A_1230 = arith.remsi %parallel_loop3A_1200, %parallel_loop3A_1229 : i32
      %parallel_loop3A_1231 = arith.constant 0 : i32
      %parallel_loop3A_1232 = arith.cmpi ne, %parallel_loop3A_1230, %parallel_loop3A_1231 : i32
      %parallel_loop3A_1233 = arith.constant 0 : i32
      %parallel_loop3A_1234 = arith.cmpi slt, %parallel_loop3A_1230, %parallel_loop3A_1233 : i32
      %parallel_loop3A_1235 = arith.constant 0 : i32
      %parallel_loop3A_1236 = arith.cmpi slt, %parallel_loop3A_1229, %parallel_loop3A_1235 : i32
      %parallel_loop3A_1237 = arith.xori %parallel_loop3A_1234, %parallel_loop3A_1236 : i1
      %parallel_loop3A_1238 = arith.andi %parallel_loop3A_1237, %parallel_loop3A_1232 : i1
      %parallel_loop3A_1239 = arith.addi %parallel_loop3A_1230, %parallel_loop3A_1229 : i32
      %parallel_loop3A_1240 = arith.select %parallel_loop3A_1238, %parallel_loop3A_1239, %parallel_loop3A_1230 : i32
      %parallel_loop3A_1241 = arith.index_cast %parallel_loop3A_1224 : i32 to index
      %parallel_loop3A_1242 = arith.index_cast %parallel_loop3A_1240 : i32 to index
      %parallel_loop3A_1243 = tpu.vector_load %arg11[%parallel_loop3A_1241, %parallel_loop3A_1242] {strides = array<i32>} : memref<16x1024xf32, #tpu.memory_space<vmem>>, vector<1x16xf32>,
      %parallel_loop3A_1244 = vector.shape_cast %parallel_loop3A_1243 : vector<1x16xf32> to vector<16xf32>
      %parallel_loop3A_1245 = arith.index_cast %parallel_loop3A_1224 : i32 to index
      %parallel_loop3A_1246 = arith.index_cast %parallel_loop3A_1240 : i32 to index
      %parallel_loop3A_1247 = tpu.vector_load %arg9[%parallel_loop3A_1245, %parallel_loop3A_1246] {strides = array<i32>} : memref<16x1024xf32, #tpu.memory_space<vmem>>, vector<1x16xf32>,
      %parallel_loop3A_1248 = vector.shape_cast %parallel_loop3A_1247 : vector<1x16xf32> to vector<16xf32>
      %parallel_loop3A_1249 = vector.shape_cast %parallel_loop3A_1244 : vector<16xf32> to vector<1x16xf32>
      tpu.vector_store %arg9[%parallel_loop3A_1245, %parallel_loop3A_1246], %parallel_loop3A_1249 {add = true, strides = array<i32>} : memref<16x1024xf32, #tpu.memory_space<vmem>>, vector<1x16xf32>,
    } {sc.loop_unroll_factor = 8 : i64, sc.parallel_access}
    %add3A_550 = arith.constant 48 : i32
    %add3A_551 = arith.addi %mul3A_2, %add3A_550 : i32
    %dma_start3A_552 = arith.constant 1 : i32
    %dma_start3A_553 = arith.constant 0 : i32
    %dma_start3A_554 = tpu.memref_slice %arg4[%dma_start3A_552, %add3A_551, %dma_start3A_553] : memref<4x4096x1024xf32, #tpu.memory_space<hbm>> -> memref<1x16x1024xf32, #tpu.memory_space<hbm>>
    %dma_start3A_555 = tpu.memref_squeeze %dma_start3A_554 : memref<1x16x1024xf32, #tpu.memory_space<hbm>> -> memref<16x1024xf32, #tpu.memory_space<hbm>>
    %dma_start3A_556 = arith.constant 0 : i32
    %dma_start3A_557 = tpu.memref_slice %arg4[%dma_start3A_552, %add3A_551, %dma_start3A_556] : memref<4x4096x1024xf32, #tpu.memory_space<hbm>> -> memref<1x16x1024xf32, #tpu.memory_space<hbm>>
    %dma_start3A_558 = tpu.memref_squeeze %dma_start3A_557 : memref<1x16x1024xf32, #tpu.memory_space<hbm>> -> memref<16x1024xf32, #tpu.memory_space<hbm>>
    tpu.enqueue_dma source(%arg8 : memref<16x1024xf32, #tpu.memory_space<vmem>>) target(%dma_start3A_558 : memref<16x1024xf32, #tpu.memory_space<hbm>>) target_semaphore(%arg20 : memref<!tpu.dma_semaphore, #tpu.memory_space<semaphore_mem>>)
    %dma_wait3A_559 = arith.constant 0 : i32
    %dma_wait3A_560 = arith.constant 0 : i32
    %dma_wait3A_561 = tpu.memref_slice %arg4[%dma_wait3A_559, %add3A_516, %dma_wait3A_560] : memref<4x4096x1024xf32, #tpu.memory_space<hbm>> -> memref<1x16x1024xf32, #tpu.memory_space<hbm>>
    %dma_wait3A_562 = tpu.memref_squeeze %dma_wait3A_561 : memref<1x16x1024xf32, #tpu.memory_space<hbm>> -> memref<16x1024xf32, #tpu.memory_space<hbm>>
    %dma_wait3A_563 = arith.constant 0 : i32
    %dma_wait3A_564 = tpu.memref_slice %arg4[%dma_wait3A_559, %add3A_516, %dma_wait3A_563] : memref<4x4096x1024xf32, #tpu.memory_space<hbm>> -> memref<1x16x1024xf32, #tpu.memory_space<hbm>>
    %dma_wait3A_565 = tpu.memref_squeeze %dma_wait3A_564 : memref<1x16x1024xf32, #tpu.memory_space<hbm>> -> memref<16x1024xf32, #tpu.memory_space<hbm>>
    tpu.wait_dma2 semaphore(%arg19 : memref<!tpu.dma_semaphore, #tpu.memory_space<semaphore_mem>>) src(%arg7 : memref<16x1024xf32, #tpu.memory_space<vmem>>) dst(%dma_wait3A_565 : memref<16x1024xf32, #tpu.memory_space<hbm>>)
    %add3A_566 = arith.constant 64 : i32
    %add3A_567 = arith.addi %mul3A_2, %add3A_566 : i32
    %dma_start3A_568 = arith.constant 1 : i32
    %dma_start3A_569 = arith.constant 0 : i32
    %dma_start3A_570 = tpu.memref_slice %arg2[%dma_start3A_568, %add3A_567, %dma_start3A_569] : memref<4x4096x1024xf32, #tpu.memory_space<hbm>> -> memref<1x16x1024xf32, #tpu.memory_space<hbm>>
    %dma_start3A_571 = tpu.memref_squeeze %dma_start3A_570 : memref<1x16x1024xf32, #tpu.memory_space<hbm>> -> memref<16x1024xf32, #tpu.memory_space<hbm>>
    %dma_start3A_572 = arith.constant 0 : i32
    %dma_start3A_573 = tpu.memref_slice %arg2[%dma_start3A_568, %add3A_567, %dma_start3A_572] : memref<4x4096x1024xf32, #tpu.memory_space<hbm>> -> memref<1x16x1024xf32, #tpu.memory_space<hbm>>
    %dma_start3A_574 = tpu.memref_squeeze %dma_start3A_573 : memref<1x16x1024xf32, #tpu.memory_space<hbm>> -> memref<16x1024xf32, #tpu.memory_space<hbm>>
    tpu.enqueue_dma source(%dma_start3A_574 : memref<16x1024xf32, #tpu.memory_space<hbm>>) target(%arg7 : memref<16x1024xf32, #tpu.memory_space<vmem>>) target_semaphore(%arg14 : memref<!tpu.dma_semaphore, #tpu.memory_space<semaphore_mem>>)
    %dma_wait3A_575 = arith.constant 3 : i32
    %dma_wait3A_576 = arith.constant 0 : i32
    %dma_wait3A_577 = tpu.memref_slice %arg2[%dma_wait3A_575, %add3A_497, %dma_wait3A_576] : memref<4x4096x1024xf32, #tpu.memory_space<hbm>> -> memref<1x16x1024xf32, #tpu.memory_space<hbm>>
    %dma_wait3A_578 = tpu.memref_squeeze %dma_wait3A_577 : memref<1x16x1024xf32, #tpu.memory_space<hbm>> -> memref<16x1024xf32, #tpu.memory_space<hbm>>
    %dma_wait3A_579 = arith.constant 0 : i32
    %dma_wait3A_580 = tpu.memref_slice %arg2[%dma_wait3A_575, %add3A_497, %dma_wait3A_579] : memref<4x4096x1024xf32, #tpu.memory_space<hbm>> -> memref<1x16x1024xf32, #tpu.memory_space<hbm>>
    %dma_wait3A_581 = tpu.memref_squeeze %dma_wait3A_580 : memref<1x16x1024xf32, #tpu.memory_space<hbm>> -> memref<16x1024xf32, #tpu.memory_space<hbm>>
    tpu.wait_dma2 semaphore(%arg12 : memref<!tpu.dma_semaphore, #tpu.memory_space<semaphore_mem>>) src(%dma_wait3A_581 : memref<16x1024xf32, #tpu.memory_space<hbm>>) dst(%arg5 : memref<16x1024xf32, #tpu.memory_space<vmem>>)
    %parallel_loop3A_582 = arith.constant 0 : i32
    %parallel_loop3A_583 = arith.constant 16384 : i32
    %parallel_loop3A_584 = arith.constant 16 : i32
    scf.for %parallel_loop3A_1200 = %parallel_loop3A_582 to %parallel_loop3A_583 step %parallel_loop3A_584  : i32 {
      %parallel_loop3A_1201 = arith.constant 1024 : i32
      %parallel_loop3A_1202 = arith.divsi %parallel_loop3A_1200, %parallel_loop3A_1201 : i32
      %parallel_loop3A_1203 = arith.constant 0 : i32
      %parallel_loop3A_1204 = arith.cmpi sgt, %parallel_loop3A_1200, %parallel_loop3A_1203 : i32
      %parallel_loop3A_1205 = arith.extui %parallel_loop3A_1204 : i1 to i32
      %parallel_loop3A_1206 = arith.constant 0 : i32
      %parallel_loop3A_1207 = arith.cmpi slt, %parallel_loop3A_1200, %parallel_loop3A_1206 : i32
      %parallel_loop3A_1208 = arith.extui %parallel_loop3A_1207 : i1 to i32
      %parallel_loop3A_1209 = arith.subi %parallel_loop3A_1205, %parallel_loop3A_1208 : i32
      %parallel_loop3A_1210 = arith.constant 0 : i32
      %parallel_loop3A_1211 = arith.cmpi sgt, %parallel_loop3A_1201, %parallel_loop3A_1210 : i32
      %parallel_loop3A_1212 = arith.extui %parallel_loop3A_1211 : i1 to i32
      %parallel_loop3A_1213 = arith.constant 0 : i32
      %parallel_loop3A_1214 = arith.cmpi slt, %parallel_loop3A_1201, %parallel_loop3A_1213 : i32
      %parallel_loop3A_1215 = arith.extui %parallel_loop3A_1214 : i1 to i32
      %parallel_loop3A_1216 = arith.subi %parallel_loop3A_1212, %parallel_loop3A_1215 : i32
      %parallel_loop3A_1217 = arith.cmpi ne, %parallel_loop3A_1209, %parallel_loop3A_1216 : i32
      %parallel_loop3A_1218 = arith.remsi %parallel_loop3A_1200, %parallel_loop3A_1201 : i32
      %parallel_loop3A_1219 = arith.constant 0 : i32
      %parallel_loop3A_1220 = arith.cmpi ne, %parallel_loop3A_1218, %parallel_loop3A_1219 : i32
      %parallel_loop3A_1221 = arith.andi %parallel_loop3A_1217, %parallel_loop3A_1220 : i1
      %parallel_loop3A_1222 = arith.constant 1 : i32
      %parallel_loop3A_1223 = arith.subi %parallel_loop3A_1202, %parallel_loop3A_1222 : i32
      %parallel_loop3A_1224 = arith.select %parallel_loop3A_1221, %parallel_loop3A_1223, %parallel_loop3A_1202 : i32
      %parallel_loop3A_1225 = arith.constant 1024 : i32
      %parallel_loop3A_1226 = arith.constant 0 : i32
      %parallel_loop3A_1227 = arith.cmpi eq, %parallel_loop3A_1225, %parallel_loop3A_1226 : i32
      %parallel_loop3A_1228 = arith.constant 1 : i32
      %parallel_loop3A_1229 = arith.select %parallel_loop3A_1227, %parallel_loop3A_1228, %parallel_loop3A_1225 : i32
      %parallel_loop3A_1230 = arith.remsi %parallel_loop3A_1200, %parallel_loop3A_1229 : i32
      %parallel_loop3A_1231 = arith.constant 0 : i32
      %parallel_loop3A_1232 = arith.cmpi ne, %parallel_loop3A_1230, %parallel_loop3A_1231 : i32
      %parallel_loop3A_1233 = arith.constant 0 : i32
      %parallel_loop3A_1234 = arith.cmpi slt, %parallel_loop3A_1230, %parallel_loop3A_1233 : i32
      %parallel_loop3A_1235 = arith.constant 0 : i32
      %parallel_loop3A_1236 = arith.cmpi slt, %parallel_loop3A_1229, %parallel_loop3A_1235 : i32
      %parallel_loop3A_1237 = arith.xori %parallel_loop3A_1234, %parallel_loop3A_1236 : i1
      %parallel_loop3A_1238 = arith.andi %parallel_loop3A_1237, %parallel_loop3A_1232 : i1
      %parallel_loop3A_1239 = arith.addi %parallel_loop3A_1230, %parallel_loop3A_1229 : i32
      %parallel_loop3A_1240 = arith.select %parallel_loop3A_1238, %parallel_loop3A_1239, %parallel_loop3A_1230 : i32
      %parallel_loop3A_1241 = arith.index_cast %parallel_loop3A_1224 : i32 to index
      %parallel_loop3A_1242 = arith.index_cast %parallel_loop3A_1240 : i32 to index
      %parallel_loop3A_1243 = tpu.vector_load %arg11[%parallel_loop3A_1241, %parallel_loop3A_1242] {strides = array<i32>} : memref<16x1024xf32, #tpu.memory_space<vmem>>, vector<1x16xf32>,
      %parallel_loop3A_1244 = vector.shape_cast %parallel_loop3A_1243 : vector<1x16xf32> to vector<16xf32>
      %parallel_loop3A_1245 = arith.index_cast %parallel_loop3A_1224 : i32 to index
      %parallel_loop3A_1246 = arith.index_cast %parallel_loop3A_1240 : i32 to index
      %parallel_loop3A_1247 = tpu.vector_load %arg5[%parallel_loop3A_1245, %parallel_loop3A_1246] {strides = array<i32>} : memref<16x1024xf32, #tpu.memory_space<vmem>>, vector<1x16xf32>,
      %parallel_loop3A_1248 = vector.shape_cast %parallel_loop3A_1247 : vector<1x16xf32> to vector<16xf32>
      %parallel_loop3A_1249 = vector.shape_cast %parallel_loop3A_1244 : vector<16xf32> to vector<1x16xf32>
      tpu.vector_store %arg5[%parallel_loop3A_1245, %parallel_loop3A_1246], %parallel_loop3A_1249 {add = true, strides = array<i32>} : memref<16x1024xf32, #tpu.memory_space<vmem>>, vector<1x16xf32>,
    } {sc.loop_unroll_factor = 8 : i64, sc.parallel_access}
    %add3A_585 = arith.constant 48 : i32
    %add3A_586 = arith.addi %mul3A_2, %add3A_585 : i32
    %dma_start3A_587 = arith.constant 2 : i32
    %dma_start3A_588 = arith.constant 0 : i32
    %dma_start3A_589 = tpu.memref_slice %arg4[%dma_start3A_587, %add3A_586, %dma_start3A_588] : memref<4x4096x1024xf32, #tpu.memory_space<hbm>> -> memref<1x16x1024xf32, #tpu.memory_space<hbm>>
    %dma_start3A_590 = tpu.memref_squeeze %dma_start3A_589 : memref<1x16x1024xf32, #tpu.memory_space<hbm>> -> memref<16x1024xf32, #tpu.memory_space<hbm>>
    %dma_start3A_591 = arith.constant 0 : i32
    %dma_start3A_592 = tpu.memref_slice %arg4[%dma_start3A_587, %add3A_586, %dma_start3A_591] : memref<4x4096x1024xf32, #tpu.memory_space<hbm>> -> memref<1x16x1024xf32, #tpu.memory_space<hbm>>
    %dma_start3A_593 = tpu.memref_squeeze %dma_start3A_592 : memref<1x16x1024xf32, #tpu.memory_space<hbm>> -> memref<16x1024xf32, #tpu.memory_space<hbm>>
    tpu.enqueue_dma source(%arg9 : memref<16x1024xf32, #tpu.memory_space<vmem>>) target(%dma_start3A_593 : memref<16x1024xf32, #tpu.memory_space<hbm>>) target_semaphore(%arg21 : memref<!tpu.dma_semaphore, #tpu.memory_space<semaphore_mem>>)
    %dma_wait3A_594 = arith.constant 1 : i32
    %dma_wait3A_595 = arith.constant 0 : i32
    %dma_wait3A_596 = tpu.memref_slice %arg4[%dma_wait3A_594, %add3A_551, %dma_wait3A_595] : memref<4x4096x1024xf32, #tpu.memory_space<hbm>> -> memref<1x16x1024xf32, #tpu.memory_space<hbm>>
    %dma_wait3A_597 = tpu.memref_squeeze %dma_wait3A_596 : memref<1x16x1024xf32, #tpu.memory_space<hbm>> -> memref<16x1024xf32, #tpu.memory_space<hbm>>
    %dma_wait3A_598 = arith.constant 0 : i32
    %dma_wait3A_599 = tpu.memref_slice %arg4[%dma_wait3A_594, %add3A_551, %dma_wait3A_598] : memref<4x4096x1024xf32, #tpu.memory_space<hbm>> -> memref<1x16x1024xf32, #tpu.memory_space<hbm>>
    %dma_wait3A_600 = tpu.memref_squeeze %dma_wait3A_599 : memref<1x16x1024xf32, #tpu.memory_space<hbm>> -> memref<16x1024xf32, #tpu.memory_space<hbm>>
    tpu.wait_dma2 semaphore(%arg20 : memref<!tpu.dma_semaphore, #tpu.memory_space<semaphore_mem>>) src(%arg8 : memref<16x1024xf32, #tpu.memory_space<vmem>>) dst(%dma_wait3A_600 : memref<16x1024xf32, #tpu.memory_space<hbm>>)
    %add3A_601 = arith.constant 64 : i32
    %add3A_602 = arith.addi %mul3A_2, %add3A_601 : i32
    %dma_start3A_603 = arith.constant 2 : i32
    %dma_start3A_604 = arith.constant 0 : i32
    %dma_start3A_605 = tpu.memref_slice %arg2[%dma_start3A_603, %add3A_602, %dma_start3A_604] : memref<4x4096x1024xf32, #tpu.memory_space<hbm>> -> memref<1x16x1024xf32, #tpu.memory_space<hbm>>
    %dma_start3A_606 = tpu.memref_squeeze %dma_start3A_605 : memref<1x16x1024xf32, #tpu.memory_space<hbm>> -> memref<16x1024xf32, #tpu.memory_space<hbm>>
    %dma_start3A_607 = arith.constant 0 : i32
    %dma_start3A_608 = tpu.memref_slice %arg2[%dma_start3A_603, %add3A_602, %dma_start3A_607] : memref<4x4096x1024xf32, #tpu.memory_space<hbm>> -> memref<1x16x1024xf32, #tpu.memory_space<hbm>>
    %dma_start3A_609 = tpu.memref_squeeze %dma_start3A_608 : memref<1x16x1024xf32, #tpu.memory_space<hbm>> -> memref<16x1024xf32, #tpu.memory_space<hbm>>
    tpu.enqueue_dma source(%dma_start3A_609 : memref<16x1024xf32, #tpu.memory_space<hbm>>) target(%arg8 : memref<16x1024xf32, #tpu.memory_space<vmem>>) target_semaphore(%arg15 : memref<!tpu.dma_semaphore, #tpu.memory_space<semaphore_mem>>)
    %dma_wait3A_610 = arith.constant 0 : i32
    %dma_wait3A_611 = arith.constant 0 : i32
    %dma_wait3A_612 = tpu.memref_slice %arg2[%dma_wait3A_610, %add3A_532, %dma_wait3A_611] : memref<4x4096x1024xf32, #tpu.memory_space<hbm>> -> memref<1x16x1024xf32, #tpu.memory_space<hbm>>
    %dma_wait3A_613 = tpu.memref_squeeze %dma_wait3A_612 : memref<1x16x1024xf32, #tpu.memory_space<hbm>> -> memref<16x1024xf32, #tpu.memory_space<hbm>>
    %dma_wait3A_614 = arith.constant 0 : i32
    %dma_wait3A_615 = tpu.memref_slice %arg2[%dma_wait3A_610, %add3A_532, %dma_wait3A_614] : memref<4x4096x1024xf32, #tpu.memory_space<hbm>> -> memref<1x16x1024xf32, #tpu.memory_space<hbm>>
    %dma_wait3A_616 = tpu.memref_squeeze %dma_wait3A_615 : memref<1x16x1024xf32, #tpu.memory_space<hbm>> -> memref<16x1024xf32, #tpu.memory_space<hbm>>
    tpu.wait_dma2 semaphore(%arg13 : memref<!tpu.dma_semaphore, #tpu.memory_space<semaphore_mem>>) src(%dma_wait3A_616 : memref<16x1024xf32, #tpu.memory_space<hbm>>) dst(%arg6 : memref<16x1024xf32, #tpu.memory_space<vmem>>)
    %dma_wait3A_617 = arith.constant 0 : i32
    %dma_wait3A_618 = tpu.memref_slice %arg3[%add3A_484, %dma_wait3A_617] : memref<8192x1024xf32, #tpu.memory_space<hbm>> -> memref<16x1024xf32, #tpu.memory_space<hbm>>
    %dma_wait3A_619 = arith.constant 0 : i32
    %dma_wait3A_620 = tpu.memref_slice %arg3[%add3A_484, %dma_wait3A_619] : memref<8192x1024xf32, #tpu.memory_space<hbm>> -> memref<16x1024xf32, #tpu.memory_space<hbm>>
    tpu.wait_dma2 semaphore(%arg22 : memref<!tpu.dma_semaphore, #tpu.memory_space<semaphore_mem>>) src(%dma_wait3A_620 : memref<16x1024xf32, #tpu.memory_space<hbm>>) dst(%arg10 : memref<16x1024xf32, #tpu.memory_space<vmem>>)
    %parallel_loop3A_621 = arith.constant 0 : i32
    %parallel_loop3A_622 = arith.constant 16384 : i32
    %parallel_loop3A_623 = arith.constant 16 : i32
    scf.for %parallel_loop3A_1200 = %parallel_loop3A_621 to %parallel_loop3A_622 step %parallel_loop3A_623  : i32 {
      %parallel_loop3A_1201 = arith.constant 1024 : i32
      %parallel_loop3A_1202 = arith.divsi %parallel_loop3A_1200, %parallel_loop3A_1201 : i32
      %parallel_loop3A_1203 = arith.constant 0 : i32
      %parallel_loop3A_1204 = arith.cmpi sgt, %parallel_loop3A_1200, %parallel_loop3A_1203 : i32
      %parallel_loop3A_1205 = arith.extui %parallel_loop3A_1204 : i1 to i32
      %parallel_loop3A_1206 = arith.constant 0 : i32
      %parallel_loop3A_1207 = arith.cmpi slt, %parallel_loop3A_1200, %parallel_loop3A_1206 : i32
      %parallel_loop3A_1208 = arith.extui %parallel_loop3A_1207 : i1 to i32
      %parallel_loop3A_1209 = arith.subi %parallel_loop3A_1205, %parallel_loop3A_1208 : i32
      %parallel_loop3A_1210 = arith.constant 0 : i32
      %parallel_loop3A_1211 = arith.cmpi sgt, %parallel_loop3A_1201, %parallel_loop3A_1210 : i32
      %parallel_loop3A_1212 = arith.extui %parallel_loop3A_1211 : i1 to i32
      %parallel_loop3A_1213 = arith.constant 0 : i32
      %parallel_loop3A_1214 = arith.cmpi slt, %parallel_loop3A_1201, %parallel_loop3A_1213 : i32
      %parallel_loop3A_1215 = arith.extui %parallel_loop3A_1214 : i1 to i32
      %parallel_loop3A_1216 = arith.subi %parallel_loop3A_1212, %parallel_loop3A_1215 : i32
      %parallel_loop3A_1217 = arith.cmpi ne, %parallel_loop3A_1209, %parallel_loop3A_1216 : i32
      %parallel_loop3A_1218 = arith.remsi %parallel_loop3A_1200, %parallel_loop3A_1201 : i32
      %parallel_loop3A_1219 = arith.constant 0 : i32
      %parallel_loop3A_1220 = arith.cmpi ne, %parallel_loop3A_1218, %parallel_loop3A_1219 : i32
      %parallel_loop3A_1221 = arith.andi %parallel_loop3A_1217, %parallel_loop3A_1220 : i1
      %parallel_loop3A_1222 = arith.constant 1 : i32
      %parallel_loop3A_1223 = arith.subi %parallel_loop3A_1202, %parallel_loop3A_1222 : i32
      %parallel_loop3A_1224 = arith.select %parallel_loop3A_1221, %parallel_loop3A_1223, %parallel_loop3A_1202 : i32
      %parallel_loop3A_1225 = arith.constant 1024 : i32
      %parallel_loop3A_1226 = arith.constant 0 : i32
      %parallel_loop3A_1227 = arith.cmpi eq, %parallel_loop3A_1225, %parallel_loop3A_1226 : i32
      %parallel_loop3A_1228 = arith.constant 1 : i32
      %parallel_loop3A_1229 = arith.select %parallel_loop3A_1227, %parallel_loop3A_1228, %parallel_loop3A_1225 : i32
      %parallel_loop3A_1230 = arith.remsi %parallel_loop3A_1200, %parallel_loop3A_1229 : i32
      %parallel_loop3A_1231 = arith.constant 0 : i32
      %parallel_loop3A_1232 = arith.cmpi ne, %parallel_loop3A_1230, %parallel_loop3A_1231 : i32
      %parallel_loop3A_1233 = arith.constant 0 : i32
      %parallel_loop3A_1234 = arith.cmpi slt, %parallel_loop3A_1230, %parallel_loop3A_1233 : i32
      %parallel_loop3A_1235 = arith.constant 0 : i32
      %parallel_loop3A_1236 = arith.cmpi slt, %parallel_loop3A_1229, %parallel_loop3A_1235 : i32
      %parallel_loop3A_1237 = arith.xori %parallel_loop3A_1234, %parallel_loop3A_1236 : i1
      %parallel_loop3A_1238 = arith.andi %parallel_loop3A_1237, %parallel_loop3A_1232 : i1
      %parallel_loop3A_1239 = arith.addi %parallel_loop3A_1230, %parallel_loop3A_1229 : i32
      %parallel_loop3A_1240 = arith.select %parallel_loop3A_1238, %parallel_loop3A_1239, %parallel_loop3A_1230 : i32
      %parallel_loop3A_1241 = arith.index_cast %parallel_loop3A_1224 : i32 to index
      %parallel_loop3A_1242 = arith.index_cast %parallel_loop3A_1240 : i32 to index
      %parallel_loop3A_1243 = tpu.vector_load %arg10[%parallel_loop3A_1241, %parallel_loop3A_1242] {strides = array<i32>} : memref<16x1024xf32, #tpu.memory_space<vmem>>, vector<1x16xf32>,
      %parallel_loop3A_1244 = vector.shape_cast %parallel_loop3A_1243 : vector<1x16xf32> to vector<16xf32>
      %parallel_loop3A_1245 = arith.index_cast %parallel_loop3A_1224 : i32 to index
      %parallel_loop3A_1246 = arith.index_cast %parallel_loop3A_1240 : i32 to index
      %parallel_loop3A_1247 = tpu.vector_load %arg6[%parallel_loop3A_1245, %parallel_loop3A_1246] {strides = array<i32>} : memref<16x1024xf32, #tpu.memory_space<vmem>>, vector<1x16xf32>,
      %parallel_loop3A_1248 = vector.shape_cast %parallel_loop3A_1247 : vector<1x16xf32> to vector<16xf32>
      %parallel_loop3A_1249 = vector.shape_cast %parallel_loop3A_1244 : vector<16xf32> to vector<1x16xf32>
      tpu.vector_store %arg6[%parallel_loop3A_1245, %parallel_loop3A_1246], %parallel_loop3A_1249 {add = true, strides = array<i32>} : memref<16x1024xf32, #tpu.memory_space<vmem>>, vector<1x16xf32>,
    } {sc.loop_unroll_factor = 8 : i64, sc.parallel_access}
    %add3A_624 = arith.constant 48 : i32
    %add3A_625 = arith.addi %mul3A_2, %add3A_624 : i32
    %dma_start3A_626 = arith.constant 3 : i32
    %dma_start3A_627 = arith.constant 0 : i32
    %dma_start3A_628 = tpu.memref_slice %arg4[%dma_start3A_626, %add3A_625, %dma_start3A_627] : memref<4x4096x1024xf32, #tpu.memory_space<hbm>> -> memref<1x16x1024xf32, #tpu.memory_space<hbm>>
    %dma_start3A_629 = tpu.memref_squeeze %dma_start3A_628 : memref<1x16x1024xf32, #tpu.memory_space<hbm>> -> memref<16x1024xf32, #tpu.memory_space<hbm>>
    %dma_start3A_630 = arith.constant 0 : i32
    %dma_start3A_631 = tpu.memref_slice %arg4[%dma_start3A_626, %add3A_625, %dma_start3A_630] : memref<4x4096x1024xf32, #tpu.memory_space<hbm>> -> memref<1x16x1024xf32, #tpu.memory_space<hbm>>
    %dma_start3A_632 = tpu.memref_squeeze %dma_start3A_631 : memref<1x16x1024xf32, #tpu.memory_space<hbm>> -> memref<16x1024xf32, #tpu.memory_space<hbm>>
    tpu.enqueue_dma source(%arg5 : memref<16x1024xf32, #tpu.memory_space<vmem>>) target(%dma_start3A_632 : memref<16x1024xf32, #tpu.memory_space<hbm>>) target_semaphore(%arg17 : memref<!tpu.dma_semaphore, #tpu.memory_space<semaphore_mem>>)
    %add3A_633 = arith.constant 80 : i32
    %add3A_634 = arith.addi %mul3A_2, %add3A_633 : i32
    %dma_start3A_635 = arith.constant 0 : i32
    %dma_start3A_636 = tpu.memref_slice %arg3[%add3A_634, %dma_start3A_635] : memref<8192x1024xf32, #tpu.memory_space<hbm>> -> memref<16x1024xf32, #tpu.memory_space<hbm>>
    %dma_start3A_637 = arith.constant 0 : i32
    %dma_start3A_638 = tpu.memref_slice %arg3[%add3A_634, %dma_start3A_637] : memref<8192x1024xf32, #tpu.memory_space<hbm>> -> memref<16x1024xf32, #tpu.memory_space<hbm>>
    tpu.enqueue_dma source(%dma_start3A_638 : memref<16x1024xf32, #tpu.memory_space<hbm>>) target(%arg11 : memref<16x1024xf32, #tpu.memory_space<vmem>>) target_semaphore(%arg23 : memref<!tpu.dma_semaphore, #tpu.memory_space<semaphore_mem>>)
    %dma_wait3A_639 = arith.constant 2 : i32
    %dma_wait3A_640 = arith.constant 0 : i32
    %dma_wait3A_641 = tpu.memref_slice %arg4[%dma_wait3A_639, %add3A_586, %dma_wait3A_640] : memref<4x4096x1024xf32, #tpu.memory_space<hbm>> -> memref<1x16x1024xf32, #tpu.memory_space<hbm>>
    %dma_wait3A_642 = tpu.memref_squeeze %dma_wait3A_641 : memref<1x16x1024xf32, #tpu.memory_space<hbm>> -> memref<16x1024xf32, #tpu.memory_space<hbm>>
    %dma_wait3A_643 = arith.constant 0 : i32
    %dma_wait3A_644 = tpu.memref_slice %arg4[%dma_wait3A_639, %add3A_586, %dma_wait3A_643] : memref<4x4096x1024xf32, #tpu.memory_space<hbm>> -> memref<1x16x1024xf32, #tpu.memory_space<hbm>>
    %dma_wait3A_645 = tpu.memref_squeeze %dma_wait3A_644 : memref<1x16x1024xf32, #tpu.memory_space<hbm>> -> memref<16x1024xf32, #tpu.memory_space<hbm>>
    tpu.wait_dma2 semaphore(%arg21 : memref<!tpu.dma_semaphore, #tpu.memory_space<semaphore_mem>>) src(%arg9 : memref<16x1024xf32, #tpu.memory_space<vmem>>) dst(%dma_wait3A_645 : memref<16x1024xf32, #tpu.memory_space<hbm>>)
    %add3A_646 = arith.constant 64 : i32
    %add3A_647 = arith.addi %mul3A_2, %add3A_646 : i32
    %dma_start3A_648 = arith.constant 3 : i32
    %dma_start3A_649 = arith.constant 0 : i32
    %dma_start3A_650 = tpu.memref_slice %arg2[%dma_start3A_648, %add3A_647, %dma_start3A_649] : memref<4x4096x1024xf32, #tpu.memory_space<hbm>> -> memref<1x16x1024xf32, #tpu.memory_space<hbm>>
    %dma_start3A_651 = tpu.memref_squeeze %dma_start3A_650 : memref<1x16x1024xf32, #tpu.memory_space<hbm>> -> memref<16x1024xf32, #tpu.memory_space<hbm>>
    %dma_start3A_652 = arith.constant 0 : i32
    %dma_start3A_653 = tpu.memref_slice %arg2[%dma_start3A_648, %add3A_647, %dma_start3A_652] : memref<4x4096x1024xf32, #tpu.memory_space<hbm>> -> memref<1x16x1024xf32, #tpu.memory_space<hbm>>
    %dma_start3A_654 = tpu.memref_squeeze %dma_start3A_653 : memref<1x16x1024xf32, #tpu.memory_space<hbm>> -> memref<16x1024xf32, #tpu.memory_space<hbm>>
    tpu.enqueue_dma source(%dma_start3A_654 : memref<16x1024xf32, #tpu.memory_space<hbm>>) target(%arg9 : memref<16x1024xf32, #tpu.memory_space<vmem>>) target_semaphore(%arg16 : memref<!tpu.dma_semaphore, #tpu.memory_space<semaphore_mem>>)
    %dma_wait3A_655 = arith.constant 1 : i32
    %dma_wait3A_656 = arith.constant 0 : i32
    %dma_wait3A_657 = tpu.memref_slice %arg2[%dma_wait3A_655, %add3A_567, %dma_wait3A_656] : memref<4x4096x1024xf32, #tpu.memory_space<hbm>> -> memref<1x16x1024xf32, #tpu.memory_space<hbm>>
    %dma_wait3A_658 = tpu.memref_squeeze %dma_wait3A_657 : memref<1x16x1024xf32, #tpu.memory_space<hbm>> -> memref<16x1024xf32, #tpu.memory_space<hbm>>
    %dma_wait3A_659 = arith.constant 0 : i32
    %dma_wait3A_660 = tpu.memref_slice %arg2[%dma_wait3A_655, %add3A_567, %dma_wait3A_659] : memref<4x4096x1024xf32, #tpu.memory_space<hbm>> -> memref<1x16x1024xf32, #tpu.memory_space<hbm>>
    %dma_wait3A_661 = tpu.memref_squeeze %dma_wait3A_660 : memref<1x16x1024xf32, #tpu.memory_space<hbm>> -> memref<16x1024xf32, #tpu.memory_space<hbm>>
    tpu.wait_dma2 semaphore(%arg14 : memref<!tpu.dma_semaphore, #tpu.memory_space<semaphore_mem>>) src(%dma_wait3A_661 : memref<16x1024xf32, #tpu.memory_space<hbm>>) dst(%arg7 : memref<16x1024xf32, #tpu.memory_space<vmem>>)
    %parallel_loop3A_662 = arith.constant 0 : i32
    %parallel_loop3A_663 = arith.constant 16384 : i32
    %parallel_loop3A_664 = arith.constant 16 : i32
    scf.for %parallel_loop3A_1200 = %parallel_loop3A_662 to %parallel_loop3A_663 step %parallel_loop3A_664  : i32 {
      %parallel_loop3A_1201 = arith.constant 1024 : i32
      %parallel_loop3A_1202 = arith.divsi %parallel_loop3A_1200, %parallel_loop3A_1201 : i32
      %parallel_loop3A_1203 = arith.constant 0 : i32
      %parallel_loop3A_1204 = arith.cmpi sgt, %parallel_loop3A_1200, %parallel_loop3A_1203 : i32
      %parallel_loop3A_1205 = arith.extui %parallel_loop3A_1204 : i1 to i32
      %parallel_loop3A_1206 = arith.constant 0 : i32
      %parallel_loop3A_1207 = arith.cmpi slt, %parallel_loop3A_1200, %parallel_loop3A_1206 : i32
      %parallel_loop3A_1208 = arith.extui %parallel_loop3A_1207 : i1 to i32
      %parallel_loop3A_1209 = arith.subi %parallel_loop3A_1205, %parallel_loop3A_1208 : i32
      %parallel_loop3A_1210 = arith.constant 0 : i32
      %parallel_loop3A_1211 = arith.cmpi sgt, %parallel_loop3A_1201, %parallel_loop3A_1210 : i32
      %parallel_loop3A_1212 = arith.extui %parallel_loop3A_1211 : i1 to i32
      %parallel_loop3A_1213 = arith.constant 0 : i32
      %parallel_loop3A_1214 = arith.cmpi slt, %parallel_loop3A_1201, %parallel_loop3A_1213 : i32
      %parallel_loop3A_1215 = arith.extui %parallel_loop3A_1214 : i1 to i32
      %parallel_loop3A_1216 = arith.subi %parallel_loop3A_1212, %parallel_loop3A_1215 : i32
      %parallel_loop3A_1217 = arith.cmpi ne, %parallel_loop3A_1209, %parallel_loop3A_1216 : i32
      %parallel_loop3A_1218 = arith.remsi %parallel_loop3A_1200, %parallel_loop3A_1201 : i32
      %parallel_loop3A_1219 = arith.constant 0 : i32
      %parallel_loop3A_1220 = arith.cmpi ne, %parallel_loop3A_1218, %parallel_loop3A_1219 : i32
      %parallel_loop3A_1221 = arith.andi %parallel_loop3A_1217, %parallel_loop3A_1220 : i1
      %parallel_loop3A_1222 = arith.constant 1 : i32
      %parallel_loop3A_1223 = arith.subi %parallel_loop3A_1202, %parallel_loop3A_1222 : i32
      %parallel_loop3A_1224 = arith.select %parallel_loop3A_1221, %parallel_loop3A_1223, %parallel_loop3A_1202 : i32
      %parallel_loop3A_1225 = arith.constant 1024 : i32
      %parallel_loop3A_1226 = arith.constant 0 : i32
      %parallel_loop3A_1227 = arith.cmpi eq, %parallel_loop3A_1225, %parallel_loop3A_1226 : i32
      %parallel_loop3A_1228 = arith.constant 1 : i32
      %parallel_loop3A_1229 = arith.select %parallel_loop3A_1227, %parallel_loop3A_1228, %parallel_loop3A_1225 : i32
      %parallel_loop3A_1230 = arith.remsi %parallel_loop3A_1200, %parallel_loop3A_1229 : i32
      %parallel_loop3A_1231 = arith.constant 0 : i32
      %parallel_loop3A_1232 = arith.cmpi ne, %parallel_loop3A_1230, %parallel_loop3A_1231 : i32
      %parallel_loop3A_1233 = arith.constant 0 : i32
      %parallel_loop3A_1234 = arith.cmpi slt, %parallel_loop3A_1230, %parallel_loop3A_1233 : i32
      %parallel_loop3A_1235 = arith.constant 0 : i32
      %parallel_loop3A_1236 = arith.cmpi slt, %parallel_loop3A_1229, %parallel_loop3A_1235 : i32
      %parallel_loop3A_1237 = arith.xori %parallel_loop3A_1234, %parallel_loop3A_1236 : i1
      %parallel_loop3A_1238 = arith.andi %parallel_loop3A_1237, %parallel_loop3A_1232 : i1
      %parallel_loop3A_1239 = arith.addi %parallel_loop3A_1230, %parallel_loop3A_1229 : i32
      %parallel_loop3A_1240 = arith.select %parallel_loop3A_1238, %parallel_loop3A_1239, %parallel_loop3A_1230 : i32
      %parallel_loop3A_1241 = arith.index_cast %parallel_loop3A_1224 : i32 to index
      %parallel_loop3A_1242 = arith.index_cast %parallel_loop3A_1240 : i32 to index
      %parallel_loop3A_1243 = tpu.vector_load %arg10[%parallel_loop3A_1241, %parallel_loop3A_1242] {strides = array<i32>} : memref<16x1024xf32, #tpu.memory_space<vmem>>, vector<1x16xf32>,
      %parallel_loop3A_1244 = vector.shape_cast %parallel_loop3A_1243 : vector<1x16xf32> to vector<16xf32>
      %parallel_loop3A_1245 = arith.index_cast %parallel_loop3A_1224 : i32 to index
      %parallel_loop3A_1246 = arith.index_cast %parallel_loop3A_1240 : i32 to index
      %parallel_loop3A_1247 = tpu.vector_load %arg7[%parallel_loop3A_1245, %parallel_loop3A_1246] {strides = array<i32>} : memref<16x1024xf32, #tpu.memory_space<vmem>>, vector<1x16xf32>,
      %parallel_loop3A_1248 = vector.shape_cast %parallel_loop3A_1247 : vector<1x16xf32> to vector<16xf32>
      %parallel_loop3A_1249 = vector.shape_cast %parallel_loop3A_1244 : vector<16xf32> to vector<1x16xf32>
      tpu.vector_store %arg7[%parallel_loop3A_1245, %parallel_loop3A_1246], %parallel_loop3A_1249 {add = true, strides = array<i32>} : memref<16x1024xf32, #tpu.memory_space<vmem>>, vector<1x16xf32>,
    } {sc.loop_unroll_factor = 8 : i64, sc.parallel_access}
    %add3A_665 = arith.constant 64 : i32
    %add3A_666 = arith.addi %mul3A_2, %add3A_665 : i32
    %dma_start3A_667 = arith.constant 0 : i32
    %dma_start3A_668 = arith.constant 0 : i32
    %dma_start3A_669 = tpu.memref_slice %arg4[%dma_start3A_667, %add3A_666, %dma_start3A_668] : memref<4x4096x1024xf32, #tpu.memory_space<hbm>> -> memref<1x16x1024xf32, #tpu.memory_space<hbm>>
    %dma_start3A_670 = tpu.memref_squeeze %dma_start3A_669 : memref<1x16x1024xf32, #tpu.memory_space<hbm>> -> memref<16x1024xf32, #tpu.memory_space<hbm>>
    %dma_start3A_671 = arith.constant 0 : i32
    %dma_start3A_672 = tpu.memref_slice %arg4[%dma_start3A_667, %add3A_666, %dma_start3A_671] : memref<4x4096x1024xf32, #tpu.memory_space<hbm>> -> memref<1x16x1024xf32, #tpu.memory_space<hbm>>
    %dma_start3A_673 = tpu.memref_squeeze %dma_start3A_672 : memref<1x16x1024xf32, #tpu.memory_space<hbm>> -> memref<16x1024xf32, #tpu.memory_space<hbm>>
    tpu.enqueue_dma source(%arg6 : memref<16x1024xf32, #tpu.memory_space<vmem>>) target(%dma_start3A_673 : memref<16x1024xf32, #tpu.memory_space<hbm>>) target_semaphore(%arg18 : memref<!tpu.dma_semaphore, #tpu.memory_space<semaphore_mem>>)
    %dma_wait3A_674 = arith.constant 3 : i32
    %dma_wait3A_675 = arith.constant 0 : i32
    %dma_wait3A_676 = tpu.memref_slice %arg4[%dma_wait3A_674, %add3A_625, %dma_wait3A_675] : memref<4x4096x1024xf32, #tpu.memory_space<hbm>> -> memref<1x16x1024xf32, #tpu.memory_space<hbm>>
    %dma_wait3A_677 = tpu.memref_squeeze %dma_wait3A_676 : memref<1x16x1024xf32, #tpu.memory_space<hbm>> -> memref<16x1024xf32, #tpu.memory_space<hbm>>
    %dma_wait3A_678 = arith.constant 0 : i32
    %dma_wait3A_679 = tpu.memref_slice %arg4[%dma_wait3A_674, %add3A_625, %dma_wait3A_678] : memref<4x4096x1024xf32, #tpu.memory_space<hbm>> -> memref<1x16x1024xf32, #tpu.memory_space<hbm>>
    %dma_wait3A_680 = tpu.memref_squeeze %dma_wait3A_679 : memref<1x16x1024xf32, #tpu.memory_space<hbm>> -> memref<16x1024xf32, #tpu.memory_space<hbm>>
    tpu.wait_dma2 semaphore(%arg17 : memref<!tpu.dma_semaphore, #tpu.memory_space<semaphore_mem>>) src(%arg5 : memref<16x1024xf32, #tpu.memory_space<vmem>>) dst(%dma_wait3A_680 : memref<16x1024xf32, #tpu.memory_space<hbm>>)
    %add3A_681 = arith.constant 80 : i32
    %add3A_682 = arith.addi %mul3A_2, %add3A_681 : i32
    %dma_start3A_683 = arith.constant 0 : i32
    %dma_start3A_684 = arith.constant 0 : i32
    %dma_start3A_685 = tpu.memref_slice %arg2[%dma_start3A_683, %add3A_682, %dma_start3A_684] : memref<4x4096x1024xf32, #tpu.memory_space<hbm>> -> memref<1x16x1024xf32, #tpu.memory_space<hbm>>
    %dma_start3A_686 = tpu.memref_squeeze %dma_start3A_685 : memref<1x16x1024xf32, #tpu.memory_space<hbm>> -> memref<16x1024xf32, #tpu.memory_space<hbm>>
    %dma_start3A_687 = arith.constant 0 : i32
    %dma_start3A_688 = tpu.memref_slice %arg2[%dma_start3A_683, %add3A_682, %dma_start3A_687] : memref<4x4096x1024xf32, #tpu.memory_space<hbm>> -> memref<1x16x1024xf32, #tpu.memory_space<hbm>>
    %dma_start3A_689 = tpu.memref_squeeze %dma_start3A_688 : memref<1x16x1024xf32, #tpu.memory_space<hbm>> -> memref<16x1024xf32, #tpu.memory_space<hbm>>
    tpu.enqueue_dma source(%dma_start3A_689 : memref<16x1024xf32, #tpu.memory_space<hbm>>) target(%arg5 : memref<16x1024xf32, #tpu.memory_space<vmem>>) target_semaphore(%arg12 : memref<!tpu.dma_semaphore, #tpu.memory_space<semaphore_mem>>)
    %dma_wait3A_690 = arith.constant 2 : i32
    %dma_wait3A_691 = arith.constant 0 : i32
    %dma_wait3A_692 = tpu.memref_slice %arg2[%dma_wait3A_690, %add3A_602, %dma_wait3A_691] : memref<4x4096x1024xf32, #tpu.memory_space<hbm>> -> memref<1x16x1024xf32, #tpu.memory_space<hbm>>
    %dma_wait3A_693 = tpu.memref_squeeze %dma_wait3A_692 : memref<1x16x1024xf32, #tpu.memory_space<hbm>> -> memref<16x1024xf32, #tpu.memory_space<hbm>>
    %dma_wait3A_694 = arith.constant 0 : i32
    %dma_wait3A_695 = tpu.memref_slice %arg2[%dma_wait3A_690, %add3A_602, %dma_wait3A_694] : memref<4x4096x1024xf32, #tpu.memory_space<hbm>> -> memref<1x16x1024xf32, #tpu.memory_space<hbm>>
    %dma_wait3A_696 = tpu.memref_squeeze %dma_wait3A_695 : memref<1x16x1024xf32, #tpu.memory_space<hbm>> -> memref<16x1024xf32, #tpu.memory_space<hbm>>
    tpu.wait_dma2 semaphore(%arg15 : memref<!tpu.dma_semaphore, #tpu.memory_space<semaphore_mem>>) src(%dma_wait3A_696 : memref<16x1024xf32, #tpu.memory_space<hbm>>) dst(%arg8 : memref<16x1024xf32, #tpu.memory_space<vmem>>)
    %parallel_loop3A_697 = arith.constant 0 : i32
    %parallel_loop3A_698 = arith.constant 16384 : i32
    %parallel_loop3A_699 = arith.constant 16 : i32
    scf.for %parallel_loop3A_1200 = %parallel_loop3A_697 to %parallel_loop3A_698 step %parallel_loop3A_699  : i32 {
      %parallel_loop3A_1201 = arith.constant 1024 : i32
      %parallel_loop3A_1202 = arith.divsi %parallel_loop3A_1200, %parallel_loop3A_1201 : i32
      %parallel_loop3A_1203 = arith.constant 0 : i32
      %parallel_loop3A_1204 = arith.cmpi sgt, %parallel_loop3A_1200, %parallel_loop3A_1203 : i32
      %parallel_loop3A_1205 = arith.extui %parallel_loop3A_1204 : i1 to i32
      %parallel_loop3A_1206 = arith.constant 0 : i32
      %parallel_loop3A_1207 = arith.cmpi slt, %parallel_loop3A_1200, %parallel_loop3A_1206 : i32
      %parallel_loop3A_1208 = arith.extui %parallel_loop3A_1207 : i1 to i32
      %parallel_loop3A_1209 = arith.subi %parallel_loop3A_1205, %parallel_loop3A_1208 : i32
      %parallel_loop3A_1210 = arith.constant 0 : i32
      %parallel_loop3A_1211 = arith.cmpi sgt, %parallel_loop3A_1201, %parallel_loop3A_1210 : i32
      %parallel_loop3A_1212 = arith.extui %parallel_loop3A_1211 : i1 to i32
      %parallel_loop3A_1213 = arith.constant 0 : i32
      %parallel_loop3A_1214 = arith.cmpi slt, %parallel_loop3A_1201, %parallel_loop3A_1213 : i32
      %parallel_loop3A_1215 = arith.extui %parallel_loop3A_1214 : i1 to i32
      %parallel_loop3A_1216 = arith.subi %parallel_loop3A_1212, %parallel_loop3A_1215 : i32
      %parallel_loop3A_1217 = arith.cmpi ne, %parallel_loop3A_1209, %parallel_loop3A_1216 : i32
      %parallel_loop3A_1218 = arith.remsi %parallel_loop3A_1200, %parallel_loop3A_1201 : i32
      %parallel_loop3A_1219 = arith.constant 0 : i32
      %parallel_loop3A_1220 = arith.cmpi ne, %parallel_loop3A_1218, %parallel_loop3A_1219 : i32
      %parallel_loop3A_1221 = arith.andi %parallel_loop3A_1217, %parallel_loop3A_1220 : i1
      %parallel_loop3A_1222 = arith.constant 1 : i32
      %parallel_loop3A_1223 = arith.subi %parallel_loop3A_1202, %parallel_loop3A_1222 : i32
      %parallel_loop3A_1224 = arith.select %parallel_loop3A_1221, %parallel_loop3A_1223, %parallel_loop3A_1202 : i32
      %parallel_loop3A_1225 = arith.constant 1024 : i32
      %parallel_loop3A_1226 = arith.constant 0 : i32
      %parallel_loop3A_1227 = arith.cmpi eq, %parallel_loop3A_1225, %parallel_loop3A_1226 : i32
      %parallel_loop3A_1228 = arith.constant 1 : i32
      %parallel_loop3A_1229 = arith.select %parallel_loop3A_1227, %parallel_loop3A_1228, %parallel_loop3A_1225 : i32
      %parallel_loop3A_1230 = arith.remsi %parallel_loop3A_1200, %parallel_loop3A_1229 : i32
      %parallel_loop3A_1231 = arith.constant 0 : i32
      %parallel_loop3A_1232 = arith.cmpi ne, %parallel_loop3A_1230, %parallel_loop3A_1231 : i32
      %parallel_loop3A_1233 = arith.constant 0 : i32
      %parallel_loop3A_1234 = arith.cmpi slt, %parallel_loop3A_1230, %parallel_loop3A_1233 : i32
      %parallel_loop3A_1235 = arith.constant 0 : i32
      %parallel_loop3A_1236 = arith.cmpi slt, %parallel_loop3A_1229, %parallel_loop3A_1235 : i32
      %parallel_loop3A_1237 = arith.xori %parallel_loop3A_1234, %parallel_loop3A_1236 : i1
      %parallel_loop3A_1238 = arith.andi %parallel_loop3A_1237, %parallel_loop3A_1232 : i1
      %parallel_loop3A_1239 = arith.addi %parallel_loop3A_1230, %parallel_loop3A_1229 : i32
      %parallel_loop3A_1240 = arith.select %parallel_loop3A_1238, %parallel_loop3A_1239, %parallel_loop3A_1230 : i32
      %parallel_loop3A_1241 = arith.index_cast %parallel_loop3A_1224 : i32 to index
      %parallel_loop3A_1242 = arith.index_cast %parallel_loop3A_1240 : i32 to index
      %parallel_loop3A_1243 = tpu.vector_load %arg10[%parallel_loop3A_1241, %parallel_loop3A_1242] {strides = array<i32>} : memref<16x1024xf32, #tpu.memory_space<vmem>>, vector<1x16xf32>,
      %parallel_loop3A_1244 = vector.shape_cast %parallel_loop3A_1243 : vector<1x16xf32> to vector<16xf32>
      %parallel_loop3A_1245 = arith.index_cast %parallel_loop3A_1224 : i32 to index
      %parallel_loop3A_1246 = arith.index_cast %parallel_loop3A_1240 : i32 to index
      %parallel_loop3A_1247 = tpu.vector_load %arg8[%parallel_loop3A_1245, %parallel_loop3A_1246] {strides = array<i32>} : memref<16x1024xf32, #tpu.memory_space<vmem>>, vector<1x16xf32>,
      %parallel_loop3A_1248 = vector.shape_cast %parallel_loop3A_1247 : vector<1x16xf32> to vector<16xf32>
      %parallel_loop3A_1249 = vector.shape_cast %parallel_loop3A_1244 : vector<16xf32> to vector<1x16xf32>
      tpu.vector_store %arg8[%parallel_loop3A_1245, %parallel_loop3A_1246], %parallel_loop3A_1249 {add = true, strides = array<i32>} : memref<16x1024xf32, #tpu.memory_space<vmem>>, vector<1x16xf32>,
    } {sc.loop_unroll_factor = 8 : i64, sc.parallel_access}
    %add3A_700 = arith.constant 64 : i32
    %add3A_701 = arith.addi %mul3A_2, %add3A_700 : i32
    %dma_start3A_702 = arith.constant 1 : i32
    %dma_start3A_703 = arith.constant 0 : i32
    %dma_start3A_704 = tpu.memref_slice %arg4[%dma_start3A_702, %add3A_701, %dma_start3A_703] : memref<4x4096x1024xf32, #tpu.memory_space<hbm>> -> memref<1x16x1024xf32, #tpu.memory_space<hbm>>
    %dma_start3A_705 = tpu.memref_squeeze %dma_start3A_704 : memref<1x16x1024xf32, #tpu.memory_space<hbm>> -> memref<16x1024xf32, #tpu.memory_space<hbm>>
    %dma_start3A_706 = arith.constant 0 : i32
    %dma_start3A_707 = tpu.memref_slice %arg4[%dma_start3A_702, %add3A_701, %dma_start3A_706] : memref<4x4096x1024xf32, #tpu.memory_space<hbm>> -> memref<1x16x1024xf32, #tpu.memory_space<hbm>>
    %dma_start3A_708 = tpu.memref_squeeze %dma_start3A_707 : memref<1x16x1024xf32, #tpu.memory_space<hbm>> -> memref<16x1024xf32, #tpu.memory_space<hbm>>
    tpu.enqueue_dma source(%arg7 : memref<16x1024xf32, #tpu.memory_space<vmem>>) target(%dma_start3A_708 : memref<16x1024xf32, #tpu.memory_space<hbm>>) target_semaphore(%arg19 : memref<!tpu.dma_semaphore, #tpu.memory_space<semaphore_mem>>)
    %dma_wait3A_709 = arith.constant 0 : i32
    %dma_wait3A_710 = arith.constant 0 : i32
    %dma_wait3A_711 = tpu.memref_slice %arg4[%dma_wait3A_709, %add3A_666, %dma_wait3A_710] : memref<4x4096x1024xf32, #tpu.memory_space<hbm>> -> memref<1x16x1024xf32, #tpu.memory_space<hbm>>
    %dma_wait3A_712 = tpu.memref_squeeze %dma_wait3A_711 : memref<1x16x1024xf32, #tpu.memory_space<hbm>> -> memref<16x1024xf32, #tpu.memory_space<hbm>>
    %dma_wait3A_713 = arith.constant 0 : i32
    %dma_wait3A_714 = tpu.memref_slice %arg4[%dma_wait3A_709, %add3A_666, %dma_wait3A_713] : memref<4x4096x1024xf32, #tpu.memory_space<hbm>> -> memref<1x16x1024xf32, #tpu.memory_space<hbm>>
    %dma_wait3A_715 = tpu.memref_squeeze %dma_wait3A_714 : memref<1x16x1024xf32, #tpu.memory_space<hbm>> -> memref<16x1024xf32, #tpu.memory_space<hbm>>
    tpu.wait_dma2 semaphore(%arg18 : memref<!tpu.dma_semaphore, #tpu.memory_space<semaphore_mem>>) src(%arg6 : memref<16x1024xf32, #tpu.memory_space<vmem>>) dst(%dma_wait3A_715 : memref<16x1024xf32, #tpu.memory_space<hbm>>)
    %add3A_716 = arith.constant 80 : i32
    %add3A_717 = arith.addi %mul3A_2, %add3A_716 : i32
    %dma_start3A_718 = arith.constant 1 : i32
    %dma_start3A_719 = arith.constant 0 : i32
    %dma_start3A_720 = tpu.memref_slice %arg2[%dma_start3A_718, %add3A_717, %dma_start3A_719] : memref<4x4096x1024xf32, #tpu.memory_space<hbm>> -> memref<1x16x1024xf32, #tpu.memory_space<hbm>>
    %dma_start3A_721 = tpu.memref_squeeze %dma_start3A_720 : memref<1x16x1024xf32, #tpu.memory_space<hbm>> -> memref<16x1024xf32, #tpu.memory_space<hbm>>
    %dma_start3A_722 = arith.constant 0 : i32
    %dma_start3A_723 = tpu.memref_slice %arg2[%dma_start3A_718, %add3A_717, %dma_start3A_722] : memref<4x4096x1024xf32, #tpu.memory_space<hbm>> -> memref<1x16x1024xf32, #tpu.memory_space<hbm>>
    %dma_start3A_724 = tpu.memref_squeeze %dma_start3A_723 : memref<1x16x1024xf32, #tpu.memory_space<hbm>> -> memref<16x1024xf32, #tpu.memory_space<hbm>>
    tpu.enqueue_dma source(%dma_start3A_724 : memref<16x1024xf32, #tpu.memory_space<hbm>>) target(%arg6 : memref<16x1024xf32, #tpu.memory_space<vmem>>) target_semaphore(%arg13 : memref<!tpu.dma_semaphore, #tpu.memory_space<semaphore_mem>>)
    %dma_wait3A_725 = arith.constant 3 : i32
    %dma_wait3A_726 = arith.constant 0 : i32
    %dma_wait3A_727 = tpu.memref_slice %arg2[%dma_wait3A_725, %add3A_647, %dma_wait3A_726] : memref<4x4096x1024xf32, #tpu.memory_space<hbm>> -> memref<1x16x1024xf32, #tpu.memory_space<hbm>>
    %dma_wait3A_728 = tpu.memref_squeeze %dma_wait3A_727 : memref<1x16x1024xf32, #tpu.memory_space<hbm>> -> memref<16x1024xf32, #tpu.memory_space<hbm>>
    %dma_wait3A_729 = arith.constant 0 : i32
    %dma_wait3A_730 = tpu.memref_slice %arg2[%dma_wait3A_725, %add3A_647, %dma_wait3A_729] : memref<4x4096x1024xf32, #tpu.memory_space<hbm>> -> memref<1x16x1024xf32, #tpu.memory_space<hbm>>
    %dma_wait3A_731 = tpu.memref_squeeze %dma_wait3A_730 : memref<1x16x1024xf32, #tpu.memory_space<hbm>> -> memref<16x1024xf32, #tpu.memory_space<hbm>>
    tpu.wait_dma2 semaphore(%arg16 : memref<!tpu.dma_semaphore, #tpu.memory_space<semaphore_mem>>) src(%dma_wait3A_731 : memref<16x1024xf32, #tpu.memory_space<hbm>>) dst(%arg9 : memref<16x1024xf32, #tpu.memory_space<vmem>>)
    %parallel_loop3A_732 = arith.constant 0 : i32
    %parallel_loop3A_733 = arith.constant 16384 : i32
    %parallel_loop3A_734 = arith.constant 16 : i32
    scf.for %parallel_loop3A_1200 = %parallel_loop3A_732 to %parallel_loop3A_733 step %parallel_loop3A_734  : i32 {
      %parallel_loop3A_1201 = arith.constant 1024 : i32
      %parallel_loop3A_1202 = arith.divsi %parallel_loop3A_1200, %parallel_loop3A_1201 : i32
      %parallel_loop3A_1203 = arith.constant 0 : i32
      %parallel_loop3A_1204 = arith.cmpi sgt, %parallel_loop3A_1200, %parallel_loop3A_1203 : i32
      %parallel_loop3A_1205 = arith.extui %parallel_loop3A_1204 : i1 to i32
      %parallel_loop3A_1206 = arith.constant 0 : i32
      %parallel_loop3A_1207 = arith.cmpi slt, %parallel_loop3A_1200, %parallel_loop3A_1206 : i32
      %parallel_loop3A_1208 = arith.extui %parallel_loop3A_1207 : i1 to i32
      %parallel_loop3A_1209 = arith.subi %parallel_loop3A_1205, %parallel_loop3A_1208 : i32
      %parallel_loop3A_1210 = arith.constant 0 : i32
      %parallel_loop3A_1211 = arith.cmpi sgt, %parallel_loop3A_1201, %parallel_loop3A_1210 : i32
      %parallel_loop3A_1212 = arith.extui %parallel_loop3A_1211 : i1 to i32
      %parallel_loop3A_1213 = arith.constant 0 : i32
      %parallel_loop3A_1214 = arith.cmpi slt, %parallel_loop3A_1201, %parallel_loop3A_1213 : i32
      %parallel_loop3A_1215 = arith.extui %parallel_loop3A_1214 : i1 to i32
      %parallel_loop3A_1216 = arith.subi %parallel_loop3A_1212, %parallel_loop3A_1215 : i32
      %parallel_loop3A_1217 = arith.cmpi ne, %parallel_loop3A_1209, %parallel_loop3A_1216 : i32
      %parallel_loop3A_1218 = arith.remsi %parallel_loop3A_1200, %parallel_loop3A_1201 : i32
      %parallel_loop3A_1219 = arith.constant 0 : i32
      %parallel_loop3A_1220 = arith.cmpi ne, %parallel_loop3A_1218, %parallel_loop3A_1219 : i32
      %parallel_loop3A_1221 = arith.andi %parallel_loop3A_1217, %parallel_loop3A_1220 : i1
      %parallel_loop3A_1222 = arith.constant 1 : i32
      %parallel_loop3A_1223 = arith.subi %parallel_loop3A_1202, %parallel_loop3A_1222 : i32
      %parallel_loop3A_1224 = arith.select %parallel_loop3A_1221, %parallel_loop3A_1223, %parallel_loop3A_1202 : i32
      %parallel_loop3A_1225 = arith.constant 1024 : i32
      %parallel_loop3A_1226 = arith.constant 0 : i32
      %parallel_loop3A_1227 = arith.cmpi eq, %parallel_loop3A_1225, %parallel_loop3A_1226 : i32
      %parallel_loop3A_1228 = arith.constant 1 : i32
      %parallel_loop3A_1229 = arith.select %parallel_loop3A_1227, %parallel_loop3A_1228, %parallel_loop3A_1225 : i32
      %parallel_loop3A_1230 = arith.remsi %parallel_loop3A_1200, %parallel_loop3A_1229 : i32
      %parallel_loop3A_1231 = arith.constant 0 : i32
      %parallel_loop3A_1232 = arith.cmpi ne, %parallel_loop3A_1230, %parallel_loop3A_1231 : i32
      %parallel_loop3A_1233 = arith.constant 0 : i32
      %parallel_loop3A_1234 = arith.cmpi slt, %parallel_loop3A_1230, %parallel_loop3A_1233 : i32
      %parallel_loop3A_1235 = arith.constant 0 : i32
      %parallel_loop3A_1236 = arith.cmpi slt, %parallel_loop3A_1229, %parallel_loop3A_1235 : i32
      %parallel_loop3A_1237 = arith.xori %parallel_loop3A_1234, %parallel_loop3A_1236 : i1
      %parallel_loop3A_1238 = arith.andi %parallel_loop3A_1237, %parallel_loop3A_1232 : i1
      %parallel_loop3A_1239 = arith.addi %parallel_loop3A_1230, %parallel_loop3A_1229 : i32
      %parallel_loop3A_1240 = arith.select %parallel_loop3A_1238, %parallel_loop3A_1239, %parallel_loop3A_1230 : i32
      %parallel_loop3A_1241 = arith.index_cast %parallel_loop3A_1224 : i32 to index
      %parallel_loop3A_1242 = arith.index_cast %parallel_loop3A_1240 : i32 to index
      %parallel_loop3A_1243 = tpu.vector_load %arg10[%parallel_loop3A_1241, %parallel_loop3A_1242] {strides = array<i32>} : memref<16x1024xf32, #tpu.memory_space<vmem>>, vector<1x16xf32>,
      %parallel_loop3A_1244 = vector.shape_cast %parallel_loop3A_1243 : vector<1x16xf32> to vector<16xf32>
      %parallel_loop3A_1245 = arith.index_cast %parallel_loop3A_1224 : i32 to index
      %parallel_loop3A_1246 = arith.index_cast %parallel_loop3A_1240 : i32 to index
      %parallel_loop3A_1247 = tpu.vector_load %arg9[%parallel_loop3A_1245, %parallel_loop3A_1246] {strides = array<i32>} : memref<16x1024xf32, #tpu.memory_space<vmem>>, vector<1x16xf32>,
      %parallel_loop3A_1248 = vector.shape_cast %parallel_loop3A_1247 : vector<1x16xf32> to vector<16xf32>
      %parallel_loop3A_1249 = vector.shape_cast %parallel_loop3A_1244 : vector<16xf32> to vector<1x16xf32>
      tpu.vector_store %arg9[%parallel_loop3A_1245, %parallel_loop3A_1246], %parallel_loop3A_1249 {add = true, strides = array<i32>} : memref<16x1024xf32, #tpu.memory_space<vmem>>, vector<1x16xf32>,
    } {sc.loop_unroll_factor = 8 : i64, sc.parallel_access}
    %add3A_735 = arith.constant 64 : i32
    %add3A_736 = arith.addi %mul3A_2, %add3A_735 : i32
    %dma_start3A_737 = arith.constant 2 : i32
    %dma_start3A_738 = arith.constant 0 : i32
    %dma_start3A_739 = tpu.memref_slice %arg4[%dma_start3A_737, %add3A_736, %dma_start3A_738] : memref<4x4096x1024xf32, #tpu.memory_space<hbm>> -> memref<1x16x1024xf32, #tpu.memory_space<hbm>>
    %dma_start3A_740 = tpu.memref_squeeze %dma_start3A_739 : memref<1x16x1024xf32, #tpu.memory_space<hbm>> -> memref<16x1024xf32, #tpu.memory_space<hbm>>
    %dma_start3A_741 = arith.constant 0 : i32
    %dma_start3A_742 = tpu.memref_slice %arg4[%dma_start3A_737, %add3A_736, %dma_start3A_741] : memref<4x4096x1024xf32, #tpu.memory_space<hbm>> -> memref<1x16x1024xf32, #tpu.memory_space<hbm>>
    %dma_start3A_743 = tpu.memref_squeeze %dma_start3A_742 : memref<1x16x1024xf32, #tpu.memory_space<hbm>> -> memref<16x1024xf32, #tpu.memory_space<hbm>>
    tpu.enqueue_dma source(%arg8 : memref<16x1024xf32, #tpu.memory_space<vmem>>) target(%dma_start3A_743 : memref<16x1024xf32, #tpu.memory_space<hbm>>) target_semaphore(%arg20 : memref<!tpu.dma_semaphore, #tpu.memory_space<semaphore_mem>>)
    %dma_wait3A_744 = arith.constant 1 : i32
    %dma_wait3A_745 = arith.constant 0 : i32
    %dma_wait3A_746 = tpu.memref_slice %arg4[%dma_wait3A_744, %add3A_701, %dma_wait3A_745] : memref<4x4096x1024xf32, #tpu.memory_space<hbm>> -> memref<1x16x1024xf32, #tpu.memory_space<hbm>>
    %dma_wait3A_747 = tpu.memref_squeeze %dma_wait3A_746 : memref<1x16x1024xf32, #tpu.memory_space<hbm>> -> memref<16x1024xf32, #tpu.memory_space<hbm>>
    %dma_wait3A_748 = arith.constant 0 : i32
    %dma_wait3A_749 = tpu.memref_slice %arg4[%dma_wait3A_744, %add3A_701, %dma_wait3A_748] : memref<4x4096x1024xf32, #tpu.memory_space<hbm>> -> memref<1x16x1024xf32, #tpu.memory_space<hbm>>
    %dma_wait3A_750 = tpu.memref_squeeze %dma_wait3A_749 : memref<1x16x1024xf32, #tpu.memory_space<hbm>> -> memref<16x1024xf32, #tpu.memory_space<hbm>>
    tpu.wait_dma2 semaphore(%arg19 : memref<!tpu.dma_semaphore, #tpu.memory_space<semaphore_mem>>) src(%arg7 : memref<16x1024xf32, #tpu.memory_space<vmem>>) dst(%dma_wait3A_750 : memref<16x1024xf32, #tpu.memory_space<hbm>>)
    %add3A_751 = arith.constant 80 : i32
    %add3A_752 = arith.addi %mul3A_2, %add3A_751 : i32
    %dma_start3A_753 = arith.constant 2 : i32
    %dma_start3A_754 = arith.constant 0 : i32
    %dma_start3A_755 = tpu.memref_slice %arg2[%dma_start3A_753, %add3A_752, %dma_start3A_754] : memref<4x4096x1024xf32, #tpu.memory_space<hbm>> -> memref<1x16x1024xf32, #tpu.memory_space<hbm>>
    %dma_start3A_756 = tpu.memref_squeeze %dma_start3A_755 : memref<1x16x1024xf32, #tpu.memory_space<hbm>> -> memref<16x1024xf32, #tpu.memory_space<hbm>>
    %dma_start3A_757 = arith.constant 0 : i32
    %dma_start3A_758 = tpu.memref_slice %arg2[%dma_start3A_753, %add3A_752, %dma_start3A_757] : memref<4x4096x1024xf32, #tpu.memory_space<hbm>> -> memref<1x16x1024xf32, #tpu.memory_space<hbm>>
    %dma_start3A_759 = tpu.memref_squeeze %dma_start3A_758 : memref<1x16x1024xf32, #tpu.memory_space<hbm>> -> memref<16x1024xf32, #tpu.memory_space<hbm>>
    tpu.enqueue_dma source(%dma_start3A_759 : memref<16x1024xf32, #tpu.memory_space<hbm>>) target(%arg7 : memref<16x1024xf32, #tpu.memory_space<vmem>>) target_semaphore(%arg14 : memref<!tpu.dma_semaphore, #tpu.memory_space<semaphore_mem>>)
    %dma_wait3A_760 = arith.constant 0 : i32
    %dma_wait3A_761 = arith.constant 0 : i32
    %dma_wait3A_762 = tpu.memref_slice %arg2[%dma_wait3A_760, %add3A_682, %dma_wait3A_761] : memref<4x4096x1024xf32, #tpu.memory_space<hbm>> -> memref<1x16x1024xf32, #tpu.memory_space<hbm>>
    %dma_wait3A_763 = tpu.memref_squeeze %dma_wait3A_762 : memref<1x16x1024xf32, #tpu.memory_space<hbm>> -> memref<16x1024xf32, #tpu.memory_space<hbm>>
    %dma_wait3A_764 = arith.constant 0 : i32
    %dma_wait3A_765 = tpu.memref_slice %arg2[%dma_wait3A_760, %add3A_682, %dma_wait3A_764] : memref<4x4096x1024xf32, #tpu.memory_space<hbm>> -> memref<1x16x1024xf32, #tpu.memory_space<hbm>>
    %dma_wait3A_766 = tpu.memref_squeeze %dma_wait3A_765 : memref<1x16x1024xf32, #tpu.memory_space<hbm>> -> memref<16x1024xf32, #tpu.memory_space<hbm>>
    tpu.wait_dma2 semaphore(%arg12 : memref<!tpu.dma_semaphore, #tpu.memory_space<semaphore_mem>>) src(%dma_wait3A_766 : memref<16x1024xf32, #tpu.memory_space<hbm>>) dst(%arg5 : memref<16x1024xf32, #tpu.memory_space<vmem>>)
    %dma_wait3A_767 = arith.constant 0 : i32
    %dma_wait3A_768 = tpu.memref_slice %arg3[%add3A_634, %dma_wait3A_767] : memref<8192x1024xf32, #tpu.memory_space<hbm>> -> memref<16x1024xf32, #tpu.memory_space<hbm>>
    %dma_wait3A_769 = arith.constant 0 : i32
    %dma_wait3A_770 = tpu.memref_slice %arg3[%add3A_634, %dma_wait3A_769] : memref<8192x1024xf32, #tpu.memory_space<hbm>> -> memref<16x1024xf32, #tpu.memory_space<hbm>>
    tpu.wait_dma2 semaphore(%arg23 : memref<!tpu.dma_semaphore, #tpu.memory_space<semaphore_mem>>) src(%dma_wait3A_770 : memref<16x1024xf32, #tpu.memory_space<hbm>>) dst(%arg11 : memref<16x1024xf32, #tpu.memory_space<vmem>>)
    %parallel_loop3A_771 = arith.constant 0 : i32
    %parallel_loop3A_772 = arith.constant 16384 : i32
    %parallel_loop3A_773 = arith.constant 16 : i32
    scf.for %parallel_loop3A_1200 = %parallel_loop3A_771 to %parallel_loop3A_772 step %parallel_loop3A_773  : i32 {
      %parallel_loop3A_1201 = arith.constant 1024 : i32
      %parallel_loop3A_1202 = arith.divsi %parallel_loop3A_1200, %parallel_loop3A_1201 : i32
      %parallel_loop3A_1203 = arith.constant 0 : i32
      %parallel_loop3A_1204 = arith.cmpi sgt, %parallel_loop3A_1200, %parallel_loop3A_1203 : i32
      %parallel_loop3A_1205 = arith.extui %parallel_loop3A_1204 : i1 to i32
      %parallel_loop3A_1206 = arith.constant 0 : i32
      %parallel_loop3A_1207 = arith.cmpi slt, %parallel_loop3A_1200, %parallel_loop3A_1206 : i32
      %parallel_loop3A_1208 = arith.extui %parallel_loop3A_1207 : i1 to i32
      %parallel_loop3A_1209 = arith.subi %parallel_loop3A_1205, %parallel_loop3A_1208 : i32
      %parallel_loop3A_1210 = arith.constant 0 : i32
      %parallel_loop3A_1211 = arith.cmpi sgt, %parallel_loop3A_1201, %parallel_loop3A_1210 : i32
      %parallel_loop3A_1212 = arith.extui %parallel_loop3A_1211 : i1 to i32
      %parallel_loop3A_1213 = arith.constant 0 : i32
      %parallel_loop3A_1214 = arith.cmpi slt, %parallel_loop3A_1201, %parallel_loop3A_1213 : i32
      %parallel_loop3A_1215 = arith.extui %parallel_loop3A_1214 : i1 to i32
      %parallel_loop3A_1216 = arith.subi %parallel_loop3A_1212, %parallel_loop3A_1215 : i32
      %parallel_loop3A_1217 = arith.cmpi ne, %parallel_loop3A_1209, %parallel_loop3A_1216 : i32
      %parallel_loop3A_1218 = arith.remsi %parallel_loop3A_1200, %parallel_loop3A_1201 : i32
      %parallel_loop3A_1219 = arith.constant 0 : i32
      %parallel_loop3A_1220 = arith.cmpi ne, %parallel_loop3A_1218, %parallel_loop3A_1219 : i32
      %parallel_loop3A_1221 = arith.andi %parallel_loop3A_1217, %parallel_loop3A_1220 : i1
      %parallel_loop3A_1222 = arith.constant 1 : i32
      %parallel_loop3A_1223 = arith.subi %parallel_loop3A_1202, %parallel_loop3A_1222 : i32
      %parallel_loop3A_1224 = arith.select %parallel_loop3A_1221, %parallel_loop3A_1223, %parallel_loop3A_1202 : i32
      %parallel_loop3A_1225 = arith.constant 1024 : i32
      %parallel_loop3A_1226 = arith.constant 0 : i32
      %parallel_loop3A_1227 = arith.cmpi eq, %parallel_loop3A_1225, %parallel_loop3A_1226 : i32
      %parallel_loop3A_1228 = arith.constant 1 : i32
      %parallel_loop3A_1229 = arith.select %parallel_loop3A_1227, %parallel_loop3A_1228, %parallel_loop3A_1225 : i32
      %parallel_loop3A_1230 = arith.remsi %parallel_loop3A_1200, %parallel_loop3A_1229 : i32
      %parallel_loop3A_1231 = arith.constant 0 : i32
      %parallel_loop3A_1232 = arith.cmpi ne, %parallel_loop3A_1230, %parallel_loop3A_1231 : i32
      %parallel_loop3A_1233 = arith.constant 0 : i32
      %parallel_loop3A_1234 = arith.cmpi slt, %parallel_loop3A_1230, %parallel_loop3A_1233 : i32
      %parallel_loop3A_1235 = arith.constant 0 : i32
      %parallel_loop3A_1236 = arith.cmpi slt, %parallel_loop3A_1229, %parallel_loop3A_1235 : i32
      %parallel_loop3A_1237 = arith.xori %parallel_loop3A_1234, %parallel_loop3A_1236 : i1
      %parallel_loop3A_1238 = arith.andi %parallel_loop3A_1237, %parallel_loop3A_1232 : i1
      %parallel_loop3A_1239 = arith.addi %parallel_loop3A_1230, %parallel_loop3A_1229 : i32
      %parallel_loop3A_1240 = arith.select %parallel_loop3A_1238, %parallel_loop3A_1239, %parallel_loop3A_1230 : i32
      %parallel_loop3A_1241 = arith.index_cast %parallel_loop3A_1224 : i32 to index
      %parallel_loop3A_1242 = arith.index_cast %parallel_loop3A_1240 : i32 to index
      %parallel_loop3A_1243 = tpu.vector_load %arg11[%parallel_loop3A_1241, %parallel_loop3A_1242] {strides = array<i32>} : memref<16x1024xf32, #tpu.memory_space<vmem>>, vector<1x16xf32>,
      %parallel_loop3A_1244 = vector.shape_cast %parallel_loop3A_1243 : vector<1x16xf32> to vector<16xf32>
      %parallel_loop3A_1245 = arith.index_cast %parallel_loop3A_1224 : i32 to index
      %parallel_loop3A_1246 = arith.index_cast %parallel_loop3A_1240 : i32 to index
      %parallel_loop3A_1247 = tpu.vector_load %arg5[%parallel_loop3A_1245, %parallel_loop3A_1246] {strides = array<i32>} : memref<16x1024xf32, #tpu.memory_space<vmem>>, vector<1x16xf32>,
      %parallel_loop3A_1248 = vector.shape_cast %parallel_loop3A_1247 : vector<1x16xf32> to vector<16xf32>
      %parallel_loop3A_1249 = vector.shape_cast %parallel_loop3A_1244 : vector<16xf32> to vector<1x16xf32>
      tpu.vector_store %arg5[%parallel_loop3A_1245, %parallel_loop3A_1246], %parallel_loop3A_1249 {add = true, strides = array<i32>} : memref<16x1024xf32, #tpu.memory_space<vmem>>, vector<1x16xf32>,
    } {sc.loop_unroll_factor = 8 : i64, sc.parallel_access}
    %add3A_774 = arith.constant 64 : i32
    %add3A_775 = arith.addi %mul3A_2, %add3A_774 : i32
    %dma_start3A_776 = arith.constant 3 : i32
    %dma_start3A_777 = arith.constant 0 : i32
    %dma_start3A_778 = tpu.memref_slice %arg4[%dma_start3A_776, %add3A_775, %dma_start3A_777] : memref<4x4096x1024xf32, #tpu.memory_space<hbm>> -> memref<1x16x1024xf32, #tpu.memory_space<hbm>>
    %dma_start3A_779 = tpu.memref_squeeze %dma_start3A_778 : memref<1x16x1024xf32, #tpu.memory_space<hbm>> -> memref<16x1024xf32, #tpu.memory_space<hbm>>
    %dma_start3A_780 = arith.constant 0 : i32
    %dma_start3A_781 = tpu.memref_slice %arg4[%dma_start3A_776, %add3A_775, %dma_start3A_780] : memref<4x4096x1024xf32, #tpu.memory_space<hbm>> -> memref<1x16x1024xf32, #tpu.memory_space<hbm>>
    %dma_start3A_782 = tpu.memref_squeeze %dma_start3A_781 : memref<1x16x1024xf32, #tpu.memory_space<hbm>> -> memref<16x1024xf32, #tpu.memory_space<hbm>>
    tpu.enqueue_dma source(%arg9 : memref<16x1024xf32, #tpu.memory_space<vmem>>) target(%dma_start3A_782 : memref<16x1024xf32, #tpu.memory_space<hbm>>) target_semaphore(%arg21 : memref<!tpu.dma_semaphore, #tpu.memory_space<semaphore_mem>>)
    %add3A_783 = arith.constant 96 : i32
    %add3A_784 = arith.addi %mul3A_2, %add3A_783 : i32
    %dma_start3A_785 = arith.constant 0 : i32
    %dma_start3A_786 = tpu.memref_slice %arg3[%add3A_784, %dma_start3A_785] : memref<8192x1024xf32, #tpu.memory_space<hbm>> -> memref<16x1024xf32, #tpu.memory_space<hbm>>
    %dma_start3A_787 = arith.constant 0 : i32
    %dma_start3A_788 = tpu.memref_slice %arg3[%add3A_784, %dma_start3A_787] : memref<8192x1024xf32, #tpu.memory_space<hbm>> -> memref<16x1024xf32, #tpu.memory_space<hbm>>
    tpu.enqueue_dma source(%dma_start3A_788 : memref<16x1024xf32, #tpu.memory_space<hbm>>) target(%arg10 : memref<16x1024xf32, #tpu.memory_space<vmem>>) target_semaphore(%arg22 : memref<!tpu.dma_semaphore, #tpu.memory_space<semaphore_mem>>)
    %dma_wait3A_789 = arith.constant 2 : i32
    %dma_wait3A_790 = arith.constant 0 : i32
    %dma_wait3A_791 = tpu.memref_slice %arg4[%dma_wait3A_789, %add3A_736, %dma_wait3A_790] : memref<4x4096x1024xf32, #tpu.memory_space<hbm>> -> memref<1x16x1024xf32, #tpu.memory_space<hbm>>
    %dma_wait3A_792 = tpu.memref_squeeze %dma_wait3A_791 : memref<1x16x1024xf32, #tpu.memory_space<hbm>> -> memref<16x1024xf32, #tpu.memory_space<hbm>>
    %dma_wait3A_793 = arith.constant 0 : i32
    %dma_wait3A_794 = tpu.memref_slice %arg4[%dma_wait3A_789, %add3A_736, %dma_wait3A_793] : memref<4x4096x1024xf32, #tpu.memory_space<hbm>> -> memref<1x16x1024xf32, #tpu.memory_space<hbm>>
    %dma_wait3A_795 = tpu.memref_squeeze %dma_wait3A_794 : memref<1x16x1024xf32, #tpu.memory_space<hbm>> -> memref<16x1024xf32, #tpu.memory_space<hbm>>
    tpu.wait_dma2 semaphore(%arg20 : memref<!tpu.dma_semaphore, #tpu.memory_space<semaphore_mem>>) src(%arg8 : memref<16x1024xf32, #tpu.memory_space<vmem>>) dst(%dma_wait3A_795 : memref<16x1024xf32, #tpu.memory_space<hbm>>)
    %add3A_796 = arith.constant 80 : i32
    %add3A_797 = arith.addi %mul3A_2, %add3A_796 : i32
    %dma_start3A_798 = arith.constant 3 : i32
    %dma_start3A_799 = arith.constant 0 : i32
    %dma_start3A_800 = tpu.memref_slice %arg2[%dma_start3A_798, %add3A_797, %dma_start3A_799] : memref<4x4096x1024xf32, #tpu.memory_space<hbm>> -> memref<1x16x1024xf32, #tpu.memory_space<hbm>>
    %dma_start3A_801 = tpu.memref_squeeze %dma_start3A_800 : memref<1x16x1024xf32, #tpu.memory_space<hbm>> -> memref<16x1024xf32, #tpu.memory_space<hbm>>
    %dma_start3A_802 = arith.constant 0 : i32
    %dma_start3A_803 = tpu.memref_slice %arg2[%dma_start3A_798, %add3A_797, %dma_start3A_802] : memref<4x4096x1024xf32, #tpu.memory_space<hbm>> -> memref<1x16x1024xf32, #tpu.memory_space<hbm>>
    %dma_start3A_804 = tpu.memref_squeeze %dma_start3A_803 : memref<1x16x1024xf32, #tpu.memory_space<hbm>> -> memref<16x1024xf32, #tpu.memory_space<hbm>>
    tpu.enqueue_dma source(%dma_start3A_804 : memref<16x1024xf32, #tpu.memory_space<hbm>>) target(%arg8 : memref<16x1024xf32, #tpu.memory_space<vmem>>) target_semaphore(%arg15 : memref<!tpu.dma_semaphore, #tpu.memory_space<semaphore_mem>>)
    %dma_wait3A_805 = arith.constant 1 : i32
    %dma_wait3A_806 = arith.constant 0 : i32
    %dma_wait3A_807 = tpu.memref_slice %arg2[%dma_wait3A_805, %add3A_717, %dma_wait3A_806] : memref<4x4096x1024xf32, #tpu.memory_space<hbm>> -> memref<1x16x1024xf32, #tpu.memory_space<hbm>>
    %dma_wait3A_808 = tpu.memref_squeeze %dma_wait3A_807 : memref<1x16x1024xf32, #tpu.memory_space<hbm>> -> memref<16x1024xf32, #tpu.memory_space<hbm>>
    %dma_wait3A_809 = arith.constant 0 : i32
    %dma_wait3A_810 = tpu.memref_slice %arg2[%dma_wait3A_805, %add3A_717, %dma_wait3A_809] : memref<4x4096x1024xf32, #tpu.memory_space<hbm>> -> memref<1x16x1024xf32, #tpu.memory_space<hbm>>
    %dma_wait3A_811 = tpu.memref_squeeze %dma_wait3A_810 : memref<1x16x1024xf32, #tpu.memory_space<hbm>> -> memref<16x1024xf32, #tpu.memory_space<hbm>>
    tpu.wait_dma2 semaphore(%arg13 : memref<!tpu.dma_semaphore, #tpu.memory_space<semaphore_mem>>) src(%dma_wait3A_811 : memref<16x1024xf32, #tpu.memory_space<hbm>>) dst(%arg6 : memref<16x1024xf32, #tpu.memory_space<vmem>>)
    %parallel_loop3A_812 = arith.constant 0 : i32
    %parallel_loop3A_813 = arith.constant 16384 : i32
    %parallel_loop3A_814 = arith.constant 16 : i32
    scf.for %parallel_loop3A_1200 = %parallel_loop3A_812 to %parallel_loop3A_813 step %parallel_loop3A_814  : i32 {
      %parallel_loop3A_1201 = arith.constant 1024 : i32
      %parallel_loop3A_1202 = arith.divsi %parallel_loop3A_1200, %parallel_loop3A_1201 : i32
      %parallel_loop3A_1203 = arith.constant 0 : i32
      %parallel_loop3A_1204 = arith.cmpi sgt, %parallel_loop3A_1200, %parallel_loop3A_1203 : i32
      %parallel_loop3A_1205 = arith.extui %parallel_loop3A_1204 : i1 to i32
      %parallel_loop3A_1206 = arith.constant 0 : i32
      %parallel_loop3A_1207 = arith.cmpi slt, %parallel_loop3A_1200, %parallel_loop3A_1206 : i32
      %parallel_loop3A_1208 = arith.extui %parallel_loop3A_1207 : i1 to i32
      %parallel_loop3A_1209 = arith.subi %parallel_loop3A_1205, %parallel_loop3A_1208 : i32
      %parallel_loop3A_1210 = arith.constant 0 : i32
      %parallel_loop3A_1211 = arith.cmpi sgt, %parallel_loop3A_1201, %parallel_loop3A_1210 : i32
      %parallel_loop3A_1212 = arith.extui %parallel_loop3A_1211 : i1 to i32
      %parallel_loop3A_1213 = arith.constant 0 : i32
      %parallel_loop3A_1214 = arith.cmpi slt, %parallel_loop3A_1201, %parallel_loop3A_1213 : i32
      %parallel_loop3A_1215 = arith.extui %parallel_loop3A_1214 : i1 to i32
      %parallel_loop3A_1216 = arith.subi %parallel_loop3A_1212, %parallel_loop3A_1215 : i32
      %parallel_loop3A_1217 = arith.cmpi ne, %parallel_loop3A_1209, %parallel_loop3A_1216 : i32
      %parallel_loop3A_1218 = arith.remsi %parallel_loop3A_1200, %parallel_loop3A_1201 : i32
      %parallel_loop3A_1219 = arith.constant 0 : i32
      %parallel_loop3A_1220 = arith.cmpi ne, %parallel_loop3A_1218, %parallel_loop3A_1219 : i32
      %parallel_loop3A_1221 = arith.andi %parallel_loop3A_1217, %parallel_loop3A_1220 : i1
      %parallel_loop3A_1222 = arith.constant 1 : i32
      %parallel_loop3A_1223 = arith.subi %parallel_loop3A_1202, %parallel_loop3A_1222 : i32
      %parallel_loop3A_1224 = arith.select %parallel_loop3A_1221, %parallel_loop3A_1223, %parallel_loop3A_1202 : i32
      %parallel_loop3A_1225 = arith.constant 1024 : i32
      %parallel_loop3A_1226 = arith.constant 0 : i32
      %parallel_loop3A_1227 = arith.cmpi eq, %parallel_loop3A_1225, %parallel_loop3A_1226 : i32
      %parallel_loop3A_1228 = arith.constant 1 : i32
      %parallel_loop3A_1229 = arith.select %parallel_loop3A_1227, %parallel_loop3A_1228, %parallel_loop3A_1225 : i32
      %parallel_loop3A_1230 = arith.remsi %parallel_loop3A_1200, %parallel_loop3A_1229 : i32
      %parallel_loop3A_1231 = arith.constant 0 : i32
      %parallel_loop3A_1232 = arith.cmpi ne, %parallel_loop3A_1230, %parallel_loop3A_1231 : i32
      %parallel_loop3A_1233 = arith.constant 0 : i32
      %parallel_loop3A_1234 = arith.cmpi slt, %parallel_loop3A_1230, %parallel_loop3A_1233 : i32
      %parallel_loop3A_1235 = arith.constant 0 : i32
      %parallel_loop3A_1236 = arith.cmpi slt, %parallel_loop3A_1229, %parallel_loop3A_1235 : i32
      %parallel_loop3A_1237 = arith.xori %parallel_loop3A_1234, %parallel_loop3A_1236 : i1
      %parallel_loop3A_1238 = arith.andi %parallel_loop3A_1237, %parallel_loop3A_1232 : i1
      %parallel_loop3A_1239 = arith.addi %parallel_loop3A_1230, %parallel_loop3A_1229 : i32
      %parallel_loop3A_1240 = arith.select %parallel_loop3A_1238, %parallel_loop3A_1239, %parallel_loop3A_1230 : i32
      %parallel_loop3A_1241 = arith.index_cast %parallel_loop3A_1224 : i32 to index
      %parallel_loop3A_1242 = arith.index_cast %parallel_loop3A_1240 : i32 to index
      %parallel_loop3A_1243 = tpu.vector_load %arg11[%parallel_loop3A_1241, %parallel_loop3A_1242] {strides = array<i32>} : memref<16x1024xf32, #tpu.memory_space<vmem>>, vector<1x16xf32>,
      %parallel_loop3A_1244 = vector.shape_cast %parallel_loop3A_1243 : vector<1x16xf32> to vector<16xf32>
      %parallel_loop3A_1245 = arith.index_cast %parallel_loop3A_1224 : i32 to index
      %parallel_loop3A_1246 = arith.index_cast %parallel_loop3A_1240 : i32 to index
      %parallel_loop3A_1247 = tpu.vector_load %arg6[%parallel_loop3A_1245, %parallel_loop3A_1246] {strides = array<i32>} : memref<16x1024xf32, #tpu.memory_space<vmem>>, vector<1x16xf32>,
      %parallel_loop3A_1248 = vector.shape_cast %parallel_loop3A_1247 : vector<1x16xf32> to vector<16xf32>
      %parallel_loop3A_1249 = vector.shape_cast %parallel_loop3A_1244 : vector<16xf32> to vector<1x16xf32>
      tpu.vector_store %arg6[%parallel_loop3A_1245, %parallel_loop3A_1246], %parallel_loop3A_1249 {add = true, strides = array<i32>} : memref<16x1024xf32, #tpu.memory_space<vmem>>, vector<1x16xf32>,
    } {sc.loop_unroll_factor = 8 : i64, sc.parallel_access}
    %add3A_815 = arith.constant 80 : i32
    %add3A_816 = arith.addi %mul3A_2, %add3A_815 : i32
    %dma_start3A_817 = arith.constant 0 : i32
    %dma_start3A_818 = arith.constant 0 : i32
    %dma_start3A_819 = tpu.memref_slice %arg4[%dma_start3A_817, %add3A_816, %dma_start3A_818] : memref<4x4096x1024xf32, #tpu.memory_space<hbm>> -> memref<1x16x1024xf32, #tpu.memory_space<hbm>>
    %dma_start3A_820 = tpu.memref_squeeze %dma_start3A_819 : memref<1x16x1024xf32, #tpu.memory_space<hbm>> -> memref<16x1024xf32, #tpu.memory_space<hbm>>
    %dma_start3A_821 = arith.constant 0 : i32
    %dma_start3A_822 = tpu.memref_slice %arg4[%dma_start3A_817, %add3A_816, %dma_start3A_821] : memref<4x4096x1024xf32, #tpu.memory_space<hbm>> -> memref<1x16x1024xf32, #tpu.memory_space<hbm>>
    %dma_start3A_823 = tpu.memref_squeeze %dma_start3A_822 : memref<1x16x1024xf32, #tpu.memory_space<hbm>> -> memref<16x1024xf32, #tpu.memory_space<hbm>>
    tpu.enqueue_dma source(%arg5 : memref<16x1024xf32, #tpu.memory_space<vmem>>) target(%dma_start3A_823 : memref<16x1024xf32, #tpu.memory_space<hbm>>) target_semaphore(%arg17 : memref<!tpu.dma_semaphore, #tpu.memory_space<semaphore_mem>>)
    %dma_wait3A_824 = arith.constant 3 : i32
    %dma_wait3A_825 = arith.constant 0 : i32
    %dma_wait3A_826 = tpu.memref_slice %arg4[%dma_wait3A_824, %add3A_775, %dma_wait3A_825] : memref<4x4096x1024xf32, #tpu.memory_space<hbm>> -> memref<1x16x1024xf32, #tpu.memory_space<hbm>>
    %dma_wait3A_827 = tpu.memref_squeeze %dma_wait3A_826 : memref<1x16x1024xf32, #tpu.memory_space<hbm>> -> memref<16x1024xf32, #tpu.memory_space<hbm>>
    %dma_wait3A_828 = arith.constant 0 : i32
    %dma_wait3A_829 = tpu.memref_slice %arg4[%dma_wait3A_824, %add3A_775, %dma_wait3A_828] : memref<4x4096x1024xf32, #tpu.memory_space<hbm>> -> memref<1x16x1024xf32, #tpu.memory_space<hbm>>
    %dma_wait3A_830 = tpu.memref_squeeze %dma_wait3A_829 : memref<1x16x1024xf32, #tpu.memory_space<hbm>> -> memref<16x1024xf32, #tpu.memory_space<hbm>>
    tpu.wait_dma2 semaphore(%arg21 : memref<!tpu.dma_semaphore, #tpu.memory_space<semaphore_mem>>) src(%arg9 : memref<16x1024xf32, #tpu.memory_space<vmem>>) dst(%dma_wait3A_830 : memref<16x1024xf32, #tpu.memory_space<hbm>>)
    %add3A_831 = arith.constant 96 : i32
    %add3A_832 = arith.addi %mul3A_2, %add3A_831 : i32
    %dma_start3A_833 = arith.constant 0 : i32
    %dma_start3A_834 = arith.constant 0 : i32
    %dma_start3A_835 = tpu.memref_slice %arg2[%dma_start3A_833, %add3A_832, %dma_start3A_834] : memref<4x4096x1024xf32, #tpu.memory_space<hbm>> -> memref<1x16x1024xf32, #tpu.memory_space<hbm>>
    %dma_start3A_836 = tpu.memref_squeeze %dma_start3A_835 : memref<1x16x1024xf32, #tpu.memory_space<hbm>> -> memref<16x1024xf32, #tpu.memory_space<hbm>>
    %dma_start3A_837 = arith.constant 0 : i32
    %dma_start3A_838 = tpu.memref_slice %arg2[%dma_start3A_833, %add3A_832, %dma_start3A_837] : memref<4x4096x1024xf32, #tpu.memory_space<hbm>> -> memref<1x16x1024xf32, #tpu.memory_space<hbm>>
    %dma_start3A_839 = tpu.memref_squeeze %dma_start3A_838 : memref<1x16x1024xf32, #tpu.memory_space<hbm>> -> memref<16x1024xf32, #tpu.memory_space<hbm>>
    tpu.enqueue_dma source(%dma_start3A_839 : memref<16x1024xf32, #tpu.memory_space<hbm>>) target(%arg9 : memref<16x1024xf32, #tpu.memory_space<vmem>>) target_semaphore(%arg16 : memref<!tpu.dma_semaphore, #tpu.memory_space<semaphore_mem>>)
    %dma_wait3A_840 = arith.constant 2 : i32
    %dma_wait3A_841 = arith.constant 0 : i32
    %dma_wait3A_842 = tpu.memref_slice %arg2[%dma_wait3A_840, %add3A_752, %dma_wait3A_841] : memref<4x4096x1024xf32, #tpu.memory_space<hbm>> -> memref<1x16x1024xf32, #tpu.memory_space<hbm>>
    %dma_wait3A_843 = tpu.memref_squeeze %dma_wait3A_842 : memref<1x16x1024xf32, #tpu.memory_space<hbm>> -> memref<16x1024xf32, #tpu.memory_space<hbm>>
    %dma_wait3A_844 = arith.constant 0 : i32
    %dma_wait3A_845 = tpu.memref_slice %arg2[%dma_wait3A_840, %add3A_752, %dma_wait3A_844] : memref<4x4096x1024xf32, #tpu.memory_space<hbm>> -> memref<1x16x1024xf32, #tpu.memory_space<hbm>>
    %dma_wait3A_846 = tpu.memref_squeeze %dma_wait3A_845 : memref<1x16x1024xf32, #tpu.memory_space<hbm>> -> memref<16x1024xf32, #tpu.memory_space<hbm>>
    tpu.wait_dma2 semaphore(%arg14 : memref<!tpu.dma_semaphore, #tpu.memory_space<semaphore_mem>>) src(%dma_wait3A_846 : memref<16x1024xf32, #tpu.memory_space<hbm>>) dst(%arg7 : memref<16x1024xf32, #tpu.memory_space<vmem>>)
    %parallel_loop3A_847 = arith.constant 0 : i32
    %parallel_loop3A_848 = arith.constant 16384 : i32
    %parallel_loop3A_849 = arith.constant 16 : i32
    scf.for %parallel_loop3A_1200 = %parallel_loop3A_847 to %parallel_loop3A_848 step %parallel_loop3A_849  : i32 {
      %parallel_loop3A_1201 = arith.constant 1024 : i32
      %parallel_loop3A_1202 = arith.divsi %parallel_loop3A_1200, %parallel_loop3A_1201 : i32
      %parallel_loop3A_1203 = arith.constant 0 : i32
      %parallel_loop3A_1204 = arith.cmpi sgt, %parallel_loop3A_1200, %parallel_loop3A_1203 : i32
      %parallel_loop3A_1205 = arith.extui %parallel_loop3A_1204 : i1 to i32
      %parallel_loop3A_1206 = arith.constant 0 : i32
      %parallel_loop3A_1207 = arith.cmpi slt, %parallel_loop3A_1200, %parallel_loop3A_1206 : i32
      %parallel_loop3A_1208 = arith.extui %parallel_loop3A_1207 : i1 to i32
      %parallel_loop3A_1209 = arith.subi %parallel_loop3A_1205, %parallel_loop3A_1208 : i32
      %parallel_loop3A_1210 = arith.constant 0 : i32
      %parallel_loop3A_1211 = arith.cmpi sgt, %parallel_loop3A_1201, %parallel_loop3A_1210 : i32
      %parallel_loop3A_1212 = arith.extui %parallel_loop3A_1211 : i1 to i32
      %parallel_loop3A_1213 = arith.constant 0 : i32
      %parallel_loop3A_1214 = arith.cmpi slt, %parallel_loop3A_1201, %parallel_loop3A_1213 : i32
      %parallel_loop3A_1215 = arith.extui %parallel_loop3A_1214 : i1 to i32
      %parallel_loop3A_1216 = arith.subi %parallel_loop3A_1212, %parallel_loop3A_1215 : i32
      %parallel_loop3A_1217 = arith.cmpi ne, %parallel_loop3A_1209, %parallel_loop3A_1216 : i32
      %parallel_loop3A_1218 = arith.remsi %parallel_loop3A_1200, %parallel_loop3A_1201 : i32
      %parallel_loop3A_1219 = arith.constant 0 : i32
      %parallel_loop3A_1220 = arith.cmpi ne, %parallel_loop3A_1218, %parallel_loop3A_1219 : i32
      %parallel_loop3A_1221 = arith.andi %parallel_loop3A_1217, %parallel_loop3A_1220 : i1
      %parallel_loop3A_1222 = arith.constant 1 : i32
      %parallel_loop3A_1223 = arith.subi %parallel_loop3A_1202, %parallel_loop3A_1222 : i32
      %parallel_loop3A_1224 = arith.select %parallel_loop3A_1221, %parallel_loop3A_1223, %parallel_loop3A_1202 : i32
      %parallel_loop3A_1225 = arith.constant 1024 : i32
      %parallel_loop3A_1226 = arith.constant 0 : i32
      %parallel_loop3A_1227 = arith.cmpi eq, %parallel_loop3A_1225, %parallel_loop3A_1226 : i32
      %parallel_loop3A_1228 = arith.constant 1 : i32
      %parallel_loop3A_1229 = arith.select %parallel_loop3A_1227, %parallel_loop3A_1228, %parallel_loop3A_1225 : i32
      %parallel_loop3A_1230 = arith.remsi %parallel_loop3A_1200, %parallel_loop3A_1229 : i32
      %parallel_loop3A_1231 = arith.constant 0 : i32
      %parallel_loop3A_1232 = arith.cmpi ne, %parallel_loop3A_1230, %parallel_loop3A_1231 : i32
      %parallel_loop3A_1233 = arith.constant 0 : i32
      %parallel_loop3A_1234 = arith.cmpi slt, %parallel_loop3A_1230, %parallel_loop3A_1233 : i32
      %parallel_loop3A_1235 = arith.constant 0 : i32
      %parallel_loop3A_1236 = arith.cmpi slt, %parallel_loop3A_1229, %parallel_loop3A_1235 : i32
      %parallel_loop3A_1237 = arith.xori %parallel_loop3A_1234, %parallel_loop3A_1236 : i1
      %parallel_loop3A_1238 = arith.andi %parallel_loop3A_1237, %parallel_loop3A_1232 : i1
      %parallel_loop3A_1239 = arith.addi %parallel_loop3A_1230, %parallel_loop3A_1229 : i32
      %parallel_loop3A_1240 = arith.select %parallel_loop3A_1238, %parallel_loop3A_1239, %parallel_loop3A_1230 : i32
      %parallel_loop3A_1241 = arith.index_cast %parallel_loop3A_1224 : i32 to index
      %parallel_loop3A_1242 = arith.index_cast %parallel_loop3A_1240 : i32 to index
      %parallel_loop3A_1243 = tpu.vector_load %arg11[%parallel_loop3A_1241, %parallel_loop3A_1242] {strides = array<i32>} : memref<16x1024xf32, #tpu.memory_space<vmem>>, vector<1x16xf32>,
      %parallel_loop3A_1244 = vector.shape_cast %parallel_loop3A_1243 : vector<1x16xf32> to vector<16xf32>
      %parallel_loop3A_1245 = arith.index_cast %parallel_loop3A_1224 : i32 to index
      %parallel_loop3A_1246 = arith.index_cast %parallel_loop3A_1240 : i32 to index
      %parallel_loop3A_1247 = tpu.vector_load %arg7[%parallel_loop3A_1245, %parallel_loop3A_1246] {strides = array<i32>} : memref<16x1024xf32, #tpu.memory_space<vmem>>, vector<1x16xf32>,
      %parallel_loop3A_1248 = vector.shape_cast %parallel_loop3A_1247 : vector<1x16xf32> to vector<16xf32>
      %parallel_loop3A_1249 = vector.shape_cast %parallel_loop3A_1244 : vector<16xf32> to vector<1x16xf32>
      tpu.vector_store %arg7[%parallel_loop3A_1245, %parallel_loop3A_1246], %parallel_loop3A_1249 {add = true, strides = array<i32>} : memref<16x1024xf32, #tpu.memory_space<vmem>>, vector<1x16xf32>,
    } {sc.loop_unroll_factor = 8 : i64, sc.parallel_access}
    %add3A_850 = arith.constant 80 : i32
    %add3A_851 = arith.addi %mul3A_2, %add3A_850 : i32
    %dma_start3A_852 = arith.constant 1 : i32
    %dma_start3A_853 = arith.constant 0 : i32
    %dma_start3A_854 = tpu.memref_slice %arg4[%dma_start3A_852, %add3A_851, %dma_start3A_853] : memref<4x4096x1024xf32, #tpu.memory_space<hbm>> -> memref<1x16x1024xf32, #tpu.memory_space<hbm>>
    %dma_start3A_855 = tpu.memref_squeeze %dma_start3A_854 : memref<1x16x1024xf32, #tpu.memory_space<hbm>> -> memref<16x1024xf32, #tpu.memory_space<hbm>>
    %dma_start3A_856 = arith.constant 0 : i32
    %dma_start3A_857 = tpu.memref_slice %arg4[%dma_start3A_852, %add3A_851, %dma_start3A_856] : memref<4x4096x1024xf32, #tpu.memory_space<hbm>> -> memref<1x16x1024xf32, #tpu.memory_space<hbm>>
    %dma_start3A_858 = tpu.memref_squeeze %dma_start3A_857 : memref<1x16x1024xf32, #tpu.memory_space<hbm>> -> memref<16x1024xf32, #tpu.memory_space<hbm>>
    tpu.enqueue_dma source(%arg6 : memref<16x1024xf32, #tpu.memory_space<vmem>>) target(%dma_start3A_858 : memref<16x1024xf32, #tpu.memory_space<hbm>>) target_semaphore(%arg18 : memref<!tpu.dma_semaphore, #tpu.memory_space<semaphore_mem>>)
    %dma_wait3A_859 = arith.constant 0 : i32
    %dma_wait3A_860 = arith.constant 0 : i32
    %dma_wait3A_861 = tpu.memref_slice %arg4[%dma_wait3A_859, %add3A_816, %dma_wait3A_860] : memref<4x4096x1024xf32, #tpu.memory_space<hbm>> -> memref<1x16x1024xf32, #tpu.memory_space<hbm>>
    %dma_wait3A_862 = tpu.memref_squeeze %dma_wait3A_861 : memref<1x16x1024xf32, #tpu.memory_space<hbm>> -> memref<16x1024xf32, #tpu.memory_space<hbm>>
    %dma_wait3A_863 = arith.constant 0 : i32
    %dma_wait3A_864 = tpu.memref_slice %arg4[%dma_wait3A_859, %add3A_816, %dma_wait3A_863] : memref<4x4096x1024xf32, #tpu.memory_space<hbm>> -> memref<1x16x1024xf32, #tpu.memory_space<hbm>>
    %dma_wait3A_865 = tpu.memref_squeeze %dma_wait3A_864 : memref<1x16x1024xf32, #tpu.memory_space<hbm>> -> memref<16x1024xf32, #tpu.memory_space<hbm>>
    tpu.wait_dma2 semaphore(%arg17 : memref<!tpu.dma_semaphore, #tpu.memory_space<semaphore_mem>>) src(%arg5 : memref<16x1024xf32, #tpu.memory_space<vmem>>) dst(%dma_wait3A_865 : memref<16x1024xf32, #tpu.memory_space<hbm>>)
    %add3A_866 = arith.constant 96 : i32
    %add3A_867 = arith.addi %mul3A_2, %add3A_866 : i32
    %dma_start3A_868 = arith.constant 1 : i32
    %dma_start3A_869 = arith.constant 0 : i32
    %dma_start3A_870 = tpu.memref_slice %arg2[%dma_start3A_868, %add3A_867, %dma_start3A_869] : memref<4x4096x1024xf32, #tpu.memory_space<hbm>> -> memref<1x16x1024xf32, #tpu.memory_space<hbm>>
    %dma_start3A_871 = tpu.memref_squeeze %dma_start3A_870 : memref<1x16x1024xf32, #tpu.memory_space<hbm>> -> memref<16x1024xf32, #tpu.memory_space<hbm>>
    %dma_start3A_872 = arith.constant 0 : i32
    %dma_start3A_873 = tpu.memref_slice %arg2[%dma_start3A_868, %add3A_867, %dma_start3A_872] : memref<4x4096x1024xf32, #tpu.memory_space<hbm>> -> memref<1x16x1024xf32, #tpu.memory_space<hbm>>
    %dma_start3A_874 = tpu.memref_squeeze %dma_start3A_873 : memref<1x16x1024xf32, #tpu.memory_space<hbm>> -> memref<16x1024xf32, #tpu.memory_space<hbm>>
    tpu.enqueue_dma source(%dma_start3A_874 : memref<16x1024xf32, #tpu.memory_space<hbm>>) target(%arg5 : memref<16x1024xf32, #tpu.memory_space<vmem>>) target_semaphore(%arg12 : memref<!tpu.dma_semaphore, #tpu.memory_space<semaphore_mem>>)
    %dma_wait3A_875 = arith.constant 3 : i32
    %dma_wait3A_876 = arith.constant 0 : i32
    %dma_wait3A_877 = tpu.memref_slice %arg2[%dma_wait3A_875, %add3A_797, %dma_wait3A_876] : memref<4x4096x1024xf32, #tpu.memory_space<hbm>> -> memref<1x16x1024xf32, #tpu.memory_space<hbm>>
    %dma_wait3A_878 = tpu.memref_squeeze %dma_wait3A_877 : memref<1x16x1024xf32, #tpu.memory_space<hbm>> -> memref<16x1024xf32, #tpu.memory_space<hbm>>
    %dma_wait3A_879 = arith.constant 0 : i32
    %dma_wait3A_880 = tpu.memref_slice %arg2[%dma_wait3A_875, %add3A_797, %dma_wait3A_879] : memref<4x4096x1024xf32, #tpu.memory_space<hbm>> -> memref<1x16x1024xf32, #tpu.memory_space<hbm>>
    %dma_wait3A_881 = tpu.memref_squeeze %dma_wait3A_880 : memref<1x16x1024xf32, #tpu.memory_space<hbm>> -> memref<16x1024xf32, #tpu.memory_space<hbm>>
    tpu.wait_dma2 semaphore(%arg15 : memref<!tpu.dma_semaphore, #tpu.memory_space<semaphore_mem>>) src(%dma_wait3A_881 : memref<16x1024xf32, #tpu.memory_space<hbm>>) dst(%arg8 : memref<16x1024xf32, #tpu.memory_space<vmem>>)
    %parallel_loop3A_882 = arith.constant 0 : i32
    %parallel_loop3A_883 = arith.constant 16384 : i32
    %parallel_loop3A_884 = arith.constant 16 : i32
    scf.for %parallel_loop3A_1200 = %parallel_loop3A_882 to %parallel_loop3A_883 step %parallel_loop3A_884  : i32 {
      %parallel_loop3A_1201 = arith.constant 1024 : i32
      %parallel_loop3A_1202 = arith.divsi %parallel_loop3A_1200, %parallel_loop3A_1201 : i32
      %parallel_loop3A_1203 = arith.constant 0 : i32
      %parallel_loop3A_1204 = arith.cmpi sgt, %parallel_loop3A_1200, %parallel_loop3A_1203 : i32
      %parallel_loop3A_1205 = arith.extui %parallel_loop3A_1204 : i1 to i32
      %parallel_loop3A_1206 = arith.constant 0 : i32
      %parallel_loop3A_1207 = arith.cmpi slt, %parallel_loop3A_1200, %parallel_loop3A_1206 : i32
      %parallel_loop3A_1208 = arith.extui %parallel_loop3A_1207 : i1 to i32
      %parallel_loop3A_1209 = arith.subi %parallel_loop3A_1205, %parallel_loop3A_1208 : i32
      %parallel_loop3A_1210 = arith.constant 0 : i32
      %parallel_loop3A_1211 = arith.cmpi sgt, %parallel_loop3A_1201, %parallel_loop3A_1210 : i32
      %parallel_loop3A_1212 = arith.extui %parallel_loop3A_1211 : i1 to i32
      %parallel_loop3A_1213 = arith.constant 0 : i32
      %parallel_loop3A_1214 = arith.cmpi slt, %parallel_loop3A_1201, %parallel_loop3A_1213 : i32
      %parallel_loop3A_1215 = arith.extui %parallel_loop3A_1214 : i1 to i32
      %parallel_loop3A_1216 = arith.subi %parallel_loop3A_1212, %parallel_loop3A_1215 : i32
      %parallel_loop3A_1217 = arith.cmpi ne, %parallel_loop3A_1209, %parallel_loop3A_1216 : i32
      %parallel_loop3A_1218 = arith.remsi %parallel_loop3A_1200, %parallel_loop3A_1201 : i32
      %parallel_loop3A_1219 = arith.constant 0 : i32
      %parallel_loop3A_1220 = arith.cmpi ne, %parallel_loop3A_1218, %parallel_loop3A_1219 : i32
      %parallel_loop3A_1221 = arith.andi %parallel_loop3A_1217, %parallel_loop3A_1220 : i1
      %parallel_loop3A_1222 = arith.constant 1 : i32
      %parallel_loop3A_1223 = arith.subi %parallel_loop3A_1202, %parallel_loop3A_1222 : i32
      %parallel_loop3A_1224 = arith.select %parallel_loop3A_1221, %parallel_loop3A_1223, %parallel_loop3A_1202 : i32
      %parallel_loop3A_1225 = arith.constant 1024 : i32
      %parallel_loop3A_1226 = arith.constant 0 : i32
      %parallel_loop3A_1227 = arith.cmpi eq, %parallel_loop3A_1225, %parallel_loop3A_1226 : i32
      %parallel_loop3A_1228 = arith.constant 1 : i32
      %parallel_loop3A_1229 = arith.select %parallel_loop3A_1227, %parallel_loop3A_1228, %parallel_loop3A_1225 : i32
      %parallel_loop3A_1230 = arith.remsi %parallel_loop3A_1200, %parallel_loop3A_1229 : i32
      %parallel_loop3A_1231 = arith.constant 0 : i32
      %parallel_loop3A_1232 = arith.cmpi ne, %parallel_loop3A_1230, %parallel_loop3A_1231 : i32
      %parallel_loop3A_1233 = arith.constant 0 : i32
      %parallel_loop3A_1234 = arith.cmpi slt, %parallel_loop3A_1230, %parallel_loop3A_1233 : i32
      %parallel_loop3A_1235 = arith.constant 0 : i32
      %parallel_loop3A_1236 = arith.cmpi slt, %parallel_loop3A_1229, %parallel_loop3A_1235 : i32
      %parallel_loop3A_1237 = arith.xori %parallel_loop3A_1234, %parallel_loop3A_1236 : i1
      %parallel_loop3A_1238 = arith.andi %parallel_loop3A_1237, %parallel_loop3A_1232 : i1
      %parallel_loop3A_1239 = arith.addi %parallel_loop3A_1230, %parallel_loop3A_1229 : i32
      %parallel_loop3A_1240 = arith.select %parallel_loop3A_1238, %parallel_loop3A_1239, %parallel_loop3A_1230 : i32
      %parallel_loop3A_1241 = arith.index_cast %parallel_loop3A_1224 : i32 to index
      %parallel_loop3A_1242 = arith.index_cast %parallel_loop3A_1240 : i32 to index
      %parallel_loop3A_1243 = tpu.vector_load %arg11[%parallel_loop3A_1241, %parallel_loop3A_1242] {strides = array<i32>} : memref<16x1024xf32, #tpu.memory_space<vmem>>, vector<1x16xf32>,
      %parallel_loop3A_1244 = vector.shape_cast %parallel_loop3A_1243 : vector<1x16xf32> to vector<16xf32>
      %parallel_loop3A_1245 = arith.index_cast %parallel_loop3A_1224 : i32 to index
      %parallel_loop3A_1246 = arith.index_cast %parallel_loop3A_1240 : i32 to index
      %parallel_loop3A_1247 = tpu.vector_load %arg8[%parallel_loop3A_1245, %parallel_loop3A_1246] {strides = array<i32>} : memref<16x1024xf32, #tpu.memory_space<vmem>>, vector<1x16xf32>,
      %parallel_loop3A_1248 = vector.shape_cast %parallel_loop3A_1247 : vector<1x16xf32> to vector<16xf32>
      %parallel_loop3A_1249 = vector.shape_cast %parallel_loop3A_1244 : vector<16xf32> to vector<1x16xf32>
      tpu.vector_store %arg8[%parallel_loop3A_1245, %parallel_loop3A_1246], %parallel_loop3A_1249 {add = true, strides = array<i32>} : memref<16x1024xf32, #tpu.memory_space<vmem>>, vector<1x16xf32>,
    } {sc.loop_unroll_factor = 8 : i64, sc.parallel_access}
    %add3A_885 = arith.constant 80 : i32
    %add3A_886 = arith.addi %mul3A_2, %add3A_885 : i32
    %dma_start3A_887 = arith.constant 2 : i32
    %dma_start3A_888 = arith.constant 0 : i32
    %dma_start3A_889 = tpu.memref_slice %arg4[%dma_start3A_887, %add3A_886, %dma_start3A_888] : memref<4x4096x1024xf32, #tpu.memory_space<hbm>> -> memref<1x16x1024xf32, #tpu.memory_space<hbm>>
    %dma_start3A_890 = tpu.memref_squeeze %dma_start3A_889 : memref<1x16x1024xf32, #tpu.memory_space<hbm>> -> memref<16x1024xf32, #tpu.memory_space<hbm>>
    %dma_start3A_891 = arith.constant 0 : i32
    %dma_start3A_892 = tpu.memref_slice %arg4[%dma_start3A_887, %add3A_886, %dma_start3A_891] : memref<4x4096x1024xf32, #tpu.memory_space<hbm>> -> memref<1x16x1024xf32, #tpu.memory_space<hbm>>
    %dma_start3A_893 = tpu.memref_squeeze %dma_start3A_892 : memref<1x16x1024xf32, #tpu.memory_space<hbm>> -> memref<16x1024xf32, #tpu.memory_space<hbm>>
    tpu.enqueue_dma source(%arg7 : memref<16x1024xf32, #tpu.memory_space<vmem>>) target(%dma_start3A_893 : memref<16x1024xf32, #tpu.memory_space<hbm>>) target_semaphore(%arg19 : memref<!tpu.dma_semaphore, #tpu.memory_space<semaphore_mem>>)
    %dma_wait3A_894 = arith.constant 1 : i32
    %dma_wait3A_895 = arith.constant 0 : i32
    %dma_wait3A_896 = tpu.memref_slice %arg4[%dma_wait3A_894, %add3A_851, %dma_wait3A_895] : memref<4x4096x1024xf32, #tpu.memory_space<hbm>> -> memref<1x16x1024xf32, #tpu.memory_space<hbm>>
    %dma_wait3A_897 = tpu.memref_squeeze %dma_wait3A_896 : memref<1x16x1024xf32, #tpu.memory_space<hbm>> -> memref<16x1024xf32, #tpu.memory_space<hbm>>
    %dma_wait3A_898 = arith.constant 0 : i32
    %dma_wait3A_899 = tpu.memref_slice %arg4[%dma_wait3A_894, %add3A_851, %dma_wait3A_898] : memref<4x4096x1024xf32, #tpu.memory_space<hbm>> -> memref<1x16x1024xf32, #tpu.memory_space<hbm>>
    %dma_wait3A_900 = tpu.memref_squeeze %dma_wait3A_899 : memref<1x16x1024xf32, #tpu.memory_space<hbm>> -> memref<16x1024xf32, #tpu.memory_space<hbm>>
    tpu.wait_dma2 semaphore(%arg18 : memref<!tpu.dma_semaphore, #tpu.memory_space<semaphore_mem>>) src(%arg6 : memref<16x1024xf32, #tpu.memory_space<vmem>>) dst(%dma_wait3A_900 : memref<16x1024xf32, #tpu.memory_space<hbm>>)
    %add3A_901 = arith.constant 96 : i32
    %add3A_902 = arith.addi %mul3A_2, %add3A_901 : i32
    %dma_start3A_903 = arith.constant 2 : i32
    %dma_start3A_904 = arith.constant 0 : i32
    %dma_start3A_905 = tpu.memref_slice %arg2[%dma_start3A_903, %add3A_902, %dma_start3A_904] : memref<4x4096x1024xf32, #tpu.memory_space<hbm>> -> memref<1x16x1024xf32, #tpu.memory_space<hbm>>
    %dma_start3A_906 = tpu.memref_squeeze %dma_start3A_905 : memref<1x16x1024xf32, #tpu.memory_space<hbm>> -> memref<16x1024xf32, #tpu.memory_space<hbm>>
    %dma_start3A_907 = arith.constant 0 : i32
    %dma_start3A_908 = tpu.memref_slice %arg2[%dma_start3A_903, %add3A_902, %dma_start3A_907] : memref<4x4096x1024xf32, #tpu.memory_space<hbm>> -> memref<1x16x1024xf32, #tpu.memory_space<hbm>>
    %dma_start3A_909 = tpu.memref_squeeze %dma_start3A_908 : memref<1x16x1024xf32, #tpu.memory_space<hbm>> -> memref<16x1024xf32, #tpu.memory_space<hbm>>
    tpu.enqueue_dma source(%dma_start3A_909 : memref<16x1024xf32, #tpu.memory_space<hbm>>) target(%arg6 : memref<16x1024xf32, #tpu.memory_space<vmem>>) target_semaphore(%arg13 : memref<!tpu.dma_semaphore, #tpu.memory_space<semaphore_mem>>)
    %dma_wait3A_910 = arith.constant 0 : i32
    %dma_wait3A_911 = arith.constant 0 : i32
    %dma_wait3A_912 = tpu.memref_slice %arg2[%dma_wait3A_910, %add3A_832, %dma_wait3A_911] : memref<4x4096x1024xf32, #tpu.memory_space<hbm>> -> memref<1x16x1024xf32, #tpu.memory_space<hbm>>
    %dma_wait3A_913 = tpu.memref_squeeze %dma_wait3A_912 : memref<1x16x1024xf32, #tpu.memory_space<hbm>> -> memref<16x1024xf32, #tpu.memory_space<hbm>>
    %dma_wait3A_914 = arith.constant 0 : i32
    %dma_wait3A_915 = tpu.memref_slice %arg2[%dma_wait3A_910, %add3A_832, %dma_wait3A_914] : memref<4x4096x1024xf32, #tpu.memory_space<hbm>> -> memref<1x16x1024xf32, #tpu.memory_space<hbm>>
    %dma_wait3A_916 = tpu.memref_squeeze %dma_wait3A_915 : memref<1x16x1024xf32, #tpu.memory_space<hbm>> -> memref<16x1024xf32, #tpu.memory_space<hbm>>
    tpu.wait_dma2 semaphore(%arg16 : memref<!tpu.dma_semaphore, #tpu.memory_space<semaphore_mem>>) src(%dma_wait3A_916 : memref<16x1024xf32, #tpu.memory_space<hbm>>) dst(%arg9 : memref<16x1024xf32, #tpu.memory_space<vmem>>)
    %dma_wait3A_917 = arith.constant 0 : i32
    %dma_wait3A_918 = tpu.memref_slice %arg3[%add3A_784, %dma_wait3A_917] : memref<8192x1024xf32, #tpu.memory_space<hbm>> -> memref<16x1024xf32, #tpu.memory_space<hbm>>
    %dma_wait3A_919 = arith.constant 0 : i32
    %dma_wait3A_920 = tpu.memref_slice %arg3[%add3A_784, %dma_wait3A_919] : memref<8192x1024xf32, #tpu.memory_space<hbm>> -> memref<16x1024xf32, #tpu.memory_space<hbm>>
    tpu.wait_dma2 semaphore(%arg22 : memref<!tpu.dma_semaphore, #tpu.memory_space<semaphore_mem>>) src(%dma_wait3A_920 : memref<16x1024xf32, #tpu.memory_space<hbm>>) dst(%arg10 : memref<16x1024xf32, #tpu.memory_space<vmem>>)
    %parallel_loop3A_921 = arith.constant 0 : i32
    %parallel_loop3A_922 = arith.constant 16384 : i32
    %parallel_loop3A_923 = arith.constant 16 : i32
    scf.for %parallel_loop3A_1200 = %parallel_loop3A_921 to %parallel_loop3A_922 step %parallel_loop3A_923  : i32 {
      %parallel_loop3A_1201 = arith.constant 1024 : i32
      %parallel_loop3A_1202 = arith.divsi %parallel_loop3A_1200, %parallel_loop3A_1201 : i32
      %parallel_loop3A_1203 = arith.constant 0 : i32
      %parallel_loop3A_1204 = arith.cmpi sgt, %parallel_loop3A_1200, %parallel_loop3A_1203 : i32
      %parallel_loop3A_1205 = arith.extui %parallel_loop3A_1204 : i1 to i32
      %parallel_loop3A_1206 = arith.constant 0 : i32
      %parallel_loop3A_1207 = arith.cmpi slt, %parallel_loop3A_1200, %parallel_loop3A_1206 : i32
      %parallel_loop3A_1208 = arith.extui %parallel_loop3A_1207 : i1 to i32
      %parallel_loop3A_1209 = arith.subi %parallel_loop3A_1205, %parallel_loop3A_1208 : i32
      %parallel_loop3A_1210 = arith.constant 0 : i32
      %parallel_loop3A_1211 = arith.cmpi sgt, %parallel_loop3A_1201, %parallel_loop3A_1210 : i32
      %parallel_loop3A_1212 = arith.extui %parallel_loop3A_1211 : i1 to i32
      %parallel_loop3A_1213 = arith.constant 0 : i32
      %parallel_loop3A_1214 = arith.cmpi slt, %parallel_loop3A_1201, %parallel_loop3A_1213 : i32
      %parallel_loop3A_1215 = arith.extui %parallel_loop3A_1214 : i1 to i32
      %parallel_loop3A_1216 = arith.subi %parallel_loop3A_1212, %parallel_loop3A_1215 : i32
      %parallel_loop3A_1217 = arith.cmpi ne, %parallel_loop3A_1209, %parallel_loop3A_1216 : i32
      %parallel_loop3A_1218 = arith.remsi %parallel_loop3A_1200, %parallel_loop3A_1201 : i32
      %parallel_loop3A_1219 = arith.constant 0 : i32
      %parallel_loop3A_1220 = arith.cmpi ne, %parallel_loop3A_1218, %parallel_loop3A_1219 : i32
      %parallel_loop3A_1221 = arith.andi %parallel_loop3A_1217, %parallel_loop3A_1220 : i1
      %parallel_loop3A_1222 = arith.constant 1 : i32
      %parallel_loop3A_1223 = arith.subi %parallel_loop3A_1202, %parallel_loop3A_1222 : i32
      %parallel_loop3A_1224 = arith.select %parallel_loop3A_1221, %parallel_loop3A_1223, %parallel_loop3A_1202 : i32
      %parallel_loop3A_1225 = arith.constant 1024 : i32
      %parallel_loop3A_1226 = arith.constant 0 : i32
      %parallel_loop3A_1227 = arith.cmpi eq, %parallel_loop3A_1225, %parallel_loop3A_1226 : i32
      %parallel_loop3A_1228 = arith.constant 1 : i32
      %parallel_loop3A_1229 = arith.select %parallel_loop3A_1227, %parallel_loop3A_1228, %parallel_loop3A_1225 : i32
      %parallel_loop3A_1230 = arith.remsi %parallel_loop3A_1200, %parallel_loop3A_1229 : i32
      %parallel_loop3A_1231 = arith.constant 0 : i32
      %parallel_loop3A_1232 = arith.cmpi ne, %parallel_loop3A_1230, %parallel_loop3A_1231 : i32
      %parallel_loop3A_1233 = arith.constant 0 : i32
      %parallel_loop3A_1234 = arith.cmpi slt, %parallel_loop3A_1230, %parallel_loop3A_1233 : i32
      %parallel_loop3A_1235 = arith.constant 0 : i32
      %parallel_loop3A_1236 = arith.cmpi slt, %parallel_loop3A_1229, %parallel_loop3A_1235 : i32
      %parallel_loop3A_1237 = arith.xori %parallel_loop3A_1234, %parallel_loop3A_1236 : i1
      %parallel_loop3A_1238 = arith.andi %parallel_loop3A_1237, %parallel_loop3A_1232 : i1
      %parallel_loop3A_1239 = arith.addi %parallel_loop3A_1230, %parallel_loop3A_1229 : i32
      %parallel_loop3A_1240 = arith.select %parallel_loop3A_1238, %parallel_loop3A_1239, %parallel_loop3A_1230 : i32
      %parallel_loop3A_1241 = arith.index_cast %parallel_loop3A_1224 : i32 to index
      %parallel_loop3A_1242 = arith.index_cast %parallel_loop3A_1240 : i32 to index
      %parallel_loop3A_1243 = tpu.vector_load %arg10[%parallel_loop3A_1241, %parallel_loop3A_1242] {strides = array<i32>} : memref<16x1024xf32, #tpu.memory_space<vmem>>, vector<1x16xf32>,
      %parallel_loop3A_1244 = vector.shape_cast %parallel_loop3A_1243 : vector<1x16xf32> to vector<16xf32>
      %parallel_loop3A_1245 = arith.index_cast %parallel_loop3A_1224 : i32 to index
      %parallel_loop3A_1246 = arith.index_cast %parallel_loop3A_1240 : i32 to index
      %parallel_loop3A_1247 = tpu.vector_load %arg9[%parallel_loop3A_1245, %parallel_loop3A_1246] {strides = array<i32>} : memref<16x1024xf32, #tpu.memory_space<vmem>>, vector<1x16xf32>,
      %parallel_loop3A_1248 = vector.shape_cast %parallel_loop3A_1247 : vector<1x16xf32> to vector<16xf32>
      %parallel_loop3A_1249 = vector.shape_cast %parallel_loop3A_1244 : vector<16xf32> to vector<1x16xf32>
      tpu.vector_store %arg9[%parallel_loop3A_1245, %parallel_loop3A_1246], %parallel_loop3A_1249 {add = true, strides = array<i32>} : memref<16x1024xf32, #tpu.memory_space<vmem>>, vector<1x16xf32>,
    } {sc.loop_unroll_factor = 8 : i64, sc.parallel_access}
    %add3A_924 = arith.constant 80 : i32
    %add3A_925 = arith.addi %mul3A_2, %add3A_924 : i32
    %dma_start3A_926 = arith.constant 3 : i32
    %dma_start3A_927 = arith.constant 0 : i32
    %dma_start3A_928 = tpu.memref_slice %arg4[%dma_start3A_926, %add3A_925, %dma_start3A_927] : memref<4x4096x1024xf32, #tpu.memory_space<hbm>> -> memref<1x16x1024xf32, #tpu.memory_space<hbm>>
    %dma_start3A_929 = tpu.memref_squeeze %dma_start3A_928 : memref<1x16x1024xf32, #tpu.memory_space<hbm>> -> memref<16x1024xf32, #tpu.memory_space<hbm>>
    %dma_start3A_930 = arith.constant 0 : i32
    %dma_start3A_931 = tpu.memref_slice %arg4[%dma_start3A_926, %add3A_925, %dma_start3A_930] : memref<4x4096x1024xf32, #tpu.memory_space<hbm>> -> memref<1x16x1024xf32, #tpu.memory_space<hbm>>
    %dma_start3A_932 = tpu.memref_squeeze %dma_start3A_931 : memref<1x16x1024xf32, #tpu.memory_space<hbm>> -> memref<16x1024xf32, #tpu.memory_space<hbm>>
    tpu.enqueue_dma source(%arg8 : memref<16x1024xf32, #tpu.memory_space<vmem>>) target(%dma_start3A_932 : memref<16x1024xf32, #tpu.memory_space<hbm>>) target_semaphore(%arg20 : memref<!tpu.dma_semaphore, #tpu.memory_space<semaphore_mem>>)
    %add3A_933 = arith.constant 112 : i32
    %add3A_934 = arith.addi %mul3A_2, %add3A_933 : i32
    %dma_start3A_935 = arith.constant 0 : i32
    %dma_start3A_936 = tpu.memref_slice %arg3[%add3A_934, %dma_start3A_935] : memref<8192x1024xf32, #tpu.memory_space<hbm>> -> memref<16x1024xf32, #tpu.memory_space<hbm>>
    %dma_start3A_937 = arith.constant 0 : i32
    %dma_start3A_938 = tpu.memref_slice %arg3[%add3A_934, %dma_start3A_937] : memref<8192x1024xf32, #tpu.memory_space<hbm>> -> memref<16x1024xf32, #tpu.memory_space<hbm>>
    tpu.enqueue_dma source(%dma_start3A_938 : memref<16x1024xf32, #tpu.memory_space<hbm>>) target(%arg11 : memref<16x1024xf32, #tpu.memory_space<vmem>>) target_semaphore(%arg23 : memref<!tpu.dma_semaphore, #tpu.memory_space<semaphore_mem>>)
    %dma_wait3A_939 = arith.constant 2 : i32
    %dma_wait3A_940 = arith.constant 0 : i32
    %dma_wait3A_941 = tpu.memref_slice %arg4[%dma_wait3A_939, %add3A_886, %dma_wait3A_940] : memref<4x4096x1024xf32, #tpu.memory_space<hbm>> -> memref<1x16x1024xf32, #tpu.memory_space<hbm>>
    %dma_wait3A_942 = tpu.memref_squeeze %dma_wait3A_941 : memref<1x16x1024xf32, #tpu.memory_space<hbm>> -> memref<16x1024xf32, #tpu.memory_space<hbm>>
    %dma_wait3A_943 = arith.constant 0 : i32
    %dma_wait3A_944 = tpu.memref_slice %arg4[%dma_wait3A_939, %add3A_886, %dma_wait3A_943] : memref<4x4096x1024xf32, #tpu.memory_space<hbm>> -> memref<1x16x1024xf32, #tpu.memory_space<hbm>>
    %dma_wait3A_945 = tpu.memref_squeeze %dma_wait3A_944 : memref<1x16x1024xf32, #tpu.memory_space<hbm>> -> memref<16x1024xf32, #tpu.memory_space<hbm>>
    tpu.wait_dma2 semaphore(%arg19 : memref<!tpu.dma_semaphore, #tpu.memory_space<semaphore_mem>>) src(%arg7 : memref<16x1024xf32, #tpu.memory_space<vmem>>) dst(%dma_wait3A_945 : memref<16x1024xf32, #tpu.memory_space<hbm>>)
    %add3A_946 = arith.constant 96 : i32
    %add3A_947 = arith.addi %mul3A_2, %add3A_946 : i32
    %dma_start3A_948 = arith.constant 3 : i32
    %dma_start3A_949 = arith.constant 0 : i32
    %dma_start3A_950 = tpu.memref_slice %arg2[%dma_start3A_948, %add3A_947, %dma_start3A_949] : memref<4x4096x1024xf32, #tpu.memory_space<hbm>> -> memref<1x16x1024xf32, #tpu.memory_space<hbm>>
    %dma_start3A_951 = tpu.memref_squeeze %dma_start3A_950 : memref<1x16x1024xf32, #tpu.memory_space<hbm>> -> memref<16x1024xf32, #tpu.memory_space<hbm>>
    %dma_start3A_952 = arith.constant 0 : i32
    %dma_start3A_953 = tpu.memref_slice %arg2[%dma_start3A_948, %add3A_947, %dma_start3A_952] : memref<4x4096x1024xf32, #tpu.memory_space<hbm>> -> memref<1x16x1024xf32, #tpu.memory_space<hbm>>
    %dma_start3A_954 = tpu.memref_squeeze %dma_start3A_953 : memref<1x16x1024xf32, #tpu.memory_space<hbm>> -> memref<16x1024xf32, #tpu.memory_space<hbm>>
    tpu.enqueue_dma source(%dma_start3A_954 : memref<16x1024xf32, #tpu.memory_space<hbm>>) target(%arg7 : memref<16x1024xf32, #tpu.memory_space<vmem>>) target_semaphore(%arg14 : memref<!tpu.dma_semaphore, #tpu.memory_space<semaphore_mem>>)
    %dma_wait3A_955 = arith.constant 1 : i32
    %dma_wait3A_956 = arith.constant 0 : i32
    %dma_wait3A_957 = tpu.memref_slice %arg2[%dma_wait3A_955, %add3A_867, %dma_wait3A_956] : memref<4x4096x1024xf32, #tpu.memory_space<hbm>> -> memref<1x16x1024xf32, #tpu.memory_space<hbm>>
    %dma_wait3A_958 = tpu.memref_squeeze %dma_wait3A_957 : memref<1x16x1024xf32, #tpu.memory_space<hbm>> -> memref<16x1024xf32, #tpu.memory_space<hbm>>
    %dma_wait3A_959 = arith.constant 0 : i32
    %dma_wait3A_960 = tpu.memref_slice %arg2[%dma_wait3A_955, %add3A_867, %dma_wait3A_959] : memref<4x4096x1024xf32, #tpu.memory_space<hbm>> -> memref<1x16x1024xf32, #tpu.memory_space<hbm>>
    %dma_wait3A_961 = tpu.memref_squeeze %dma_wait3A_960 : memref<1x16x1024xf32, #tpu.memory_space<hbm>> -> memref<16x1024xf32, #tpu.memory_space<hbm>>
    tpu.wait_dma2 semaphore(%arg12 : memref<!tpu.dma_semaphore, #tpu.memory_space<semaphore_mem>>) src(%dma_wait3A_961 : memref<16x1024xf32, #tpu.memory_space<hbm>>) dst(%arg5 : memref<16x1024xf32, #tpu.memory_space<vmem>>)
    %parallel_loop3A_962 = arith.constant 0 : i32
    %parallel_loop3A_963 = arith.constant 16384 : i32
    %parallel_loop3A_964 = arith.constant 16 : i32
    scf.for %parallel_loop3A_1200 = %parallel_loop3A_962 to %parallel_loop3A_963 step %parallel_loop3A_964  : i32 {
      %parallel_loop3A_1201 = arith.constant 1024 : i32
      %parallel_loop3A_1202 = arith.divsi %parallel_loop3A_1200, %parallel_loop3A_1201 : i32
      %parallel_loop3A_1203 = arith.constant 0 : i32
      %parallel_loop3A_1204 = arith.cmpi sgt, %parallel_loop3A_1200, %parallel_loop3A_1203 : i32
      %parallel_loop3A_1205 = arith.extui %parallel_loop3A_1204 : i1 to i32
      %parallel_loop3A_1206 = arith.constant 0 : i32
      %parallel_loop3A_1207 = arith.cmpi slt, %parallel_loop3A_1200, %parallel_loop3A_1206 : i32
      %parallel_loop3A_1208 = arith.extui %parallel_loop3A_1207 : i1 to i32
      %parallel_loop3A_1209 = arith.subi %parallel_loop3A_1205, %parallel_loop3A_1208 : i32
      %parallel_loop3A_1210 = arith.constant 0 : i32
      %parallel_loop3A_1211 = arith.cmpi sgt, %parallel_loop3A_1201, %parallel_loop3A_1210 : i32
      %parallel_loop3A_1212 = arith.extui %parallel_loop3A_1211 : i1 to i32
      %parallel_loop3A_1213 = arith.constant 0 : i32
      %parallel_loop3A_1214 = arith.cmpi slt, %parallel_loop3A_1201, %parallel_loop3A_1213 : i32
      %parallel_loop3A_1215 = arith.extui %parallel_loop3A_1214 : i1 to i32
      %parallel_loop3A_1216 = arith.subi %parallel_loop3A_1212, %parallel_loop3A_1215 : i32
      %parallel_loop3A_1217 = arith.cmpi ne, %parallel_loop3A_1209, %parallel_loop3A_1216 : i32
      %parallel_loop3A_1218 = arith.remsi %parallel_loop3A_1200, %parallel_loop3A_1201 : i32
      %parallel_loop3A_1219 = arith.constant 0 : i32
      %parallel_loop3A_1220 = arith.cmpi ne, %parallel_loop3A_1218, %parallel_loop3A_1219 : i32
      %parallel_loop3A_1221 = arith.andi %parallel_loop3A_1217, %parallel_loop3A_1220 : i1
      %parallel_loop3A_1222 = arith.constant 1 : i32
      %parallel_loop3A_1223 = arith.subi %parallel_loop3A_1202, %parallel_loop3A_1222 : i32
      %parallel_loop3A_1224 = arith.select %parallel_loop3A_1221, %parallel_loop3A_1223, %parallel_loop3A_1202 : i32
      %parallel_loop3A_1225 = arith.constant 1024 : i32
      %parallel_loop3A_1226 = arith.constant 0 : i32
      %parallel_loop3A_1227 = arith.cmpi eq, %parallel_loop3A_1225, %parallel_loop3A_1226 : i32
      %parallel_loop3A_1228 = arith.constant 1 : i32
      %parallel_loop3A_1229 = arith.select %parallel_loop3A_1227, %parallel_loop3A_1228, %parallel_loop3A_1225 : i32
      %parallel_loop3A_1230 = arith.remsi %parallel_loop3A_1200, %parallel_loop3A_1229 : i32
      %parallel_loop3A_1231 = arith.constant 0 : i32
      %parallel_loop3A_1232 = arith.cmpi ne, %parallel_loop3A_1230, %parallel_loop3A_1231 : i32
      %parallel_loop3A_1233 = arith.constant 0 : i32
      %parallel_loop3A_1234 = arith.cmpi slt, %parallel_loop3A_1230, %parallel_loop3A_1233 : i32
      %parallel_loop3A_1235 = arith.constant 0 : i32
      %parallel_loop3A_1236 = arith.cmpi slt, %parallel_loop3A_1229, %parallel_loop3A_1235 : i32
      %parallel_loop3A_1237 = arith.xori %parallel_loop3A_1234, %parallel_loop3A_1236 : i1
      %parallel_loop3A_1238 = arith.andi %parallel_loop3A_1237, %parallel_loop3A_1232 : i1
      %parallel_loop3A_1239 = arith.addi %parallel_loop3A_1230, %parallel_loop3A_1229 : i32
      %parallel_loop3A_1240 = arith.select %parallel_loop3A_1238, %parallel_loop3A_1239, %parallel_loop3A_1230 : i32
      %parallel_loop3A_1241 = arith.index_cast %parallel_loop3A_1224 : i32 to index
      %parallel_loop3A_1242 = arith.index_cast %parallel_loop3A_1240 : i32 to index
      %parallel_loop3A_1243 = tpu.vector_load %arg10[%parallel_loop3A_1241, %parallel_loop3A_1242] {strides = array<i32>} : memref<16x1024xf32, #tpu.memory_space<vmem>>, vector<1x16xf32>,
      %parallel_loop3A_1244 = vector.shape_cast %parallel_loop3A_1243 : vector<1x16xf32> to vector<16xf32>
      %parallel_loop3A_1245 = arith.index_cast %parallel_loop3A_1224 : i32 to index
      %parallel_loop3A_1246 = arith.index_cast %parallel_loop3A_1240 : i32 to index
      %parallel_loop3A_1247 = tpu.vector_load %arg5[%parallel_loop3A_1245, %parallel_loop3A_1246] {strides = array<i32>} : memref<16x1024xf32, #tpu.memory_space<vmem>>, vector<1x16xf32>,
      %parallel_loop3A_1248 = vector.shape_cast %parallel_loop3A_1247 : vector<1x16xf32> to vector<16xf32>
      %parallel_loop3A_1249 = vector.shape_cast %parallel_loop3A_1244 : vector<16xf32> to vector<1x16xf32>
      tpu.vector_store %arg5[%parallel_loop3A_1245, %parallel_loop3A_1246], %parallel_loop3A_1249 {add = true, strides = array<i32>} : memref<16x1024xf32, #tpu.memory_space<vmem>>, vector<1x16xf32>,
    } {sc.loop_unroll_factor = 8 : i64, sc.parallel_access}
    %add3A_965 = arith.constant 96 : i32
    %add3A_966 = arith.addi %mul3A_2, %add3A_965 : i32
    %dma_start3A_967 = arith.constant 0 : i32
    %dma_start3A_968 = arith.constant 0 : i32
    %dma_start3A_969 = tpu.memref_slice %arg4[%dma_start3A_967, %add3A_966, %dma_start3A_968] : memref<4x4096x1024xf32, #tpu.memory_space<hbm>> -> memref<1x16x1024xf32, #tpu.memory_space<hbm>>
    %dma_start3A_970 = tpu.memref_squeeze %dma_start3A_969 : memref<1x16x1024xf32, #tpu.memory_space<hbm>> -> memref<16x1024xf32, #tpu.memory_space<hbm>>
    %dma_start3A_971 = arith.constant 0 : i32
    %dma_start3A_972 = tpu.memref_slice %arg4[%dma_start3A_967, %add3A_966, %dma_start3A_971] : memref<4x4096x1024xf32, #tpu.memory_space<hbm>> -> memref<1x16x1024xf32, #tpu.memory_space<hbm>>
    %dma_start3A_973 = tpu.memref_squeeze %dma_start3A_972 : memref<1x16x1024xf32, #tpu.memory_space<hbm>> -> memref<16x1024xf32, #tpu.memory_space<hbm>>
    tpu.enqueue_dma source(%arg9 : memref<16x1024xf32, #tpu.memory_space<vmem>>) target(%dma_start3A_973 : memref<16x1024xf32, #tpu.memory_space<hbm>>) target_semaphore(%arg21 : memref<!tpu.dma_semaphore, #tpu.memory_space<semaphore_mem>>)
    %dma_wait3A_974 = arith.constant 3 : i32
    %dma_wait3A_975 = arith.constant 0 : i32
    %dma_wait3A_976 = tpu.memref_slice %arg4[%dma_wait3A_974, %add3A_925, %dma_wait3A_975] : memref<4x4096x1024xf32, #tpu.memory_space<hbm>> -> memref<1x16x1024xf32, #tpu.memory_space<hbm>>
    %dma_wait3A_977 = tpu.memref_squeeze %dma_wait3A_976 : memref<1x16x1024xf32, #tpu.memory_space<hbm>> -> memref<16x1024xf32, #tpu.memory_space<hbm>>
    %dma_wait3A_978 = arith.constant 0 : i32
    %dma_wait3A_979 = tpu.memref_slice %arg4[%dma_wait3A_974, %add3A_925, %dma_wait3A_978] : memref<4x4096x1024xf32, #tpu.memory_space<hbm>> -> memref<1x16x1024xf32, #tpu.memory_space<hbm>>
    %dma_wait3A_980 = tpu.memref_squeeze %dma_wait3A_979 : memref<1x16x1024xf32, #tpu.memory_space<hbm>> -> memref<16x1024xf32, #tpu.memory_space<hbm>>
    tpu.wait_dma2 semaphore(%arg20 : memref<!tpu.dma_semaphore, #tpu.memory_space<semaphore_mem>>) src(%arg8 : memref<16x1024xf32, #tpu.memory_space<vmem>>) dst(%dma_wait3A_980 : memref<16x1024xf32, #tpu.memory_space<hbm>>)
    %add3A_981 = arith.constant 112 : i32
    %add3A_982 = arith.addi %mul3A_2, %add3A_981 : i32
    %dma_start3A_983 = arith.constant 0 : i32
    %dma_start3A_984 = arith.constant 0 : i32
    %dma_start3A_985 = tpu.memref_slice %arg2[%dma_start3A_983, %add3A_982, %dma_start3A_984] : memref<4x4096x1024xf32, #tpu.memory_space<hbm>> -> memref<1x16x1024xf32, #tpu.memory_space<hbm>>
    %dma_start3A_986 = tpu.memref_squeeze %dma_start3A_985 : memref<1x16x1024xf32, #tpu.memory_space<hbm>> -> memref<16x1024xf32, #tpu.memory_space<hbm>>
    %dma_start3A_987 = arith.constant 0 : i32
    %dma_start3A_988 = tpu.memref_slice %arg2[%dma_start3A_983, %add3A_982, %dma_start3A_987] : memref<4x4096x1024xf32, #tpu.memory_space<hbm>> -> memref<1x16x1024xf32, #tpu.memory_space<hbm>>
    %dma_start3A_989 = tpu.memref_squeeze %dma_start3A_988 : memref<1x16x1024xf32, #tpu.memory_space<hbm>> -> memref<16x1024xf32, #tpu.memory_space<hbm>>
    tpu.enqueue_dma source(%dma_start3A_989 : memref<16x1024xf32, #tpu.memory_space<hbm>>) target(%arg8 : memref<16x1024xf32, #tpu.memory_space<vmem>>) target_semaphore(%arg15 : memref<!tpu.dma_semaphore, #tpu.memory_space<semaphore_mem>>)
    %dma_wait3A_990 = arith.constant 2 : i32
    %dma_wait3A_991 = arith.constant 0 : i32
    %dma_wait3A_992 = tpu.memref_slice %arg2[%dma_wait3A_990, %add3A_902, %dma_wait3A_991] : memref<4x4096x1024xf32, #tpu.memory_space<hbm>> -> memref<1x16x1024xf32, #tpu.memory_space<hbm>>
    %dma_wait3A_993 = tpu.memref_squeeze %dma_wait3A_992 : memref<1x16x1024xf32, #tpu.memory_space<hbm>> -> memref<16x1024xf32, #tpu.memory_space<hbm>>
    %dma_wait3A_994 = arith.constant 0 : i32
    %dma_wait3A_995 = tpu.memref_slice %arg2[%dma_wait3A_990, %add3A_902, %dma_wait3A_994] : memref<4x4096x1024xf32, #tpu.memory_space<hbm>> -> memref<1x16x1024xf32, #tpu.memory_space<hbm>>
    %dma_wait3A_996 = tpu.memref_squeeze %dma_wait3A_995 : memref<1x16x1024xf32, #tpu.memory_space<hbm>> -> memref<16x1024xf32, #tpu.memory_space<hbm>>
    tpu.wait_dma2 semaphore(%arg13 : memref<!tpu.dma_semaphore, #tpu.memory_space<semaphore_mem>>) src(%dma_wait3A_996 : memref<16x1024xf32, #tpu.memory_space<hbm>>) dst(%arg6 : memref<16x1024xf32, #tpu.memory_space<vmem>>)
    %parallel_loop3A_997 = arith.constant 0 : i32
    %parallel_loop3A_998 = arith.constant 16384 : i32
    %parallel_loop3A_999 = arith.constant 16 : i32
    scf.for %parallel_loop3A_1200 = %parallel_loop3A_997 to %parallel_loop3A_998 step %parallel_loop3A_999  : i32 {
      %parallel_loop3A_1201 = arith.constant 1024 : i32
      %parallel_loop3A_1202 = arith.divsi %parallel_loop3A_1200, %parallel_loop3A_1201 : i32
      %parallel_loop3A_1203 = arith.constant 0 : i32
      %parallel_loop3A_1204 = arith.cmpi sgt, %parallel_loop3A_1200, %parallel_loop3A_1203 : i32
      %parallel_loop3A_1205 = arith.extui %parallel_loop3A_1204 : i1 to i32
      %parallel_loop3A_1206 = arith.constant 0 : i32
      %parallel_loop3A_1207 = arith.cmpi slt, %parallel_loop3A_1200, %parallel_loop3A_1206 : i32
      %parallel_loop3A_1208 = arith.extui %parallel_loop3A_1207 : i1 to i32
      %parallel_loop3A_1209 = arith.subi %parallel_loop3A_1205, %parallel_loop3A_1208 : i32
      %parallel_loop3A_1210 = arith.constant 0 : i32
      %parallel_loop3A_1211 = arith.cmpi sgt, %parallel_loop3A_1201, %parallel_loop3A_1210 : i32
      %parallel_loop3A_1212 = arith.extui %parallel_loop3A_1211 : i1 to i32
      %parallel_loop3A_1213 = arith.constant 0 : i32
      %parallel_loop3A_1214 = arith.cmpi slt, %parallel_loop3A_1201, %parallel_loop3A_1213 : i32
      %parallel_loop3A_1215 = arith.extui %parallel_loop3A_1214 : i1 to i32
      %parallel_loop3A_1216 = arith.subi %parallel_loop3A_1212, %parallel_loop3A_1215 : i32
      %parallel_loop3A_1217 = arith.cmpi ne, %parallel_loop3A_1209, %parallel_loop3A_1216 : i32
      %parallel_loop3A_1218 = arith.remsi %parallel_loop3A_1200, %parallel_loop3A_1201 : i32
      %parallel_loop3A_1219 = arith.constant 0 : i32
      %parallel_loop3A_1220 = arith.cmpi ne, %parallel_loop3A_1218, %parallel_loop3A_1219 : i32
      %parallel_loop3A_1221 = arith.andi %parallel_loop3A_1217, %parallel_loop3A_1220 : i1
      %parallel_loop3A_1222 = arith.constant 1 : i32
      %parallel_loop3A_1223 = arith.subi %parallel_loop3A_1202, %parallel_loop3A_1222 : i32
      %parallel_loop3A_1224 = arith.select %parallel_loop3A_1221, %parallel_loop3A_1223, %parallel_loop3A_1202 : i32
      %parallel_loop3A_1225 = arith.constant 1024 : i32
      %parallel_loop3A_1226 = arith.constant 0 : i32
      %parallel_loop3A_1227 = arith.cmpi eq, %parallel_loop3A_1225, %parallel_loop3A_1226 : i32
      %parallel_loop3A_1228 = arith.constant 1 : i32
      %parallel_loop3A_1229 = arith.select %parallel_loop3A_1227, %parallel_loop3A_1228, %parallel_loop3A_1225 : i32
      %parallel_loop3A_1230 = arith.remsi %parallel_loop3A_1200, %parallel_loop3A_1229 : i32
      %parallel_loop3A_1231 = arith.constant 0 : i32
      %parallel_loop3A_1232 = arith.cmpi ne, %parallel_loop3A_1230, %parallel_loop3A_1231 : i32
      %parallel_loop3A_1233 = arith.constant 0 : i32
      %parallel_loop3A_1234 = arith.cmpi slt, %parallel_loop3A_1230, %parallel_loop3A_1233 : i32
      %parallel_loop3A_1235 = arith.constant 0 : i32
      %parallel_loop3A_1236 = arith.cmpi slt, %parallel_loop3A_1229, %parallel_loop3A_1235 : i32
      %parallel_loop3A_1237 = arith.xori %parallel_loop3A_1234, %parallel_loop3A_1236 : i1
      %parallel_loop3A_1238 = arith.andi %parallel_loop3A_1237, %parallel_loop3A_1232 : i1
      %parallel_loop3A_1239 = arith.addi %parallel_loop3A_1230, %parallel_loop3A_1229 : i32
      %parallel_loop3A_1240 = arith.select %parallel_loop3A_1238, %parallel_loop3A_1239, %parallel_loop3A_1230 : i32
      %parallel_loop3A_1241 = arith.index_cast %parallel_loop3A_1224 : i32 to index
      %parallel_loop3A_1242 = arith.index_cast %parallel_loop3A_1240 : i32 to index
      %parallel_loop3A_1243 = tpu.vector_load %arg10[%parallel_loop3A_1241, %parallel_loop3A_1242] {strides = array<i32>} : memref<16x1024xf32, #tpu.memory_space<vmem>>, vector<1x16xf32>,
      %parallel_loop3A_1244 = vector.shape_cast %parallel_loop3A_1243 : vector<1x16xf32> to vector<16xf32>
      %parallel_loop3A_1245 = arith.index_cast %parallel_loop3A_1224 : i32 to index
      %parallel_loop3A_1246 = arith.index_cast %parallel_loop3A_1240 : i32 to index
      %parallel_loop3A_1247 = tpu.vector_load %arg6[%parallel_loop3A_1245, %parallel_loop3A_1246] {strides = array<i32>} : memref<16x1024xf32, #tpu.memory_space<vmem>>, vector<1x16xf32>,
      %parallel_loop3A_1248 = vector.shape_cast %parallel_loop3A_1247 : vector<1x16xf32> to vector<16xf32>
      %parallel_loop3A_1249 = vector.shape_cast %parallel_loop3A_1244 : vector<16xf32> to vector<1x16xf32>
      tpu.vector_store %arg6[%parallel_loop3A_1245, %parallel_loop3A_1246], %parallel_loop3A_1249 {add = true, strides = array<i32>} : memref<16x1024xf32, #tpu.memory_space<vmem>>, vector<1x16xf32>,
    } {sc.loop_unroll_factor = 8 : i64, sc.parallel_access}
    %add3A_1000 = arith.constant 96 : i32
    %add3A_1001 = arith.addi %mul3A_2, %add3A_1000 : i32
    %dma_start3A_1002 = arith.constant 1 : i32
    %dma_start3A_1003 = arith.constant 0 : i32
    %dma_start3A_1004 = tpu.memref_slice %arg4[%dma_start3A_1002, %add3A_1001, %dma_start3A_1003] : memref<4x4096x1024xf32, #tpu.memory_space<hbm>> -> memref<1x16x1024xf32, #tpu.memory_space<hbm>>
    %dma_start3A_1005 = tpu.memref_squeeze %dma_start3A_1004 : memref<1x16x1024xf32, #tpu.memory_space<hbm>> -> memref<16x1024xf32, #tpu.memory_space<hbm>>
    %dma_start3A_1006 = arith.constant 0 : i32
    %dma_start3A_1007 = tpu.memref_slice %arg4[%dma_start3A_1002, %add3A_1001, %dma_start3A_1006] : memref<4x4096x1024xf32, #tpu.memory_space<hbm>> -> memref<1x16x1024xf32, #tpu.memory_space<hbm>>
    %dma_start3A_1008 = tpu.memref_squeeze %dma_start3A_1007 : memref<1x16x1024xf32, #tpu.memory_space<hbm>> -> memref<16x1024xf32, #tpu.memory_space<hbm>>
    tpu.enqueue_dma source(%arg5 : memref<16x1024xf32, #tpu.memory_space<vmem>>) target(%dma_start3A_1008 : memref<16x1024xf32, #tpu.memory_space<hbm>>) target_semaphore(%arg17 : memref<!tpu.dma_semaphore, #tpu.memory_space<semaphore_mem>>)
    %dma_wait3A_1009 = arith.constant 0 : i32
    %dma_wait3A_1010 = arith.constant 0 : i32
    %dma_wait3A_1011 = tpu.memref_slice %arg4[%dma_wait3A_1009, %add3A_966, %dma_wait3A_1010] : memref<4x4096x1024xf32, #tpu.memory_space<hbm>> -> memref<1x16x1024xf32, #tpu.memory_space<hbm>>
    %dma_wait3A_1012 = tpu.memref_squeeze %dma_wait3A_1011 : memref<1x16x1024xf32, #tpu.memory_space<hbm>> -> memref<16x1024xf32, #tpu.memory_space<hbm>>
    %dma_wait3A_1013 = arith.constant 0 : i32
    %dma_wait3A_1014 = tpu.memref_slice %arg4[%dma_wait3A_1009, %add3A_966, %dma_wait3A_1013] : memref<4x4096x1024xf32, #tpu.memory_space<hbm>> -> memref<1x16x1024xf32, #tpu.memory_space<hbm>>
    %dma_wait3A_1015 = tpu.memref_squeeze %dma_wait3A_1014 : memref<1x16x1024xf32, #tpu.memory_space<hbm>> -> memref<16x1024xf32, #tpu.memory_space<hbm>>
    tpu.wait_dma2 semaphore(%arg21 : memref<!tpu.dma_semaphore, #tpu.memory_space<semaphore_mem>>) src(%arg9 : memref<16x1024xf32, #tpu.memory_space<vmem>>) dst(%dma_wait3A_1015 : memref<16x1024xf32, #tpu.memory_space<hbm>>)
    %add3A_1016 = arith.constant 112 : i32
    %add3A_1017 = arith.addi %mul3A_2, %add3A_1016 : i32
    %dma_start3A_1018 = arith.constant 1 : i32
    %dma_start3A_1019 = arith.constant 0 : i32
    %dma_start3A_1020 = tpu.memref_slice %arg2[%dma_start3A_1018, %add3A_1017, %dma_start3A_1019] : memref<4x4096x1024xf32, #tpu.memory_space<hbm>> -> memref<1x16x1024xf32, #tpu.memory_space<hbm>>
    %dma_start3A_1021 = tpu.memref_squeeze %dma_start3A_1020 : memref<1x16x1024xf32, #tpu.memory_space<hbm>> -> memref<16x1024xf32, #tpu.memory_space<hbm>>
    %dma_start3A_1022 = arith.constant 0 : i32
    %dma_start3A_1023 = tpu.memref_slice %arg2[%dma_start3A_1018, %add3A_1017, %dma_start3A_1022] : memref<4x4096x1024xf32, #tpu.memory_space<hbm>> -> memref<1x16x1024xf32, #tpu.memory_space<hbm>>
    %dma_start3A_1024 = tpu.memref_squeeze %dma_start3A_1023 : memref<1x16x1024xf32, #tpu.memory_space<hbm>> -> memref<16x1024xf32, #tpu.memory_space<hbm>>
    tpu.enqueue_dma source(%dma_start3A_1024 : memref<16x1024xf32, #tpu.memory_space<hbm>>) target(%arg9 : memref<16x1024xf32, #tpu.memory_space<vmem>>) target_semaphore(%arg16 : memref<!tpu.dma_semaphore, #tpu.memory_space<semaphore_mem>>)
    %dma_wait3A_1025 = arith.constant 3 : i32
    %dma_wait3A_1026 = arith.constant 0 : i32
    %dma_wait3A_1027 = tpu.memref_slice %arg2[%dma_wait3A_1025, %add3A_947, %dma_wait3A_1026] : memref<4x4096x1024xf32, #tpu.memory_space<hbm>> -> memref<1x16x1024xf32, #tpu.memory_space<hbm>>
    %dma_wait3A_1028 = tpu.memref_squeeze %dma_wait3A_1027 : memref<1x16x1024xf32, #tpu.memory_space<hbm>> -> memref<16x1024xf32, #tpu.memory_space<hbm>>
    %dma_wait3A_1029 = arith.constant 0 : i32
    %dma_wait3A_1030 = tpu.memref_slice %arg2[%dma_wait3A_1025, %add3A_947, %dma_wait3A_1029] : memref<4x4096x1024xf32, #tpu.memory_space<hbm>> -> memref<1x16x1024xf32, #tpu.memory_space<hbm>>
    %dma_wait3A_1031 = tpu.memref_squeeze %dma_wait3A_1030 : memref<1x16x1024xf32, #tpu.memory_space<hbm>> -> memref<16x1024xf32, #tpu.memory_space<hbm>>
    tpu.wait_dma2 semaphore(%arg14 : memref<!tpu.dma_semaphore, #tpu.memory_space<semaphore_mem>>) src(%dma_wait3A_1031 : memref<16x1024xf32, #tpu.memory_space<hbm>>) dst(%arg7 : memref<16x1024xf32, #tpu.memory_space<vmem>>)
    %parallel_loop3A_1032 = arith.constant 0 : i32
    %parallel_loop3A_1033 = arith.constant 16384 : i32
    %parallel_loop3A_1034 = arith.constant 16 : i32
    scf.for %parallel_loop3A_1200 = %parallel_loop3A_1032 to %parallel_loop3A_1033 step %parallel_loop3A_1034  : i32 {
      %parallel_loop3A_1201 = arith.constant 1024 : i32
      %parallel_loop3A_1202 = arith.divsi %parallel_loop3A_1200, %parallel_loop3A_1201 : i32
      %parallel_loop3A_1203 = arith.constant 0 : i32
      %parallel_loop3A_1204 = arith.cmpi sgt, %parallel_loop3A_1200, %parallel_loop3A_1203 : i32
      %parallel_loop3A_1205 = arith.extui %parallel_loop3A_1204 : i1 to i32
      %parallel_loop3A_1206 = arith.constant 0 : i32
      %parallel_loop3A_1207 = arith.cmpi slt, %parallel_loop3A_1200, %parallel_loop3A_1206 : i32
      %parallel_loop3A_1208 = arith.extui %parallel_loop3A_1207 : i1 to i32
      %parallel_loop3A_1209 = arith.subi %parallel_loop3A_1205, %parallel_loop3A_1208 : i32
      %parallel_loop3A_1210 = arith.constant 0 : i32
      %parallel_loop3A_1211 = arith.cmpi sgt, %parallel_loop3A_1201, %parallel_loop3A_1210 : i32
      %parallel_loop3A_1212 = arith.extui %parallel_loop3A_1211 : i1 to i32
      %parallel_loop3A_1213 = arith.constant 0 : i32
      %parallel_loop3A_1214 = arith.cmpi slt, %parallel_loop3A_1201, %parallel_loop3A_1213 : i32
      %parallel_loop3A_1215 = arith.extui %parallel_loop3A_1214 : i1 to i32
      %parallel_loop3A_1216 = arith.subi %parallel_loop3A_1212, %parallel_loop3A_1215 : i32
      %parallel_loop3A_1217 = arith.cmpi ne, %parallel_loop3A_1209, %parallel_loop3A_1216 : i32
      %parallel_loop3A_1218 = arith.remsi %parallel_loop3A_1200, %parallel_loop3A_1201 : i32
      %parallel_loop3A_1219 = arith.constant 0 : i32
      %parallel_loop3A_1220 = arith.cmpi ne, %parallel_loop3A_1218, %parallel_loop3A_1219 : i32
      %parallel_loop3A_1221 = arith.andi %parallel_loop3A_1217, %parallel_loop3A_1220 : i1
      %parallel_loop3A_1222 = arith.constant 1 : i32
      %parallel_loop3A_1223 = arith.subi %parallel_loop3A_1202, %parallel_loop3A_1222 : i32
      %parallel_loop3A_1224 = arith.select %parallel_loop3A_1221, %parallel_loop3A_1223, %parallel_loop3A_1202 : i32
      %parallel_loop3A_1225 = arith.constant 1024 : i32
      %parallel_loop3A_1226 = arith.constant 0 : i32
      %parallel_loop3A_1227 = arith.cmpi eq, %parallel_loop3A_1225, %parallel_loop3A_1226 : i32
      %parallel_loop3A_1228 = arith.constant 1 : i32
      %parallel_loop3A_1229 = arith.select %parallel_loop3A_1227, %parallel_loop3A_1228, %parallel_loop3A_1225 : i32
      %parallel_loop3A_1230 = arith.remsi %parallel_loop3A_1200, %parallel_loop3A_1229 : i32
      %parallel_loop3A_1231 = arith.constant 0 : i32
      %parallel_loop3A_1232 = arith.cmpi ne, %parallel_loop3A_1230, %parallel_loop3A_1231 : i32
      %parallel_loop3A_1233 = arith.constant 0 : i32
      %parallel_loop3A_1234 = arith.cmpi slt, %parallel_loop3A_1230, %parallel_loop3A_1233 : i32
      %parallel_loop3A_1235 = arith.constant 0 : i32
      %parallel_loop3A_1236 = arith.cmpi slt, %parallel_loop3A_1229, %parallel_loop3A_1235 : i32
      %parallel_loop3A_1237 = arith.xori %parallel_loop3A_1234, %parallel_loop3A_1236 : i1
      %parallel_loop3A_1238 = arith.andi %parallel_loop3A_1237, %parallel_loop3A_1232 : i1
      %parallel_loop3A_1239 = arith.addi %parallel_loop3A_1230, %parallel_loop3A_1229 : i32
      %parallel_loop3A_1240 = arith.select %parallel_loop3A_1238, %parallel_loop3A_1239, %parallel_loop3A_1230 : i32
      %parallel_loop3A_1241 = arith.index_cast %parallel_loop3A_1224 : i32 to index
      %parallel_loop3A_1242 = arith.index_cast %parallel_loop3A_1240 : i32 to index
      %parallel_loop3A_1243 = tpu.vector_load %arg10[%parallel_loop3A_1241, %parallel_loop3A_1242] {strides = array<i32>} : memref<16x1024xf32, #tpu.memory_space<vmem>>, vector<1x16xf32>,
      %parallel_loop3A_1244 = vector.shape_cast %parallel_loop3A_1243 : vector<1x16xf32> to vector<16xf32>
      %parallel_loop3A_1245 = arith.index_cast %parallel_loop3A_1224 : i32 to index
      %parallel_loop3A_1246 = arith.index_cast %parallel_loop3A_1240 : i32 to index
      %parallel_loop3A_1247 = tpu.vector_load %arg7[%parallel_loop3A_1245, %parallel_loop3A_1246] {strides = array<i32>} : memref<16x1024xf32, #tpu.memory_space<vmem>>, vector<1x16xf32>,
      %parallel_loop3A_1248 = vector.shape_cast %parallel_loop3A_1247 : vector<1x16xf32> to vector<16xf32>
      %parallel_loop3A_1249 = vector.shape_cast %parallel_loop3A_1244 : vector<16xf32> to vector<1x16xf32>
      tpu.vector_store %arg7[%parallel_loop3A_1245, %parallel_loop3A_1246], %parallel_loop3A_1249 {add = true, strides = array<i32>} : memref<16x1024xf32, #tpu.memory_space<vmem>>, vector<1x16xf32>,
    } {sc.loop_unroll_factor = 8 : i64, sc.parallel_access}
    %add3A_1035 = arith.constant 96 : i32
    %add3A_1036 = arith.addi %mul3A_2, %add3A_1035 : i32
    %dma_start3A_1037 = arith.constant 2 : i32
    %dma_start3A_1038 = arith.constant 0 : i32
    %dma_start3A_1039 = tpu.memref_slice %arg4[%dma_start3A_1037, %add3A_1036, %dma_start3A_1038] : memref<4x4096x1024xf32, #tpu.memory_space<hbm>> -> memref<1x16x1024xf32, #tpu.memory_space<hbm>>
    %dma_start3A_1040 = tpu.memref_squeeze %dma_start3A_1039 : memref<1x16x1024xf32, #tpu.memory_space<hbm>> -> memref<16x1024xf32, #tpu.memory_space<hbm>>
    %dma_start3A_1041 = arith.constant 0 : i32
    %dma_start3A_1042 = tpu.memref_slice %arg4[%dma_start3A_1037, %add3A_1036, %dma_start3A_1041] : memref<4x4096x1024xf32, #tpu.memory_space<hbm>> -> memref<1x16x1024xf32, #tpu.memory_space<hbm>>
    %dma_start3A_1043 = tpu.memref_squeeze %dma_start3A_1042 : memref<1x16x1024xf32, #tpu.memory_space<hbm>> -> memref<16x1024xf32, #tpu.memory_space<hbm>>
    tpu.enqueue_dma source(%arg6 : memref<16x1024xf32, #tpu.memory_space<vmem>>) target(%dma_start3A_1043 : memref<16x1024xf32, #tpu.memory_space<hbm>>) target_semaphore(%arg18 : memref<!tpu.dma_semaphore, #tpu.memory_space<semaphore_mem>>)
    %dma_wait3A_1044 = arith.constant 1 : i32
    %dma_wait3A_1045 = arith.constant 0 : i32
    %dma_wait3A_1046 = tpu.memref_slice %arg4[%dma_wait3A_1044, %add3A_1001, %dma_wait3A_1045] : memref<4x4096x1024xf32, #tpu.memory_space<hbm>> -> memref<1x16x1024xf32, #tpu.memory_space<hbm>>
    %dma_wait3A_1047 = tpu.memref_squeeze %dma_wait3A_1046 : memref<1x16x1024xf32, #tpu.memory_space<hbm>> -> memref<16x1024xf32, #tpu.memory_space<hbm>>
    %dma_wait3A_1048 = arith.constant 0 : i32
    %dma_wait3A_1049 = tpu.memref_slice %arg4[%dma_wait3A_1044, %add3A_1001, %dma_wait3A_1048] : memref<4x4096x1024xf32, #tpu.memory_space<hbm>> -> memref<1x16x1024xf32, #tpu.memory_space<hbm>>
    %dma_wait3A_1050 = tpu.memref_squeeze %dma_wait3A_1049 : memref<1x16x1024xf32, #tpu.memory_space<hbm>> -> memref<16x1024xf32, #tpu.memory_space<hbm>>
    tpu.wait_dma2 semaphore(%arg17 : memref<!tpu.dma_semaphore, #tpu.memory_space<semaphore_mem>>) src(%arg5 : memref<16x1024xf32, #tpu.memory_space<vmem>>) dst(%dma_wait3A_1050 : memref<16x1024xf32, #tpu.memory_space<hbm>>)
    %add3A_1051 = arith.constant 112 : i32
    %add3A_1052 = arith.addi %mul3A_2, %add3A_1051 : i32
    %dma_start3A_1053 = arith.constant 2 : i32
    %dma_start3A_1054 = arith.constant 0 : i32
    %dma_start3A_1055 = tpu.memref_slice %arg2[%dma_start3A_1053, %add3A_1052, %dma_start3A_1054] : memref<4x4096x1024xf32, #tpu.memory_space<hbm>> -> memref<1x16x1024xf32, #tpu.memory_space<hbm>>
    %dma_start3A_1056 = tpu.memref_squeeze %dma_start3A_1055 : memref<1x16x1024xf32, #tpu.memory_space<hbm>> -> memref<16x1024xf32, #tpu.memory_space<hbm>>
    %dma_start3A_1057 = arith.constant 0 : i32
    %dma_start3A_1058 = tpu.memref_slice %arg2[%dma_start3A_1053, %add3A_1052, %dma_start3A_1057] : memref<4x4096x1024xf32, #tpu.memory_space<hbm>> -> memref<1x16x1024xf32, #tpu.memory_space<hbm>>
    %dma_start3A_1059 = tpu.memref_squeeze %dma_start3A_1058 : memref<1x16x1024xf32, #tpu.memory_space<hbm>> -> memref<16x1024xf32, #tpu.memory_space<hbm>>
    tpu.enqueue_dma source(%dma_start3A_1059 : memref<16x1024xf32, #tpu.memory_space<hbm>>) target(%arg5 : memref<16x1024xf32, #tpu.memory_space<vmem>>) target_semaphore(%arg12 : memref<!tpu.dma_semaphore, #tpu.memory_space<semaphore_mem>>)
    %dma_wait3A_1060 = arith.constant 0 : i32
    %dma_wait3A_1061 = arith.constant 0 : i32
    %dma_wait3A_1062 = tpu.memref_slice %arg2[%dma_wait3A_1060, %add3A_982, %dma_wait3A_1061] : memref<4x4096x1024xf32, #tpu.memory_space<hbm>> -> memref<1x16x1024xf32, #tpu.memory_space<hbm>>
    %dma_wait3A_1063 = tpu.memref_squeeze %dma_wait3A_1062 : memref<1x16x1024xf32, #tpu.memory_space<hbm>> -> memref<16x1024xf32, #tpu.memory_space<hbm>>
    %dma_wait3A_1064 = arith.constant 0 : i32
    %dma_wait3A_1065 = tpu.memref_slice %arg2[%dma_wait3A_1060, %add3A_982, %dma_wait3A_1064] : memref<4x4096x1024xf32, #tpu.memory_space<hbm>> -> memref<1x16x1024xf32, #tpu.memory_space<hbm>>
    %dma_wait3A_1066 = tpu.memref_squeeze %dma_wait3A_1065 : memref<1x16x1024xf32, #tpu.memory_space<hbm>> -> memref<16x1024xf32, #tpu.memory_space<hbm>>
    tpu.wait_dma2 semaphore(%arg15 : memref<!tpu.dma_semaphore, #tpu.memory_space<semaphore_mem>>) src(%dma_wait3A_1066 : memref<16x1024xf32, #tpu.memory_space<hbm>>) dst(%arg8 : memref<16x1024xf32, #tpu.memory_space<vmem>>)
    %dma_wait3A_1067 = arith.constant 0 : i32
    %dma_wait3A_1068 = tpu.memref_slice %arg3[%add3A_934, %dma_wait3A_1067] : memref<8192x1024xf32, #tpu.memory_space<hbm>> -> memref<16x1024xf32, #tpu.memory_space<hbm>>
    %dma_wait3A_1069 = arith.constant 0 : i32
    %dma_wait3A_1070 = tpu.memref_slice %arg3[%add3A_934, %dma_wait3A_1069] : memref<8192x1024xf32, #tpu.memory_space<hbm>> -> memref<16x1024xf32, #tpu.memory_space<hbm>>
    tpu.wait_dma2 semaphore(%arg23 : memref<!tpu.dma_semaphore, #tpu.memory_space<semaphore_mem>>) src(%dma_wait3A_1070 : memref<16x1024xf32, #tpu.memory_space<hbm>>) dst(%arg11 : memref<16x1024xf32, #tpu.memory_space<vmem>>)
    %parallel_loop3A_1071 = arith.constant 0 : i32
    %parallel_loop3A_1072 = arith.constant 16384 : i32
    %parallel_loop3A_1073 = arith.constant 16 : i32
    scf.for %parallel_loop3A_1200 = %parallel_loop3A_1071 to %parallel_loop3A_1072 step %parallel_loop3A_1073  : i32 {
      %parallel_loop3A_1201 = arith.constant 1024 : i32
      %parallel_loop3A_1202 = arith.divsi %parallel_loop3A_1200, %parallel_loop3A_1201 : i32
      %parallel_loop3A_1203 = arith.constant 0 : i32
      %parallel_loop3A_1204 = arith.cmpi sgt, %parallel_loop3A_1200, %parallel_loop3A_1203 : i32
      %parallel_loop3A_1205 = arith.extui %parallel_loop3A_1204 : i1 to i32
      %parallel_loop3A_1206 = arith.constant 0 : i32
      %parallel_loop3A_1207 = arith.cmpi slt, %parallel_loop3A_1200, %parallel_loop3A_1206 : i32
      %parallel_loop3A_1208 = arith.extui %parallel_loop3A_1207 : i1 to i32
      %parallel_loop3A_1209 = arith.subi %parallel_loop3A_1205, %parallel_loop3A_1208 : i32
      %parallel_loop3A_1210 = arith.constant 0 : i32
      %parallel_loop3A_1211 = arith.cmpi sgt, %parallel_loop3A_1201, %parallel_loop3A_1210 : i32
      %parallel_loop3A_1212 = arith.extui %parallel_loop3A_1211 : i1 to i32
      %parallel_loop3A_1213 = arith.constant 0 : i32
      %parallel_loop3A_1214 = arith.cmpi slt, %parallel_loop3A_1201, %parallel_loop3A_1213 : i32
      %parallel_loop3A_1215 = arith.extui %parallel_loop3A_1214 : i1 to i32
      %parallel_loop3A_1216 = arith.subi %parallel_loop3A_1212, %parallel_loop3A_1215 : i32
      %parallel_loop3A_1217 = arith.cmpi ne, %parallel_loop3A_1209, %parallel_loop3A_1216 : i32
      %parallel_loop3A_1218 = arith.remsi %parallel_loop3A_1200, %parallel_loop3A_1201 : i32
      %parallel_loop3A_1219 = arith.constant 0 : i32
      %parallel_loop3A_1220 = arith.cmpi ne, %parallel_loop3A_1218, %parallel_loop3A_1219 : i32
      %parallel_loop3A_1221 = arith.andi %parallel_loop3A_1217, %parallel_loop3A_1220 : i1
      %parallel_loop3A_1222 = arith.constant 1 : i32
      %parallel_loop3A_1223 = arith.subi %parallel_loop3A_1202, %parallel_loop3A_1222 : i32
      %parallel_loop3A_1224 = arith.select %parallel_loop3A_1221, %parallel_loop3A_1223, %parallel_loop3A_1202 : i32
      %parallel_loop3A_1225 = arith.constant 1024 : i32
      %parallel_loop3A_1226 = arith.constant 0 : i32
      %parallel_loop3A_1227 = arith.cmpi eq, %parallel_loop3A_1225, %parallel_loop3A_1226 : i32
      %parallel_loop3A_1228 = arith.constant 1 : i32
      %parallel_loop3A_1229 = arith.select %parallel_loop3A_1227, %parallel_loop3A_1228, %parallel_loop3A_1225 : i32
      %parallel_loop3A_1230 = arith.remsi %parallel_loop3A_1200, %parallel_loop3A_1229 : i32
      %parallel_loop3A_1231 = arith.constant 0 : i32
      %parallel_loop3A_1232 = arith.cmpi ne, %parallel_loop3A_1230, %parallel_loop3A_1231 : i32
      %parallel_loop3A_1233 = arith.constant 0 : i32
      %parallel_loop3A_1234 = arith.cmpi slt, %parallel_loop3A_1230, %parallel_loop3A_1233 : i32
      %parallel_loop3A_1235 = arith.constant 0 : i32
      %parallel_loop3A_1236 = arith.cmpi slt, %parallel_loop3A_1229, %parallel_loop3A_1235 : i32
      %parallel_loop3A_1237 = arith.xori %parallel_loop3A_1234, %parallel_loop3A_1236 : i1
      %parallel_loop3A_1238 = arith.andi %parallel_loop3A_1237, %parallel_loop3A_1232 : i1
      %parallel_loop3A_1239 = arith.addi %parallel_loop3A_1230, %parallel_loop3A_1229 : i32
      %parallel_loop3A_1240 = arith.select %parallel_loop3A_1238, %parallel_loop3A_1239, %parallel_loop3A_1230 : i32
      %parallel_loop3A_1241 = arith.index_cast %parallel_loop3A_1224 : i32 to index
      %parallel_loop3A_1242 = arith.index_cast %parallel_loop3A_1240 : i32 to index
      %parallel_loop3A_1243 = tpu.vector_load %arg11[%parallel_loop3A_1241, %parallel_loop3A_1242] {strides = array<i32>} : memref<16x1024xf32, #tpu.memory_space<vmem>>, vector<1x16xf32>,
      %parallel_loop3A_1244 = vector.shape_cast %parallel_loop3A_1243 : vector<1x16xf32> to vector<16xf32>
      %parallel_loop3A_1245 = arith.index_cast %parallel_loop3A_1224 : i32 to index
      %parallel_loop3A_1246 = arith.index_cast %parallel_loop3A_1240 : i32 to index
      %parallel_loop3A_1247 = tpu.vector_load %arg8[%parallel_loop3A_1245, %parallel_loop3A_1246] {strides = array<i32>} : memref<16x1024xf32, #tpu.memory_space<vmem>>, vector<1x16xf32>,
      %parallel_loop3A_1248 = vector.shape_cast %parallel_loop3A_1247 : vector<1x16xf32> to vector<16xf32>
      %parallel_loop3A_1249 = vector.shape_cast %parallel_loop3A_1244 : vector<16xf32> to vector<1x16xf32>
      tpu.vector_store %arg8[%parallel_loop3A_1245, %parallel_loop3A_1246], %parallel_loop3A_1249 {add = true, strides = array<i32>} : memref<16x1024xf32, #tpu.memory_space<vmem>>, vector<1x16xf32>,
    } {sc.loop_unroll_factor = 8 : i64, sc.parallel_access}
    %add3A_1074 = arith.constant 96 : i32
    %add3A_1075 = arith.addi %mul3A_2, %add3A_1074 : i32
    %dma_start3A_1076 = arith.constant 3 : i32
    %dma_start3A_1077 = arith.constant 0 : i32
    %dma_start3A_1078 = tpu.memref_slice %arg4[%dma_start3A_1076, %add3A_1075, %dma_start3A_1077] : memref<4x4096x1024xf32, #tpu.memory_space<hbm>> -> memref<1x16x1024xf32, #tpu.memory_space<hbm>>
    %dma_start3A_1079 = tpu.memref_squeeze %dma_start3A_1078 : memref<1x16x1024xf32, #tpu.memory_space<hbm>> -> memref<16x1024xf32, #tpu.memory_space<hbm>>
    %dma_start3A_1080 = arith.constant 0 : i32
    %dma_start3A_1081 = tpu.memref_slice %arg4[%dma_start3A_1076, %add3A_1075, %dma_start3A_1080] : memref<4x4096x1024xf32, #tpu.memory_space<hbm>> -> memref<1x16x1024xf32, #tpu.memory_space<hbm>>
    %dma_start3A_1082 = tpu.memref_squeeze %dma_start3A_1081 : memref<1x16x1024xf32, #tpu.memory_space<hbm>> -> memref<16x1024xf32, #tpu.memory_space<hbm>>
    tpu.enqueue_dma source(%arg7 : memref<16x1024xf32, #tpu.memory_space<vmem>>) target(%dma_start3A_1082 : memref<16x1024xf32, #tpu.memory_space<hbm>>) target_semaphore(%arg19 : memref<!tpu.dma_semaphore, #tpu.memory_space<semaphore_mem>>)
    %dma_wait3A_1083 = arith.constant 2 : i32
    %dma_wait3A_1084 = arith.constant 0 : i32
    %dma_wait3A_1085 = tpu.memref_slice %arg4[%dma_wait3A_1083, %add3A_1036, %dma_wait3A_1084] : memref<4x4096x1024xf32, #tpu.memory_space<hbm>> -> memref<1x16x1024xf32, #tpu.memory_space<hbm>>
    %dma_wait3A_1086 = tpu.memref_squeeze %dma_wait3A_1085 : memref<1x16x1024xf32, #tpu.memory_space<hbm>> -> memref<16x1024xf32, #tpu.memory_space<hbm>>
    %dma_wait3A_1087 = arith.constant 0 : i32
    %dma_wait3A_1088 = tpu.memref_slice %arg4[%dma_wait3A_1083, %add3A_1036, %dma_wait3A_1087] : memref<4x4096x1024xf32, #tpu.memory_space<hbm>> -> memref<1x16x1024xf32, #tpu.memory_space<hbm>>
    %dma_wait3A_1089 = tpu.memref_squeeze %dma_wait3A_1088 : memref<1x16x1024xf32, #tpu.memory_space<hbm>> -> memref<16x1024xf32, #tpu.memory_space<hbm>>
    tpu.wait_dma2 semaphore(%arg18 : memref<!tpu.dma_semaphore, #tpu.memory_space<semaphore_mem>>) src(%arg6 : memref<16x1024xf32, #tpu.memory_space<vmem>>) dst(%dma_wait3A_1089 : memref<16x1024xf32, #tpu.memory_space<hbm>>)
    %add3A_1090 = arith.constant 112 : i32
    %add3A_1091 = arith.addi %mul3A_2, %add3A_1090 : i32
    %dma_start3A_1092 = arith.constant 3 : i32
    %dma_start3A_1093 = arith.constant 0 : i32
    %dma_start3A_1094 = tpu.memref_slice %arg2[%dma_start3A_1092, %add3A_1091, %dma_start3A_1093] : memref<4x4096x1024xf32, #tpu.memory_space<hbm>> -> memref<1x16x1024xf32, #tpu.memory_space<hbm>>
    %dma_start3A_1095 = tpu.memref_squeeze %dma_start3A_1094 : memref<1x16x1024xf32, #tpu.memory_space<hbm>> -> memref<16x1024xf32, #tpu.memory_space<hbm>>
    %dma_start3A_1096 = arith.constant 0 : i32
    %dma_start3A_1097 = tpu.memref_slice %arg2[%dma_start3A_1092, %add3A_1091, %dma_start3A_1096] : memref<4x4096x1024xf32, #tpu.memory_space<hbm>> -> memref<1x16x1024xf32, #tpu.memory_space<hbm>>
    %dma_start3A_1098 = tpu.memref_squeeze %dma_start3A_1097 : memref<1x16x1024xf32, #tpu.memory_space<hbm>> -> memref<16x1024xf32, #tpu.memory_space<hbm>>
    tpu.enqueue_dma source(%dma_start3A_1098 : memref<16x1024xf32, #tpu.memory_space<hbm>>) target(%arg6 : memref<16x1024xf32, #tpu.memory_space<vmem>>) target_semaphore(%arg13 : memref<!tpu.dma_semaphore, #tpu.memory_space<semaphore_mem>>)
    %dma_wait3A_1099 = arith.constant 1 : i32
    %dma_wait3A_1100 = arith.constant 0 : i32
    %dma_wait3A_1101 = tpu.memref_slice %arg2[%dma_wait3A_1099, %add3A_1017, %dma_wait3A_1100] : memref<4x4096x1024xf32, #tpu.memory_space<hbm>> -> memref<1x16x1024xf32, #tpu.memory_space<hbm>>
    %dma_wait3A_1102 = tpu.memref_squeeze %dma_wait3A_1101 : memref<1x16x1024xf32, #tpu.memory_space<hbm>> -> memref<16x1024xf32, #tpu.memory_space<hbm>>
    %dma_wait3A_1103 = arith.constant 0 : i32
    %dma_wait3A_1104 = tpu.memref_slice %arg2[%dma_wait3A_1099, %add3A_1017, %dma_wait3A_1103] : memref<4x4096x1024xf32, #tpu.memory_space<hbm>> -> memref<1x16x1024xf32, #tpu.memory_space<hbm>>
    %dma_wait3A_1105 = tpu.memref_squeeze %dma_wait3A_1104 : memref<1x16x1024xf32, #tpu.memory_space<hbm>> -> memref<16x1024xf32, #tpu.memory_space<hbm>>
    tpu.wait_dma2 semaphore(%arg16 : memref<!tpu.dma_semaphore, #tpu.memory_space<semaphore_mem>>) src(%dma_wait3A_1105 : memref<16x1024xf32, #tpu.memory_space<hbm>>) dst(%arg9 : memref<16x1024xf32, #tpu.memory_space<vmem>>)
    %parallel_loop3A_1106 = arith.constant 0 : i32
    %parallel_loop3A_1107 = arith.constant 16384 : i32
    %parallel_loop3A_1108 = arith.constant 16 : i32
    scf.for %parallel_loop3A_1200 = %parallel_loop3A_1106 to %parallel_loop3A_1107 step %parallel_loop3A_1108  : i32 {
      %parallel_loop3A_1201 = arith.constant 1024 : i32
      %parallel_loop3A_1202 = arith.divsi %parallel_loop3A_1200, %parallel_loop3A_1201 : i32
      %parallel_loop3A_1203 = arith.constant 0 : i32
      %parallel_loop3A_1204 = arith.cmpi sgt, %parallel_loop3A_1200, %parallel_loop3A_1203 : i32
      %parallel_loop3A_1205 = arith.extui %parallel_loop3A_1204 : i1 to i32
      %parallel_loop3A_1206 = arith.constant 0 : i32
      %parallel_loop3A_1207 = arith.cmpi slt, %parallel_loop3A_1200, %parallel_loop3A_1206 : i32
      %parallel_loop3A_1208 = arith.extui %parallel_loop3A_1207 : i1 to i32
      %parallel_loop3A_1209 = arith.subi %parallel_loop3A_1205, %parallel_loop3A_1208 : i32
      %parallel_loop3A_1210 = arith.constant 0 : i32
      %parallel_loop3A_1211 = arith.cmpi sgt, %parallel_loop3A_1201, %parallel_loop3A_1210 : i32
      %parallel_loop3A_1212 = arith.extui %parallel_loop3A_1211 : i1 to i32
      %parallel_loop3A_1213 = arith.constant 0 : i32
      %parallel_loop3A_1214 = arith.cmpi slt, %parallel_loop3A_1201, %parallel_loop3A_1213 : i32
      %parallel_loop3A_1215 = arith.extui %parallel_loop3A_1214 : i1 to i32
      %parallel_loop3A_1216 = arith.subi %parallel_loop3A_1212, %parallel_loop3A_1215 : i32
      %parallel_loop3A_1217 = arith.cmpi ne, %parallel_loop3A_1209, %parallel_loop3A_1216 : i32
      %parallel_loop3A_1218 = arith.remsi %parallel_loop3A_1200, %parallel_loop3A_1201 : i32
      %parallel_loop3A_1219 = arith.constant 0 : i32
      %parallel_loop3A_1220 = arith.cmpi ne, %parallel_loop3A_1218, %parallel_loop3A_1219 : i32
      %parallel_loop3A_1221 = arith.andi %parallel_loop3A_1217, %parallel_loop3A_1220 : i1
      %parallel_loop3A_1222 = arith.constant 1 : i32
      %parallel_loop3A_1223 = arith.subi %parallel_loop3A_1202, %parallel_loop3A_1222 : i32
      %parallel_loop3A_1224 = arith.select %parallel_loop3A_1221, %parallel_loop3A_1223, %parallel_loop3A_1202 : i32
      %parallel_loop3A_1225 = arith.constant 1024 : i32
      %parallel_loop3A_1226 = arith.constant 0 : i32
      %parallel_loop3A_1227 = arith.cmpi eq, %parallel_loop3A_1225, %parallel_loop3A_1226 : i32
      %parallel_loop3A_1228 = arith.constant 1 : i32
      %parallel_loop3A_1229 = arith.select %parallel_loop3A_1227, %parallel_loop3A_1228, %parallel_loop3A_1225 : i32
      %parallel_loop3A_1230 = arith.remsi %parallel_loop3A_1200, %parallel_loop3A_1229 : i32
      %parallel_loop3A_1231 = arith.constant 0 : i32
      %parallel_loop3A_1232 = arith.cmpi ne, %parallel_loop3A_1230, %parallel_loop3A_1231 : i32
      %parallel_loop3A_1233 = arith.constant 0 : i32
      %parallel_loop3A_1234 = arith.cmpi slt, %parallel_loop3A_1230, %parallel_loop3A_1233 : i32
      %parallel_loop3A_1235 = arith.constant 0 : i32
      %parallel_loop3A_1236 = arith.cmpi slt, %parallel_loop3A_1229, %parallel_loop3A_1235 : i32
      %parallel_loop3A_1237 = arith.xori %parallel_loop3A_1234, %parallel_loop3A_1236 : i1
      %parallel_loop3A_1238 = arith.andi %parallel_loop3A_1237, %parallel_loop3A_1232 : i1
      %parallel_loop3A_1239 = arith.addi %parallel_loop3A_1230, %parallel_loop3A_1229 : i32
      %parallel_loop3A_1240 = arith.select %parallel_loop3A_1238, %parallel_loop3A_1239, %parallel_loop3A_1230 : i32
      %parallel_loop3A_1241 = arith.index_cast %parallel_loop3A_1224 : i32 to index
      %parallel_loop3A_1242 = arith.index_cast %parallel_loop3A_1240 : i32 to index
      %parallel_loop3A_1243 = tpu.vector_load %arg11[%parallel_loop3A_1241, %parallel_loop3A_1242] {strides = array<i32>} : memref<16x1024xf32, #tpu.memory_space<vmem>>, vector<1x16xf32>,
      %parallel_loop3A_1244 = vector.shape_cast %parallel_loop3A_1243 : vector<1x16xf32> to vector<16xf32>
      %parallel_loop3A_1245 = arith.index_cast %parallel_loop3A_1224 : i32 to index
      %parallel_loop3A_1246 = arith.index_cast %parallel_loop3A_1240 : i32 to index
      %parallel_loop3A_1247 = tpu.vector_load %arg9[%parallel_loop3A_1245, %parallel_loop3A_1246] {strides = array<i32>} : memref<16x1024xf32, #tpu.memory_space<vmem>>, vector<1x16xf32>,
      %parallel_loop3A_1248 = vector.shape_cast %parallel_loop3A_1247 : vector<1x16xf32> to vector<16xf32>
      %parallel_loop3A_1249 = vector.shape_cast %parallel_loop3A_1244 : vector<16xf32> to vector<1x16xf32>
      tpu.vector_store %arg9[%parallel_loop3A_1245, %parallel_loop3A_1246], %parallel_loop3A_1249 {add = true, strides = array<i32>} : memref<16x1024xf32, #tpu.memory_space<vmem>>, vector<1x16xf32>,
    } {sc.loop_unroll_factor = 8 : i64, sc.parallel_access}
    %add3A_1109 = arith.constant 112 : i32
    %add3A_1110 = arith.addi %mul3A_2, %add3A_1109 : i32
    %dma_start3A_1111 = arith.constant 0 : i32
    %dma_start3A_1112 = arith.constant 0 : i32
    %dma_start3A_1113 = tpu.memref_slice %arg4[%dma_start3A_1111, %add3A_1110, %dma_start3A_1112] : memref<4x4096x1024xf32, #tpu.memory_space<hbm>> -> memref<1x16x1024xf32, #tpu.memory_space<hbm>>
    %dma_start3A_1114 = tpu.memref_squeeze %dma_start3A_1113 : memref<1x16x1024xf32, #tpu.memory_space<hbm>> -> memref<16x1024xf32, #tpu.memory_space<hbm>>
    %dma_start3A_1115 = arith.constant 0 : i32
    %dma_start3A_1116 = tpu.memref_slice %arg4[%dma_start3A_1111, %add3A_1110, %dma_start3A_1115] : memref<4x4096x1024xf32, #tpu.memory_space<hbm>> -> memref<1x16x1024xf32, #tpu.memory_space<hbm>>
    %dma_start3A_1117 = tpu.memref_squeeze %dma_start3A_1116 : memref<1x16x1024xf32, #tpu.memory_space<hbm>> -> memref<16x1024xf32, #tpu.memory_space<hbm>>
    tpu.enqueue_dma source(%arg8 : memref<16x1024xf32, #tpu.memory_space<vmem>>) target(%dma_start3A_1117 : memref<16x1024xf32, #tpu.memory_space<hbm>>) target_semaphore(%arg20 : memref<!tpu.dma_semaphore, #tpu.memory_space<semaphore_mem>>)
    %dma_wait3A_1118 = arith.constant 2 : i32
    %dma_wait3A_1119 = arith.constant 0 : i32
    %dma_wait3A_1120 = tpu.memref_slice %arg2[%dma_wait3A_1118, %add3A_1052, %dma_wait3A_1119] : memref<4x4096x1024xf32, #tpu.memory_space<hbm>> -> memref<1x16x1024xf32, #tpu.memory_space<hbm>>
    %dma_wait3A_1121 = tpu.memref_squeeze %dma_wait3A_1120 : memref<1x16x1024xf32, #tpu.memory_space<hbm>> -> memref<16x1024xf32, #tpu.memory_space<hbm>>
    %dma_wait3A_1122 = arith.constant 0 : i32
    %dma_wait3A_1123 = tpu.memref_slice %arg2[%dma_wait3A_1118, %add3A_1052, %dma_wait3A_1122] : memref<4x4096x1024xf32, #tpu.memory_space<hbm>> -> memref<1x16x1024xf32, #tpu.memory_space<hbm>>
    %dma_wait3A_1124 = tpu.memref_squeeze %dma_wait3A_1123 : memref<1x16x1024xf32, #tpu.memory_space<hbm>> -> memref<16x1024xf32, #tpu.memory_space<hbm>>
    tpu.wait_dma2 semaphore(%arg12 : memref<!tpu.dma_semaphore, #tpu.memory_space<semaphore_mem>>) src(%dma_wait3A_1124 : memref<16x1024xf32, #tpu.memory_space<hbm>>) dst(%arg5 : memref<16x1024xf32, #tpu.memory_space<vmem>>)
    %parallel_loop3A_1125 = arith.constant 0 : i32
    %parallel_loop3A_1126 = arith.constant 16384 : i32
    %parallel_loop3A_1127 = arith.constant 16 : i32
    scf.for %parallel_loop3A_1200 = %parallel_loop3A_1125 to %parallel_loop3A_1126 step %parallel_loop3A_1127  : i32 {
      %parallel_loop3A_1201 = arith.constant 1024 : i32
      %parallel_loop3A_1202 = arith.divsi %parallel_loop3A_1200, %parallel_loop3A_1201 : i32
      %parallel_loop3A_1203 = arith.constant 0 : i32
      %parallel_loop3A_1204 = arith.cmpi sgt, %parallel_loop3A_1200, %parallel_loop3A_1203 : i32
      %parallel_loop3A_1205 = arith.extui %parallel_loop3A_1204 : i1 to i32
      %parallel_loop3A_1206 = arith.constant 0 : i32
      %parallel_loop3A_1207 = arith.cmpi slt, %parallel_loop3A_1200, %parallel_loop3A_1206 : i32
      %parallel_loop3A_1208 = arith.extui %parallel_loop3A_1207 : i1 to i32
      %parallel_loop3A_1209 = arith.subi %parallel_loop3A_1205, %parallel_loop3A_1208 : i32
      %parallel_loop3A_1210 = arith.constant 0 : i32
      %parallel_loop3A_1211 = arith.cmpi sgt, %parallel_loop3A_1201, %parallel_loop3A_1210 : i32
      %parallel_loop3A_1212 = arith.extui %parallel_loop3A_1211 : i1 to i32
      %parallel_loop3A_1213 = arith.constant 0 : i32
      %parallel_loop3A_1214 = arith.cmpi slt, %parallel_loop3A_1201, %parallel_loop3A_1213 : i32
      %parallel_loop3A_1215 = arith.extui %parallel_loop3A_1214 : i1 to i32
      %parallel_loop3A_1216 = arith.subi %parallel_loop3A_1212, %parallel_loop3A_1215 : i32
      %parallel_loop3A_1217 = arith.cmpi ne, %parallel_loop3A_1209, %parallel_loop3A_1216 : i32
      %parallel_loop3A_1218 = arith.remsi %parallel_loop3A_1200, %parallel_loop3A_1201 : i32
      %parallel_loop3A_1219 = arith.constant 0 : i32
      %parallel_loop3A_1220 = arith.cmpi ne, %parallel_loop3A_1218, %parallel_loop3A_1219 : i32
      %parallel_loop3A_1221 = arith.andi %parallel_loop3A_1217, %parallel_loop3A_1220 : i1
      %parallel_loop3A_1222 = arith.constant 1 : i32
      %parallel_loop3A_1223 = arith.subi %parallel_loop3A_1202, %parallel_loop3A_1222 : i32
      %parallel_loop3A_1224 = arith.select %parallel_loop3A_1221, %parallel_loop3A_1223, %parallel_loop3A_1202 : i32
      %parallel_loop3A_1225 = arith.constant 1024 : i32
      %parallel_loop3A_1226 = arith.constant 0 : i32
      %parallel_loop3A_1227 = arith.cmpi eq, %parallel_loop3A_1225, %parallel_loop3A_1226 : i32
      %parallel_loop3A_1228 = arith.constant 1 : i32
      %parallel_loop3A_1229 = arith.select %parallel_loop3A_1227, %parallel_loop3A_1228, %parallel_loop3A_1225 : i32
      %parallel_loop3A_1230 = arith.remsi %parallel_loop3A_1200, %parallel_loop3A_1229 : i32
      %parallel_loop3A_1231 = arith.constant 0 : i32
      %parallel_loop3A_1232 = arith.cmpi ne, %parallel_loop3A_1230, %parallel_loop3A_1231 : i32
      %parallel_loop3A_1233 = arith.constant 0 : i32
      %parallel_loop3A_1234 = arith.cmpi slt, %parallel_loop3A_1230, %parallel_loop3A_1233 : i32
      %parallel_loop3A_1235 = arith.constant 0 : i32
      %parallel_loop3A_1236 = arith.cmpi slt, %parallel_loop3A_1229, %parallel_loop3A_1235 : i32
      %parallel_loop3A_1237 = arith.xori %parallel_loop3A_1234, %parallel_loop3A_1236 : i1
      %parallel_loop3A_1238 = arith.andi %parallel_loop3A_1237, %parallel_loop3A_1232 : i1
      %parallel_loop3A_1239 = arith.addi %parallel_loop3A_1230, %parallel_loop3A_1229 : i32
      %parallel_loop3A_1240 = arith.select %parallel_loop3A_1238, %parallel_loop3A_1239, %parallel_loop3A_1230 : i32
      %parallel_loop3A_1241 = arith.index_cast %parallel_loop3A_1224 : i32 to index
      %parallel_loop3A_1242 = arith.index_cast %parallel_loop3A_1240 : i32 to index
      %parallel_loop3A_1243 = tpu.vector_load %arg11[%parallel_loop3A_1241, %parallel_loop3A_1242] {strides = array<i32>} : memref<16x1024xf32, #tpu.memory_space<vmem>>, vector<1x16xf32>,
      %parallel_loop3A_1244 = vector.shape_cast %parallel_loop3A_1243 : vector<1x16xf32> to vector<16xf32>
      %parallel_loop3A_1245 = arith.index_cast %parallel_loop3A_1224 : i32 to index
      %parallel_loop3A_1246 = arith.index_cast %parallel_loop3A_1240 : i32 to index
      %parallel_loop3A_1247 = tpu.vector_load %arg5[%parallel_loop3A_1245, %parallel_loop3A_1246] {strides = array<i32>} : memref<16x1024xf32, #tpu.memory_space<vmem>>, vector<1x16xf32>,
      %parallel_loop3A_1248 = vector.shape_cast %parallel_loop3A_1247 : vector<1x16xf32> to vector<16xf32>
      %parallel_loop3A_1249 = vector.shape_cast %parallel_loop3A_1244 : vector<16xf32> to vector<1x16xf32>
      tpu.vector_store %arg5[%parallel_loop3A_1245, %parallel_loop3A_1246], %parallel_loop3A_1249 {add = true, strides = array<i32>} : memref<16x1024xf32, #tpu.memory_space<vmem>>, vector<1x16xf32>,
    } {sc.loop_unroll_factor = 8 : i64, sc.parallel_access}
    %add3A_1128 = arith.constant 112 : i32
    %add3A_1129 = arith.addi %mul3A_2, %add3A_1128 : i32
    %dma_start3A_1130 = arith.constant 1 : i32
    %dma_start3A_1131 = arith.constant 0 : i32
    %dma_start3A_1132 = tpu.memref_slice %arg4[%dma_start3A_1130, %add3A_1129, %dma_start3A_1131] : memref<4x4096x1024xf32, #tpu.memory_space<hbm>> -> memref<1x16x1024xf32, #tpu.memory_space<hbm>>
    %dma_start3A_1133 = tpu.memref_squeeze %dma_start3A_1132 : memref<1x16x1024xf32, #tpu.memory_space<hbm>> -> memref<16x1024xf32, #tpu.memory_space<hbm>>
    %dma_start3A_1134 = arith.constant 0 : i32
    %dma_start3A_1135 = tpu.memref_slice %arg4[%dma_start3A_1130, %add3A_1129, %dma_start3A_1134] : memref<4x4096x1024xf32, #tpu.memory_space<hbm>> -> memref<1x16x1024xf32, #tpu.memory_space<hbm>>
    %dma_start3A_1136 = tpu.memref_squeeze %dma_start3A_1135 : memref<1x16x1024xf32, #tpu.memory_space<hbm>> -> memref<16x1024xf32, #tpu.memory_space<hbm>>
    tpu.enqueue_dma source(%arg9 : memref<16x1024xf32, #tpu.memory_space<vmem>>) target(%dma_start3A_1136 : memref<16x1024xf32, #tpu.memory_space<hbm>>) target_semaphore(%arg21 : memref<!tpu.dma_semaphore, #tpu.memory_space<semaphore_mem>>)
    %dma_wait3A_1137 = arith.constant 3 : i32
    %dma_wait3A_1138 = arith.constant 0 : i32
    %dma_wait3A_1139 = tpu.memref_slice %arg2[%dma_wait3A_1137, %add3A_1091, %dma_wait3A_1138] : memref<4x4096x1024xf32, #tpu.memory_space<hbm>> -> memref<1x16x1024xf32, #tpu.memory_space<hbm>>
    %dma_wait3A_1140 = tpu.memref_squeeze %dma_wait3A_1139 : memref<1x16x1024xf32, #tpu.memory_space<hbm>> -> memref<16x1024xf32, #tpu.memory_space<hbm>>
    %dma_wait3A_1141 = arith.constant 0 : i32
    %dma_wait3A_1142 = tpu.memref_slice %arg2[%dma_wait3A_1137, %add3A_1091, %dma_wait3A_1141] : memref<4x4096x1024xf32, #tpu.memory_space<hbm>> -> memref<1x16x1024xf32, #tpu.memory_space<hbm>>
    %dma_wait3A_1143 = tpu.memref_squeeze %dma_wait3A_1142 : memref<1x16x1024xf32, #tpu.memory_space<hbm>> -> memref<16x1024xf32, #tpu.memory_space<hbm>>
    tpu.wait_dma2 semaphore(%arg13 : memref<!tpu.dma_semaphore, #tpu.memory_space<semaphore_mem>>) src(%dma_wait3A_1143 : memref<16x1024xf32, #tpu.memory_space<hbm>>) dst(%arg6 : memref<16x1024xf32, #tpu.memory_space<vmem>>)
    %parallel_loop3A_1144 = arith.constant 0 : i32
    %parallel_loop3A_1145 = arith.constant 16384 : i32
    %parallel_loop3A_1146 = arith.constant 16 : i32
    scf.for %parallel_loop3A_1200 = %parallel_loop3A_1144 to %parallel_loop3A_1145 step %parallel_loop3A_1146  : i32 {
      %parallel_loop3A_1201 = arith.constant 1024 : i32
      %parallel_loop3A_1202 = arith.divsi %parallel_loop3A_1200, %parallel_loop3A_1201 : i32
      %parallel_loop3A_1203 = arith.constant 0 : i32
      %parallel_loop3A_1204 = arith.cmpi sgt, %parallel_loop3A_1200, %parallel_loop3A_1203 : i32
      %parallel_loop3A_1205 = arith.extui %parallel_loop3A_1204 : i1 to i32
      %parallel_loop3A_1206 = arith.constant 0 : i32
      %parallel_loop3A_1207 = arith.cmpi slt, %parallel_loop3A_1200, %parallel_loop3A_1206 : i32
      %parallel_loop3A_1208 = arith.extui %parallel_loop3A_1207 : i1 to i32
      %parallel_loop3A_1209 = arith.subi %parallel_loop3A_1205, %parallel_loop3A_1208 : i32
      %parallel_loop3A_1210 = arith.constant 0 : i32
      %parallel_loop3A_1211 = arith.cmpi sgt, %parallel_loop3A_1201, %parallel_loop3A_1210 : i32
      %parallel_loop3A_1212 = arith.extui %parallel_loop3A_1211 : i1 to i32
      %parallel_loop3A_1213 = arith.constant 0 : i32
      %parallel_loop3A_1214 = arith.cmpi slt, %parallel_loop3A_1201, %parallel_loop3A_1213 : i32
      %parallel_loop3A_1215 = arith.extui %parallel_loop3A_1214 : i1 to i32
      %parallel_loop3A_1216 = arith.subi %parallel_loop3A_1212, %parallel_loop3A_1215 : i32
      %parallel_loop3A_1217 = arith.cmpi ne, %parallel_loop3A_1209, %parallel_loop3A_1216 : i32
      %parallel_loop3A_1218 = arith.remsi %parallel_loop3A_1200, %parallel_loop3A_1201 : i32
      %parallel_loop3A_1219 = arith.constant 0 : i32
      %parallel_loop3A_1220 = arith.cmpi ne, %parallel_loop3A_1218, %parallel_loop3A_1219 : i32
      %parallel_loop3A_1221 = arith.andi %parallel_loop3A_1217, %parallel_loop3A_1220 : i1
      %parallel_loop3A_1222 = arith.constant 1 : i32
      %parallel_loop3A_1223 = arith.subi %parallel_loop3A_1202, %parallel_loop3A_1222 : i32
      %parallel_loop3A_1224 = arith.select %parallel_loop3A_1221, %parallel_loop3A_1223, %parallel_loop3A_1202 : i32
      %parallel_loop3A_1225 = arith.constant 1024 : i32
      %parallel_loop3A_1226 = arith.constant 0 : i32
      %parallel_loop3A_1227 = arith.cmpi eq, %parallel_loop3A_1225, %parallel_loop3A_1226 : i32
      %parallel_loop3A_1228 = arith.constant 1 : i32
      %parallel_loop3A_1229 = arith.select %parallel_loop3A_1227, %parallel_loop3A_1228, %parallel_loop3A_1225 : i32
      %parallel_loop3A_1230 = arith.remsi %parallel_loop3A_1200, %parallel_loop3A_1229 : i32
      %parallel_loop3A_1231 = arith.constant 0 : i32
      %parallel_loop3A_1232 = arith.cmpi ne, %parallel_loop3A_1230, %parallel_loop3A_1231 : i32
      %parallel_loop3A_1233 = arith.constant 0 : i32
      %parallel_loop3A_1234 = arith.cmpi slt, %parallel_loop3A_1230, %parallel_loop3A_1233 : i32
      %parallel_loop3A_1235 = arith.constant 0 : i32
      %parallel_loop3A_1236 = arith.cmpi slt, %parallel_loop3A_1229, %parallel_loop3A_1235 : i32
      %parallel_loop3A_1237 = arith.xori %parallel_loop3A_1234, %parallel_loop3A_1236 : i1
      %parallel_loop3A_1238 = arith.andi %parallel_loop3A_1237, %parallel_loop3A_1232 : i1
      %parallel_loop3A_1239 = arith.addi %parallel_loop3A_1230, %parallel_loop3A_1229 : i32
      %parallel_loop3A_1240 = arith.select %parallel_loop3A_1238, %parallel_loop3A_1239, %parallel_loop3A_1230 : i32
      %parallel_loop3A_1241 = arith.index_cast %parallel_loop3A_1224 : i32 to index
      %parallel_loop3A_1242 = arith.index_cast %parallel_loop3A_1240 : i32 to index
      %parallel_loop3A_1243 = tpu.vector_load %arg11[%parallel_loop3A_1241, %parallel_loop3A_1242] {strides = array<i32>} : memref<16x1024xf32, #tpu.memory_space<vmem>>, vector<1x16xf32>,
      %parallel_loop3A_1244 = vector.shape_cast %parallel_loop3A_1243 : vector<1x16xf32> to vector<16xf32>
      %parallel_loop3A_1245 = arith.index_cast %parallel_loop3A_1224 : i32 to index
      %parallel_loop3A_1246 = arith.index_cast %parallel_loop3A_1240 : i32 to index
      %parallel_loop3A_1247 = tpu.vector_load %arg6[%parallel_loop3A_1245, %parallel_loop3A_1246] {strides = array<i32>} : memref<16x1024xf32, #tpu.memory_space<vmem>>, vector<1x16xf32>,
      %parallel_loop3A_1248 = vector.shape_cast %parallel_loop3A_1247 : vector<1x16xf32> to vector<16xf32>
      %parallel_loop3A_1249 = vector.shape_cast %parallel_loop3A_1244 : vector<16xf32> to vector<1x16xf32>
      tpu.vector_store %arg6[%parallel_loop3A_1245, %parallel_loop3A_1246], %parallel_loop3A_1249 {add = true, strides = array<i32>} : memref<16x1024xf32, #tpu.memory_space<vmem>>, vector<1x16xf32>,
    } {sc.loop_unroll_factor = 8 : i64, sc.parallel_access}
    %add3A_1147 = arith.constant 112 : i32
    %add3A_1148 = arith.addi %mul3A_2, %add3A_1147 : i32
    %dma_start3A_1149 = arith.constant 2 : i32
    %dma_start3A_1150 = arith.constant 0 : i32
    %dma_start3A_1151 = tpu.memref_slice %arg4[%dma_start3A_1149, %add3A_1148, %dma_start3A_1150] : memref<4x4096x1024xf32, #tpu.memory_space<hbm>> -> memref<1x16x1024xf32, #tpu.memory_space<hbm>>
    %dma_start3A_1152 = tpu.memref_squeeze %dma_start3A_1151 : memref<1x16x1024xf32, #tpu.memory_space<hbm>> -> memref<16x1024xf32, #tpu.memory_space<hbm>>
    %dma_start3A_1153 = arith.constant 0 : i32
    %dma_start3A_1154 = tpu.memref_slice %arg4[%dma_start3A_1149, %add3A_1148, %dma_start3A_1153] : memref<4x4096x1024xf32, #tpu.memory_space<hbm>> -> memref<1x16x1024xf32, #tpu.memory_space<hbm>>
    %dma_start3A_1155 = tpu.memref_squeeze %dma_start3A_1154 : memref<1x16x1024xf32, #tpu.memory_space<hbm>> -> memref<16x1024xf32, #tpu.memory_space<hbm>>
    tpu.enqueue_dma source(%arg5 : memref<16x1024xf32, #tpu.memory_space<vmem>>) target(%dma_start3A_1155 : memref<16x1024xf32, #tpu.memory_space<hbm>>) target_semaphore(%arg17 : memref<!tpu.dma_semaphore, #tpu.memory_space<semaphore_mem>>)
    %add3A_1156 = arith.constant 112 : i32
    %add3A_1157 = arith.addi %mul3A_2, %add3A_1156 : i32
    %dma_start3A_1158 = arith.constant 3 : i32
    %dma_start3A_1159 = arith.constant 0 : i32
    %dma_start3A_1160 = tpu.memref_slice %arg4[%dma_start3A_1158, %add3A_1157, %dma_start3A_1159] : memref<4x4096x1024xf32, #tpu.memory_space<hbm>> -> memref<1x16x1024xf32, #tpu.memory_space<hbm>>
    %dma_start3A_1161 = tpu.memref_squeeze %dma_start3A_1160 : memref<1x16x1024xf32, #tpu.memory_space<hbm>> -> memref<16x1024xf32, #tpu.memory_space<hbm>>
    %dma_start3A_1162 = arith.constant 0 : i32
    %dma_start3A_1163 = tpu.memref_slice %arg4[%dma_start3A_1158, %add3A_1157, %dma_start3A_1162] : memref<4x4096x1024xf32, #tpu.memory_space<hbm>> -> memref<1x16x1024xf32, #tpu.memory_space<hbm>>
    %dma_start3A_1164 = tpu.memref_squeeze %dma_start3A_1163 : memref<1x16x1024xf32, #tpu.memory_space<hbm>> -> memref<16x1024xf32, #tpu.memory_space<hbm>>
    tpu.enqueue_dma source(%arg6 : memref<16x1024xf32, #tpu.memory_space<vmem>>) target(%dma_start3A_1164 : memref<16x1024xf32, #tpu.memory_space<hbm>>) target_semaphore(%arg18 : memref<!tpu.dma_semaphore, #tpu.memory_space<semaphore_mem>>)
    %dma_wait3A_1165 = arith.constant 3 : i32
    %dma_wait3A_1166 = arith.constant 0 : i32
    %dma_wait3A_1167 = tpu.memref_slice %arg4[%dma_wait3A_1165, %add3A_1075, %dma_wait3A_1166] : memref<4x4096x1024xf32, #tpu.memory_space<hbm>> -> memref<1x16x1024xf32, #tpu.memory_space<hbm>>
    %dma_wait3A_1168 = tpu.memref_squeeze %dma_wait3A_1167 : memref<1x16x1024xf32, #tpu.memory_space<hbm>> -> memref<16x1024xf32, #tpu.memory_space<hbm>>
    %dma_wait3A_1169 = arith.constant 0 : i32
    %dma_wait3A_1170 = tpu.memref_slice %arg4[%dma_wait3A_1165, %add3A_1075, %dma_wait3A_1169] : memref<4x4096x1024xf32, #tpu.memory_space<hbm>> -> memref<1x16x1024xf32, #tpu.memory_space<hbm>>
    %dma_wait3A_1171 = tpu.memref_squeeze %dma_wait3A_1170 : memref<1x16x1024xf32, #tpu.memory_space<hbm>> -> memref<16x1024xf32, #tpu.memory_space<hbm>>
    tpu.wait_dma2 semaphore(%arg19 : memref<!tpu.dma_semaphore, #tpu.memory_space<semaphore_mem>>) src(%arg7 : memref<16x1024xf32, #tpu.memory_space<vmem>>) dst(%dma_wait3A_1171 : memref<16x1024xf32, #tpu.memory_space<hbm>>)
    %dma_wait3A_1172 = arith.constant 0 : i32
    %dma_wait3A_1173 = arith.constant 0 : i32
    %dma_wait3A_1174 = tpu.memref_slice %arg4[%dma_wait3A_1172, %add3A_1110, %dma_wait3A_1173] : memref<4x4096x1024xf32, #tpu.memory_space<hbm>> -> memref<1x16x1024xf32, #tpu.memory_space<hbm>>
    %dma_wait3A_1175 = tpu.memref_squeeze %dma_wait3A_1174 : memref<1x16x1024xf32, #tpu.memory_space<hbm>> -> memref<16x1024xf32, #tpu.memory_space<hbm>>
    %dma_wait3A_1176 = arith.constant 0 : i32
    %dma_wait3A_1177 = tpu.memref_slice %arg4[%dma_wait3A_1172, %add3A_1110, %dma_wait3A_1176] : memref<4x4096x1024xf32, #tpu.memory_space<hbm>> -> memref<1x16x1024xf32, #tpu.memory_space<hbm>>
    %dma_wait3A_1178 = tpu.memref_squeeze %dma_wait3A_1177 : memref<1x16x1024xf32, #tpu.memory_space<hbm>> -> memref<16x1024xf32, #tpu.memory_space<hbm>>
    tpu.wait_dma2 semaphore(%arg20 : memref<!tpu.dma_semaphore, #tpu.memory_space<semaphore_mem>>) src(%arg8 : memref<16x1024xf32, #tpu.memory_space<vmem>>) dst(%dma_wait3A_1178 : memref<16x1024xf32, #tpu.memory_space<hbm>>)
    %dma_wait3A_1179 = arith.constant 1 : i32
    %dma_wait3A_1180 = arith.constant 0 : i32
    %dma_wait3A_1181 = tpu.memref_slice %arg4[%dma_wait3A_1179, %add3A_1129, %dma_wait3A_1180] : memref<4x4096x1024xf32, #tpu.memory_space<hbm>> -> memref<1x16x1024xf32, #tpu.memory_space<hbm>>
    %dma_wait3A_1182 = tpu.memref_squeeze %dma_wait3A_1181 : memref<1x16x1024xf32, #tpu.memory_space<hbm>> -> memref<16x1024xf32, #tpu.memory_space<hbm>>
    %dma_wait3A_1183 = arith.constant 0 : i32
    %dma_wait3A_1184 = tpu.memref_slice %arg4[%dma_wait3A_1179, %add3A_1129, %dma_wait3A_1183] : memref<4x4096x1024xf32, #tpu.memory_space<hbm>> -> memref<1x16x1024xf32, #tpu.memory_space<hbm>>
    %dma_wait3A_1185 = tpu.memref_squeeze %dma_wait3A_1184 : memref<1x16x1024xf32, #tpu.memory_space<hbm>> -> memref<16x1024xf32, #tpu.memory_space<hbm>>
    tpu.wait_dma2 semaphore(%arg21 : memref<!tpu.dma_semaphore, #tpu.memory_space<semaphore_mem>>) src(%arg9 : memref<16x1024xf32, #tpu.memory_space<vmem>>) dst(%dma_wait3A_1185 : memref<16x1024xf32, #tpu.memory_space<hbm>>)
    %dma_wait3A_1186 = arith.constant 2 : i32
    %dma_wait3A_1187 = arith.constant 0 : i32
    %dma_wait3A_1188 = tpu.memref_slice %arg4[%dma_wait3A_1186, %add3A_1148, %dma_wait3A_1187] : memref<4x4096x1024xf32, #tpu.memory_space<hbm>> -> memref<1x16x1024xf32, #tpu.memory_space<hbm>>
    %dma_wait3A_1189 = tpu.memref_squeeze %dma_wait3A_1188 : memref<1x16x1024xf32, #tpu.memory_space<hbm>> -> memref<16x1024xf32, #tpu.memory_space<hbm>>
    %dma_wait3A_1190 = arith.constant 0 : i32
    %dma_wait3A_1191 = tpu.memref_slice %arg4[%dma_wait3A_1186, %add3A_1148, %dma_wait3A_1190] : memref<4x4096x1024xf32, #tpu.memory_space<hbm>> -> memref<1x16x1024xf32, #tpu.memory_space<hbm>>
    %dma_wait3A_1192 = tpu.memref_squeeze %dma_wait3A_1191 : memref<1x16x1024xf32, #tpu.memory_space<hbm>> -> memref<16x1024xf32, #tpu.memory_space<hbm>>
    tpu.wait_dma2 semaphore(%arg17 : memref<!tpu.dma_semaphore, #tpu.memory_space<semaphore_mem>>) src(%arg5 : memref<16x1024xf32, #tpu.memory_space<vmem>>) dst(%dma_wait3A_1192 : memref<16x1024xf32, #tpu.memory_space<hbm>>)
    %dma_wait3A_1193 = arith.constant 3 : i32
    %dma_wait3A_1194 = arith.constant 0 : i32
    %dma_wait3A_1195 = tpu.memref_slice %arg4[%dma_wait3A_1193, %add3A_1157, %dma_wait3A_1194] : memref<4x4096x1024xf32, #tpu.memory_space<hbm>> -> memref<1x16x1024xf32, #tpu.memory_space<hbm>>
    %dma_wait3A_1196 = tpu.memref_squeeze %dma_wait3A_1195 : memref<1x16x1024xf32, #tpu.memory_space<hbm>> -> memref<16x1024xf32, #tpu.memory_space<hbm>>
    %dma_wait3A_1197 = arith.constant 0 : i32
    %dma_wait3A_1198 = tpu.memref_slice %arg4[%dma_wait3A_1193, %add3A_1157, %dma_wait3A_1197] : memref<4x4096x1024xf32, #tpu.memory_space<hbm>> -> memref<1x16x1024xf32, #tpu.memory_space<hbm>>
    %dma_wait3A_1199 = tpu.memref_squeeze %dma_wait3A_1198 : memref<1x16x1024xf32, #tpu.memory_space<hbm>> -> memref<16x1024xf32, #tpu.memory_space<hbm>>
    tpu.wait_dma2 semaphore(%arg18 : memref<!tpu.dma_semaphore, #tpu.memory_space<semaphore_mem>>) src(%arg6 : memref<16x1024xf32, #tpu.memory_space<vmem>>) dst(%dma_wait3A_1199 : memref<16x1024xf32, #tpu.memory_space<hbm>>)
    return
  }
}

</mosaic_0001>

<sc_bundles>
// kernel: kernel.3.cloned.1.call-start
scs
__scs_entry_jumppad:
0x0: {  	(pc) =	sbr.rel $0x88, $3  }
0x1: {  	(tag) =	ssettag $0x0;
	lr =	simm.s32 $0x1  }
0x2: {  	[smem:$0x3F9F] =	sst lr;
	_ =	strace $0xD0000000  }
0x3: {  	_ = 	snop  }
0x4: {  	_ = 	snop  }
0x5: {  	_ = 	snop  }
0x6: {  	_ = 	snop  }
0x7: {  	_ = 	snop  }
__scs_overlays_trampoline_lowered:
0x8: {  	[smem:$0x3FAE] =	sst s0  }
0x9: {  	[smem:$0x3FAF] =	sst s1  }
0xa: {  	[smem:$0x3FB0] =	sst s2  }
0xb: {  	[smem:$0x3FB1] =	sst s3  }
0xc: {  	[smem:$0x3FB2] =	sst s4  }
0xd: {  	[smem:$0x3FB3] =	sst s5  }
0xe: {  	[smem:$0x3FB4] =	sst s6  }
0xf: {  	[smem:$0x3FB5] =	sst s7  }
0x10: {  	[smem:$0x3FB6] =	sst s8  }
0x11: {  	[smem:$0x3FB7] =	sst s9;
	s0 =	simm.s32 @!p0 $0x0  }
0x12: {  	s1 =	sld [smem:$0x3F9D];
	s0 =	simm.s32 @p0 $0x1  }
0x13: {  	[smem:$0x3FB8] =	sst s0;
	s0 =	simm.s32 @!p1 $0x0  }
0x14: {  	s2 =	sld [smem:$0x3F9C];
	s0 =	simm.s32 @p1 $0x1  }
0x15: {  	[smem:$0x3FB9] =	sst s0;
	s0 =	simm.s32 @!p2 $0x0  }
0x16: {  	s3 =	sld [smem:$0x3FDB];
	s0 =	simm.s32 @p2 $0x1  }
0x17: {  	s4 =	simm.s32 $0x1BF5;
	[smem:$0x3FBB] =	sst s0  }
0x18: {  	s0 =	sld [smem:$0x3F9E];
	_ =	swait.ge [sflag:s4], $0x0  }
0x19: {  	s7 =	sld [smem:$0x3F9F]  }
0x1a: {  	s8 =	sadd.s32 $0xFFFFE003, lr  }
0x1b: {  	s9 =	sadd.s32 $0xFFFFFEF7, lr;
	s5 =	simm.s32 $0xFFFFFFFF;
	p2 =	slt.u32 s8, $0xFFFFF086  }
0x1c: {  	p1 =	slt.u32 s9, $0xF7A;
	s5 =	simm.s32 @!p2 $0x0  }
0x1d: {  	s5 =	simm.s32 @p1 $0x1;
	p0 =	seq.s32 s7, s2  }
0x1e: {  	s7 =	smul.u32 @!p0 $0xF7A, s2;
	p2 =	seq.s32 @!p0 s5, $0x0  }
0x1f: {  	s9 =	smul.u32 $0xF7A, s1;
	s8 =	simm.s32 @!p0 $0x1BF5;
	p2 =	por !p2, p0  }
0x20: {  	[sflag:s8] =	ssyncset.s32 @!p0 $0xFFFFF086;
	s6 =	sadd.s32 @!p0 s3, s7;
	s7 =	simm.s32 @!p0 $0x108  }
0x21: {  	s3 =	sadd.s32 s3, s9;
	s6 =	sadd.s32 @!p0 $0x88, s6;
	s7 =	simm.s32 @p2 $0x1082  }
0x22: {  	[simem:s7], [sflag:s8] =	dma.local @!p0 [hbm:s6], $0xF7A  }
0x23: {  	s9 =	sor.u32 $0xD0000000, s2;
	s6 =	simm.s32 $0x108;
	_ =	swait.ge @!p0 [sflag:s8], $0x0  }
0x24: {  	s3 =	sadd.s32 $0x88, s3;
	s6 =	simm.s32 @!p1 $0x1082;
	[sflag:s4] =	ssyncset.s32 $0xFFFFF086  }
0x25: {  	[simem:s6], [sflag:s4] =	dma.local [hbm:s3], $0xF7A  }
0x26: {  	[smem:$0x3F9F] =	sst s1;
	(tag) =	ssettag s2;
	_ =	strace s9  }
0x27: {  	s1 =	sld [smem:$0x3FAF]  }
0x28: {  	s2 =	sld [smem:$0x3FB0]  }
0x29: {  	s4 =	sld [smem:$0x3FB2]  }
0x2a: {  	p0 =	seq.s32 s5, $0x0;
	s5 =	sld [smem:$0x3FB3]  }
0x2b: {  	s6 =	sld [smem:$0x3FB4]  }
0x2c: {  	s7 =	sld [smem:$0x3FB5]  }
0x2d: {  	s3 =	simm.s32 $0x108;
	s8 =	sld [smem:$0x3FB6]  }
0x2e: {  	s3 =	simm.s32 @!p0 $0x1082;
	s9 =	sld [smem:$0x3FB7]  }
0x2f: {  	lr =	sadd.s32 s0, s3;
	s0 =	sld [smem:$0x3FAE]  }
0x30: {  	s3 =	sld [smem:$0x3FB1]  }
0x31: {  	[smem:$0x3FBA] =	sst s10  }
0x32: {  	s10 =	sld [smem:$0x3FB8];
	_ =	sdelay $0x3  }
0x33: {  	p0 =	seq.s32 s10, $0x1;
	s10 =	sld [smem:$0x3FBA];
	_ =	sdelay $0x3  }
0x34: {  	[smem:$0x3FBA] =	sst s10  }
0x35: {  	s10 =	sld [smem:$0x3FB9];
	_ =	sdelay $0x3  }
0x36: {  	p1 =	seq.s32 s10, $0x1;
	s10 =	sld [smem:$0x3FBA];
	_ =	sdelay $0x3  }
0x37: {  	[smem:$0x3FBA] =	sst s10  }
0x38: {  	s10 =	sld [smem:$0x3FBB]  }
0x39: {  	_ = 	snop;
	(pc) =	sbr.ind lr, $3  }
0x3a: {  	_ = 	snop  }
0x3b: {  	_ = 	snop  }
0x3c: {  	p2 =	seq.s32 s10, $0x1;
	s10 =	sld [smem:$0x3FBA]  }
0x3d: {  	_ =	shalt  }
0x3e: {  	_ =	shalt  }
0x3f: {  	_ =	shalt  }
0x40: {  	_ =	shalt  }
0x41: {  	_ =	shalt  }
0x42: {  	_ =	shalt  }
0x43: {  	_ =	shalt  }
0x44: {  	_ =	shalt  }
0x45: {  	_ =	shalt  }
0x46: {  	_ =	shalt  }
0x47: {  	_ =	shalt  }
0x48: {  	_ =	shalt  }
0x49: {  	_ =	shalt  }
0x4a: {  	_ =	shalt  }
0x4b: {  	_ =	shalt  }
0x4c: {  	_ =	shalt  }
0x4d: {  	_ =	shalt  }
0x4e: {  	_ =	shalt  }
0x4f: {  	_ =	shalt  }
0x50: {  	_ =	shalt  }
0x51: {  	_ =	shalt  }
0x52: {  	_ =	shalt  }
0x53: {  	_ =	shalt  }
0x54: {  	_ =	shalt  }
0x55: {  	_ =	shalt  }
0x56: {  	_ =	shalt  }
0x57: {  	_ =	shalt  }
0x58: {  	_ =	shalt  }
0x59: {  	_ =	shalt  }
0x5a: {  	_ =	shalt  }
0x5b: {  	_ =	shalt  }
0x5c: {  	_ =	shalt  }
0x5d: {  	_ =	shalt  }
0x5e: {  	_ =	shalt  }
0x5f: {  	_ =	shalt  }
0x60: {  	_ =	shalt  }
0x61: {  	_ =	shalt  }
0x62: {  	_ =	shalt  }
0x63: {  	_ =	shalt  }
0x64: {  	_ =	shalt  }
0x65: {  	_ =	shalt  }
0x66: {  	_ =	shalt  }
0x67: {  	_ =	shalt  }
0x68: {  	_ =	shalt  }
0x69: {  	_ =	shalt  }
0x6a: {  	_ =	shalt  }
0x6b: {  	_ =	shalt  }
0x6c: {  	_ =	shalt  }
0x6d: {  	_ =	shalt  }
0x6e: {  	_ =	shalt  }
0x6f: {  	_ =	shalt  }
0x70: {  	_ =	shalt  }
0x71: {  	_ =	shalt  }
0x72: {  	_ =	shalt  }
0x73: {  	_ =	shalt  }
0x74: {  	_ =	shalt  }
0x75: {  	_ =	shalt  }
0x76: {  	_ =	shalt  }
0x77: {  	_ =	shalt  }
0x78: {  	_ =	shalt  }
0x79: {  	_ =	shalt  }
0x7a: {  	_ =	shalt  }
0x7b: {  	_ =	shalt  }
0x7c: {  	_ =	shalt  }
0x7d: {  	_ =	shalt  }
0x7e: {  	_ =	shalt  }
0x7f: {  	_ =	shalt  }
0x80: {  	_ =	shalt  }
0x81: {  	_ =	shalt  }
0x82: {  	_ =	shalt  }
0x83: {  	_ =	shalt  }
0x84: {  	_ =	shalt  }
0x85: {  	_ =	shalt  }
0x86: {  	_ =	shalt  }
0x87: {  	_ =	shalt  }
.Lfunc_end0:
.L_simem_size_0:
called_computation_lowered:
.L_overlay_start_0:
0x88: {  	s2 =	sld [smem:$0x3FD9]  }
0x89: {  	s3 =	sld [smem:$0x3FFE];
	_ =	sdelay $0x1  }
0x8a: {  	s1 =	srdreg.scid  }
0x8b: {  	s0 =	sand.u32 $0x1, s1  }
0x8c: {  	s18 =	sshll.u32 s0, $0xA;
	s2 =	sadd.s32 s3, s2  }
0x8d: {  	s2 =	sadd.s32 s2, s18  }
0x8e: {  	[smem:$0x3FC6] =	sst s2  }
0x8f: {  	_ = 	snop  }
0x90: {  	s2 =	sld [smem:$0x3FC9]  }
0x91: {  	s19 =	sld [smem:$0x3FC8]  }
0x92: {  	s4 =	sld [smem:$0x3FD0];
	(tm) =	ssettm $0x1  }
0x93: {  	s5 =	sld [smem:$0x3FFB];
	_ =	sdelay $0x3  }
0x94: {  	_ =	strace s5  }
0x95: {  	s5 =	sld [smem:$0x3FFC];
	_ =	sdelay $0x3  }
0x96: {  	_ =	strace s5  }
0x97: {  	s5 =	sld [smem:$0x3FFD];
	_ =	sdelay $0x3  }
0x98: {  	_ =	strace s5  }
0x99: {  	_ =	strace $0x8FFFFFFF  }
0x9a: {  	s20 =	sld [smem:$0x3FDB];
	_ =	sdelay $0x1  }
0x9b: {  	s6 =	simm.s32 $_scs_section_size  }
0x9c: {  	s7 =	simm.s32 $_size__tile_overlayer_lowered;
	s8 =	simm.s32 $_tile_overlayer_lowered  }
0x9d: {  	s23 =	simm.s32 $0x1BFF;
	s22 =	sshll.u32 s8, $0x1;
	s5 =	sadd.s32 s6, s20  }
0x9e: {  	s9 =	simm.s32 $0x0;
	s21 =	sshll.u32 s7, $0x1;
	s7 =	sadd.s32 s22, s5  }
0x9f: {  	[timem:s9], [sflag:s23] =	dma.local [hbm:s7], s21  }
0xa0: {  	_ =	swait.ge [sflag:s23], s21  }
0xa1: {  	s6 =	ssub.s32 $0x0, s21;
	[sflag:s23] =	ssyncset.done $0x0  }
0xa2: {  	[sflag:s23] =	ssyncadd.s32 s6;
	_ =	sdelay $0x1  }
0xa3: {  	s24 =	simm.s32 $0x1B8B  }
0xa4: {  	_ =	swait.ge [sflag:s24], $0x1  }
0xa5: {  	[sflag:s24] =	ssyncset.done $0x0  }
0xa6: {  	s25 =	simm.s32 $0x1B8E;
	[sflag:s24] =	ssyncadd.s32 $0xFFFFFFFF  }
0xa7: {  	s26 =	simm.s32 $execute0_lowered;
	[smem:$0x3FD2] =	sst s25  }
0xa8: {  	s6 =	sshll.u32 s26, $0x1;
	_ =	strace $0x80000046;
	[dreg:$0x1] =	wrdreg $0xFFFFFFFF  }
0xa9: {  	s28 =	simm.s32 $_size_execute0_lowered;
	s5 =	sadd.s32 s5, s6;
	[dreg:$0x0] =	wrdreg $0x0  }
0xaa: {  	s6 =	sshll.u32 s28, $0x1;
	[dreg:$0x2] =	wrdreg s5  }
0xab: {  	[dreg:$0x3] =	wrdreg s6  }
0xac: {  	[dreg:$0x4] =	wrdreg $0xC0  }
0xad: {  	_ =	task [dreg:s9], $0x5FFFF  }
0xae: {  	[dreg:$0x1] =	wrdreg $0xFFFFFFFF  }
0xaf: {  	[dreg:$0x0] =	wrdreg $0x60  }
0xb0: {  	[dreg:$0x2] =	wrdreg s2  }
0xb1: {  	[dreg:$0x3] =	wrdreg s19  }
0xb2: {  	[dreg:$0x4] =	wrdreg s4  }
0xb3: {  	[dreg:$0x5] =	wrdreg $0x9  }
0xb4: {  	_ =	task.clear_ibuf [dreg:s9], $0x6FFFF;
	_ =	strace $0x90000046  }
0xb5: {  	s29 =	simm.s32 $0x9;
	_ =	strace $0x80000048  }
0xb6: {  	_ =	swait.ge [sflag:s29], $0x1  }
0xb7: {  	[sflag:s29] =	ssyncadd.s32 $0xFFFFFFFF  }
0xb8: {  	_ =	strace $0x90000048  }
0xb9: {  	_ =	sfence  }
0xba: {  	s30 =	sld [smem:$0x0];
	_ =	sdelay $0x2  }
0xbb: {  	s31 =	sshll.u32 s1, $0xD;
	s1 =	sshrl.u32 s1, $0x2  }
0xbc: {  	s3 =	sand.u32 $0x4000, s31;
	s1 =	sadd.s32 s1, s30  }
0xbd: {  	s0 =	sor.u32 s3, s0;
	s1 =	sshll.u32 s1, $0x11  }
0xbe: {  	s0 =	sor.u32 s1, s0  }
0xbf: {  	s0 =	sadd.s32 $0x8F2B, s0  }
0xc0: {  	[sflag:s0] =	ssyncadd.remote.s32 $0x1  }
0xc1: {  	_ =	sfence.sel $0xFFFF  }
0xc2: {  	[dreg:$0x0] =	wrdreg $0xFFFFFFFF;
	(pc) =	sbr.abs _section_cstart, $3  }
0xc3: {  	[dreg:$0x1] =	wrdreg $0xFFFFFFFF  }
0xc4: {  	_ =	task.clear_ibuf [dreg:s9], $0x2FFFF;
	_ =	strace $0x9FFFFFFF  }
0xc5: {  	(tm) =	ssettm $0x7FFFFFFF  }
tec
execute0_lowered:
.L_overlay_start_1:
0x0: {  	(tag) =	ssettag $0x1  }
0x1: {  	s1 =	srdreg.scid  }
0x2: {  	s0 =	rddreg [dreg:$0x0];
	s2 =	stileid.u32;
	s1 =	sand.u32 $0x1, s1  }
0x3: {  	s4 =	rddreg [dreg:$0x1];
	s3 =	sshll.u32 s2, $0xF;
	s5 =	sshll.u32 s1, $0xE  }
0x4: {  	s2 =	rddreg [dreg:$0x2];
	s6 =	sor.u32 s5, s3  }
0x5: {  	s7 =	ssub.s32 $0x2, s1;
	s1 =	simm.s32 $0x0;
	s5 =	sor.u32 $0x800, s6  }
0x6: {  	[smem:$0x7FF] =	sst s1;
	s22 =	sor.u32 $0x80000, s6;
	s21 =	sadd.s32 s4, s5  }
0x7: {  	s8 =	sor.u32 $0x100000, s6;
	s10 =	sadd.s32 s0, s22;
	[dreg:$0x4] =	wrdreg s21  }
0x8: {  	s9 =	sor.u32 $0x180000, s6;
	s23 =	sadd.s32 s0, s8;
	[dreg:$0x5] =	wrdreg s10  }
0x9: {  	s20 =	sshrl.u32 s7, $0x1;
	s24 =	sadd.s32 s0, s9;
	[dreg:$0x6] =	wrdreg s23  }
0xa: {  	s3 =	ssub.s32 s7, s20;
	s25 =	sadd.s32 s0, s5;
	[dreg:$0x7] =	wrdreg s24  }
0xb: {  	s26 =	sor.u32 $0x80800, s6;
	s7 =	sadd.s32 s2, s22;
	[dreg:$0x8] =	wrdreg s25  }
0xc: {  	s11 =	sadd.s32 s0, s26;
	[dreg:$0x9] =	wrdreg s7  }
0xd: {  	s12 =	sor.u32 $0x100800, s6;
	s8 =	sadd.s32 s2, s8;
	[dreg:$0xa] =	wrdreg s11  }
0xe: {  	s13 =	sadd.s32 s0, s12;
	[dreg:$0xb] =	wrdreg s8  }
0xf: {  	s14 =	sor.u32 $0x1000, s6;
	s9 =	sadd.s32 s2, s9;
	[dreg:$0xc] =	wrdreg s13  }
0x10: {  	s15 =	sadd.s32 s4, s14;
	[dreg:$0xd] =	wrdreg s9  }
0x11: {  	s5 =	sadd.s32 s2, s5;
	[dreg:$0xe] =	wrdreg s15  }
0x12: {  	s17 =	sadd.s32 s0, s14;
	[dreg:$0x10] =	wrdreg s5  }
0x13: {  	s18 =	sadd.s32 s2, s26;
	[dreg:$0x11] =	wrdreg s17  }
0x14: {  	s20 =	sadd.s32 s2, s12;
	[dreg:$0x12] =	wrdreg s18  }
0x15: {  	s19 =	sor.u32 $0x81000, s6;
	s22 =	sadd.s32 s2, s14;
	[dreg:$0x13] =	wrdreg s20  }
0x16: {  	[dreg:$0x15] =	wrdreg s22;
	s23 =	sadd.s32 s0, s19  }
0x17: {  	s26 =	sor.u32 $0x181000, s6;
	s5 =	sadd.s32 s2, s19;
	[dreg:$0x16] =	wrdreg s23  }
0x18: {  	s11 =	sor.u32 $0x180800, s6;
	s10 =	sadd.s32 s0, s26;
	[dreg:$0x17] =	wrdreg s5  }
0x19: {  	s16 =	sadd.s32 s0, s11;
	[dreg:$0x1a] =	wrdreg s10  }
0x1a: {  	s24 =	sor.u32 $0x101000, s6;
	s21 =	sadd.s32 s2, s11;
	[dreg:$0xf] =	wrdreg s16  }
0x1b: {  	s25 =	sadd.s32 s0, s24;
	[dreg:$0x14] =	wrdreg s21  }
0x1c: {  	s7 =	sadd.s32 s2, s24;
	[dreg:$0x18] =	wrdreg s25  }
0x1d: {  	s9 =	sor.u32 $0x1800, s6;
	s5 =	sadd.s32 s2, s26;
	[dreg:$0x19] =	wrdreg s7  }
0x1e: {  	s11 =	sadd.s32 s4, s9;
	[dreg:$0x1b] =	wrdreg s5  }
0x1f: {  	s12 =	sadd.s32 s0, s9;
	[dreg:$0x1c] =	wrdreg s11  }
0x20: {  	s15 =	sor.u32 $0x101800, s6;
	s13 =	sadd.s32 s2, s9;
	[dreg:$0x1d] =	wrdreg s12  }
0x21: {  	s17 =	sadd.s32 s0, s15;
	[dreg:$0x1e] =	wrdreg s13  }
0x22: {  	s19 =	sor.u32 $0x2000, s6;
	s18 =	sadd.s32 s2, s15;
	[smem:$0x7D2] =	sst s17  }
0x23: {  	s22 =	sadd.s32 s4, s19;
	[smem:$0x7D3] =	sst s18  }
0x24: {  	s14 =	sor.u32 $0x81800, s6;
	s23 =	sadd.s32 s0, s19;
	[smem:$0x7D6] =	sst s22  }
0x25: {  	s16 =	sadd.s32 s0, s14;
	[smem:$0x7D7] =	sst s23  }
0x26: {  	s20 =	sor.u32 $0x181800, s6;
	s5 =	sadd.s32 s2, s14;
	[dreg:$0x1f] =	wrdreg s16  }
0x27: {  	s21 =	sadd.s32 s0, s20;
	[smem:$0x7D1] =	sst s5  }
0x28: {  	s24 =	sor.u32 $0x82000, s6;
	s7 =	sadd.s32 s2, s20;
	[smem:$0x7D4] =	sst s21  }
0x29: {  	s26 =	sor.u32 $0x102000, s6;
	s25 =	sadd.s32 s0, s24;
	[smem:$0x7D5] =	sst s7  }
0x2a: {  	s9 =	sor.u32 $0x182000, s6;
	s8 =	sadd.s32 s0, s26;
	[smem:$0x7D9] =	sst s25  }
0x2b: {  	s10 =	sadd.s32 s0, s9;
	[smem:$0x7DB] =	sst s8  }
0x2c: {  	s11 =	sor.u32 $0x2800, s6;
	s5 =	sadd.s32 s2, s19;
	[smem:$0x7DD] =	sst s10  }
0x2d: {  	s12 =	sadd.s32 s4, s11;
	[smem:$0x7D8] =	sst s5  }
0x2e: {  	s14 =	sor.u32 $0x82800, s6;
	s13 =	sadd.s32 s0, s11;
	[smem:$0x7DF] =	sst s12  }
0x2f: {  	s15 =	sadd.s32 s0, s14;
	[smem:$0x7E0] =	sst s13  }
0x30: {  	s18 =	sor.u32 $0x182800, s6;
	s7 =	sadd.s32 s2, s14;
	[smem:$0x7E2] =	sst s15  }
0x31: {  	s19 =	sadd.s32 s0, s18;
	[smem:$0x7E3] =	sst s7  }
0x32: {  	s20 =	sadd.s32 s2, s18;
	[smem:$0x7E6] =	sst s19  }
0x33: {  	s21 =	sadd.s32 s4, s6;
	[smem:$0x7E7] =	sst s20  }
0x34: {  	s16 =	sor.u32 $0x102800, s6;
	s5 =	sadd.s32 s2, s24;
	[smem:$0x7E8] =	sst s21  }
0x35: {  	s22 =	sor.u32 $0x3000, s6;
	s17 =	sadd.s32 s0, s16;
	[smem:$0x7DA] =	sst s5  }
0x36: {  	s23 =	sor.u32 $0x3800, s6;
	s24 =	sadd.s32 s4, s22;
	[smem:$0x7E4] =	sst s17  }
0x37: {  	s10 =	sor.u32 $0x103000, s6;
	s4 =	sadd.s32 s4, s23;
	[smem:$0x7E9] =	sst s24  }
0x38: {  	s12 =	sadd.s32 s0, s10;
	[smem:$0x7EA] =	sst s4  }
0x39: {  	s15 =	sadd.s32 s0, s6;
	[smem:$0x7EF] =	sst s12  }
0x3a: {  	s18 =	sor.u32 $0x103800, s6;
	s19 =	sadd.s32 s0, s23;
	[smem:$0x7F3] =	sst s15  }
0x3b: {  	s21 =	sadd.s32 s0, s18;
	[smem:$0x7F5] =	sst s19  }
0x3c: {  	s5 =	sadd.s32 s2, s26;
	[smem:$0x7F7] =	sst s21  }
0x3d: {  	s25 =	sor.u32 $0x83000, s6;
	s26 =	sadd.s32 s0, s22;
	[smem:$0x7DC] =	sst s5  }
0x3e: {  	s28 =	simm.s32 $0x7;
	s4 =	sadd.s32 s2, s25;
	[smem:$0x7EB] =	sst s26  }
0x3f: {  	s29 =	simm.s32 $0x5;
	s17 =	sadd.s32 s2, s6;
	[smem:$0x7EE] =	sst s4  }
0x40: {  	s30 =	simm.s32 $0xC;
	s24 =	sadd.s32 s2, s18;
	[smem:$0x7F4] =	sst s17  }
0x41: {  	s31 =	simm.s32 $0x8;
	s5 =	sadd.s32 s2, s9;
	[smem:$0x7FB] =	sst s24  }
0x42: {  	s18 =	simm.s32 $0x8000;
	s9 =	sadd.s32 s0, s25;
	[smem:$0x7DE] =	sst s5  }
0x43: {  	s19 =	simm.s32 $0x1;
	s4 =	sadd.s32 s2, s10;
	[smem:$0x7ED] =	sst s9  }
0x44: {  	s21 =	simm.s32 $0xC000;
	s5 =	sadd.s32 s2, s11;
	[smem:$0x7F0] =	sst s4  }
0x45: {  	s11 =	sor.u32 $0x183000, s6;
	[smem:$0x7E1] =	sst s5;
	s5 =	sadd.s32 s2, s16  }
0x46: {  	s26 =	smax.u32 s3, $0x1;
	s13 =	sadd.s32 s0, s11;
	[smem:$0x7E5] =	sst s5  }
0x47: {  	s17 =	simm.s32 $0x4000;
	s14 =	sadd.s32 s2, s11;
	[smem:$0x7F1] =	sst s13  }
0x48: {  	s16 =	sor.u32 $0x83800, s6;
	s5 =	sadd.s32 s2, s22;
	[smem:$0x7F2] =	sst s14  }
0x49: {  	s6 =	sor.u32 $0x183800, s6;
	s20 =	sadd.s32 s0, s16;
	[smem:$0x7EC] =	sst s5  }
0x4a: {  	s24 =	simm.s32 $0x3;
	s0 =	sadd.s32 s0, s6;
	[smem:$0x7F6] =	sst s20  }
0x4b: {  	s3 =	simm.s32 $0x0;
	s22 =	sadd.s32 s2, s23;
	[smem:$0x7F8] =	sst s0  }
0x4c: {  	s23 =	sadd.s32 s2, s16;
	s25 =	sadd.s32 s2, s6;
	[smem:$0x7F9] =	sst s22  }
0x4d: {  	s16 =	simm.s32 $0x18000;
	s2 =	simm.s32 $0xA;
	[smem:$0x7FA] =	sst s23  }
0x4e: {  	[smem:$0x7FC] =	sst s25;
	s20 =	simm.s32 $0xB;
	s22 =	simm.s32 $0x2  }
0x4f: {  	s23 =	simm.s32 $0x10000;
	s25 =	simm.s32 $0x6;
	s0 =	simm.s32 $0x9  }
0x50: {  	_ =	strace $0x80000047;
	[smem:$0x7FD] =	sst s26;
	s26 =	simm.s32 $0x4  }
.LBB2_1:
0x51: {  	s4 =	sld [smem:$0x7E8];
	_ =	sdelay $0x1  }
0x52: {  	s5 =	simm.s32 $0x14000;
	s9 =	rddreg [dreg:$0x4]  }
0x53: {  	[tilespmem:s5], [sflag:$0xB] =	stream.linear.gather [hbm4b:s4+s1], $0x4000, $0x38;
	[tilespmem:$0x1C000] =	vst v63  }
0x54: {  	s10 =	sld [smem:$0x7F3]  }
0x55: {  	[tilespmem:s16], [sflag:$0xC] =	stream.linear.gather [hbm4b:s9+s1], $0x4000, $0x38;
	[tilespmem:$0x1C000] =	vst v63  }
0x56: {  	_ = 	snop  }
0x57: {  	[tilespmem:s1], [sflag:$0x1] =	stream.linear.gather [hbm4b:s10+s1], $0x4000, $0x38;
	[tilespmem:$0x1C000] =	vst v63  }
0x58: {  	s11 =	rddreg [dreg:$0x5]  }
0x59: {  	[tilespmem:s17], [sflag:$0x2] =	stream.linear.gather [hbm4b:s11+s1], $0x4000, $0x38;
	[tilespmem:$0x1C000] =	vst v63  }
0x5a: {  	s12 =	rddreg [dreg:$0x6]  }
0x5b: {  	[tilespmem:s18], [sflag:$0x3] =	stream.linear.gather [hbm4b:s12+s1], $0x4000, $0x38;
	[tilespmem:$0x1C000] =	vst v63  }
0x5c: {  	_ =	swait.ge [sflag:s19], $0x4000  }
0x5d: {  	[sflag:s19] =	ssyncset.done $0x0  }
0x5e: {  	s4 =	simm.s32 $0x0;
	[sflag:s19] =	ssyncadd.s32 $0xFFFFC000  }
0x5f: {  	s6 =	sand.u32 $0x1C00, s1;
	s13 =	sand.u32 $0x2000, s4;
	_ =	swait.ge [sflag:s20], $0x4000  }
0x60: {  	s14 =	sand.u32 $0x380, s1;
	s5 =	sor.u32 s13, s6;
	[sflag:s20] =	ssyncset.done $0x0  }
0x61: {  	s5 =	sor.u32 s14, s5;
	[sflag:s20] =	ssyncadd.s32 $0xFFFFC000  }
0x62: {  	v0 =	vld [tilespmem:s5+$0x14070]  }
0x63: {  	v4 =	vld [tilespmem:s5+$0x14000]  }
0x64: {  	v5 =	vld [tilespmem:s5+$0x14010]  }
0x65: {  	v6 =	vld [tilespmem:s5+$0x14020]  }
0x66: {  	v2 =	vld [tilespmem:s5+$0x14030]  }
0x67: {  	v3 =	vld [tilespmem:s5+$0x14040]  }
0x68: {  	s6 =	sor.u32 $0x70, s5;
	v1 =	vld [tilespmem:s5+$0x14050]  }
0x69: {  	[tilespmem:s6+$0x0] =	vst.add.f32.msk $0xffff, v0  }
0x6a: {  	v0 =	vld [tilespmem:s5+$0x14060]  }
0x6b: {  	s15 =	sor.u32 $0x10, s5;
	s10 =	sor.u32 $0x30, s5;
	[tilespmem:s5+$0x0] =	vst.add.f32.msk $0xffff, v4  }
0x6c: {  	s9 =	sor.u32 $0x40, s5;
	s8 =	sor.u32 $0x50, s5;
	s11 =	sor.u32 $0x20, s5;
	[tilespmem:s15+$0x0] =	vst.add.f32.msk $0xffff, v5  }
0x6d: {  	s7 =	sor.u32 $0x60, s5;
	[tilespmem:s11+$0x0] =	vst.add.f32.msk $0xffff, v6;
	s5 =	simm.s32 $0x0;
	s6 =	simm.s32 $0x0  }
.LBB2_2:
0x6e: {  	s4 =	sadd.s32 $0x80, s4;
	[tilespmem:s10+$0x0] =	vst.add.f32.msk $0xffff, v2;
	s5 =	sadd.s32 $0x400, s5  }
0x6f: {  	s6 =	sadd.s32 $0x10, s6;
	s10 =	sand.u32 $0x2000, s4;
	s11 =	sand.u32 $0x1C00, s5;
	[tilespmem:s9+$0x0] =	vst.add.f32.msk $0xffff, v3  }
0x70: {  	p0 =	slt.u32 s4, $0x3F80;
	s9 =	sor.u32 s10, s11;
	s10 =	sand.u32 $0x380, s6;
	[tilespmem:s8+$0x0] =	vst.add.f32.msk $0xffff, v1  }
0x71: {  	s11 =	sor.u32 s10, s9;
	[tilespmem:s7+$0x0] =	vst.add.f32.msk $0xffff, v0  }
0x72: {  	s12 =	sor.u32 $0x10, s11;
	s13 =	sor.u32 $0x20, s11;
	s10 =	sor.u32 $0x30, s11;
	v0 =	vld [tilespmem:s11+$0x14070]  }
0x73: {  	s9 =	sor.u32 $0x40, s11;
	s8 =	sor.u32 $0x50, s11;
	s7 =	sor.u32 $0x60, s11;
	v4 =	vld [tilespmem:s11+$0x14000]  }
0x74: {  	v5 =	vld [tilespmem:s11+$0x14010]  }
0x75: {  	v6 =	vld [tilespmem:s11+$0x14020]  }
0x76: {  	s14 =	sor.u32 $0x70, s11;
	v2 =	vld [tilespmem:s11+$0x14030]  }
0x77: {  	[tilespmem:s14+$0x0] =	vst.add.f32.msk $0xffff, v0  }
0x78: {  	v3 =	vld [tilespmem:s11+$0x14040]  }
.Ltmp0:
0x79: {  	v1 =	vld [tilespmem:s11+$0x14050];
	(pc) =	sbr.rel @p0 .LBB2_2-.Ltmp0, $4  }
0x7a: {  	v0 =	vld [tilespmem:s11+$0x14060]  }
0x7b: {  	[tilespmem:s11+$0x0] =	vst.add.f32.msk $0xffff, v4  }
0x7c: {  	[tilespmem:s12+$0x0] =	vst.add.f32.msk $0xffff, v5  }
0x7d: {  	[tilespmem:s13+$0x0] =	vst.add.f32.msk $0xffff, v6  }
0x7e: {  	[tilespmem:s10+$0x0] =	vst.add.f32.msk $0xffff, v2  }
0x7f: {  	[tilespmem:s9+$0x0] =	vst.add.f32.msk $0xffff, v3  }
0x80: {  	[tilespmem:s8+$0x0] =	vst.add.f32.msk $0xffff, v1  }
0x81: {  	[tilespmem:s7+$0x0] =	vst.add.f32.msk $0xffff, v0  }
0x82: {  	s4 =	simm.s32 $0x0;
	s5 =	rddreg [dreg:$0x7]  }
0x83: {  	[tilespmem:s21], [sflag:$0x4] =	stream.linear.gather [hbm4b:s5+s4], $0x4000, $0x38;
	[tilespmem:$0x1C000] =	vst v63  }
0x84: {  	s5 =	simm.s32 $0x0  }
0x85: {  	s12 =	sand.u32 $0x1C00, s4;
	_ =	swait.ge [sflag:s22], $0x4000;
	s6 =	sand.u32 $0x2000, s5  }
0x86: {  	s13 =	sand.u32 $0x380, s4;
	[sflag:s22] =	ssyncset.done $0x0;
	s6 =	sor.u32 s6, s12  }
0x87: {  	[sflag:s22] =	ssyncadd.s32 $0xFFFFC000;
	s6 =	sor.u32 s13, s6  }
0x88: {  	v0 =	vld [tilespmem:s6+$0x14070]  }
0x89: {  	v4 =	vld [tilespmem:s6+$0x14000]  }
0x8a: {  	v5 =	vld [tilespmem:s6+$0x14010]  }
0x8b: {  	v6 =	vld [tilespmem:s6+$0x14020]  }
0x8c: {  	v2 =	vld [tilespmem:s6+$0x14030]  }
0x8d: {  	v3 =	vld [tilespmem:s6+$0x14040]  }
0x8e: {  	s7 =	sor.u32 $0x4070, s6;
	v1 =	vld [tilespmem:s6+$0x14060]  }
0x8f: {  	[tilespmem:s7+$0x0] =	vst.add.f32.msk $0xffff, v0  }
0x90: {  	s14 =	sor.u32 $0x4000, s6;
	v0 =	vld [tilespmem:s6+$0x14050]  }
0x91: {  	s15 =	sor.u32 $0x4010, s6;
	[tilespmem:s14+$0x0] =	vst.add.f32.msk $0xffff, v4  }
0x92: {  	s11 =	sor.u32 $0x4020, s6;
	s10 =	sor.u32 $0x4030, s6;
	s9 =	sor.u32 $0x4040, s6;
	[tilespmem:s15+$0x0] =	vst.add.f32.msk $0xffff, v5  }
0x93: {  	s8 =	sor.u32 $0x4060, s6;
	s7 =	sor.u32 $0x4050, s6;
	[tilespmem:s11+$0x0] =	vst.add.f32.msk $0xffff, v6;
	s6 =	simm.s32 $0x0  }
.LBB2_4:
0x94: {  	s5 =	sadd.s32 $0x80, s5;
	[tilespmem:s10+$0x0] =	vst.add.f32.msk $0xffff, v2;
	s4 =	sadd.s32 $0x400, s4  }
0x95: {  	s6 =	sadd.s32 $0x10, s6;
	s10 =	sand.u32 $0x2000, s5;
	s11 =	sand.u32 $0x1C00, s4;
	[tilespmem:s9+$0x0] =	vst.add.f32.msk $0xffff, v3  }
0x96: {  	p0 =	slt.u32 s5, $0x3F80;
	s9 =	sor.u32 s10, s11;
	s10 =	sand.u32 $0x380, s6;
	[tilespmem:s7+$0x0] =	vst.add.f32.msk $0xffff, v0  }
0x97: {  	s11 =	sor.u32 s10, s9;
	[tilespmem:s8+$0x0] =	vst.add.f32.msk $0xffff, v1  }
0x98: {  	s12 =	sor.u32 $0x4000, s11;
	s13 =	sor.u32 $0x4010, s11;
	s14 =	sor.u32 $0x4020, s11;
	v0 =	vld [tilespmem:s11+$0x14070]  }
0x99: {  	s10 =	sor.u32 $0x4030, s11;
	s9 =	sor.u32 $0x4040, s11;
	s7 =	sor.u32 $0x4050, s11;
	v4 =	vld [tilespmem:s11+$0x14000]  }
0x9a: {  	s8 =	sor.u32 $0x4060, s11;
	v5 =	vld [tilespmem:s11+$0x14010]  }
0x9b: {  	v6 =	vld [tilespmem:s11+$0x14020]  }
0x9c: {  	s15 =	sor.u32 $0x4070, s11;
	v2 =	vld [tilespmem:s11+$0x14030]  }
0x9d: {  	[tilespmem:s15+$0x0] =	vst.add.f32.msk $0xffff, v0  }
0x9e: {  	v3 =	vld [tilespmem:s11+$0x14040]  }
.Ltmp1:
0x9f: {  	v0 =	vld [tilespmem:s11+$0x14050];
	(pc) =	sbr.rel @p0 .LBB2_4-.Ltmp1, $4  }
0xa0: {  	v1 =	vld [tilespmem:s11+$0x14060]  }
0xa1: {  	[tilespmem:s12+$0x0] =	vst.add.f32.msk $0xffff, v4  }
0xa2: {  	[tilespmem:s13+$0x0] =	vst.add.f32.msk $0xffff, v5  }
0xa3: {  	[tilespmem:s14+$0x0] =	vst.add.f32.msk $0xffff, v6  }
0xa4: {  	[tilespmem:s10+$0x0] =	vst.add.f32.msk $0xffff, v2  }
0xa5: {  	[tilespmem:s9+$0x0] =	vst.add.f32.msk $0xffff, v3  }
0xa6: {  	[tilespmem:s7+$0x0] =	vst.add.f32.msk $0xffff, v0  }
0xa7: {  	[tilespmem:s8+$0x0] =	vst.add.f32.msk $0xffff, v1  }
0xa8: {  	s5 =	sld [smem:$0x7F4];
	_ =	sdelay $0x1  }
0xa9: {  	s4 =	simm.s32 $0x0  }
0xaa: {  	[hbm4b:s5+s4] =	stream.linear.scatter [tilespmem:s4], [sflag:$0x6], $0x4000, $0x38;
	[tilespmem:$0x1C000] =	vst v63  }
0xab: {  	s11 =	rddreg [dreg:$0x8];
	s5 =	simm.s32 $0x0  }
0xac: {  	[tilespmem:s23], [sflag:$0x5] =	stream.linear.gather [hbm4b:s11+s4], $0x4000, $0x38;
	[tilespmem:$0x1C000] =	vst v63  }
0xad: {  	s12 =	sand.u32 $0x1C00, s4;
	s6 =	sand.u32 $0x2000, s5;
	_ =	swait.ge [sflag:s24], $0x4000  }
0xae: {  	s13 =	sand.u32 $0x380, s4;
	s6 =	sor.u32 s6, s12;
	[sflag:s24] =	ssyncset.done $0x0  }
0xaf: {  	s6 =	sor.u32 s13, s6;
	[sflag:s24] =	ssyncadd.s32 $0xFFFFC000  }
0xb0: {  	v0 =	vld [tilespmem:s6+$0x14070]  }
0xb1: {  	v4 =	vld [tilespmem:s6+$0x14000]  }
0xb2: {  	v5 =	vld [tilespmem:s6+$0x14010]  }
0xb3: {  	v6 =	vld [tilespmem:s6+$0x14020]  }
0xb4: {  	v2 =	vld [tilespmem:s6+$0x14030]  }
0xb5: {  	v3 =	vld [tilespmem:s6+$0x14040]  }
0xb6: {  	s7 =	sor.u32 $0x8070, s6;
	v1 =	vld [tilespmem:s6+$0x14060]  }
0xb7: {  	[tilespmem:s7+$0x0] =	vst.add.f32.msk $0xffff, v0  }
0xb8: {  	s14 =	sor.u32 $0x8000, s6;
	v0 =	vld [tilespmem:s6+$0x14050]  }
0xb9: {  	s15 =	sor.u32 $0x8010, s6;
	[tilespmem:s14+$0x0] =	vst.add.f32.msk $0xffff, v4  }
0xba: {  	s11 =	sor.u32 $0x8020, s6;
	s10 =	sor.u32 $0x8030, s6;
	s9 =	sor.u32 $0x8040, s6;
	[tilespmem:s15+$0x0] =	vst.add.f32.msk $0xffff, v5  }
0xbb: {  	s8 =	sor.u32 $0x8060, s6;
	s7 =	sor.u32 $0x8050, s6;
	[tilespmem:s11+$0x0] =	vst.add.f32.msk $0xffff, v6;
	s6 =	simm.s32 $0x0  }
.LBB2_6:
0xbc: {  	s5 =	sadd.s32 $0x80, s5;
	[tilespmem:s10+$0x0] =	vst.add.f32.msk $0xffff, v2;
	s4 =	sadd.s32 $0x400, s4  }
0xbd: {  	s6 =	sadd.s32 $0x10, s6;
	s10 =	sand.u32 $0x2000, s5;
	s11 =	sand.u32 $0x1C00, s4;
	[tilespmem:s9+$0x0] =	vst.add.f32.msk $0xffff, v3  }
0xbe: {  	p0 =	slt.u32 s5, $0x3F80;
	s9 =	sor.u32 s10, s11;
	s10 =	sand.u32 $0x380, s6;
	[tilespmem:s7+$0x0] =	vst.add.f32.msk $0xffff, v0  }
0xbf: {  	s11 =	sor.u32 s10, s9;
	[tilespmem:s8+$0x0] =	vst.add.f32.msk $0xffff, v1  }
0xc0: {  	s12 =	sor.u32 $0x8000, s11;
	s13 =	sor.u32 $0x8010, s11;
	s14 =	sor.u32 $0x8020, s11;
	v0 =	vld [tilespmem:s11+$0x14070]  }
0xc1: {  	s10 =	sor.u32 $0x8030, s11;
	s9 =	sor.u32 $0x8040, s11;
	s7 =	sor.u32 $0x8050, s11;
	v4 =	vld [tilespmem:s11+$0x14000]  }
0xc2: {  	s8 =	sor.u32 $0x8060, s11;
	v5 =	vld [tilespmem:s11+$0x14010]  }
0xc3: {  	v6 =	vld [tilespmem:s11+$0x14020]  }
0xc4: {  	s15 =	sor.u32 $0x8070, s11;
	v2 =	vld [tilespmem:s11+$0x14030]  }
0xc5: {  	[tilespmem:s15+$0x0] =	vst.add.f32.msk $0xffff, v0  }
0xc6: {  	v3 =	vld [tilespmem:s11+$0x14040]  }
.Ltmp2:
0xc7: {  	v0 =	vld [tilespmem:s11+$0x14050];
	(pc) =	sbr.rel @p0 .LBB2_6-.Ltmp2, $4  }
0xc8: {  	v1 =	vld [tilespmem:s11+$0x14060]  }
0xc9: {  	[tilespmem:s12+$0x0] =	vst.add.f32.msk $0xffff, v4  }
0xca: {  	[tilespmem:s13+$0x0] =	vst.add.f32.msk $0xffff, v5  }
0xcb: {  	[tilespmem:s14+$0x0] =	vst.add.f32.msk $0xffff, v6  }
0xcc: {  	[tilespmem:s10+$0x0] =	vst.add.f32.msk $0xffff, v2  }
0xcd: {  	[tilespmem:s9+$0x0] =	vst.add.f32.msk $0xffff, v3  }
0xce: {  	[tilespmem:s7+$0x0] =	vst.add.f32.msk $0xffff, v0  }
0xcf: {  	[tilespmem:s8+$0x0] =	vst.add.f32.msk $0xffff, v1  }
0xd0: {  	s4 =	simm.s32 $0x0;
	s5 =	rddreg [dreg:$0x9]  }
0xd1: {  	[hbm4b:s5+s4] =	stream.linear.scatter [tilespmem:s17], [sflag:$0x7], $0x4000, $0x38;
	[tilespmem:$0x1C000] =	vst v63  }
0xd2: {  	_ =	swait.ge [sflag:s25], $0x4000  }
0xd3: {  	[sflag:s25] =	ssyncset.done $0x0  }
0xd4: {  	s5 =	simm.s32 $0x0;
	s11 =	rddreg [dreg:$0xa];
	[sflag:s25] =	ssyncadd.s32 $0xFFFFC000  }
0xd5: {  	[tilespmem:s4], [sflag:$0x1] =	stream.linear.gather [hbm4b:s11+s4], $0x4000, $0x38;
	[tilespmem:$0x1C000] =	vst v63  }
0xd6: {  	s12 =	sand.u32 $0x1C00, s4;
	s6 =	sand.u32 $0x2000, s5;
	_ =	swait.ge [sflag:s26], $0x4000  }
0xd7: {  	s13 =	sand.u32 $0x380, s4;
	s6 =	sor.u32 s6, s12;
	[sflag:s26] =	ssyncset.done $0x0  }
0xd8: {  	s6 =	sor.u32 s13, s6;
	[sflag:s26] =	ssyncadd.s32 $0xFFFFC000  }
0xd9: {  	v0 =	vld [tilespmem:s6+$0x14070]  }
0xda: {  	v4 =	vld [tilespmem:s6+$0x14000]  }
0xdb: {  	v5 =	vld [tilespmem:s6+$0x14010]  }
0xdc: {  	v6 =	vld [tilespmem:s6+$0x14020]  }
0xdd: {  	v2 =	vld [tilespmem:s6+$0x14030]  }
0xde: {  	v3 =	vld [tilespmem:s6+$0x14040]  }
0xdf: {  	s7 =	sor.u32 $0xC070, s6;
	v1 =	vld [tilespmem:s6+$0x14060]  }
0xe0: {  	[tilespmem:s7+$0x0] =	vst.add.f32.msk $0xffff, v0  }
0xe1: {  	s14 =	sor.u32 $0xC000, s6;
	v0 =	vld [tilespmem:s6+$0x14050]  }
0xe2: {  	s15 =	sor.u32 $0xC010, s6;
	[tilespmem:s14+$0x0] =	vst.add.f32.msk $0xffff, v4  }
0xe3: {  	s11 =	sor.u32 $0xC020, s6;
	s10 =	sor.u32 $0xC030, s6;
	s9 =	sor.u32 $0xC040, s6;
	[tilespmem:s15+$0x0] =	vst.add.f32.msk $0xffff, v5  }
0xe4: {  	s8 =	sor.u32 $0xC060, s6;
	s7 =	sor.u32 $0xC050, s6;
	[tilespmem:s11+$0x0] =	vst.add.f32.msk $0xffff, v6;
	s6 =	simm.s32 $0x0  }
.LBB2_8:
0xe5: {  	s5 =	sadd.s32 $0x80, s5;
	[tilespmem:s10+$0x0] =	vst.add.f32.msk $0xffff, v2;
	s4 =	sadd.s32 $0x400, s4  }
0xe6: {  	s6 =	sadd.s32 $0x10, s6;
	s10 =	sand.u32 $0x2000, s5;
	s11 =	sand.u32 $0x1C00, s4;
	[tilespmem:s9+$0x0] =	vst.add.f32.msk $0xffff, v3  }
0xe7: {  	p0 =	slt.u32 s5, $0x3F80;
	s9 =	sor.u32 s10, s11;
	s10 =	sand.u32 $0x380, s6;
	[tilespmem:s7+$0x0] =	vst.add.f32.msk $0xffff, v0  }
0xe8: {  	s11 =	sor.u32 s10, s9;
	[tilespmem:s8+$0x0] =	vst.add.f32.msk $0xffff, v1  }
0xe9: {  	s12 =	sor.u32 $0xC000, s11;
	s13 =	sor.u32 $0xC010, s11;
	s14 =	sor.u32 $0xC020, s11;
	v0 =	vld [tilespmem:s11+$0x14070]  }
0xea: {  	s10 =	sor.u32 $0xC030, s11;
	s9 =	sor.u32 $0xC040, s11;
	s7 =	sor.u32 $0xC050, s11;
	v4 =	vld [tilespmem:s11+$0x14000]  }
0xeb: {  	s8 =	sor.u32 $0xC060, s11;
	v5 =	vld [tilespmem:s11+$0x14010]  }
0xec: {  	v6 =	vld [tilespmem:s11+$0x14020]  }
0xed: {  	s15 =	sor.u32 $0xC070, s11;
	v2 =	vld [tilespmem:s11+$0x14030]  }
0xee: {  	[tilespmem:s15+$0x0] =	vst.add.f32.msk $0xffff, v0  }
0xef: {  	v3 =	vld [tilespmem:s11+$0x14040]  }
.Ltmp3:
0xf0: {  	v0 =	vld [tilespmem:s11+$0x14050];
	(pc) =	sbr.rel @p0 .LBB2_8-.Ltmp3, $4  }
0xf1: {  	v1 =	vld [tilespmem:s11+$0x14060]  }
0xf2: {  	[tilespmem:s12+$0x0] =	vst.add.f32.msk $0xffff, v4  }
0xf3: {  	[tilespmem:s13+$0x0] =	vst.add.f32.msk $0xffff, v5  }
0xf4: {  	[tilespmem:s14+$0x0] =	vst.add.f32.msk $0xffff, v6  }
0xf5: {  	[tilespmem:s10+$0x0] =	vst.add.f32.msk $0xffff, v2  }
0xf6: {  	[tilespmem:s9+$0x0] =	vst.add.f32.msk $0xffff, v3  }
0xf7: {  	[tilespmem:s7+$0x0] =	vst.add.f32.msk $0xffff, v0  }
0xf8: {  	[tilespmem:s8+$0x0] =	vst.add.f32.msk $0xffff, v1  }
0xf9: {  	s4 =	simm.s32 $0x0;
	s5 =	rddreg [dreg:$0xb]  }
0xfa: {  	[hbm4b:s5+s4] =	stream.linear.scatter [tilespmem:s18], [sflag:$0x8], $0x4000, $0x38;
	[tilespmem:$0x1C000] =	vst v63  }
0xfb: {  	_ =	swait.ge [sflag:s28], $0x4000  }
0xfc: {  	[sflag:s28] =	ssyncset.done $0x0  }
0xfd: {  	s11 =	rddreg [dreg:$0xc];
	[sflag:s28] =	ssyncadd.s32 $0xFFFFC000  }
0xfe: {  	[tilespmem:s17], [sflag:$0x2] =	stream.linear.gather [hbm4b:s11+s4], $0x4000, $0x38;
	[tilespmem:$0x1C000] =	vst v63  }
0xff: {  	_ =	swait.ge [sflag:s29], $0x4000  }
0x100: {  	[sflag:s29] =	ssyncset.done $0x0  }
0x101: {  	s5 =	simm.s32 $0x0;
	[sflag:s29] =	ssyncadd.s32 $0xFFFFC000  }
0x102: {  	s12 =	sand.u32 $0x1C00, s4;
	s6 =	sand.u32 $0x2000, s5;
	_ =	swait.ge [sflag:s30], $0x4000  }
0x103: {  	s13 =	sand.u32 $0x380, s4;
	s6 =	sor.u32 s6, s12;
	[sflag:s30] =	ssyncset.done $0x0  }
0x104: {  	s6 =	sor.u32 s13, s6;
	[sflag:s30] =	ssyncadd.s32 $0xFFFFC000  }
0x105: {  	v0 =	vld [tilespmem:s6+$0x18070]  }
0x106: {  	v4 =	vld [tilespmem:s6+$0x18000]  }
0x107: {  	v5 =	vld [tilespmem:s6+$0x18010]  }
0x108: {  	v6 =	vld [tilespmem:s6+$0x18020]  }
0x109: {  	v2 =	vld [tilespmem:s6+$0x18030]  }
0x10a: {  	v3 =	vld [tilespmem:s6+$0x18040]  }
0x10b: {  	s7 =	sor.u32 $0x10070, s6;
	v1 =	vld [tilespmem:s6+$0x18060]  }
0x10c: {  	[tilespmem:s7+$0x0] =	vst.add.f32.msk $0xffff, v0  }
0x10d: {  	s14 =	sor.u32 $0x10000, s6;
	v0 =	vld [tilespmem:s6+$0x18050]  }
0x10e: {  	s15 =	sor.u32 $0x10010, s6;
	[tilespmem:s14+$0x0] =	vst.add.f32.msk $0xffff, v4  }
0x10f: {  	s11 =	sor.u32 $0x10020, s6;
	s10 =	sor.u32 $0x10030, s6;
	s9 =	sor.u32 $0x10040, s6;
	[tilespmem:s15+$0x0] =	vst.add.f32.msk $0xffff, v5  }
0x110: {  	s8 =	sor.u32 $0x10060, s6;
	s7 =	sor.u32 $0x10050, s6;
	[tilespmem:s11+$0x0] =	vst.add.f32.msk $0xffff, v6;
	s6 =	simm.s32 $0x0  }
.LBB2_10:
0x111: {  	s5 =	sadd.s32 $0x80, s5;
	[tilespmem:s10+$0x0] =	vst.add.f32.msk $0xffff, v2;
	s4 =	sadd.s32 $0x400, s4  }
0x112: {  	s6 =	sadd.s32 $0x10, s6;
	s10 =	sand.u32 $0x2000, s5;
	s11 =	sand.u32 $0x1C00, s4;
	[tilespmem:s9+$0x0] =	vst.add.f32.msk $0xffff, v3  }
0x113: {  	p0 =	slt.u32 s5, $0x3F80;
	s9 =	sor.u32 s10, s11;
	s10 =	sand.u32 $0x380, s6;
	[tilespmem:s7+$0x0] =	vst.add.f32.msk $0xffff, v0  }
0x114: {  	s11 =	sor.u32 s10, s9;
	[tilespmem:s8+$0x0] =	vst.add.f32.msk $0xffff, v1  }
0x115: {  	s12 =	sor.u32 $0x10000, s11;
	s13 =	sor.u32 $0x10010, s11;
	s14 =	sor.u32 $0x10020, s11;
	v0 =	vld [tilespmem:s11+$0x18070]  }
0x116: {  	s10 =	sor.u32 $0x10030, s11;
	s9 =	sor.u32 $0x10040, s11;
	s7 =	sor.u32 $0x10050, s11;
	v4 =	vld [tilespmem:s11+$0x18000]  }
0x117: {  	s8 =	sor.u32 $0x10060, s11;
	v5 =	vld [tilespmem:s11+$0x18010]  }
0x118: {  	v6 =	vld [tilespmem:s11+$0x18020]  }
0x119: {  	s15 =	sor.u32 $0x10070, s11;
	v2 =	vld [tilespmem:s11+$0x18030]  }
0x11a: {  	[tilespmem:s15+$0x0] =	vst.add.f32.msk $0xffff, v0  }
0x11b: {  	v3 =	vld [tilespmem:s11+$0x18040]  }
.Ltmp4:
0x11c: {  	v0 =	vld [tilespmem:s11+$0x18050];
	(pc) =	sbr.rel @p0 .LBB2_10-.Ltmp4, $4  }
0x11d: {  	v1 =	vld [tilespmem:s11+$0x18060]  }
0x11e: {  	[tilespmem:s12+$0x0] =	vst.add.f32.msk $0xffff, v4  }
0x11f: {  	[tilespmem:s13+$0x0] =	vst.add.f32.msk $0xffff, v5  }
0x120: {  	[tilespmem:s14+$0x0] =	vst.add.f32.msk $0xffff, v6  }
0x121: {  	[tilespmem:s10+$0x0] =	vst.add.f32.msk $0xffff, v2  }
0x122: {  	[tilespmem:s9+$0x0] =	vst.add.f32.msk $0xffff, v3  }
0x123: {  	[tilespmem:s7+$0x0] =	vst.add.f32.msk $0xffff, v0  }
0x124: {  	[tilespmem:s8+$0x0] =	vst.add.f32.msk $0xffff, v1  }
0x125: {  	s4 =	simm.s32 $0x0;
	s5 =	rddreg [dreg:$0xd]  }
0x126: {  	[hbm4b:s5+s4] =	stream.linear.scatter [tilespmem:s21], [sflag:$0x9], $0x4000, $0x38;
	[tilespmem:$0x1C000] =	vst v63  }
0x127: {  	s6 =	simm.s32 $0x14000;
	s10 =	rddreg [dreg:$0xe]  }
0x128: {  	[tilespmem:s6], [sflag:$0xB] =	stream.linear.gather [hbm4b:s10+s4], $0x4000, $0x38;
	[tilespmem:$0x1C000] =	vst v63  }
0x129: {  	_ =	swait.ge [sflag:s31], $0x4000  }
0x12a: {  	[sflag:s31] =	ssyncset.done $0x0  }
0x12b: {  	s5 =	simm.s32 $0x0;
	s11 =	rddreg [dreg:$0xf];
	[sflag:s31] =	ssyncadd.s32 $0xFFFFC000  }
0x12c: {  	[tilespmem:s18], [sflag:$0x3] =	stream.linear.gather [hbm4b:s11+s4], $0x4000, $0x38;
	[tilespmem:$0x1C000] =	vst v63  }
0x12d: {  	s13 =	sand.u32 $0x1C00, s4;
	s12 =	sand.u32 $0x2000, s5;
	_ =	swait.ge [sflag:s19], $0x4000  }
0x12e: {  	s14 =	sand.u32 $0x380, s4;
	s6 =	sor.u32 s12, s13;
	[sflag:s19] =	ssyncset.done $0x0  }
0x12f: {  	s6 =	sor.u32 s14, s6;
	[sflag:s19] =	ssyncadd.s32 $0xFFFFC000  }
0x130: {  	v0 =	vld [tilespmem:s6+$0x18070]  }
0x131: {  	v4 =	vld [tilespmem:s6+$0x18000]  }
0x132: {  	v5 =	vld [tilespmem:s6+$0x18010]  }
0x133: {  	v6 =	vld [tilespmem:s6+$0x18020]  }
0x134: {  	v2 =	vld [tilespmem:s6+$0x18030]  }
0x135: {  	v3 =	vld [tilespmem:s6+$0x18040]  }
0x136: {  	s7 =	sor.u32 $0x70, s6;
	v1 =	vld [tilespmem:s6+$0x18050]  }
0x137: {  	[tilespmem:s7+$0x0] =	vst.add.f32.msk $0xffff, v0  }
0x138: {  	v0 =	vld [tilespmem:s6+$0x18060]  }
0x139: {  	s15 =	sor.u32 $0x10, s6;
	[tilespmem:s6+$0x0] =	vst.add.f32.msk $0xffff, v4  }
0x13a: {  	s10 =	sor.u32 $0x30, s6;
	s9 =	sor.u32 $0x40, s6;
	s11 =	sor.u32 $0x20, s6;
	[tilespmem:s15+$0x0] =	vst.add.f32.msk $0xffff, v5  }
0x13b: {  	s8 =	sor.u32 $0x50, s6;
	s7 =	sor.u32 $0x60, s6;
	[tilespmem:s11+$0x0] =	vst.add.f32.msk $0xffff, v6;
	s6 =	simm.s32 $0x0  }
.LBB2_12:
0x13c: {  	s5 =	sadd.s32 $0x80, s5;
	[tilespmem:s10+$0x0] =	vst.add.f32.msk $0xffff, v2;
	s4 =	sadd.s32 $0x400, s4  }
0x13d: {  	s6 =	sadd.s32 $0x10, s6;
	s10 =	sand.u32 $0x2000, s5;
	s11 =	sand.u32 $0x1C00, s4;
	[tilespmem:s9+$0x0] =	vst.add.f32.msk $0xffff, v3  }
0x13e: {  	p0 =	slt.u32 s5, $0x3F80;
	s9 =	sor.u32 s10, s11;
	s10 =	sand.u32 $0x380, s6;
	[tilespmem:s8+$0x0] =	vst.add.f32.msk $0xffff, v1  }
0x13f: {  	s11 =	sor.u32 s10, s9;
	[tilespmem:s7+$0x0] =	vst.add.f32.msk $0xffff, v0  }
0x140: {  	s12 =	sor.u32 $0x10, s11;
	s13 =	sor.u32 $0x20, s11;
	s10 =	sor.u32 $0x30, s11;
	v0 =	vld [tilespmem:s11+$0x18070]  }
0x141: {  	s9 =	sor.u32 $0x40, s11;
	s8 =	sor.u32 $0x50, s11;
	s7 =	sor.u32 $0x60, s11;
	v4 =	vld [tilespmem:s11+$0x18000]  }
0x142: {  	v5 =	vld [tilespmem:s11+$0x18010]  }
0x143: {  	v6 =	vld [tilespmem:s11+$0x18020]  }
0x144: {  	s14 =	sor.u32 $0x70, s11;
	v2 =	vld [tilespmem:s11+$0x18030]  }
0x145: {  	[tilespmem:s14+$0x0] =	vst.add.f32.msk $0xffff, v0  }
0x146: {  	v3 =	vld [tilespmem:s11+$0x18040]  }
.Ltmp5:
0x147: {  	v1 =	vld [tilespmem:s11+$0x18050];
	(pc) =	sbr.rel @p0 .LBB2_12-.Ltmp5, $4  }
0x148: {  	v0 =	vld [tilespmem:s11+$0x18060]  }
0x149: {  	[tilespmem:s11+$0x0] =	vst.add.f32.msk $0xffff, v4  }
0x14a: {  	[tilespmem:s12+$0x0] =	vst.add.f32.msk $0xffff, v5  }
0x14b: {  	[tilespmem:s13+$0x0] =	vst.add.f32.msk $0xffff, v6  }
0x14c: {  	[tilespmem:s10+$0x0] =	vst.add.f32.msk $0xffff, v2  }
0x14d: {  	[tilespmem:s9+$0x0] =	vst.add.f32.msk $0xffff, v3  }
0x14e: {  	[tilespmem:s8+$0x0] =	vst.add.f32.msk $0xffff, v1  }
0x14f: {  	[tilespmem:s7+$0x0] =	vst.add.f32.msk $0xffff, v0  }
0x150: {  	s4 =	simm.s32 $0x0;
	s5 =	rddreg [dreg:$0x10]  }
0x151: {  	[hbm4b:s5+s4] =	stream.linear.scatter [tilespmem:s23], [sflag:$0xA], $0x4000, $0x38;
	[tilespmem:$0x1C000] =	vst v63  }
0x152: {  	_ =	swait.ge [sflag:s0], $0x4000  }
0x153: {  	[sflag:s0] =	ssyncset.done $0x0  }
0x154: {  	s5 =	simm.s32 $0x0;
	s11 =	rddreg [dreg:$0x11];
	[sflag:s0] =	ssyncadd.s32 $0xFFFFC000  }
0x155: {  	[tilespmem:s21], [sflag:$0x4] =	stream.linear.gather [hbm4b:s11+s4], $0x4000, $0x38;
	[tilespmem:$0x1C000] =	vst v63  }
0x156: {  	s12 =	sand.u32 $0x1C00, s4;
	s6 =	sand.u32 $0x2000, s5;
	_ =	swait.ge [sflag:s22], $0x4000  }
0x157: {  	s13 =	sand.u32 $0x380, s4;
	s6 =	sor.u32 s6, s12;
	[sflag:s22] =	ssyncset.done $0x0  }
0x158: {  	s6 =	sor.u32 s13, s6;
	[sflag:s22] =	ssyncadd.s32 $0xFFFFC000  }
0x159: {  	v0 =	vld [tilespmem:s6+$0x18070]  }
0x15a: {  	v4 =	vld [tilespmem:s6+$0x18000]  }
0x15b: {  	v5 =	vld [tilespmem:s6+$0x18010]  }
0x15c: {  	v6 =	vld [tilespmem:s6+$0x18020]  }
0x15d: {  	v2 =	vld [tilespmem:s6+$0x18030]  }
0x15e: {  	v3 =	vld [tilespmem:s6+$0x18040]  }
0x15f: {  	s7 =	sor.u32 $0x4070, s6;
	v1 =	vld [tilespmem:s6+$0x18060]  }
0x160: {  	[tilespmem:s7+$0x0] =	vst.add.f32.msk $0xffff, v0  }
0x161: {  	s14 =	sor.u32 $0x4000, s6;
	v0 =	vld [tilespmem:s6+$0x18050]  }
0x162: {  	s15 =	sor.u32 $0x4010, s6;
	[tilespmem:s14+$0x0] =	vst.add.f32.msk $0xffff, v4  }
0x163: {  	s11 =	sor.u32 $0x4020, s6;
	s10 =	sor.u32 $0x4030, s6;
	s9 =	sor.u32 $0x4040, s6;
	[tilespmem:s15+$0x0] =	vst.add.f32.msk $0xffff, v5  }
0x164: {  	s8 =	sor.u32 $0x4060, s6;
	s7 =	sor.u32 $0x4050, s6;
	[tilespmem:s11+$0x0] =	vst.add.f32.msk $0xffff, v6;
	s6 =	simm.s32 $0x0  }
.LBB2_14:
0x165: {  	s5 =	sadd.s32 $0x80, s5;
	[tilespmem:s10+$0x0] =	vst.add.f32.msk $0xffff, v2;
	s4 =	sadd.s32 $0x400, s4  }
0x166: {  	s6 =	sadd.s32 $0x10, s6;
	s10 =	sand.u32 $0x2000, s5;
	s11 =	sand.u32 $0x1C00, s4;
	[tilespmem:s9+$0x0] =	vst.add.f32.msk $0xffff, v3  }
0x167: {  	p0 =	slt.u32 s5, $0x3F80;
	s9 =	sor.u32 s10, s11;
	s10 =	sand.u32 $0x380, s6;
	[tilespmem:s7+$0x0] =	vst.add.f32.msk $0xffff, v0  }
0x168: {  	s11 =	sor.u32 s10, s9;
	[tilespmem:s8+$0x0] =	vst.add.f32.msk $0xffff, v1  }
0x169: {  	s12 =	sor.u32 $0x4000, s11;
	s13 =	sor.u32 $0x4010, s11;
	s14 =	sor.u32 $0x4020, s11;
	v0 =	vld [tilespmem:s11+$0x18070]  }
0x16a: {  	s10 =	sor.u32 $0x4030, s11;
	s9 =	sor.u32 $0x4040, s11;
	s7 =	sor.u32 $0x4050, s11;
	v4 =	vld [tilespmem:s11+$0x18000]  }
0x16b: {  	s8 =	sor.u32 $0x4060, s11;
	v5 =	vld [tilespmem:s11+$0x18010]  }
0x16c: {  	v6 =	vld [tilespmem:s11+$0x18020]  }
0x16d: {  	s15 =	sor.u32 $0x4070, s11;
	v2 =	vld [tilespmem:s11+$0x18030]  }
0x16e: {  	[tilespmem:s15+$0x0] =	vst.add.f32.msk $0xffff, v0  }
0x16f: {  	v3 =	vld [tilespmem:s11+$0x18040]  }
.Ltmp6:
0x170: {  	v0 =	vld [tilespmem:s11+$0x18050];
	(pc) =	sbr.rel @p0 .LBB2_14-.Ltmp6, $4  }
0x171: {  	v1 =	vld [tilespmem:s11+$0x18060]  }
0x172: {  	[tilespmem:s12+$0x0] =	vst.add.f32.msk $0xffff, v4  }
0x173: {  	[tilespmem:s13+$0x0] =	vst.add.f32.msk $0xffff, v5  }
0x174: {  	[tilespmem:s14+$0x0] =	vst.add.f32.msk $0xffff, v6  }
0x175: {  	[tilespmem:s10+$0x0] =	vst.add.f32.msk $0xffff, v2  }
0x176: {  	[tilespmem:s9+$0x0] =	vst.add.f32.msk $0xffff, v3  }
0x177: {  	[tilespmem:s7+$0x0] =	vst.add.f32.msk $0xffff, v0  }
0x178: {  	[tilespmem:s8+$0x0] =	vst.add.f32.msk $0xffff, v1  }
0x179: {  	s4 =	simm.s32 $0x0;
	s5 =	rddreg [dreg:$0x12]  }
0x17a: {  	[hbm4b:s5+s4] =	stream.linear.scatter [tilespmem:s4], [sflag:$0x6], $0x4000, $0x38;
	[tilespmem:$0x1C000] =	vst v63  }
0x17b: {  	_ =	swait.ge [sflag:s2], $0x4000  }
0x17c: {  	[sflag:s2] =	ssyncset.done $0x0  }
0x17d: {  	s5 =	simm.s32 $0x0;
	s11 =	rddreg [dreg:$0x16];
	[sflag:s2] =	ssyncadd.s32 $0xFFFFC000  }
0x17e: {  	[tilespmem:s23], [sflag:$0x5] =	stream.linear.gather [hbm4b:s11+s4], $0x4000, $0x38;
	[tilespmem:$0x1C000] =	vst v63  }
0x17f: {  	s12 =	sand.u32 $0x1C00, s4;
	s6 =	sand.u32 $0x2000, s5;
	_ =	swait.ge [sflag:s24], $0x4000  }
0x180: {  	s13 =	sand.u32 $0x380, s4;
	s6 =	sor.u32 s6, s12;
	[sflag:s24] =	ssyncset.done $0x0  }
0x181: {  	s6 =	sor.u32 s13, s6;
	[sflag:s24] =	ssyncadd.s32 $0xFFFFC000  }
0x182: {  	v0 =	vld [tilespmem:s6+$0x18070]  }
0x183: {  	v4 =	vld [tilespmem:s6+$0x18000]  }
0x184: {  	v5 =	vld [tilespmem:s6+$0x18010]  }
0x185: {  	v6 =	vld [tilespmem:s6+$0x18020]  }
0x186: {  	v2 =	vld [tilespmem:s6+$0x18030]  }
0x187: {  	v3 =	vld [tilespmem:s6+$0x18040]  }
0x188: {  	s7 =	sor.u32 $0x8070, s6;
	v1 =	vld [tilespmem:s6+$0x18060]  }
0x189: {  	[tilespmem:s7+$0x0] =	vst.add.f32.msk $0xffff, v0  }
0x18a: {  	s14 =	sor.u32 $0x8000, s6;
	v0 =	vld [tilespmem:s6+$0x18050]  }
0x18b: {  	s15 =	sor.u32 $0x8010, s6;
	[tilespmem:s14+$0x0] =	vst.add.f32.msk $0xffff, v4  }
0x18c: {  	s11 =	sor.u32 $0x8020, s6;
	s10 =	sor.u32 $0x8030, s6;
	s9 =	sor.u32 $0x8040, s6;
	[tilespmem:s15+$0x0] =	vst.add.f32.msk $0xffff, v5  }
0x18d: {  	s8 =	sor.u32 $0x8060, s6;
	s7 =	sor.u32 $0x8050, s6;
	[tilespmem:s11+$0x0] =	vst.add.f32.msk $0xffff, v6;
	s6 =	simm.s32 $0x0  }
.LBB2_16:
0x18e: {  	s5 =	sadd.s32 $0x80, s5;
	[tilespmem:s10+$0x0] =	vst.add.f32.msk $0xffff, v2;
	s4 =	sadd.s32 $0x400, s4  }
0x18f: {  	s6 =	sadd.s32 $0x10, s6;
	s10 =	sand.u32 $0x2000, s5;
	s11 =	sand.u32 $0x1C00, s4;
	[tilespmem:s9+$0x0] =	vst.add.f32.msk $0xffff, v3  }
0x190: {  	p0 =	slt.u32 s5, $0x3F80;
	s9 =	sor.u32 s10, s11;
	s10 =	sand.u32 $0x380, s6;
	[tilespmem:s7+$0x0] =	vst.add.f32.msk $0xffff, v0  }
0x191: {  	s11 =	sor.u32 s10, s9;
	[tilespmem:s8+$0x0] =	vst.add.f32.msk $0xffff, v1  }
0x192: {  	s12 =	sor.u32 $0x8000, s11;
	s13 =	sor.u32 $0x8010, s11;
	s14 =	sor.u32 $0x8020, s11;
	v0 =	vld [tilespmem:s11+$0x18070]  }
0x193: {  	s10 =	sor.u32 $0x8030, s11;
	s9 =	sor.u32 $0x8040, s11;
	s7 =	sor.u32 $0x8050, s11;
	v4 =	vld [tilespmem:s11+$0x18000]  }
0x194: {  	s8 =	sor.u32 $0x8060, s11;
	v5 =	vld [tilespmem:s11+$0x18010]  }
0x195: {  	v6 =	vld [tilespmem:s11+$0x18020]  }
0x196: {  	s15 =	sor.u32 $0x8070, s11;
	v2 =	vld [tilespmem:s11+$0x18030]  }
0x197: {  	[tilespmem:s15+$0x0] =	vst.add.f32.msk $0xffff, v0  }
0x198: {  	v3 =	vld [tilespmem:s11+$0x18040]  }
.Ltmp7:
0x199: {  	v0 =	vld [tilespmem:s11+$0x18050];
	(pc) =	sbr.rel @p0 .LBB2_16-.Ltmp7, $4  }
0x19a: {  	v1 =	vld [tilespmem:s11+$0x18060]  }
0x19b: {  	[tilespmem:s12+$0x0] =	vst.add.f32.msk $0xffff, v4  }
0x19c: {  	[tilespmem:s13+$0x0] =	vst.add.f32.msk $0xffff, v5  }
0x19d: {  	[tilespmem:s14+$0x0] =	vst.add.f32.msk $0xffff, v6  }
0x19e: {  	[tilespmem:s10+$0x0] =	vst.add.f32.msk $0xffff, v2  }
0x19f: {  	[tilespmem:s9+$0x0] =	vst.add.f32.msk $0xffff, v3  }
0x1a0: {  	[tilespmem:s7+$0x0] =	vst.add.f32.msk $0xffff, v0  }
0x1a1: {  	[tilespmem:s8+$0x0] =	vst.add.f32.msk $0xffff, v1  }
0x1a2: {  	s4 =	simm.s32 $0x0;
	s5 =	rddreg [dreg:$0x13]  }
0x1a3: {  	[hbm4b:s5+s4] =	stream.linear.scatter [tilespmem:s17], [sflag:$0x7], $0x4000, $0x38;
	[tilespmem:$0x1C000] =	vst v63  }
0x1a4: {  	_ =	swait.ge [sflag:s25], $0x4000  }
0x1a5: {  	[sflag:s25] =	ssyncset.done $0x0  }
0x1a6: {  	s11 =	rddreg [dreg:$0x18];
	[sflag:s25] =	ssyncadd.s32 $0xFFFFC000  }
0x1a7: {  	[tilespmem:s4], [sflag:$0x1] =	stream.linear.gather [hbm4b:s11+s4], $0x4000, $0x38;
	[tilespmem:$0x1C000] =	vst v63  }
0x1a8: {  	_ =	swait.ge [sflag:s26], $0x4000  }
0x1a9: {  	[sflag:s26] =	ssyncset.done $0x0  }
0x1aa: {  	s5 =	simm.s32 $0x0;
	[sflag:s26] =	ssyncadd.s32 $0xFFFFC000  }
0x1ab: {  	s12 =	sand.u32 $0x1C00, s4;
	s6 =	sand.u32 $0x2000, s5;
	_ =	swait.ge [sflag:s20], $0x4000  }
0x1ac: {  	s13 =	sand.u32 $0x380, s4;
	s6 =	sor.u32 s6, s12;
	[sflag:s20] =	ssyncset.done $0x0  }
0x1ad: {  	s6 =	sor.u32 s13, s6;
	[sflag:s20] =	ssyncadd.s32 $0xFFFFC000  }
0x1ae: {  	v0 =	vld [tilespmem:s6+$0x14070]  }
0x1af: {  	v4 =	vld [tilespmem:s6+$0x14000]  }
0x1b0: {  	v5 =	vld [tilespmem:s6+$0x14010]  }
0x1b1: {  	v6 =	vld [tilespmem:s6+$0x14020]  }
0x1b2: {  	v2 =	vld [tilespmem:s6+$0x14030]  }
0x1b3: {  	v3 =	vld [tilespmem:s6+$0x14040]  }
0x1b4: {  	s7 =	sor.u32 $0xC070, s6;
	v1 =	vld [tilespmem:s6+$0x14060]  }
0x1b5: {  	[tilespmem:s7+$0x0] =	vst.add.f32.msk $0xffff, v0  }
0x1b6: {  	s14 =	sor.u32 $0xC000, s6;
	v0 =	vld [tilespmem:s6+$0x14050]  }
0x1b7: {  	s15 =	sor.u32 $0xC010, s6;
	[tilespmem:s14+$0x0] =	vst.add.f32.msk $0xffff, v4  }
0x1b8: {  	s11 =	sor.u32 $0xC020, s6;
	s10 =	sor.u32 $0xC030, s6;
	s9 =	sor.u32 $0xC040, s6;
	[tilespmem:s15+$0x0] =	vst.add.f32.msk $0xffff, v5  }
0x1b9: {  	s8 =	sor.u32 $0xC060, s6;
	s7 =	sor.u32 $0xC050, s6;
	[tilespmem:s11+$0x0] =	vst.add.f32.msk $0xffff, v6;
	s6 =	simm.s32 $0x0  }
.LBB2_18:
0x1ba: {  	s5 =	sadd.s32 $0x80, s5;
	[tilespmem:s10+$0x0] =	vst.add.f32.msk $0xffff, v2;
	s4 =	sadd.s32 $0x400, s4  }
0x1bb: {  	s6 =	sadd.s32 $0x10, s6;
	s10 =	sand.u32 $0x2000, s5;
	s11 =	sand.u32 $0x1C00, s4;
	[tilespmem:s9+$0x0] =	vst.add.f32.msk $0xffff, v3  }
0x1bc: {  	p0 =	slt.u32 s5, $0x3F80;
	s9 =	sor.u32 s10, s11;
	s10 =	sand.u32 $0x380, s6;
	[tilespmem:s7+$0x0] =	vst.add.f32.msk $0xffff, v0  }
0x1bd: {  	s11 =	sor.u32 s10, s9;
	[tilespmem:s8+$0x0] =	vst.add.f32.msk $0xffff, v1  }
0x1be: {  	s12 =	sor.u32 $0xC000, s11;
	s13 =	sor.u32 $0xC010, s11;
	s14 =	sor.u32 $0xC020, s11;
	v0 =	vld [tilespmem:s11+$0x14070]  }
0x1bf: {  	s10 =	sor.u32 $0xC030, s11;
	s9 =	sor.u32 $0xC040, s11;
	s7 =	sor.u32 $0xC050, s11;
	v4 =	vld [tilespmem:s11+$0x14000]  }
0x1c0: {  	s8 =	sor.u32 $0xC060, s11;
	v5 =	vld [tilespmem:s11+$0x14010]  }
0x1c1: {  	v6 =	vld [tilespmem:s11+$0x14020]  }
0x1c2: {  	s15 =	sor.u32 $0xC070, s11;
	v2 =	vld [tilespmem:s11+$0x14030]  }
0x1c3: {  	[tilespmem:s15+$0x0] =	vst.add.f32.msk $0xffff, v0  }
0x1c4: {  	v3 =	vld [tilespmem:s11+$0x14040]  }
.Ltmp8:
0x1c5: {  	v0 =	vld [tilespmem:s11+$0x14050];
	(pc) =	sbr.rel @p0 .LBB2_18-.Ltmp8, $4  }
0x1c6: {  	v1 =	vld [tilespmem:s11+$0x14060]  }
0x1c7: {  	[tilespmem:s12+$0x0] =	vst.add.f32.msk $0xffff, v4  }
0x1c8: {  	[tilespmem:s13+$0x0] =	vst.add.f32.msk $0xffff, v5  }
0x1c9: {  	[tilespmem:s14+$0x0] =	vst.add.f32.msk $0xffff, v6  }
0x1ca: {  	[tilespmem:s10+$0x0] =	vst.add.f32.msk $0xffff, v2  }
0x1cb: {  	[tilespmem:s9+$0x0] =	vst.add.f32.msk $0xffff, v3  }
0x1cc: {  	[tilespmem:s7+$0x0] =	vst.add.f32.msk $0xffff, v0  }
0x1cd: {  	[tilespmem:s8+$0x0] =	vst.add.f32.msk $0xffff, v1  }
0x1ce: {  	s4 =	simm.s32 $0x0;
	s5 =	rddreg [dreg:$0x14]  }
0x1cf: {  	[hbm4b:s5+s4] =	stream.linear.scatter [tilespmem:s18], [sflag:$0x8], $0x4000, $0x38;
	[tilespmem:$0x1C000] =	vst v63  }
0x1d0: {  	s10 =	rddreg [dreg:$0x1c]  }
0x1d1: {  	[tilespmem:s16], [sflag:$0xC] =	stream.linear.gather [hbm4b:s10+s4], $0x4000, $0x38;
	[tilespmem:$0x1C000] =	vst v63  }
0x1d2: {  	_ =	swait.ge [sflag:s28], $0x4000  }
0x1d3: {  	[sflag:s28] =	ssyncset.done $0x0  }
0x1d4: {  	s5 =	simm.s32 $0x0;
	s11 =	rddreg [dreg:$0x1a];
	[sflag:s28] =	ssyncadd.s32 $0xFFFFC000  }
0x1d5: {  	[tilespmem:s17], [sflag:$0x2] =	stream.linear.gather [hbm4b:s11+s4], $0x4000, $0x38;
	[tilespmem:$0x1C000] =	vst v63  }
0x1d6: {  	s12 =	sand.u32 $0x1C00, s4;
	s6 =	sand.u32 $0x2000, s5;
	_ =	swait.ge [sflag:s29], $0x4000  }
0x1d7: {  	s13 =	sand.u32 $0x380, s4;
	s6 =	sor.u32 s6, s12;
	[sflag:s29] =	ssyncset.done $0x0  }
0x1d8: {  	s6 =	sor.u32 s13, s6;
	[sflag:s29] =	ssyncadd.s32 $0xFFFFC000  }
0x1d9: {  	v0 =	vld [tilespmem:s6+$0x14070]  }
0x1da: {  	v4 =	vld [tilespmem:s6+$0x14000]  }
0x1db: {  	v5 =	vld [tilespmem:s6+$0x14010]  }
0x1dc: {  	v6 =	vld [tilespmem:s6+$0x14020]  }
0x1dd: {  	v2 =	vld [tilespmem:s6+$0x14030]  }
0x1de: {  	v3 =	vld [tilespmem:s6+$0x14040]  }
0x1df: {  	s7 =	sor.u32 $0x10070, s6;
	v1 =	vld [tilespmem:s6+$0x14060]  }
0x1e0: {  	[tilespmem:s7+$0x0] =	vst.add.f32.msk $0xffff, v0  }
0x1e1: {  	s14 =	sor.u32 $0x10000, s6;
	v0 =	vld [tilespmem:s6+$0x14050]  }
0x1e2: {  	s15 =	sor.u32 $0x10010, s6;
	[tilespmem:s14+$0x0] =	vst.add.f32.msk $0xffff, v4  }
0x1e3: {  	s10 =	sor.u32 $0x10030, s6;
	s9 =	sor.u32 $0x10040, s6;
	s11 =	sor.u32 $0x10020, s6;
	[tilespmem:s15+$0x0] =	vst.add.f32.msk $0xffff, v5  }
0x1e4: {  	s8 =	sor.u32 $0x10060, s6;
	s7 =	sor.u32 $0x10050, s6;
	[tilespmem:s11+$0x0] =	vst.add.f32.msk $0xffff, v6;
	s6 =	simm.s32 $0x0  }
.LBB2_20:
0x1e5: {  	s5 =	sadd.s32 $0x80, s5;
	[tilespmem:s10+$0x0] =	vst.add.f32.msk $0xffff, v2;
	s4 =	sadd.s32 $0x400, s4  }
0x1e6: {  	s6 =	sadd.s32 $0x10, s6;
	s10 =	sand.u32 $0x2000, s5;
	s11 =	sand.u32 $0x1C00, s4;
	[tilespmem:s9+$0x0] =	vst.add.f32.msk $0xffff, v3  }
0x1e7: {  	p0 =	slt.u32 s5, $0x3F80;
	s9 =	sor.u32 s10, s11;
	s10 =	sand.u32 $0x380, s6;
	[tilespmem:s7+$0x0] =	vst.add.f32.msk $0xffff, v0  }
0x1e8: {  	s11 =	sor.u32 s10, s9;
	[tilespmem:s8+$0x0] =	vst.add.f32.msk $0xffff, v1  }
0x1e9: {  	s12 =	sor.u32 $0x10000, s11;
	s13 =	sor.u32 $0x10010, s11;
	s14 =	sor.u32 $0x10020, s11;
	v0 =	vld [tilespmem:s11+$0x14070]  }
0x1ea: {  	s10 =	sor.u32 $0x10030, s11;
	s9 =	sor.u32 $0x10040, s11;
	s7 =	sor.u32 $0x10050, s11;
	v4 =	vld [tilespmem:s11+$0x14000]  }
0x1eb: {  	s8 =	sor.u32 $0x10060, s11;
	v5 =	vld [tilespmem:s11+$0x14010]  }
0x1ec: {  	v6 =	vld [tilespmem:s11+$0x14020]  }
0x1ed: {  	s15 =	sor.u32 $0x10070, s11;
	v2 =	vld [tilespmem:s11+$0x14030]  }
0x1ee: {  	[tilespmem:s15+$0x0] =	vst.add.f32.msk $0xffff, v0  }
0x1ef: {  	v3 =	vld [tilespmem:s11+$0x14040]  }
.Ltmp9:
0x1f0: {  	v0 =	vld [tilespmem:s11+$0x14050];
	(pc) =	sbr.rel @p0 .LBB2_20-.Ltmp9, $4  }
0x1f1: {  	v1 =	vld [tilespmem:s11+$0x14060]  }
0x1f2: {  	[tilespmem:s12+$0x0] =	vst.add.f32.msk $0xffff, v4  }
0x1f3: {  	[tilespmem:s13+$0x0] =	vst.add.f32.msk $0xffff, v5  }
0x1f4: {  	[tilespmem:s14+$0x0] =	vst.add.f32.msk $0xffff, v6  }
0x1f5: {  	[tilespmem:s10+$0x0] =	vst.add.f32.msk $0xffff, v2  }
0x1f6: {  	[tilespmem:s9+$0x0] =	vst.add.f32.msk $0xffff, v3  }
0x1f7: {  	[tilespmem:s7+$0x0] =	vst.add.f32.msk $0xffff, v0  }
0x1f8: {  	[tilespmem:s8+$0x0] =	vst.add.f32.msk $0xffff, v1  }
0x1f9: {  	s4 =	simm.s32 $0x0;
	s5 =	rddreg [dreg:$0x15]  }
0x1fa: {  	[hbm4b:s5+s4] =	stream.linear.scatter [tilespmem:s21], [sflag:$0x9], $0x4000, $0x38;
	[tilespmem:$0x1C000] =	vst v63  }
0x1fb: {  	_ =	swait.ge [sflag:s31], $0x4000  }
0x1fc: {  	[sflag:s31] =	ssyncset.done $0x0  }
0x1fd: {  	s5 =	simm.s32 $0x0;
	s12 =	rddreg [dreg:$0x1d];
	[sflag:s31] =	ssyncadd.s32 $0xFFFFC000  }
0x1fe: {  	[tilespmem:s18], [sflag:$0x3] =	stream.linear.gather [hbm4b:s12+s4], $0x4000, $0x38;
	[tilespmem:$0x1C000] =	vst v63  }
0x1ff: {  	s13 =	sand.u32 $0x1C00, s4;
	s6 =	sand.u32 $0x2000, s5;
	_ =	swait.ge [sflag:s19], $0x4000  }
0x200: {  	s14 =	sand.u32 $0x380, s4;
	s6 =	sor.u32 s6, s13;
	[sflag:s19] =	ssyncset.done $0x0  }
0x201: {  	s6 =	sor.u32 s14, s6;
	[sflag:s19] =	ssyncadd.s32 $0xFFFFC000  }
0x202: {  	v0 =	vld [tilespmem:s6+$0x14070]  }
0x203: {  	v4 =	vld [tilespmem:s6+$0x14000]  }
0x204: {  	v5 =	vld [tilespmem:s6+$0x14010]  }
0x205: {  	v6 =	vld [tilespmem:s6+$0x14020]  }
0x206: {  	v2 =	vld [tilespmem:s6+$0x14030]  }
0x207: {  	v3 =	vld [tilespmem:s6+$0x14040]  }
0x208: {  	s7 =	sor.u32 $0x70, s6;
	v1 =	vld [tilespmem:s6+$0x14050]  }
0x209: {  	[tilespmem:s7+$0x0] =	vst.add.f32.msk $0xffff, v0  }
0x20a: {  	v0 =	vld [tilespmem:s6+$0x14060]  }
0x20b: {  	s15 =	sor.u32 $0x10, s6;
	[tilespmem:s6+$0x0] =	vst.add.f32.msk $0xffff, v4  }
0x20c: {  	s11 =	sor.u32 $0x20, s6;
	s10 =	sor.u32 $0x30, s6;
	s9 =	sor.u32 $0x40, s6;
	[tilespmem:s15+$0x0] =	vst.add.f32.msk $0xffff, v5  }
0x20d: {  	s8 =	sor.u32 $0x50, s6;
	s7 =	sor.u32 $0x60, s6;
	[tilespmem:s11+$0x0] =	vst.add.f32.msk $0xffff, v6;
	s6 =	simm.s32 $0x0  }
.LBB2_22:
0x20e: {  	s5 =	sadd.s32 $0x80, s5;
	[tilespmem:s10+$0x0] =	vst.add.f32.msk $0xffff, v2;
	s4 =	sadd.s32 $0x400, s4  }
0x20f: {  	s6 =	sadd.s32 $0x10, s6;
	s10 =	sand.u32 $0x2000, s5;
	s11 =	sand.u32 $0x1C00, s4;
	[tilespmem:s9+$0x0] =	vst.add.f32.msk $0xffff, v3  }
0x210: {  	p0 =	slt.u32 s5, $0x3F80;
	s9 =	sor.u32 s10, s11;
	s10 =	sand.u32 $0x380, s6;
	[tilespmem:s8+$0x0] =	vst.add.f32.msk $0xffff, v1  }
0x211: {  	s11 =	sor.u32 s10, s9;
	[tilespmem:s7+$0x0] =	vst.add.f32.msk $0xffff, v0  }
0x212: {  	s12 =	sor.u32 $0x10, s11;
	s13 =	sor.u32 $0x20, s11;
	s10 =	sor.u32 $0x30, s11;
	v0 =	vld [tilespmem:s11+$0x14070]  }
0x213: {  	s9 =	sor.u32 $0x40, s11;
	s8 =	sor.u32 $0x50, s11;
	s7 =	sor.u32 $0x60, s11;
	v4 =	vld [tilespmem:s11+$0x14000]  }
0x214: {  	v5 =	vld [tilespmem:s11+$0x14010]  }
0x215: {  	v6 =	vld [tilespmem:s11+$0x14020]  }
0x216: {  	s14 =	sor.u32 $0x70, s11;
	v2 =	vld [tilespmem:s11+$0x14030]  }
0x217: {  	[tilespmem:s14+$0x0] =	vst.add.f32.msk $0xffff, v0  }
0x218: {  	v3 =	vld [tilespmem:s11+$0x14040]  }
.Ltmp10:
0x219: {  	v1 =	vld [tilespmem:s11+$0x14050];
	(pc) =	sbr.rel @p0 .LBB2_22-.Ltmp10, $4  }
0x21a: {  	v0 =	vld [tilespmem:s11+$0x14060]  }
0x21b: {  	[tilespmem:s11+$0x0] =	vst.add.f32.msk $0xffff, v4  }
0x21c: {  	[tilespmem:s12+$0x0] =	vst.add.f32.msk $0xffff, v5  }
0x21d: {  	[tilespmem:s13+$0x0] =	vst.add.f32.msk $0xffff, v6  }
0x21e: {  	[tilespmem:s10+$0x0] =	vst.add.f32.msk $0xffff, v2  }
0x21f: {  	[tilespmem:s9+$0x0] =	vst.add.f32.msk $0xffff, v3  }
0x220: {  	[tilespmem:s8+$0x0] =	vst.add.f32.msk $0xffff, v1  }
0x221: {  	[tilespmem:s7+$0x0] =	vst.add.f32.msk $0xffff, v0  }
0x222: {  	s4 =	simm.s32 $0x0;
	s5 =	rddreg [dreg:$0x17]  }
0x223: {  	[hbm4b:s5+s4] =	stream.linear.scatter [tilespmem:s23], [sflag:$0xA], $0x4000, $0x38;
	[tilespmem:$0x1C000] =	vst v63  }
0x224: {  	_ =	swait.ge [sflag:s0], $0x4000  }
0x225: {  	[sflag:s0] =	ssyncset.done $0x0  }
0x226: {  	s5 =	simm.s32 $0x0;
	s11 =	rddreg [dreg:$0x1f];
	[sflag:s0] =	ssyncadd.s32 $0xFFFFC000  }
0x227: {  	[tilespmem:s21], [sflag:$0x4] =	stream.linear.gather [hbm4b:s11+s4], $0x4000, $0x38;
	[tilespmem:$0x1C000] =	vst v63  }
0x228: {  	s12 =	sand.u32 $0x1C00, s4;
	s6 =	sand.u32 $0x2000, s5;
	_ =	swait.ge [sflag:s22], $0x4000  }
0x229: {  	s13 =	sand.u32 $0x380, s4;
	s6 =	sor.u32 s6, s12;
	[sflag:s22] =	ssyncset.done $0x0  }
0x22a: {  	s6 =	sor.u32 s13, s6;
	[sflag:s22] =	ssyncadd.s32 $0xFFFFC000  }
0x22b: {  	v0 =	vld [tilespmem:s6+$0x14070]  }
0x22c: {  	v4 =	vld [tilespmem:s6+$0x14000]  }
0x22d: {  	v5 =	vld [tilespmem:s6+$0x14010]  }
0x22e: {  	v6 =	vld [tilespmem:s6+$0x14020]  }
0x22f: {  	v2 =	vld [tilespmem:s6+$0x14030]  }
0x230: {  	v3 =	vld [tilespmem:s6+$0x14040]  }
0x231: {  	s7 =	sor.u32 $0x4070, s6;
	v1 =	vld [tilespmem:s6+$0x14060]  }
0x232: {  	[tilespmem:s7+$0x0] =	vst.add.f32.msk $0xffff, v0  }
0x233: {  	s14 =	sor.u32 $0x4000, s6;
	v0 =	vld [tilespmem:s6+$0x14050]  }
0x234: {  	s15 =	sor.u32 $0x4010, s6;
	[tilespmem:s14+$0x0] =	vst.add.f32.msk $0xffff, v4  }
0x235: {  	s11 =	sor.u32 $0x4020, s6;
	s10 =	sor.u32 $0x4030, s6;
	s9 =	sor.u32 $0x4040, s6;
	[tilespmem:s15+$0x0] =	vst.add.f32.msk $0xffff, v5  }
0x236: {  	s8 =	sor.u32 $0x4060, s6;
	s7 =	sor.u32 $0x4050, s6;
	[tilespmem:s11+$0x0] =	vst.add.f32.msk $0xffff, v6;
	s6 =	simm.s32 $0x0  }
.LBB2_24:
0x237: {  	s5 =	sadd.s32 $0x80, s5;
	[tilespmem:s10+$0x0] =	vst.add.f32.msk $0xffff, v2;
	s4 =	sadd.s32 $0x400, s4  }
0x238: {  	s6 =	sadd.s32 $0x10, s6;
	s10 =	sand.u32 $0x2000, s5;
	s11 =	sand.u32 $0x1C00, s4;
	[tilespmem:s9+$0x0] =	vst.add.f32.msk $0xffff, v3  }
0x239: {  	p0 =	slt.u32 s5, $0x3F80;
	s9 =	sor.u32 s10, s11;
	s10 =	sand.u32 $0x380, s6;
	[tilespmem:s7+$0x0] =	vst.add.f32.msk $0xffff, v0  }
0x23a: {  	s11 =	sor.u32 s10, s9;
	[tilespmem:s8+$0x0] =	vst.add.f32.msk $0xffff, v1  }
0x23b: {  	s12 =	sor.u32 $0x4000, s11;
	s13 =	sor.u32 $0x4010, s11;
	s14 =	sor.u32 $0x4020, s11;
	v0 =	vld [tilespmem:s11+$0x14070]  }
0x23c: {  	s10 =	sor.u32 $0x4030, s11;
	s9 =	sor.u32 $0x4040, s11;
	s7 =	sor.u32 $0x4050, s11;
	v4 =	vld [tilespmem:s11+$0x14000]  }
0x23d: {  	s8 =	sor.u32 $0x4060, s11;
	v5 =	vld [tilespmem:s11+$0x14010]  }
0x23e: {  	v6 =	vld [tilespmem:s11+$0x14020]  }
0x23f: {  	s15 =	sor.u32 $0x4070, s11;
	v2 =	vld [tilespmem:s11+$0x14030]  }
0x240: {  	[tilespmem:s15+$0x0] =	vst.add.f32.msk $0xffff, v0  }
0x241: {  	v3 =	vld [tilespmem:s11+$0x14040]  }
.Ltmp11:
0x242: {  	v0 =	vld [tilespmem:s11+$0x14050];
	(pc) =	sbr.rel @p0 .LBB2_24-.Ltmp11, $4  }
0x243: {  	v1 =	vld [tilespmem:s11+$0x14060]  }
0x244: {  	[tilespmem:s12+$0x0] =	vst.add.f32.msk $0xffff, v4  }
0x245: {  	[tilespmem:s13+$0x0] =	vst.add.f32.msk $0xffff, v5  }
0x246: {  	[tilespmem:s14+$0x0] =	vst.add.f32.msk $0xffff, v6  }
0x247: {  	[tilespmem:s10+$0x0] =	vst.add.f32.msk $0xffff, v2  }
0x248: {  	[tilespmem:s9+$0x0] =	vst.add.f32.msk $0xffff, v3  }
0x249: {  	[tilespmem:s7+$0x0] =	vst.add.f32.msk $0xffff, v0  }
0x24a: {  	[tilespmem:s8+$0x0] =	vst.add.f32.msk $0xffff, v1  }
0x24b: {  	s4 =	simm.s32 $0x0;
	s5 =	rddreg [dreg:$0x19]  }
0x24c: {  	[hbm4b:s5+s4] =	stream.linear.scatter [tilespmem:s4], [sflag:$0x6], $0x4000, $0x38;
	[tilespmem:$0x1C000] =	vst v63  }
0x24d: {  	_ =	swait.ge [sflag:s2], $0x4000  }
0x24e: {  	s11 =	sld [smem:$0x7D2]  }
0x24f: {  	[sflag:s2] =	ssyncset.done $0x0  }
0x250: {  	[sflag:s2] =	ssyncadd.s32 $0xFFFFC000  }
0x251: {  	[tilespmem:s23], [sflag:$0x5] =	stream.linear.gather [hbm4b:s11+s4], $0x4000, $0x38;
	[tilespmem:$0x1C000] =	vst v63  }
0x252: {  	_ =	swait.ge [sflag:s24], $0x4000  }
0x253: {  	[sflag:s24] =	ssyncset.done $0x0  }
0x254: {  	s5 =	simm.s32 $0x0;
	[sflag:s24] =	ssyncadd.s32 $0xFFFFC000  }
0x255: {  	s12 =	sand.u32 $0x1C00, s4;
	s6 =	sand.u32 $0x2000, s5;
	_ =	swait.ge [sflag:s30], $0x4000  }
0x256: {  	s13 =	sand.u32 $0x380, s4;
	s6 =	sor.u32 s6, s12;
	[sflag:s30] =	ssyncset.done $0x0  }
0x257: {  	s6 =	sor.u32 s13, s6;
	[sflag:s30] =	ssyncadd.s32 $0xFFFFC000  }
0x258: {  	v0 =	vld [tilespmem:s6+$0x18070]  }
0x259: {  	v4 =	vld [tilespmem:s6+$0x18000]  }
0x25a: {  	v5 =	vld [tilespmem:s6+$0x18010]  }
0x25b: {  	v6 =	vld [tilespmem:s6+$0x18020]  }
0x25c: {  	v2 =	vld [tilespmem:s6+$0x18030]  }
0x25d: {  	v3 =	vld [tilespmem:s6+$0x18040]  }
0x25e: {  	s7 =	sor.u32 $0x8070, s6;
	v1 =	vld [tilespmem:s6+$0x18060]  }
0x25f: {  	[tilespmem:s7+$0x0] =	vst.add.f32.msk $0xffff, v0  }
0x260: {  	s14 =	sor.u32 $0x8000, s6;
	v0 =	vld [tilespmem:s6+$0x18050]  }
0x261: {  	s15 =	sor.u32 $0x8010, s6;
	[tilespmem:s14+$0x0] =	vst.add.f32.msk $0xffff, v4  }
0x262: {  	s10 =	sor.u32 $0x8030, s6;
	s9 =	sor.u32 $0x8040, s6;
	s11 =	sor.u32 $0x8020, s6;
	[tilespmem:s15+$0x0] =	vst.add.f32.msk $0xffff, v5  }
0x263: {  	s8 =	sor.u32 $0x8060, s6;
	s7 =	sor.u32 $0x8050, s6;
	[tilespmem:s11+$0x0] =	vst.add.f32.msk $0xffff, v6;
	s6 =	simm.s32 $0x0  }
.LBB2_26:
0x264: {  	s5 =	sadd.s32 $0x80, s5;
	[tilespmem:s10+$0x0] =	vst.add.f32.msk $0xffff, v2;
	s4 =	sadd.s32 $0x400, s4  }
0x265: {  	s6 =	sadd.s32 $0x10, s6;
	s10 =	sand.u32 $0x2000, s5;
	s11 =	sand.u32 $0x1C00, s4;
	[tilespmem:s9+$0x0] =	vst.add.f32.msk $0xffff, v3  }
0x266: {  	p0 =	slt.u32 s5, $0x3F80;
	s9 =	sor.u32 s10, s11;
	s10 =	sand.u32 $0x380, s6;
	[tilespmem:s7+$0x0] =	vst.add.f32.msk $0xffff, v0  }
0x267: {  	s11 =	sor.u32 s10, s9;
	[tilespmem:s8+$0x0] =	vst.add.f32.msk $0xffff, v1  }
0x268: {  	s12 =	sor.u32 $0x8000, s11;
	s13 =	sor.u32 $0x8010, s11;
	s14 =	sor.u32 $0x8020, s11;
	v0 =	vld [tilespmem:s11+$0x18070]  }
0x269: {  	s10 =	sor.u32 $0x8030, s11;
	s9 =	sor.u32 $0x8040, s11;
	s7 =	sor.u32 $0x8050, s11;
	v4 =	vld [tilespmem:s11+$0x18000]  }
0x26a: {  	s8 =	sor.u32 $0x8060, s11;
	v5 =	vld [tilespmem:s11+$0x18010]  }
0x26b: {  	v6 =	vld [tilespmem:s11+$0x18020]  }
0x26c: {  	s15 =	sor.u32 $0x8070, s11;
	v2 =	vld [tilespmem:s11+$0x18030]  }
0x26d: {  	[tilespmem:s15+$0x0] =	vst.add.f32.msk $0xffff, v0  }
0x26e: {  	v3 =	vld [tilespmem:s11+$0x18040]  }
.Ltmp12:
0x26f: {  	v0 =	vld [tilespmem:s11+$0x18050];
	(pc) =	sbr.rel @p0 .LBB2_26-.Ltmp12, $4  }
0x270: {  	v1 =	vld [tilespmem:s11+$0x18060]  }
0x271: {  	[tilespmem:s12+$0x0] =	vst.add.f32.msk $0xffff, v4  }
0x272: {  	[tilespmem:s13+$0x0] =	vst.add.f32.msk $0xffff, v5  }
0x273: {  	[tilespmem:s14+$0x0] =	vst.add.f32.msk $0xffff, v6  }
0x274: {  	[tilespmem:s10+$0x0] =	vst.add.f32.msk $0xffff, v2  }
0x275: {  	[tilespmem:s9+$0x0] =	vst.add.f32.msk $0xffff, v3  }
0x276: {  	[tilespmem:s7+$0x0] =	vst.add.f32.msk $0xffff, v0  }
0x277: {  	[tilespmem:s8+$0x0] =	vst.add.f32.msk $0xffff, v1  }
0x278: {  	s5 =	rddreg [dreg:$0x1b]  }
0x279: {  	s4 =	simm.s32 $0x0;
	s9 =	sld [smem:$0x7D6]  }
0x27a: {  	[hbm4b:s5+s4] =	stream.linear.scatter [tilespmem:s17], [sflag:$0x7], $0x4000, $0x38;
	[tilespmem:$0x1C000] =	vst v63  }
0x27b: {  	s6 =	simm.s32 $0x14000  }
0x27c: {  	[tilespmem:s6], [sflag:$0xB] =	stream.linear.gather [hbm4b:s9+s4], $0x4000, $0x38;
	[tilespmem:$0x1C000] =	vst v63  }
0x27d: {  	_ =	swait.ge [sflag:s25], $0x4000  }
0x27e: {  	s10 =	sld [smem:$0x7D4]  }
0x27f: {  	[sflag:s25] =	ssyncset.done $0x0  }
0x280: {  	s5 =	simm.s32 $0x0;
	[sflag:s25] =	ssyncadd.s32 $0xFFFFC000  }
0x281: {  	[tilespmem:s4], [sflag:$0x1] =	stream.linear.gather [hbm4b:s10+s4], $0x4000, $0x38;
	[tilespmem:$0x1C000] =	vst v63  }
0x282: {  	s12 =	sand.u32 $0x1C00, s4;
	s11 =	sand.u32 $0x2000, s5;
	_ =	swait.ge [sflag:s26], $0x4000  }
0x283: {  	s13 =	sand.u32 $0x380, s4;
	s6 =	sor.u32 s11, s12;
	[sflag:s26] =	ssyncset.done $0x0  }
0x284: {  	s6 =	sor.u32 s13, s6;
	[sflag:s26] =	ssyncadd.s32 $0xFFFFC000  }
0x285: {  	v0 =	vld [tilespmem:s6+$0x18070]  }
0x286: {  	v4 =	vld [tilespmem:s6+$0x18000]  }
0x287: {  	v5 =	vld [tilespmem:s6+$0x18010]  }
0x288: {  	v6 =	vld [tilespmem:s6+$0x18020]  }
0x289: {  	v2 =	vld [tilespmem:s6+$0x18030]  }
0x28a: {  	v3 =	vld [tilespmem:s6+$0x18040]  }
0x28b: {  	s7 =	sor.u32 $0xC070, s6;
	v1 =	vld [tilespmem:s6+$0x18060]  }
0x28c: {  	[tilespmem:s7+$0x0] =	vst.add.f32.msk $0xffff, v0  }
0x28d: {  	s14 =	sor.u32 $0xC000, s6;
	v0 =	vld [tilespmem:s6+$0x18050]  }
0x28e: {  	s15 =	sor.u32 $0xC010, s6;
	[tilespmem:s14+$0x0] =	vst.add.f32.msk $0xffff, v4  }
0x28f: {  	s11 =	sor.u32 $0xC020, s6;
	s9 =	sor.u32 $0xC040, s6;
	s8 =	sor.u32 $0xC060, s6;
	[tilespmem:s15+$0x0] =	vst.add.f32.msk $0xffff, v5  }
0x290: {  	s10 =	sor.u32 $0xC030, s6;
	s7 =	sor.u32 $0xC050, s6;
	[tilespmem:s11+$0x0] =	vst.add.f32.msk $0xffff, v6;
	s6 =	simm.s32 $0x0  }
.LBB2_28:
0x291: {  	s5 =	sadd.s32 $0x80, s5;
	[tilespmem:s10+$0x0] =	vst.add.f32.msk $0xffff, v2;
	s4 =	sadd.s32 $0x400, s4  }
0x292: {  	s6 =	sadd.s32 $0x10, s6;
	s10 =	sand.u32 $0x2000, s5;
	s11 =	sand.u32 $0x1C00, s4;
	[tilespmem:s9+$0x0] =	vst.add.f32.msk $0xffff, v3  }
0x293: {  	p0 =	slt.u32 s5, $0x3F80;
	s9 =	sor.u32 s10, s11;
	s10 =	sand.u32 $0x380, s6;
	[tilespmem:s7+$0x0] =	vst.add.f32.msk $0xffff, v0  }
0x294: {  	s11 =	sor.u32 s10, s9;
	[tilespmem:s8+$0x0] =	vst.add.f32.msk $0xffff, v1  }
0x295: {  	s12 =	sor.u32 $0xC000, s11;
	s13 =	sor.u32 $0xC010, s11;
	s14 =	sor.u32 $0xC020, s11;
	v0 =	vld [tilespmem:s11+$0x18070]  }
0x296: {  	s10 =	sor.u32 $0xC030, s11;
	s9 =	sor.u32 $0xC040, s11;
	s7 =	sor.u32 $0xC050, s11;
	v4 =	vld [tilespmem:s11+$0x18000]  }
0x297: {  	s8 =	sor.u32 $0xC060, s11;
	v5 =	vld [tilespmem:s11+$0x18010]  }
0x298: {  	v6 =	vld [tilespmem:s11+$0x18020]  }
0x299: {  	s15 =	sor.u32 $0xC070, s11;
	v2 =	vld [tilespmem:s11+$0x18030]  }
0x29a: {  	[tilespmem:s15+$0x0] =	vst.add.f32.msk $0xffff, v0  }
0x29b: {  	v3 =	vld [tilespmem:s11+$0x18040]  }
.Ltmp13:
0x29c: {  	v0 =	vld [tilespmem:s11+$0x18050];
	(pc) =	sbr.rel @p0 .LBB2_28-.Ltmp13, $4  }
0x29d: {  	v1 =	vld [tilespmem:s11+$0x18060]  }
0x29e: {  	[tilespmem:s12+$0x0] =	vst.add.f32.msk $0xffff, v4  }
0x29f: {  	[tilespmem:s13+$0x0] =	vst.add.f32.msk $0xffff, v5  }
0x2a0: {  	[tilespmem:s14+$0x0] =	vst.add.f32.msk $0xffff, v6  }
0x2a1: {  	[tilespmem:s10+$0x0] =	vst.add.f32.msk $0xffff, v2  }
0x2a2: {  	[tilespmem:s9+$0x0] =	vst.add.f32.msk $0xffff, v3  }
0x2a3: {  	[tilespmem:s7+$0x0] =	vst.add.f32.msk $0xffff, v0  }
0x2a4: {  	[tilespmem:s8+$0x0] =	vst.add.f32.msk $0xffff, v1  }
0x2a5: {  	s4 =	simm.s32 $0x0;
	s5 =	rddreg [dreg:$0x1e]  }
0x2a6: {  	[hbm4b:s5+s4] =	stream.linear.scatter [tilespmem:s18], [sflag:$0x8], $0x4000, $0x38;
	[tilespmem:$0x1C000] =	vst v63  }
0x2a7: {  	_ =	swait.ge [sflag:s28], $0x4000  }
0x2a8: {  	s11 =	sld [smem:$0x7D7]  }
0x2a9: {  	[sflag:s28] =	ssyncset.done $0x0  }
0x2aa: {  	s5 =	simm.s32 $0x0;
	[sflag:s28] =	ssyncadd.s32 $0xFFFFC000  }
0x2ab: {  	[tilespmem:s17], [sflag:$0x2] =	stream.linear.gather [hbm4b:s11+s4], $0x4000, $0x38;
	[tilespmem:$0x1C000] =	vst v63  }
0x2ac: {  	s12 =	sand.u32 $0x1C00, s4;
	s6 =	sand.u32 $0x2000, s5;
	_ =	swait.ge [sflag:s29], $0x4000  }
0x2ad: {  	s13 =	sand.u32 $0x380, s4;
	s6 =	sor.u32 s6, s12;
	[sflag:s29] =	ssyncset.done $0x0  }
0x2ae: {  	s6 =	sor.u32 s13, s6;
	[sflag:s29] =	ssyncadd.s32 $0xFFFFC000  }
0x2af: {  	v0 =	vld [tilespmem:s6+$0x18070]  }
0x2b0: {  	v4 =	vld [tilespmem:s6+$0x18000]  }
0x2b1: {  	v5 =	vld [tilespmem:s6+$0x18010]  }
0x2b2: {  	v6 =	vld [tilespmem:s6+$0x18020]  }
0x2b3: {  	v2 =	vld [tilespmem:s6+$0x18030]  }
0x2b4: {  	v3 =	vld [tilespmem:s6+$0x18040]  }
0x2b5: {  	s7 =	sor.u32 $0x10070, s6;
	v1 =	vld [tilespmem:s6+$0x18060]  }
0x2b6: {  	[tilespmem:s7+$0x0] =	vst.add.f32.msk $0xffff, v0  }
0x2b7: {  	s14 =	sor.u32 $0x10000, s6;
	v0 =	vld [tilespmem:s6+$0x18050]  }
0x2b8: {  	s15 =	sor.u32 $0x10010, s6;
	[tilespmem:s14+$0x0] =	vst.add.f32.msk $0xffff, v4  }
0x2b9: {  	s10 =	sor.u32 $0x10030, s6;
	s9 =	sor.u32 $0x10040, s6;
	s11 =	sor.u32 $0x10020, s6;
	[tilespmem:s15+$0x0] =	vst.add.f32.msk $0xffff, v5  }
0x2ba: {  	s8 =	sor.u32 $0x10060, s6;
	s7 =	sor.u32 $0x10050, s6;
	[tilespmem:s11+$0x0] =	vst.add.f32.msk $0xffff, v6;
	s6 =	simm.s32 $0x0  }
.LBB2_30:
0x2bb: {  	s5 =	sadd.s32 $0x80, s5;
	[tilespmem:s10+$0x0] =	vst.add.f32.msk $0xffff, v2;
	s4 =	sadd.s32 $0x400, s4  }
0x2bc: {  	s6 =	sadd.s32 $0x10, s6;
	s10 =	sand.u32 $0x2000, s5;
	s11 =	sand.u32 $0x1C00, s4;
	[tilespmem:s9+$0x0] =	vst.add.f32.msk $0xffff, v3  }
0x2bd: {  	p0 =	slt.u32 s5, $0x3F80;
	s9 =	sor.u32 s10, s11;
	s10 =	sand.u32 $0x380, s6;
	[tilespmem:s7+$0x0] =	vst.add.f32.msk $0xffff, v0  }
0x2be: {  	s11 =	sor.u32 s10, s9;
	[tilespmem:s8+$0x0] =	vst.add.f32.msk $0xffff, v1  }
0x2bf: {  	s12 =	sor.u32 $0x10000, s11;
	s13 =	sor.u32 $0x10010, s11;
	s14 =	sor.u32 $0x10020, s11;
	v0 =	vld [tilespmem:s11+$0x18070]  }
0x2c0: {  	s10 =	sor.u32 $0x10030, s11;
	s9 =	sor.u32 $0x10040, s11;
	s7 =	sor.u32 $0x10050, s11;
	v4 =	vld [tilespmem:s11+$0x18000]  }
0x2c1: {  	s8 =	sor.u32 $0x10060, s11;
	v5 =	vld [tilespmem:s11+$0x18010]  }
0x2c2: {  	v6 =	vld [tilespmem:s11+$0x18020]  }
0x2c3: {  	s15 =	sor.u32 $0x10070, s11;
	v2 =	vld [tilespmem:s11+$0x18030]  }
0x2c4: {  	[tilespmem:s15+$0x0] =	vst.add.f32.msk $0xffff, v0  }
0x2c5: {  	v3 =	vld [tilespmem:s11+$0x18040]  }
.Ltmp14:
0x2c6: {  	v0 =	vld [tilespmem:s11+$0x18050];
	(pc) =	sbr.rel @p0 .LBB2_30-.Ltmp14, $4  }
0x2c7: {  	v1 =	vld [tilespmem:s11+$0x18060]  }
0x2c8: {  	[tilespmem:s12+$0x0] =	vst.add.f32.msk $0xffff, v4  }
0x2c9: {  	[tilespmem:s13+$0x0] =	vst.add.f32.msk $0xffff, v5  }
0x2ca: {  	[tilespmem:s14+$0x0] =	vst.add.f32.msk $0xffff, v6  }
0x2cb: {  	[tilespmem:s10+$0x0] =	vst.add.f32.msk $0xffff, v2  }
0x2cc: {  	[tilespmem:s9+$0x0] =	vst.add.f32.msk $0xffff, v3  }
0x2cd: {  	[tilespmem:s7+$0x0] =	vst.add.f32.msk $0xffff, v0  }
0x2ce: {  	[tilespmem:s8+$0x0] =	vst.add.f32.msk $0xffff, v1  }
0x2cf: {  	s5 =	sld [smem:$0x7D1];
	_ =	sdelay $0x1  }
0x2d0: {  	s4 =	simm.s32 $0x0  }
0x2d1: {  	[hbm4b:s5+s4] =	stream.linear.scatter [tilespmem:s21], [sflag:$0x9], $0x4000, $0x38;
	[tilespmem:$0x1C000] =	vst v63  }
0x2d2: {  	_ =	swait.ge [sflag:s31], $0x4000  }
0x2d3: {  	s12 =	sld [smem:$0x7D9]  }
0x2d4: {  	[sflag:s31] =	ssyncset.done $0x0  }
0x2d5: {  	s5 =	simm.s32 $0x0;
	[sflag:s31] =	ssyncadd.s32 $0xFFFFC000  }
0x2d6: {  	[tilespmem:s18], [sflag:$0x3] =	stream.linear.gather [hbm4b:s12+s4], $0x4000, $0x38;
	[tilespmem:$0x1C000] =	vst v63  }
0x2d7: {  	s13 =	sand.u32 $0x1C00, s4;
	s6 =	sand.u32 $0x2000, s5;
	_ =	swait.ge [sflag:s19], $0x4000  }
0x2d8: {  	s14 =	sand.u32 $0x380, s4;
	s6 =	sor.u32 s6, s13;
	[sflag:s19] =	ssyncset.done $0x0  }
0x2d9: {  	s6 =	sor.u32 s14, s6;
	[sflag:s19] =	ssyncadd.s32 $0xFFFFC000  }
0x2da: {  	v0 =	vld [tilespmem:s6+$0x18070]  }
0x2db: {  	v4 =	vld [tilespmem:s6+$0x18000]  }
0x2dc: {  	v5 =	vld [tilespmem:s6+$0x18010]  }
0x2dd: {  	v6 =	vld [tilespmem:s6+$0x18020]  }
0x2de: {  	v2 =	vld [tilespmem:s6+$0x18030]  }
0x2df: {  	v3 =	vld [tilespmem:s6+$0x18040]  }
0x2e0: {  	s7 =	sor.u32 $0x70, s6;
	v1 =	vld [tilespmem:s6+$0x18050]  }
0x2e1: {  	[tilespmem:s7+$0x0] =	vst.add.f32.msk $0xffff, v0  }
0x2e2: {  	v0 =	vld [tilespmem:s6+$0x18060]  }
0x2e3: {  	s15 =	sor.u32 $0x10, s6;
	[tilespmem:s6+$0x0] =	vst.add.f32.msk $0xffff, v4  }
0x2e4: {  	s11 =	sor.u32 $0x20, s6;
	s10 =	sor.u32 $0x30, s6;
	s9 =	sor.u32 $0x40, s6;
	[tilespmem:s15+$0x0] =	vst.add.f32.msk $0xffff, v5  }
0x2e5: {  	s8 =	sor.u32 $0x50, s6;
	s7 =	sor.u32 $0x60, s6;
	[tilespmem:s11+$0x0] =	vst.add.f32.msk $0xffff, v6;
	s6 =	simm.s32 $0x0  }
.LBB2_32:
0x2e6: {  	s5 =	sadd.s32 $0x80, s5;
	[tilespmem:s10+$0x0] =	vst.add.f32.msk $0xffff, v2;
	s4 =	sadd.s32 $0x400, s4  }
0x2e7: {  	s6 =	sadd.s32 $0x10, s6;
	s10 =	sand.u32 $0x2000, s5;
	s11 =	sand.u32 $0x1C00, s4;
	[tilespmem:s9+$0x0] =	vst.add.f32.msk $0xffff, v3  }
0x2e8: {  	p0 =	slt.u32 s5, $0x3F80;
	s9 =	sor.u32 s10, s11;
	s10 =	sand.u32 $0x380, s6;
	[tilespmem:s8+$0x0] =	vst.add.f32.msk $0xffff, v1  }
0x2e9: {  	s11 =	sor.u32 s10, s9;
	[tilespmem:s7+$0x0] =	vst.add.f32.msk $0xffff, v0  }
0x2ea: {  	s12 =	sor.u32 $0x10, s11;
	s13 =	sor.u32 $0x20, s11;
	s10 =	sor.u32 $0x30, s11;
	v0 =	vld [tilespmem:s11+$0x18070]  }
0x2eb: {  	s9 =	sor.u32 $0x40, s11;
	s8 =	sor.u32 $0x50, s11;
	s7 =	sor.u32 $0x60, s11;
	v4 =	vld [tilespmem:s11+$0x18000]  }
0x2ec: {  	v5 =	vld [tilespmem:s11+$0x18010]  }
0x2ed: {  	v6 =	vld [tilespmem:s11+$0x18020]  }
0x2ee: {  	s14 =	sor.u32 $0x70, s11;
	v2 =	vld [tilespmem:s11+$0x18030]  }
0x2ef: {  	[tilespmem:s14+$0x0] =	vst.add.f32.msk $0xffff, v0  }
0x2f0: {  	v3 =	vld [tilespmem:s11+$0x18040]  }
.Ltmp15:
0x2f1: {  	v1 =	vld [tilespmem:s11+$0x18050];
	(pc) =	sbr.rel @p0 .LBB2_32-.Ltmp15, $4  }
0x2f2: {  	v0 =	vld [tilespmem:s11+$0x18060]  }
0x2f3: {  	[tilespmem:s11+$0x0] =	vst.add.f32.msk $0xffff, v4  }
0x2f4: {  	[tilespmem:s12+$0x0] =	vst.add.f32.msk $0xffff, v5  }
0x2f5: {  	[tilespmem:s13+$0x0] =	vst.add.f32.msk $0xffff, v6  }
0x2f6: {  	[tilespmem:s10+$0x0] =	vst.add.f32.msk $0xffff, v2  }
0x2f7: {  	[tilespmem:s9+$0x0] =	vst.add.f32.msk $0xffff, v3  }
0x2f8: {  	[tilespmem:s8+$0x0] =	vst.add.f32.msk $0xffff, v1  }
0x2f9: {  	[tilespmem:s7+$0x0] =	vst.add.f32.msk $0xffff, v0  }
0x2fa: {  	s5 =	sld [smem:$0x7D3];
	_ =	sdelay $0x1  }
0x2fb: {  	s4 =	simm.s32 $0x0  }
0x2fc: {  	[hbm4b:s5+s4] =	stream.linear.scatter [tilespmem:s23], [sflag:$0xA], $0x4000, $0x38;
	[tilespmem:$0x1C000] =	vst v63  }
0x2fd: {  	_ =	swait.ge [sflag:s0], $0x4000  }
0x2fe: {  	s11 =	sld [smem:$0x7DB]  }
0x2ff: {  	[sflag:s0] =	ssyncset.done $0x0  }
0x300: {  	[sflag:s0] =	ssyncadd.s32 $0xFFFFC000  }
0x301: {  	[tilespmem:s21], [sflag:$0x4] =	stream.linear.gather [hbm4b:s11+s4], $0x4000, $0x38;
	[tilespmem:$0x1C000] =	vst v63  }
0x302: {  	_ =	swait.ge [sflag:s22], $0x4000  }
0x303: {  	[sflag:s22] =	ssyncset.done $0x0  }
0x304: {  	s5 =	simm.s32 $0x0;
	[sflag:s22] =	ssyncadd.s32 $0xFFFFC000  }
0x305: {  	s12 =	sand.u32 $0x1C00, s4;
	s6 =	sand.u32 $0x2000, s5;
	_ =	swait.ge [sflag:s20], $0x4000  }
0x306: {  	s13 =	sand.u32 $0x380, s4;
	s6 =	sor.u32 s6, s12;
	[sflag:s20] =	ssyncset.done $0x0  }
0x307: {  	s6 =	sor.u32 s13, s6;
	[sflag:s20] =	ssyncadd.s32 $0xFFFFC000  }
0x308: {  	v0 =	vld [tilespmem:s6+$0x14070]  }
0x309: {  	v4 =	vld [tilespmem:s6+$0x14000]  }
0x30a: {  	v5 =	vld [tilespmem:s6+$0x14010]  }
0x30b: {  	v6 =	vld [tilespmem:s6+$0x14020]  }
0x30c: {  	v2 =	vld [tilespmem:s6+$0x14030]  }
0x30d: {  	v3 =	vld [tilespmem:s6+$0x14040]  }
0x30e: {  	s7 =	sor.u32 $0x4070, s6;
	v1 =	vld [tilespmem:s6+$0x14060]  }
0x30f: {  	[tilespmem:s7+$0x0] =	vst.add.f32.msk $0xffff, v0  }
0x310: {  	s14 =	sor.u32 $0x4000, s6;
	v0 =	vld [tilespmem:s6+$0x14050]  }
0x311: {  	s15 =	sor.u32 $0x4010, s6;
	[tilespmem:s14+$0x0] =	vst.add.f32.msk $0xffff, v4  }
0x312: {  	s10 =	sor.u32 $0x4030, s6;
	s9 =	sor.u32 $0x4040, s6;
	s11 =	sor.u32 $0x4020, s6;
	[tilespmem:s15+$0x0] =	vst.add.f32.msk $0xffff, v5  }
0x313: {  	s8 =	sor.u32 $0x4060, s6;
	s7 =	sor.u32 $0x4050, s6;
	[tilespmem:s11+$0x0] =	vst.add.f32.msk $0xffff, v6;
	s6 =	simm.s32 $0x0  }
.LBB2_34:
0x314: {  	s5 =	sadd.s32 $0x80, s5;
	[tilespmem:s10+$0x0] =	vst.add.f32.msk $0xffff, v2;
	s4 =	sadd.s32 $0x400, s4  }
0x315: {  	s6 =	sadd.s32 $0x10, s6;
	s10 =	sand.u32 $0x2000, s5;
	s11 =	sand.u32 $0x1C00, s4;
	[tilespmem:s9+$0x0] =	vst.add.f32.msk $0xffff, v3  }
0x316: {  	p0 =	slt.u32 s5, $0x3F80;
	s9 =	sor.u32 s10, s11;
	s10 =	sand.u32 $0x380, s6;
	[tilespmem:s7+$0x0] =	vst.add.f32.msk $0xffff, v0  }
0x317: {  	s11 =	sor.u32 s10, s9;
	[tilespmem:s8+$0x0] =	vst.add.f32.msk $0xffff, v1  }
0x318: {  	s12 =	sor.u32 $0x4000, s11;
	s13 =	sor.u32 $0x4010, s11;
	s14 =	sor.u32 $0x4020, s11;
	v0 =	vld [tilespmem:s11+$0x14070]  }
0x319: {  	s10 =	sor.u32 $0x4030, s11;
	s9 =	sor.u32 $0x4040, s11;
	s7 =	sor.u32 $0x4050, s11;
	v4 =	vld [tilespmem:s11+$0x14000]  }
0x31a: {  	s8 =	sor.u32 $0x4060, s11;
	v5 =	vld [tilespmem:s11+$0x14010]  }
0x31b: {  	v6 =	vld [tilespmem:s11+$0x14020]  }
0x31c: {  	s15 =	sor.u32 $0x4070, s11;
	v2 =	vld [tilespmem:s11+$0x14030]  }
0x31d: {  	[tilespmem:s15+$0x0] =	vst.add.f32.msk $0xffff, v0  }
0x31e: {  	v3 =	vld [tilespmem:s11+$0x14040]  }
.Ltmp16:
0x31f: {  	v0 =	vld [tilespmem:s11+$0x14050];
	(pc) =	sbr.rel @p0 .LBB2_34-.Ltmp16, $4  }
0x320: {  	v1 =	vld [tilespmem:s11+$0x14060]  }
0x321: {  	[tilespmem:s12+$0x0] =	vst.add.f32.msk $0xffff, v4  }
0x322: {  	[tilespmem:s13+$0x0] =	vst.add.f32.msk $0xffff, v5  }
0x323: {  	[tilespmem:s14+$0x0] =	vst.add.f32.msk $0xffff, v6  }
0x324: {  	[tilespmem:s10+$0x0] =	vst.add.f32.msk $0xffff, v2  }
0x325: {  	[tilespmem:s9+$0x0] =	vst.add.f32.msk $0xffff, v3  }
0x326: {  	[tilespmem:s7+$0x0] =	vst.add.f32.msk $0xffff, v0  }
0x327: {  	[tilespmem:s8+$0x0] =	vst.add.f32.msk $0xffff, v1  }
0x328: {  	s5 =	sld [smem:$0x7D5];
	_ =	sdelay $0x1  }
0x329: {  	s4 =	simm.s32 $0x0;
	s10 =	sld [smem:$0x7DF]  }
0x32a: {  	[hbm4b:s5+s4] =	stream.linear.scatter [tilespmem:s4], [sflag:$0x6], $0x4000, $0x38;
	[tilespmem:$0x1C000] =	vst v63  }
0x32b: {  	_ = 	snop  }
0x32c: {  	[tilespmem:s16], [sflag:$0xC] =	stream.linear.gather [hbm4b:s10+s4], $0x4000, $0x38;
	[tilespmem:$0x1C000] =	vst v63  }
0x32d: {  	_ =	swait.ge [sflag:s2], $0x4000  }
0x32e: {  	s11 =	sld [smem:$0x7DD]  }
0x32f: {  	[sflag:s2] =	ssyncset.done $0x0  }
0x330: {  	s5 =	simm.s32 $0x0;
	[sflag:s2] =	ssyncadd.s32 $0xFFFFC000  }
0x331: {  	[tilespmem:s23], [sflag:$0x5] =	stream.linear.gather [hbm4b:s11+s4], $0x4000, $0x38;
	[tilespmem:$0x1C000] =	vst v63  }
0x332: {  	s12 =	sand.u32 $0x1C00, s4;
	s6 =	sand.u32 $0x2000, s5;
	_ =	swait.ge [sflag:s24], $0x4000  }
0x333: {  	s13 =	sand.u32 $0x380, s4;
	s6 =	sor.u32 s6, s12;
	[sflag:s24] =	ssyncset.done $0x0  }
0x334: {  	s6 =	sor.u32 s13, s6;
	[sflag:s24] =	ssyncadd.s32 $0xFFFFC000  }
0x335: {  	v0 =	vld [tilespmem:s6+$0x14070]  }
0x336: {  	v4 =	vld [tilespmem:s6+$0x14000]  }
0x337: {  	v5 =	vld [tilespmem:s6+$0x14010]  }
0x338: {  	v6 =	vld [tilespmem:s6+$0x14020]  }
0x339: {  	v2 =	vld [tilespmem:s6+$0x14030]  }
0x33a: {  	v3 =	vld [tilespmem:s6+$0x14040]  }
0x33b: {  	s7 =	sor.u32 $0x8070, s6;
	v1 =	vld [tilespmem:s6+$0x14060]  }
0x33c: {  	[tilespmem:s7+$0x0] =	vst.add.f32.msk $0xffff, v0  }
0x33d: {  	s14 =	sor.u32 $0x8000, s6;
	v0 =	vld [tilespmem:s6+$0x14050]  }
0x33e: {  	s15 =	sor.u32 $0x8010, s6;
	[tilespmem:s14+$0x0] =	vst.add.f32.msk $0xffff, v4  }
0x33f: {  	s10 =	sor.u32 $0x8030, s6;
	s9 =	sor.u32 $0x8040, s6;
	s11 =	sor.u32 $0x8020, s6;
	[tilespmem:s15+$0x0] =	vst.add.f32.msk $0xffff, v5  }
0x340: {  	s8 =	sor.u32 $0x8060, s6;
	s7 =	sor.u32 $0x8050, s6;
	[tilespmem:s11+$0x0] =	vst.add.f32.msk $0xffff, v6;
	s6 =	simm.s32 $0x0  }
.LBB2_36:
0x341: {  	s5 =	sadd.s32 $0x80, s5;
	[tilespmem:s10+$0x0] =	vst.add.f32.msk $0xffff, v2;
	s4 =	sadd.s32 $0x400, s4  }
0x342: {  	s6 =	sadd.s32 $0x10, s6;
	s10 =	sand.u32 $0x2000, s5;
	s11 =	sand.u32 $0x1C00, s4;
	[tilespmem:s9+$0x0] =	vst.add.f32.msk $0xffff, v3  }
0x343: {  	p0 =	slt.u32 s5, $0x3F80;
	s9 =	sor.u32 s10, s11;
	s10 =	sand.u32 $0x380, s6;
	[tilespmem:s7+$0x0] =	vst.add.f32.msk $0xffff, v0  }
0x344: {  	s11 =	sor.u32 s10, s9;
	[tilespmem:s8+$0x0] =	vst.add.f32.msk $0xffff, v1  }
0x345: {  	s12 =	sor.u32 $0x8000, s11;
	s13 =	sor.u32 $0x8010, s11;
	s14 =	sor.u32 $0x8020, s11;
	v0 =	vld [tilespmem:s11+$0x14070]  }
0x346: {  	s10 =	sor.u32 $0x8030, s11;
	s9 =	sor.u32 $0x8040, s11;
	s7 =	sor.u32 $0x8050, s11;
	v4 =	vld [tilespmem:s11+$0x14000]  }
0x347: {  	s8 =	sor.u32 $0x8060, s11;
	v5 =	vld [tilespmem:s11+$0x14010]  }
0x348: {  	v6 =	vld [tilespmem:s11+$0x14020]  }
0x349: {  	s15 =	sor.u32 $0x8070, s11;
	v2 =	vld [tilespmem:s11+$0x14030]  }
0x34a: {  	[tilespmem:s15+$0x0] =	vst.add.f32.msk $0xffff, v0  }
0x34b: {  	v3 =	vld [tilespmem:s11+$0x14040]  }
.Ltmp17:
0x34c: {  	v0 =	vld [tilespmem:s11+$0x14050];
	(pc) =	sbr.rel @p0 .LBB2_36-.Ltmp17, $4  }
0x34d: {  	v1 =	vld [tilespmem:s11+$0x14060]  }
0x34e: {  	[tilespmem:s12+$0x0] =	vst.add.f32.msk $0xffff, v4  }
0x34f: {  	[tilespmem:s13+$0x0] =	vst.add.f32.msk $0xffff, v5  }
0x350: {  	[tilespmem:s14+$0x0] =	vst.add.f32.msk $0xffff, v6  }
0x351: {  	[tilespmem:s10+$0x0] =	vst.add.f32.msk $0xffff, v2  }
0x352: {  	[tilespmem:s9+$0x0] =	vst.add.f32.msk $0xffff, v3  }
0x353: {  	[tilespmem:s7+$0x0] =	vst.add.f32.msk $0xffff, v0  }
0x354: {  	[tilespmem:s8+$0x0] =	vst.add.f32.msk $0xffff, v1  }
0x355: {  	s5 =	sld [smem:$0x7D8];
	_ =	sdelay $0x1  }
0x356: {  	s4 =	simm.s32 $0x0  }
0x357: {  	[hbm4b:s5+s4] =	stream.linear.scatter [tilespmem:s17], [sflag:$0x7], $0x4000, $0x38;
	[tilespmem:$0x1C000] =	vst v63  }
0x358: {  	_ =	swait.ge [sflag:s25], $0x4000  }
0x359: {  	s11 =	sld [smem:$0x7E0]  }
0x35a: {  	[sflag:s25] =	ssyncset.done $0x0  }
0x35b: {  	s5 =	simm.s32 $0x0;
	[sflag:s25] =	ssyncadd.s32 $0xFFFFC000  }
0x35c: {  	[tilespmem:s4], [sflag:$0x1] =	stream.linear.gather [hbm4b:s11+s4], $0x4000, $0x38;
	[tilespmem:$0x1C000] =	vst v63  }
0x35d: {  	s12 =	sand.u32 $0x1C00, s4;
	s6 =	sand.u32 $0x2000, s5;
	_ =	swait.ge [sflag:s26], $0x4000  }
0x35e: {  	s13 =	sand.u32 $0x380, s4;
	s6 =	sor.u32 s6, s12;
	[sflag:s26] =	ssyncset.done $0x0  }
0x35f: {  	s6 =	sor.u32 s13, s6;
	[sflag:s26] =	ssyncadd.s32 $0xFFFFC000  }
0x360: {  	v0 =	vld [tilespmem:s6+$0x14070]  }
0x361: {  	v4 =	vld [tilespmem:s6+$0x14000]  }
0x362: {  	v5 =	vld [tilespmem:s6+$0x14010]  }
0x363: {  	v6 =	vld [tilespmem:s6+$0x14020]  }
0x364: {  	v2 =	vld [tilespmem:s6+$0x14030]  }
0x365: {  	v3 =	vld [tilespmem:s6+$0x14040]  }
0x366: {  	s7 =	sor.u32 $0xC070, s6;
	v1 =	vld [tilespmem:s6+$0x14060]  }
0x367: {  	[tilespmem:s7+$0x0] =	vst.add.f32.msk $0xffff, v0  }
0x368: {  	s14 =	sor.u32 $0xC000, s6;
	v0 =	vld [tilespmem:s6+$0x14050]  }
0x369: {  	s15 =	sor.u32 $0xC010, s6;
	[tilespmem:s14+$0x0] =	vst.add.f32.msk $0xffff, v4  }
0x36a: {  	s10 =	sor.u32 $0xC030, s6;
	s9 =	sor.u32 $0xC040, s6;
	s11 =	sor.u32 $0xC020, s6;
	[tilespmem:s15+$0x0] =	vst.add.f32.msk $0xffff, v5  }
0x36b: {  	s8 =	sor.u32 $0xC060, s6;
	s7 =	sor.u32 $0xC050, s6;
	[tilespmem:s11+$0x0] =	vst.add.f32.msk $0xffff, v6;
	s6 =	simm.s32 $0x0  }
.LBB2_38:
0x36c: {  	s5 =	sadd.s32 $0x80, s5;
	[tilespmem:s10+$0x0] =	vst.add.f32.msk $0xffff, v2;
	s4 =	sadd.s32 $0x400, s4  }
0x36d: {  	s6 =	sadd.s32 $0x10, s6;
	s10 =	sand.u32 $0x2000, s5;
	s11 =	sand.u32 $0x1C00, s4;
	[tilespmem:s9+$0x0] =	vst.add.f32.msk $0xffff, v3  }
0x36e: {  	p0 =	slt.u32 s5, $0x3F80;
	s9 =	sor.u32 s10, s11;
	s10 =	sand.u32 $0x380, s6;
	[tilespmem:s7+$0x0] =	vst.add.f32.msk $0xffff, v0  }
0x36f: {  	s11 =	sor.u32 s10, s9;
	[tilespmem:s8+$0x0] =	vst.add.f32.msk $0xffff, v1  }
0x370: {  	s12 =	sor.u32 $0xC000, s11;
	s13 =	sor.u32 $0xC010, s11;
	s14 =	sor.u32 $0xC020, s11;
	v0 =	vld [tilespmem:s11+$0x14070]  }
0x371: {  	s10 =	sor.u32 $0xC030, s11;
	s9 =	sor.u32 $0xC040, s11;
	s7 =	sor.u32 $0xC050, s11;
	v4 =	vld [tilespmem:s11+$0x14000]  }
0x372: {  	s8 =	sor.u32 $0xC060, s11;
	v5 =	vld [tilespmem:s11+$0x14010]  }
0x373: {  	v6 =	vld [tilespmem:s11+$0x14020]  }
0x374: {  	s15 =	sor.u32 $0xC070, s11;
	v2 =	vld [tilespmem:s11+$0x14030]  }
0x375: {  	[tilespmem:s15+$0x0] =	vst.add.f32.msk $0xffff, v0  }
0x376: {  	v3 =	vld [tilespmem:s11+$0x14040]  }
.Ltmp18:
0x377: {  	v0 =	vld [tilespmem:s11+$0x14050];
	(pc) =	sbr.rel @p0 .LBB2_38-.Ltmp18, $4  }
0x378: {  	v1 =	vld [tilespmem:s11+$0x14060]  }
0x379: {  	[tilespmem:s12+$0x0] =	vst.add.f32.msk $0xffff, v4  }
0x37a: {  	[tilespmem:s13+$0x0] =	vst.add.f32.msk $0xffff, v5  }
0x37b: {  	[tilespmem:s14+$0x0] =	vst.add.f32.msk $0xffff, v6  }
0x37c: {  	[tilespmem:s10+$0x0] =	vst.add.f32.msk $0xffff, v2  }
0x37d: {  	[tilespmem:s9+$0x0] =	vst.add.f32.msk $0xffff, v3  }
0x37e: {  	[tilespmem:s7+$0x0] =	vst.add.f32.msk $0xffff, v0  }
0x37f: {  	[tilespmem:s8+$0x0] =	vst.add.f32.msk $0xffff, v1  }
0x380: {  	s5 =	sld [smem:$0x7DA];
	_ =	sdelay $0x1  }
0x381: {  	s4 =	simm.s32 $0x0  }
0x382: {  	[hbm4b:s5+s4] =	stream.linear.scatter [tilespmem:s18], [sflag:$0x8], $0x4000, $0x38;
	[tilespmem:$0x1C000] =	vst v63  }
0x383: {  	_ =	swait.ge [sflag:s28], $0x4000  }
0x384: {  	s11 =	sld [smem:$0x7E2]  }
0x385: {  	[sflag:s28] =	ssyncset.done $0x0  }
0x386: {  	s5 =	simm.s32 $0x0;
	[sflag:s28] =	ssyncadd.s32 $0xFFFFC000  }
0x387: {  	[tilespmem:s17], [sflag:$0x2] =	stream.linear.gather [hbm4b:s11+s4], $0x4000, $0x38;
	[tilespmem:$0x1C000] =	vst v63  }
0x388: {  	s12 =	sand.u32 $0x1C00, s4;
	s6 =	sand.u32 $0x2000, s5;
	_ =	swait.ge [sflag:s29], $0x4000  }
0x389: {  	s13 =	sand.u32 $0x380, s4;
	s6 =	sor.u32 s6, s12;
	[sflag:s29] =	ssyncset.done $0x0  }
0x38a: {  	s6 =	sor.u32 s13, s6;
	[sflag:s29] =	ssyncadd.s32 $0xFFFFC000  }
0x38b: {  	v0 =	vld [tilespmem:s6+$0x14070]  }
0x38c: {  	v4 =	vld [tilespmem:s6+$0x14000]  }
0x38d: {  	v5 =	vld [tilespmem:s6+$0x14010]  }
0x38e: {  	v6 =	vld [tilespmem:s6+$0x14020]  }
0x38f: {  	v2 =	vld [tilespmem:s6+$0x14030]  }
0x390: {  	v3 =	vld [tilespmem:s6+$0x14040]  }
0x391: {  	s7 =	sor.u32 $0x10070, s6;
	v1 =	vld [tilespmem:s6+$0x14060]  }
0x392: {  	[tilespmem:s7+$0x0] =	vst.add.f32.msk $0xffff, v0  }
0x393: {  	s14 =	sor.u32 $0x10000, s6;
	v0 =	vld [tilespmem:s6+$0x14050]  }
0x394: {  	s15 =	sor.u32 $0x10010, s6;
	[tilespmem:s14+$0x0] =	vst.add.f32.msk $0xffff, v4  }
0x395: {  	s10 =	sor.u32 $0x10030, s6;
	s9 =	sor.u32 $0x10040, s6;
	s11 =	sor.u32 $0x10020, s6;
	[tilespmem:s15+$0x0] =	vst.add.f32.msk $0xffff, v5  }
0x396: {  	s8 =	sor.u32 $0x10060, s6;
	s7 =	sor.u32 $0x10050, s6;
	[tilespmem:s11+$0x0] =	vst.add.f32.msk $0xffff, v6;
	s6 =	simm.s32 $0x0  }
.LBB2_40:
0x397: {  	s5 =	sadd.s32 $0x80, s5;
	[tilespmem:s10+$0x0] =	vst.add.f32.msk $0xffff, v2;
	s4 =	sadd.s32 $0x400, s4  }
0x398: {  	s6 =	sadd.s32 $0x10, s6;
	s10 =	sand.u32 $0x2000, s5;
	s11 =	sand.u32 $0x1C00, s4;
	[tilespmem:s9+$0x0] =	vst.add.f32.msk $0xffff, v3  }
0x399: {  	p0 =	slt.u32 s5, $0x3F80;
	s9 =	sor.u32 s10, s11;
	s10 =	sand.u32 $0x380, s6;
	[tilespmem:s7+$0x0] =	vst.add.f32.msk $0xffff, v0  }
0x39a: {  	s11 =	sor.u32 s10, s9;
	[tilespmem:s8+$0x0] =	vst.add.f32.msk $0xffff, v1  }
0x39b: {  	s12 =	sor.u32 $0x10000, s11;
	s13 =	sor.u32 $0x10010, s11;
	s14 =	sor.u32 $0x10020, s11;
	v0 =	vld [tilespmem:s11+$0x14070]  }
0x39c: {  	s10 =	sor.u32 $0x10030, s11;
	s9 =	sor.u32 $0x10040, s11;
	s7 =	sor.u32 $0x10050, s11;
	v4 =	vld [tilespmem:s11+$0x14000]  }
0x39d: {  	s8 =	sor.u32 $0x10060, s11;
	v5 =	vld [tilespmem:s11+$0x14010]  }
0x39e: {  	v6 =	vld [tilespmem:s11+$0x14020]  }
0x39f: {  	s15 =	sor.u32 $0x10070, s11;
	v2 =	vld [tilespmem:s11+$0x14030]  }
0x3a0: {  	[tilespmem:s15+$0x0] =	vst.add.f32.msk $0xffff, v0  }
0x3a1: {  	v3 =	vld [tilespmem:s11+$0x14040]  }
.Ltmp19:
0x3a2: {  	v0 =	vld [tilespmem:s11+$0x14050];
	(pc) =	sbr.rel @p0 .LBB2_40-.Ltmp19, $4  }
0x3a3: {  	v1 =	vld [tilespmem:s11+$0x14060]  }
0x3a4: {  	[tilespmem:s12+$0x0] =	vst.add.f32.msk $0xffff, v4  }
0x3a5: {  	[tilespmem:s13+$0x0] =	vst.add.f32.msk $0xffff, v5  }
0x3a6: {  	[tilespmem:s14+$0x0] =	vst.add.f32.msk $0xffff, v6  }
0x3a7: {  	[tilespmem:s10+$0x0] =	vst.add.f32.msk $0xffff, v2  }
0x3a8: {  	[tilespmem:s9+$0x0] =	vst.add.f32.msk $0xffff, v3  }
0x3a9: {  	[tilespmem:s7+$0x0] =	vst.add.f32.msk $0xffff, v0  }
0x3aa: {  	[tilespmem:s8+$0x0] =	vst.add.f32.msk $0xffff, v1  }
0x3ab: {  	s5 =	sld [smem:$0x7DC];
	_ =	sdelay $0x1  }
0x3ac: {  	s4 =	simm.s32 $0x0  }
0x3ad: {  	[hbm4b:s5+s4] =	stream.linear.scatter [tilespmem:s21], [sflag:$0x9], $0x4000, $0x38;
	[tilespmem:$0x1C000] =	vst v63  }
0x3ae: {  	_ =	swait.ge [sflag:s31], $0x4000  }
0x3af: {  	s12 =	sld [smem:$0x7E4]  }
0x3b0: {  	[sflag:s31] =	ssyncset.done $0x0  }
0x3b1: {  	[sflag:s31] =	ssyncadd.s32 $0xFFFFC000  }
0x3b2: {  	[tilespmem:s18], [sflag:$0x3] =	stream.linear.gather [hbm4b:s12+s4], $0x4000, $0x38;
	[tilespmem:$0x1C000] =	vst v63  }
0x3b3: {  	_ =	swait.ge [sflag:s19], $0x4000  }
0x3b4: {  	[sflag:s19] =	ssyncset.done $0x0  }
0x3b5: {  	s5 =	simm.s32 $0x0;
	[sflag:s19] =	ssyncadd.s32 $0xFFFFC000  }
0x3b6: {  	s13 =	sand.u32 $0x1C00, s4;
	s6 =	sand.u32 $0x2000, s5;
	_ =	swait.ge [sflag:s30], $0x4000  }
0x3b7: {  	s14 =	sand.u32 $0x380, s4;
	s6 =	sor.u32 s6, s13;
	[sflag:s30] =	ssyncset.done $0x0  }
0x3b8: {  	s6 =	sor.u32 s14, s6;
	[sflag:s30] =	ssyncadd.s32 $0xFFFFC000  }
0x3b9: {  	v0 =	vld [tilespmem:s6+$0x18070]  }
0x3ba: {  	v4 =	vld [tilespmem:s6+$0x18000]  }
0x3bb: {  	v5 =	vld [tilespmem:s6+$0x18010]  }
0x3bc: {  	v6 =	vld [tilespmem:s6+$0x18020]  }
0x3bd: {  	v2 =	vld [tilespmem:s6+$0x18030]  }
0x3be: {  	v3 =	vld [tilespmem:s6+$0x18040]  }
0x3bf: {  	s7 =	sor.u32 $0x70, s6;
	v1 =	vld [tilespmem:s6+$0x18050]  }
0x3c0: {  	[tilespmem:s7+$0x0] =	vst.add.f32.msk $0xffff, v0  }
0x3c1: {  	v0 =	vld [tilespmem:s6+$0x18060]  }
0x3c2: {  	s15 =	sor.u32 $0x10, s6;
	[tilespmem:s6+$0x0] =	vst.add.f32.msk $0xffff, v4  }
0x3c3: {  	s11 =	sor.u32 $0x20, s6;
	s10 =	sor.u32 $0x30, s6;
	s9 =	sor.u32 $0x40, s6;
	[tilespmem:s15+$0x0] =	vst.add.f32.msk $0xffff, v5  }
0x3c4: {  	s8 =	sor.u32 $0x50, s6;
	s7 =	sor.u32 $0x60, s6;
	[tilespmem:s11+$0x0] =	vst.add.f32.msk $0xffff, v6;
	s6 =	simm.s32 $0x0  }
.LBB2_42:
0x3c5: {  	s5 =	sadd.s32 $0x80, s5;
	[tilespmem:s10+$0x0] =	vst.add.f32.msk $0xffff, v2;
	s4 =	sadd.s32 $0x400, s4  }
0x3c6: {  	s6 =	sadd.s32 $0x10, s6;
	s10 =	sand.u32 $0x2000, s5;
	s11 =	sand.u32 $0x1C00, s4;
	[tilespmem:s9+$0x0] =	vst.add.f32.msk $0xffff, v3  }
0x3c7: {  	p0 =	slt.u32 s5, $0x3F80;
	s9 =	sor.u32 s10, s11;
	s10 =	sand.u32 $0x380, s6;
	[tilespmem:s8+$0x0] =	vst.add.f32.msk $0xffff, v1  }
0x3c8: {  	s11 =	sor.u32 s10, s9;
	[tilespmem:s7+$0x0] =	vst.add.f32.msk $0xffff, v0  }
0x3c9: {  	s12 =	sor.u32 $0x10, s11;
	s13 =	sor.u32 $0x20, s11;
	s10 =	sor.u32 $0x30, s11;
	v0 =	vld [tilespmem:s11+$0x18070]  }
0x3ca: {  	s9 =	sor.u32 $0x40, s11;
	s8 =	sor.u32 $0x50, s11;
	s7 =	sor.u32 $0x60, s11;
	v4 =	vld [tilespmem:s11+$0x18000]  }
0x3cb: {  	v5 =	vld [tilespmem:s11+$0x18010]  }
0x3cc: {  	v6 =	vld [tilespmem:s11+$0x18020]  }
0x3cd: {  	s14 =	sor.u32 $0x70, s11;
	v2 =	vld [tilespmem:s11+$0x18030]  }
0x3ce: {  	[tilespmem:s14+$0x0] =	vst.add.f32.msk $0xffff, v0  }
0x3cf: {  	v3 =	vld [tilespmem:s11+$0x18040]  }
.Ltmp20:
0x3d0: {  	v1 =	vld [tilespmem:s11+$0x18050];
	(pc) =	sbr.rel @p0 .LBB2_42-.Ltmp20, $4  }
0x3d1: {  	v0 =	vld [tilespmem:s11+$0x18060]  }
0x3d2: {  	[tilespmem:s11+$0x0] =	vst.add.f32.msk $0xffff, v4  }
0x3d3: {  	[tilespmem:s12+$0x0] =	vst.add.f32.msk $0xffff, v5  }
0x3d4: {  	[tilespmem:s13+$0x0] =	vst.add.f32.msk $0xffff, v6  }
0x3d5: {  	[tilespmem:s10+$0x0] =	vst.add.f32.msk $0xffff, v2  }
0x3d6: {  	[tilespmem:s9+$0x0] =	vst.add.f32.msk $0xffff, v3  }
0x3d7: {  	[tilespmem:s8+$0x0] =	vst.add.f32.msk $0xffff, v1  }
0x3d8: {  	[tilespmem:s7+$0x0] =	vst.add.f32.msk $0xffff, v0  }
0x3d9: {  	s5 =	sld [smem:$0x7DE];
	_ =	sdelay $0x1  }
0x3da: {  	s4 =	simm.s32 $0x0;
	s9 =	sld [smem:$0x7E9]  }
0x3db: {  	[hbm4b:s5+s4] =	stream.linear.scatter [tilespmem:s23], [sflag:$0xA], $0x4000, $0x38;
	[tilespmem:$0x1C000] =	vst v63  }
0x3dc: {  	s6 =	simm.s32 $0x14000  }
0x3dd: {  	[tilespmem:s6], [sflag:$0xB] =	stream.linear.gather [hbm4b:s9+s4], $0x4000, $0x38;
	[tilespmem:$0x1C000] =	vst v63  }
0x3de: {  	_ =	swait.ge [sflag:s0], $0x4000  }
0x3df: {  	s10 =	sld [smem:$0x7E6]  }
0x3e0: {  	[sflag:s0] =	ssyncset.done $0x0  }
0x3e1: {  	s5 =	simm.s32 $0x0;
	[sflag:s0] =	ssyncadd.s32 $0xFFFFC000  }
0x3e2: {  	[tilespmem:s21], [sflag:$0x4] =	stream.linear.gather [hbm4b:s10+s4], $0x4000, $0x38;
	[tilespmem:$0x1C000] =	vst v63  }
0x3e3: {  	s12 =	sand.u32 $0x1C00, s4;
	s11 =	sand.u32 $0x2000, s5;
	_ =	swait.ge [sflag:s22], $0x4000  }
0x3e4: {  	s13 =	sand.u32 $0x380, s4;
	s6 =	sor.u32 s11, s12;
	[sflag:s22] =	ssyncset.done $0x0  }
0x3e5: {  	s6 =	sor.u32 s13, s6;
	[sflag:s22] =	ssyncadd.s32 $0xFFFFC000  }
0x3e6: {  	v0 =	vld [tilespmem:s6+$0x18070]  }
0x3e7: {  	v4 =	vld [tilespmem:s6+$0x18000]  }
0x3e8: {  	v5 =	vld [tilespmem:s6+$0x18010]  }
0x3e9: {  	v6 =	vld [tilespmem:s6+$0x18020]  }
0x3ea: {  	v2 =	vld [tilespmem:s6+$0x18030]  }
0x3eb: {  	v3 =	vld [tilespmem:s6+$0x18040]  }
0x3ec: {  	s7 =	sor.u32 $0x4070, s6;
	v1 =	vld [tilespmem:s6+$0x18060]  }
0x3ed: {  	[tilespmem:s7+$0x0] =	vst.add.f32.msk $0xffff, v0  }
0x3ee: {  	s14 =	sor.u32 $0x4000, s6;
	v0 =	vld [tilespmem:s6+$0x18050]  }
0x3ef: {  	s15 =	sor.u32 $0x4010, s6;
	[tilespmem:s14+$0x0] =	vst.add.f32.msk $0xffff, v4  }
0x3f0: {  	s11 =	sor.u32 $0x4020, s6;
	s9 =	sor.u32 $0x4040, s6;
	s8 =	sor.u32 $0x4060, s6;
	[tilespmem:s15+$0x0] =	vst.add.f32.msk $0xffff, v5  }
0x3f1: {  	s10 =	sor.u32 $0x4030, s6;
	s7 =	sor.u32 $0x4050, s6;
	[tilespmem:s11+$0x0] =	vst.add.f32.msk $0xffff, v6;
	s6 =	simm.s32 $0x0  }
.LBB2_44:
0x3f2: {  	s5 =	sadd.s32 $0x80, s5;
	[tilespmem:s10+$0x0] =	vst.add.f32.msk $0xffff, v2;
	s4 =	sadd.s32 $0x400, s4  }
0x3f3: {  	s6 =	sadd.s32 $0x10, s6;
	s10 =	sand.u32 $0x2000, s5;
	s11 =	sand.u32 $0x1C00, s4;
	[tilespmem:s9+$0x0] =	vst.add.f32.msk $0xffff, v3  }
0x3f4: {  	p0 =	slt.u32 s5, $0x3F80;
	s9 =	sor.u32 s10, s11;
	s10 =	sand.u32 $0x380, s6;
	[tilespmem:s7+$0x0] =	vst.add.f32.msk $0xffff, v0  }
0x3f5: {  	s11 =	sor.u32 s10, s9;
	[tilespmem:s8+$0x0] =	vst.add.f32.msk $0xffff, v1  }
0x3f6: {  	s12 =	sor.u32 $0x4000, s11;
	s13 =	sor.u32 $0x4010, s11;
	s14 =	sor.u32 $0x4020, s11;
	v0 =	vld [tilespmem:s11+$0x18070]  }
0x3f7: {  	s10 =	sor.u32 $0x4030, s11;
	s9 =	sor.u32 $0x4040, s11;
	s7 =	sor.u32 $0x4050, s11;
	v4 =	vld [tilespmem:s11+$0x18000]  }
0x3f8: {  	s8 =	sor.u32 $0x4060, s11;
	v5 =	vld [tilespmem:s11+$0x18010]  }
0x3f9: {  	v6 =	vld [tilespmem:s11+$0x18020]  }
0x3fa: {  	s15 =	sor.u32 $0x4070, s11;
	v2 =	vld [tilespmem:s11+$0x18030]  }
0x3fb: {  	[tilespmem:s15+$0x0] =	vst.add.f32.msk $0xffff, v0  }
0x3fc: {  	v3 =	vld [tilespmem:s11+$0x18040]  }
.Ltmp21:
0x3fd: {  	v0 =	vld [tilespmem:s11+$0x18050];
	(pc) =	sbr.rel @p0 .LBB2_44-.Ltmp21, $4  }
0x3fe: {  	v1 =	vld [tilespmem:s11+$0x18060]  }
0x3ff: {  	[tilespmem:s12+$0x0] =	vst.add.f32.msk $0xffff, v4  }
0x400: {  	[tilespmem:s13+$0x0] =	vst.add.f32.msk $0xffff, v5  }
0x401: {  	[tilespmem:s14+$0x0] =	vst.add.f32.msk $0xffff, v6  }
0x402: {  	[tilespmem:s10+$0x0] =	vst.add.f32.msk $0xffff, v2  }
0x403: {  	[tilespmem:s9+$0x0] =	vst.add.f32.msk $0xffff, v3  }
0x404: {  	[tilespmem:s7+$0x0] =	vst.add.f32.msk $0xffff, v0  }
0x405: {  	[tilespmem:s8+$0x0] =	vst.add.f32.msk $0xffff, v1  }
0x406: {  	s5 =	sld [smem:$0x7E1];
	_ =	sdelay $0x1  }
0x407: {  	s4 =	simm.s32 $0x0  }
0x408: {  	[hbm4b:s5+s4] =	stream.linear.scatter [tilespmem:s4], [sflag:$0x6], $0x4000, $0x38;
	[tilespmem:$0x1C000] =	vst v63  }
0x409: {  	_ =	swait.ge [sflag:s2], $0x4000  }
0x40a: {  	s11 =	sld [smem:$0x7EB]  }
0x40b: {  	[sflag:s2] =	ssyncset.done $0x0  }
0x40c: {  	s5 =	simm.s32 $0x0;
	[sflag:s2] =	ssyncadd.s32 $0xFFFFC000  }
0x40d: {  	[tilespmem:s23], [sflag:$0x5] =	stream.linear.gather [hbm4b:s11+s4], $0x4000, $0x38;
	[tilespmem:$0x1C000] =	vst v63  }
0x40e: {  	s12 =	sand.u32 $0x1C00, s4;
	s6 =	sand.u32 $0x2000, s5;
	_ =	swait.ge [sflag:s24], $0x4000  }
0x40f: {  	s13 =	sand.u32 $0x380, s4;
	s6 =	sor.u32 s6, s12;
	[sflag:s24] =	ssyncset.done $0x0  }
0x410: {  	s6 =	sor.u32 s13, s6;
	[sflag:s24] =	ssyncadd.s32 $0xFFFFC000  }
0x411: {  	v0 =	vld [tilespmem:s6+$0x18070]  }
0x412: {  	v4 =	vld [tilespmem:s6+$0x18000]  }
0x413: {  	v5 =	vld [tilespmem:s6+$0x18010]  }
0x414: {  	v6 =	vld [tilespmem:s6+$0x18020]  }
0x415: {  	v2 =	vld [tilespmem:s6+$0x18030]  }
0x416: {  	v3 =	vld [tilespmem:s6+$0x18040]  }
0x417: {  	s7 =	sor.u32 $0x8070, s6;
	v1 =	vld [tilespmem:s6+$0x18060]  }
0x418: {  	[tilespmem:s7+$0x0] =	vst.add.f32.msk $0xffff, v0  }
0x419: {  	s14 =	sor.u32 $0x8000, s6;
	v0 =	vld [tilespmem:s6+$0x18050]  }
0x41a: {  	s15 =	sor.u32 $0x8010, s6;
	[tilespmem:s14+$0x0] =	vst.add.f32.msk $0xffff, v4  }
0x41b: {  	s10 =	sor.u32 $0x8030, s6;
	s9 =	sor.u32 $0x8040, s6;
	s11 =	sor.u32 $0x8020, s6;
	[tilespmem:s15+$0x0] =	vst.add.f32.msk $0xffff, v5  }
0x41c: {  	s8 =	sor.u32 $0x8060, s6;
	s7 =	sor.u32 $0x8050, s6;
	[tilespmem:s11+$0x0] =	vst.add.f32.msk $0xffff, v6;
	s6 =	simm.s32 $0x0  }
.LBB2_46:
0x41d: {  	s5 =	sadd.s32 $0x80, s5;
	[tilespmem:s10+$0x0] =	vst.add.f32.msk $0xffff, v2;
	s4 =	sadd.s32 $0x400, s4  }
0x41e: {  	s6 =	sadd.s32 $0x10, s6;
	s10 =	sand.u32 $0x2000, s5;
	s11 =	sand.u32 $0x1C00, s4;
	[tilespmem:s9+$0x0] =	vst.add.f32.msk $0xffff, v3  }
0x41f: {  	p0 =	slt.u32 s5, $0x3F80;
	s9 =	sor.u32 s10, s11;
	s10 =	sand.u32 $0x380, s6;
	[tilespmem:s7+$0x0] =	vst.add.f32.msk $0xffff, v0  }
0x420: {  	s11 =	sor.u32 s10, s9;
	[tilespmem:s8+$0x0] =	vst.add.f32.msk $0xffff, v1  }
0x421: {  	s12 =	sor.u32 $0x8000, s11;
	s13 =	sor.u32 $0x8010, s11;
	s14 =	sor.u32 $0x8020, s11;
	v0 =	vld [tilespmem:s11+$0x18070]  }
0x422: {  	s10 =	sor.u32 $0x8030, s11;
	s9 =	sor.u32 $0x8040, s11;
	s7 =	sor.u32 $0x8050, s11;
	v4 =	vld [tilespmem:s11+$0x18000]  }
0x423: {  	s8 =	sor.u32 $0x8060, s11;
	v5 =	vld [tilespmem:s11+$0x18010]  }
0x424: {  	v6 =	vld [tilespmem:s11+$0x18020]  }
0x425: {  	s15 =	sor.u32 $0x8070, s11;
	v2 =	vld [tilespmem:s11+$0x18030]  }
0x426: {  	[tilespmem:s15+$0x0] =	vst.add.f32.msk $0xffff, v0  }
0x427: {  	v3 =	vld [tilespmem:s11+$0x18040]  }
.Ltmp22:
0x428: {  	v0 =	vld [tilespmem:s11+$0x18050];
	(pc) =	sbr.rel @p0 .LBB2_46-.Ltmp22, $4  }
0x429: {  	v1 =	vld [tilespmem:s11+$0x18060]  }
0x42a: {  	[tilespmem:s12+$0x0] =	vst.add.f32.msk $0xffff, v4  }
0x42b: {  	[tilespmem:s13+$0x0] =	vst.add.f32.msk $0xffff, v5  }
0x42c: {  	[tilespmem:s14+$0x0] =	vst.add.f32.msk $0xffff, v6  }
0x42d: {  	[tilespmem:s10+$0x0] =	vst.add.f32.msk $0xffff, v2  }
0x42e: {  	[tilespmem:s9+$0x0] =	vst.add.f32.msk $0xffff, v3  }
0x42f: {  	[tilespmem:s7+$0x0] =	vst.add.f32.msk $0xffff, v0  }
0x430: {  	[tilespmem:s8+$0x0] =	vst.add.f32.msk $0xffff, v1  }
0x431: {  	s5 =	sld [smem:$0x7E3];
	_ =	sdelay $0x1  }
0x432: {  	s4 =	simm.s32 $0x0  }
0x433: {  	[hbm4b:s5+s4] =	stream.linear.scatter [tilespmem:s17], [sflag:$0x7], $0x4000, $0x38;
	[tilespmem:$0x1C000] =	vst v63  }
0x434: {  	_ =	swait.ge [sflag:s25], $0x4000  }
0x435: {  	s11 =	sld [smem:$0x7ED]  }
0x436: {  	[sflag:s25] =	ssyncset.done $0x0  }
0x437: {  	s5 =	simm.s32 $0x0;
	[sflag:s25] =	ssyncadd.s32 $0xFFFFC000  }
0x438: {  	[tilespmem:s4], [sflag:$0x1] =	stream.linear.gather [hbm4b:s11+s4], $0x4000, $0x38;
	[tilespmem:$0x1C000] =	vst v63  }
0x439: {  	s12 =	sand.u32 $0x1C00, s4;
	s6 =	sand.u32 $0x2000, s5;
	_ =	swait.ge [sflag:s26], $0x4000  }
0x43a: {  	s13 =	sand.u32 $0x380, s4;
	s6 =	sor.u32 s6, s12;
	[sflag:s26] =	ssyncset.done $0x0  }
0x43b: {  	s6 =	sor.u32 s13, s6;
	[sflag:s26] =	ssyncadd.s32 $0xFFFFC000  }
0x43c: {  	v0 =	vld [tilespmem:s6+$0x18070]  }
0x43d: {  	v4 =	vld [tilespmem:s6+$0x18000]  }
0x43e: {  	v5 =	vld [tilespmem:s6+$0x18010]  }
0x43f: {  	v6 =	vld [tilespmem:s6+$0x18020]  }
0x440: {  	v2 =	vld [tilespmem:s6+$0x18030]  }
0x441: {  	v3 =	vld [tilespmem:s6+$0x18040]  }
0x442: {  	s7 =	sor.u32 $0xC070, s6;
	v1 =	vld [tilespmem:s6+$0x18060]  }
0x443: {  	[tilespmem:s7+$0x0] =	vst.add.f32.msk $0xffff, v0  }
0x444: {  	s14 =	sor.u32 $0xC000, s6;
	v0 =	vld [tilespmem:s6+$0x18050]  }
0x445: {  	s15 =	sor.u32 $0xC010, s6;
	[tilespmem:s14+$0x0] =	vst.add.f32.msk $0xffff, v4  }
0x446: {  	s10 =	sor.u32 $0xC030, s6;
	s9 =	sor.u32 $0xC040, s6;
	s11 =	sor.u32 $0xC020, s6;
	[tilespmem:s15+$0x0] =	vst.add.f32.msk $0xffff, v5  }
0x447: {  	s8 =	sor.u32 $0xC060, s6;
	s7 =	sor.u32 $0xC050, s6;
	[tilespmem:s11+$0x0] =	vst.add.f32.msk $0xffff, v6;
	s6 =	simm.s32 $0x0  }
.LBB2_48:
0x448: {  	s5 =	sadd.s32 $0x80, s5;
	[tilespmem:s10+$0x0] =	vst.add.f32.msk $0xffff, v2;
	s4 =	sadd.s32 $0x400, s4  }
0x449: {  	s6 =	sadd.s32 $0x10, s6;
	s10 =	sand.u32 $0x2000, s5;
	s11 =	sand.u32 $0x1C00, s4;
	[tilespmem:s9+$0x0] =	vst.add.f32.msk $0xffff, v3  }
0x44a: {  	p0 =	slt.u32 s5, $0x3F80;
	s9 =	sor.u32 s10, s11;
	s10 =	sand.u32 $0x380, s6;
	[tilespmem:s7+$0x0] =	vst.add.f32.msk $0xffff, v0  }
0x44b: {  	s11 =	sor.u32 s10, s9;
	[tilespmem:s8+$0x0] =	vst.add.f32.msk $0xffff, v1  }
0x44c: {  	s12 =	sor.u32 $0xC000, s11;
	s13 =	sor.u32 $0xC010, s11;
	s14 =	sor.u32 $0xC020, s11;
	v0 =	vld [tilespmem:s11+$0x18070]  }
0x44d: {  	s10 =	sor.u32 $0xC030, s11;
	s9 =	sor.u32 $0xC040, s11;
	s7 =	sor.u32 $0xC050, s11;
	v4 =	vld [tilespmem:s11+$0x18000]  }
0x44e: {  	s8 =	sor.u32 $0xC060, s11;
	v5 =	vld [tilespmem:s11+$0x18010]  }
0x44f: {  	v6 =	vld [tilespmem:s11+$0x18020]  }
0x450: {  	s15 =	sor.u32 $0xC070, s11;
	v2 =	vld [tilespmem:s11+$0x18030]  }
0x451: {  	[tilespmem:s15+$0x0] =	vst.add.f32.msk $0xffff, v0  }
0x452: {  	v3 =	vld [tilespmem:s11+$0x18040]  }
.Ltmp23:
0x453: {  	v0 =	vld [tilespmem:s11+$0x18050];
	(pc) =	sbr.rel @p0 .LBB2_48-.Ltmp23, $4  }
0x454: {  	v1 =	vld [tilespmem:s11+$0x18060]  }
0x455: {  	[tilespmem:s12+$0x0] =	vst.add.f32.msk $0xffff, v4  }
0x456: {  	[tilespmem:s13+$0x0] =	vst.add.f32.msk $0xffff, v5  }
0x457: {  	[tilespmem:s14+$0x0] =	vst.add.f32.msk $0xffff, v6  }
0x458: {  	[tilespmem:s10+$0x0] =	vst.add.f32.msk $0xffff, v2  }
0x459: {  	[tilespmem:s9+$0x0] =	vst.add.f32.msk $0xffff, v3  }
0x45a: {  	[tilespmem:s7+$0x0] =	vst.add.f32.msk $0xffff, v0  }
0x45b: {  	[tilespmem:s8+$0x0] =	vst.add.f32.msk $0xffff, v1  }
0x45c: {  	s5 =	sld [smem:$0x7E5];
	_ =	sdelay $0x1  }
0x45d: {  	s4 =	simm.s32 $0x0  }
0x45e: {  	[hbm4b:s5+s4] =	stream.linear.scatter [tilespmem:s18], [sflag:$0x8], $0x4000, $0x38;
	[tilespmem:$0x1C000] =	vst v63  }
0x45f: {  	_ =	swait.ge [sflag:s28], $0x4000  }
0x460: {  	s11 =	sld [smem:$0x7EF]  }
0x461: {  	[sflag:s28] =	ssyncset.done $0x0  }
0x462: {  	[sflag:s28] =	ssyncadd.s32 $0xFFFFC000  }
0x463: {  	[tilespmem:s17], [sflag:$0x2] =	stream.linear.gather [hbm4b:s11+s4], $0x4000, $0x38;
	[tilespmem:$0x1C000] =	vst v63  }
0x464: {  	_ =	swait.ge [sflag:s29], $0x4000  }
0x465: {  	[sflag:s29] =	ssyncset.done $0x0  }
0x466: {  	s5 =	simm.s32 $0x0;
	[sflag:s29] =	ssyncadd.s32 $0xFFFFC000  }
0x467: {  	s12 =	sand.u32 $0x1C00, s4;
	s6 =	sand.u32 $0x2000, s5;
	_ =	swait.ge [sflag:s20], $0x4000  }
0x468: {  	s13 =	sand.u32 $0x380, s4;
	s6 =	sor.u32 s6, s12;
	[sflag:s20] =	ssyncset.done $0x0  }
0x469: {  	s6 =	sor.u32 s13, s6;
	[sflag:s20] =	ssyncadd.s32 $0xFFFFC000  }
0x46a: {  	v0 =	vld [tilespmem:s6+$0x14070]  }
0x46b: {  	v4 =	vld [tilespmem:s6+$0x14000]  }
0x46c: {  	v5 =	vld [tilespmem:s6+$0x14010]  }
0x46d: {  	v6 =	vld [tilespmem:s6+$0x14020]  }
0x46e: {  	v2 =	vld [tilespmem:s6+$0x14030]  }
0x46f: {  	v3 =	vld [tilespmem:s6+$0x14040]  }
0x470: {  	s7 =	sor.u32 $0x10070, s6;
	v1 =	vld [tilespmem:s6+$0x14060]  }
0x471: {  	[tilespmem:s7+$0x0] =	vst.add.f32.msk $0xffff, v0  }
0x472: {  	s14 =	sor.u32 $0x10000, s6;
	v0 =	vld [tilespmem:s6+$0x14050]  }
0x473: {  	s15 =	sor.u32 $0x10010, s6;
	[tilespmem:s14+$0x0] =	vst.add.f32.msk $0xffff, v4  }
0x474: {  	s10 =	sor.u32 $0x10030, s6;
	s9 =	sor.u32 $0x10040, s6;
	s11 =	sor.u32 $0x10020, s6;
	[tilespmem:s15+$0x0] =	vst.add.f32.msk $0xffff, v5  }
0x475: {  	s8 =	sor.u32 $0x10060, s6;
	s7 =	sor.u32 $0x10050, s6;
	[tilespmem:s11+$0x0] =	vst.add.f32.msk $0xffff, v6;
	s6 =	simm.s32 $0x0  }
.LBB2_50:
0x476: {  	s5 =	sadd.s32 $0x80, s5;
	[tilespmem:s10+$0x0] =	vst.add.f32.msk $0xffff, v2;
	s4 =	sadd.s32 $0x400, s4  }
0x477: {  	s6 =	sadd.s32 $0x10, s6;
	s10 =	sand.u32 $0x2000, s5;
	s11 =	sand.u32 $0x1C00, s4;
	[tilespmem:s9+$0x0] =	vst.add.f32.msk $0xffff, v3  }
0x478: {  	p0 =	slt.u32 s5, $0x3F80;
	s9 =	sor.u32 s10, s11;
	s10 =	sand.u32 $0x380, s6;
	[tilespmem:s7+$0x0] =	vst.add.f32.msk $0xffff, v0  }
0x479: {  	s11 =	sor.u32 s10, s9;
	[tilespmem:s8+$0x0] =	vst.add.f32.msk $0xffff, v1  }
0x47a: {  	s12 =	sor.u32 $0x10000, s11;
	s13 =	sor.u32 $0x10010, s11;
	s14 =	sor.u32 $0x10020, s11;
	v0 =	vld [tilespmem:s11+$0x14070]  }
0x47b: {  	s10 =	sor.u32 $0x10030, s11;
	s9 =	sor.u32 $0x10040, s11;
	s7 =	sor.u32 $0x10050, s11;
	v4 =	vld [tilespmem:s11+$0x14000]  }
0x47c: {  	s8 =	sor.u32 $0x10060, s11;
	v5 =	vld [tilespmem:s11+$0x14010]  }
0x47d: {  	v6 =	vld [tilespmem:s11+$0x14020]  }
0x47e: {  	s15 =	sor.u32 $0x10070, s11;
	v2 =	vld [tilespmem:s11+$0x14030]  }
0x47f: {  	[tilespmem:s15+$0x0] =	vst.add.f32.msk $0xffff, v0  }
0x480: {  	v3 =	vld [tilespmem:s11+$0x14040]  }
.Ltmp24:
0x481: {  	v0 =	vld [tilespmem:s11+$0x14050];
	(pc) =	sbr.rel @p0 .LBB2_50-.Ltmp24, $4  }
0x482: {  	v1 =	vld [tilespmem:s11+$0x14060]  }
0x483: {  	[tilespmem:s12+$0x0] =	vst.add.f32.msk $0xffff, v4  }
0x484: {  	[tilespmem:s13+$0x0] =	vst.add.f32.msk $0xffff, v5  }
0x485: {  	[tilespmem:s14+$0x0] =	vst.add.f32.msk $0xffff, v6  }
0x486: {  	[tilespmem:s10+$0x0] =	vst.add.f32.msk $0xffff, v2  }
0x487: {  	[tilespmem:s9+$0x0] =	vst.add.f32.msk $0xffff, v3  }
0x488: {  	[tilespmem:s7+$0x0] =	vst.add.f32.msk $0xffff, v0  }
0x489: {  	[tilespmem:s8+$0x0] =	vst.add.f32.msk $0xffff, v1  }
0x48a: {  	s5 =	sld [smem:$0x7E7];
	_ =	sdelay $0x1  }
0x48b: {  	s4 =	simm.s32 $0x0;
	s11 =	sld [smem:$0x7EA]  }
0x48c: {  	[hbm4b:s5+s4] =	stream.linear.scatter [tilespmem:s21], [sflag:$0x9], $0x4000, $0x38;
	[tilespmem:$0x1C000] =	vst v63  }
0x48d: {  	_ = 	snop  }
0x48e: {  	[tilespmem:s16], [sflag:$0xC] =	stream.linear.gather [hbm4b:s11+s4], $0x4000, $0x38;
	[tilespmem:$0x1C000] =	vst v63  }
0x48f: {  	_ =	swait.ge [sflag:s31], $0x4000  }
0x490: {  	s12 =	sld [smem:$0x7F1]  }
0x491: {  	[sflag:s31] =	ssyncset.done $0x0  }
0x492: {  	s5 =	simm.s32 $0x0;
	[sflag:s31] =	ssyncadd.s32 $0xFFFFC000  }
0x493: {  	[tilespmem:s18], [sflag:$0x3] =	stream.linear.gather [hbm4b:s12+s4], $0x4000, $0x38;
	[tilespmem:$0x1C000] =	vst v63  }
0x494: {  	s13 =	sand.u32 $0x1C00, s4;
	s6 =	sand.u32 $0x2000, s5;
	_ =	swait.ge [sflag:s19], $0x4000  }
0x495: {  	s14 =	sand.u32 $0x380, s4;
	s6 =	sor.u32 s6, s13;
	[sflag:s19] =	ssyncset.done $0x0  }
0x496: {  	s6 =	sor.u32 s14, s6;
	[sflag:s19] =	ssyncadd.s32 $0xFFFFC000  }
0x497: {  	v0 =	vld [tilespmem:s6+$0x14070]  }
0x498: {  	v4 =	vld [tilespmem:s6+$0x14000]  }
0x499: {  	v5 =	vld [tilespmem:s6+$0x14010]  }
0x49a: {  	v6 =	vld [tilespmem:s6+$0x14020]  }
0x49b: {  	v2 =	vld [tilespmem:s6+$0x14030]  }
0x49c: {  	v3 =	vld [tilespmem:s6+$0x14040]  }
0x49d: {  	s7 =	sor.u32 $0x70, s6;
	v1 =	vld [tilespmem:s6+$0x14050]  }
0x49e: {  	[tilespmem:s7+$0x0] =	vst.add.f32.msk $0xffff, v0  }
0x49f: {  	v0 =	vld [tilespmem:s6+$0x14060]  }
0x4a0: {  	s15 =	sor.u32 $0x10, s6;
	[tilespmem:s6+$0x0] =	vst.add.f32.msk $0xffff, v4  }
0x4a1: {  	s11 =	sor.u32 $0x20, s6;
	s10 =	sor.u32 $0x30, s6;
	s9 =	sor.u32 $0x40, s6;
	[tilespmem:s15+$0x0] =	vst.add.f32.msk $0xffff, v5  }
0x4a2: {  	s8 =	sor.u32 $0x50, s6;
	s7 =	sor.u32 $0x60, s6;
	[tilespmem:s11+$0x0] =	vst.add.f32.msk $0xffff, v6;
	s6 =	simm.s32 $0x0  }
.LBB2_52:
0x4a3: {  	s5 =	sadd.s32 $0x80, s5;
	[tilespmem:s10+$0x0] =	vst.add.f32.msk $0xffff, v2;
	s4 =	sadd.s32 $0x400, s4  }
0x4a4: {  	s6 =	sadd.s32 $0x10, s6;
	s10 =	sand.u32 $0x2000, s5;
	s11 =	sand.u32 $0x1C00, s4;
	[tilespmem:s9+$0x0] =	vst.add.f32.msk $0xffff, v3  }
0x4a5: {  	p0 =	slt.u32 s5, $0x3F80;
	s9 =	sor.u32 s10, s11;
	s10 =	sand.u32 $0x380, s6;
	[tilespmem:s8+$0x0] =	vst.add.f32.msk $0xffff, v1  }
0x4a6: {  	s11 =	sor.u32 s10, s9;
	[tilespmem:s7+$0x0] =	vst.add.f32.msk $0xffff, v0  }
0x4a7: {  	s12 =	sor.u32 $0x10, s11;
	s13 =	sor.u32 $0x20, s11;
	s10 =	sor.u32 $0x30, s11;
	v0 =	vld [tilespmem:s11+$0x14070]  }
0x4a8: {  	s9 =	sor.u32 $0x40, s11;
	s8 =	sor.u32 $0x50, s11;
	s7 =	sor.u32 $0x60, s11;
	v4 =	vld [tilespmem:s11+$0x14000]  }
0x4a9: {  	v5 =	vld [tilespmem:s11+$0x14010]  }
0x4aa: {  	v6 =	vld [tilespmem:s11+$0x14020]  }
0x4ab: {  	s14 =	sor.u32 $0x70, s11;
	v2 =	vld [tilespmem:s11+$0x14030]  }
0x4ac: {  	[tilespmem:s14+$0x0] =	vst.add.f32.msk $0xffff, v0  }
0x4ad: {  	v3 =	vld [tilespmem:s11+$0x14040]  }
.Ltmp25:
0x4ae: {  	v1 =	vld [tilespmem:s11+$0x14050];
	(pc) =	sbr.rel @p0 .LBB2_52-.Ltmp25, $4  }
0x4af: {  	v0 =	vld [tilespmem:s11+$0x14060]  }
0x4b0: {  	[tilespmem:s11+$0x0] =	vst.add.f32.msk $0xffff, v4  }
0x4b1: {  	[tilespmem:s12+$0x0] =	vst.add.f32.msk $0xffff, v5  }
0x4b2: {  	[tilespmem:s13+$0x0] =	vst.add.f32.msk $0xffff, v6  }
0x4b3: {  	[tilespmem:s10+$0x0] =	vst.add.f32.msk $0xffff, v2  }
0x4b4: {  	[tilespmem:s9+$0x0] =	vst.add.f32.msk $0xffff, v3  }
0x4b5: {  	[tilespmem:s8+$0x0] =	vst.add.f32.msk $0xffff, v1  }
0x4b6: {  	[tilespmem:s7+$0x0] =	vst.add.f32.msk $0xffff, v0  }
0x4b7: {  	s5 =	sld [smem:$0x7EC];
	_ =	sdelay $0x1  }
0x4b8: {  	s4 =	simm.s32 $0x0  }
0x4b9: {  	[hbm4b:s5+s4] =	stream.linear.scatter [tilespmem:s23], [sflag:$0xA], $0x4000, $0x38;
	[tilespmem:$0x1C000] =	vst v63  }
0x4ba: {  	_ =	swait.ge [sflag:s0], $0x4000  }
0x4bb: {  	s11 =	sld [smem:$0x7F5]  }
0x4bc: {  	[sflag:s0] =	ssyncset.done $0x0  }
0x4bd: {  	s5 =	simm.s32 $0x0;
	[sflag:s0] =	ssyncadd.s32 $0xFFFFC000  }
0x4be: {  	[tilespmem:s21], [sflag:$0x4] =	stream.linear.gather [hbm4b:s11+s4], $0x4000, $0x38;
	[tilespmem:$0x1C000] =	vst v63  }
0x4bf: {  	s12 =	sand.u32 $0x1C00, s4;
	s6 =	sand.u32 $0x2000, s5;
	_ =	swait.ge [sflag:s22], $0x4000  }
0x4c0: {  	s13 =	sand.u32 $0x380, s4;
	s6 =	sor.u32 s6, s12;
	[sflag:s22] =	ssyncset.done $0x0  }
0x4c1: {  	s6 =	sor.u32 s13, s6;
	[sflag:s22] =	ssyncadd.s32 $0xFFFFC000  }
0x4c2: {  	v0 =	vld [tilespmem:s6+$0x14070]  }
0x4c3: {  	v4 =	vld [tilespmem:s6+$0x14000]  }
0x4c4: {  	v5 =	vld [tilespmem:s6+$0x14010]  }
0x4c5: {  	v6 =	vld [tilespmem:s6+$0x14020]  }
0x4c6: {  	v2 =	vld [tilespmem:s6+$0x14030]  }
0x4c7: {  	v3 =	vld [tilespmem:s6+$0x14040]  }
0x4c8: {  	s7 =	sor.u32 $0x4070, s6;
	v1 =	vld [tilespmem:s6+$0x14060]  }
0x4c9: {  	[tilespmem:s7+$0x0] =	vst.add.f32.msk $0xffff, v0  }
0x4ca: {  	s14 =	sor.u32 $0x4000, s6;
	v0 =	vld [tilespmem:s6+$0x14050]  }
0x4cb: {  	s15 =	sor.u32 $0x4010, s6;
	[tilespmem:s14+$0x0] =	vst.add.f32.msk $0xffff, v4  }
0x4cc: {  	s10 =	sor.u32 $0x4030, s6;
	s9 =	sor.u32 $0x4040, s6;
	s11 =	sor.u32 $0x4020, s6;
	[tilespmem:s15+$0x0] =	vst.add.f32.msk $0xffff, v5  }
0x4cd: {  	s8 =	sor.u32 $0x4060, s6;
	s7 =	sor.u32 $0x4050, s6;
	[tilespmem:s11+$0x0] =	vst.add.f32.msk $0xffff, v6;
	s6 =	simm.s32 $0x0  }
.LBB2_54:
0x4ce: {  	s5 =	sadd.s32 $0x80, s5;
	[tilespmem:s10+$0x0] =	vst.add.f32.msk $0xffff, v2;
	s4 =	sadd.s32 $0x400, s4  }
0x4cf: {  	s6 =	sadd.s32 $0x10, s6;
	s10 =	sand.u32 $0x2000, s5;
	s11 =	sand.u32 $0x1C00, s4;
	[tilespmem:s9+$0x0] =	vst.add.f32.msk $0xffff, v3  }
0x4d0: {  	p0 =	slt.u32 s5, $0x3F80;
	s9 =	sor.u32 s10, s11;
	s10 =	sand.u32 $0x380, s6;
	[tilespmem:s7+$0x0] =	vst.add.f32.msk $0xffff, v0  }
0x4d1: {  	s11 =	sor.u32 s10, s9;
	[tilespmem:s8+$0x0] =	vst.add.f32.msk $0xffff, v1  }
0x4d2: {  	s12 =	sor.u32 $0x4000, s11;
	s13 =	sor.u32 $0x4010, s11;
	s14 =	sor.u32 $0x4020, s11;
	v0 =	vld [tilespmem:s11+$0x14070]  }
0x4d3: {  	s10 =	sor.u32 $0x4030, s11;
	s9 =	sor.u32 $0x4040, s11;
	s7 =	sor.u32 $0x4050, s11;
	v4 =	vld [tilespmem:s11+$0x14000]  }
0x4d4: {  	s8 =	sor.u32 $0x4060, s11;
	v5 =	vld [tilespmem:s11+$0x14010]  }
0x4d5: {  	v6 =	vld [tilespmem:s11+$0x14020]  }
0x4d6: {  	s15 =	sor.u32 $0x4070, s11;
	v2 =	vld [tilespmem:s11+$0x14030]  }
0x4d7: {  	[tilespmem:s15+$0x0] =	vst.add.f32.msk $0xffff, v0  }
0x4d8: {  	v3 =	vld [tilespmem:s11+$0x14040]  }
.Ltmp26:
0x4d9: {  	v0 =	vld [tilespmem:s11+$0x14050];
	(pc) =	sbr.rel @p0 .LBB2_54-.Ltmp26, $4  }
0x4da: {  	v1 =	vld [tilespmem:s11+$0x14060]  }
0x4db: {  	[tilespmem:s12+$0x0] =	vst.add.f32.msk $0xffff, v4  }
0x4dc: {  	[tilespmem:s13+$0x0] =	vst.add.f32.msk $0xffff, v5  }
0x4dd: {  	[tilespmem:s14+$0x0] =	vst.add.f32.msk $0xffff, v6  }
0x4de: {  	[tilespmem:s10+$0x0] =	vst.add.f32.msk $0xffff, v2  }
0x4df: {  	[tilespmem:s9+$0x0] =	vst.add.f32.msk $0xffff, v3  }
0x4e0: {  	[tilespmem:s7+$0x0] =	vst.add.f32.msk $0xffff, v0  }
0x4e1: {  	[tilespmem:s8+$0x0] =	vst.add.f32.msk $0xffff, v1  }
0x4e2: {  	s5 =	sld [smem:$0x7EE];
	_ =	sdelay $0x1  }
0x4e3: {  	s4 =	simm.s32 $0x0  }
0x4e4: {  	[hbm4b:s5+s4] =	stream.linear.scatter [tilespmem:s4], [sflag:$0x6], $0x4000, $0x38;
	[tilespmem:$0x1C000] =	vst v63  }
0x4e5: {  	_ =	swait.ge [sflag:s2], $0x4000  }
0x4e6: {  	s11 =	sld [smem:$0x7F6]  }
0x4e7: {  	[sflag:s2] =	ssyncset.done $0x0  }
0x4e8: {  	s5 =	simm.s32 $0x0;
	[sflag:s2] =	ssyncadd.s32 $0xFFFFC000  }
0x4e9: {  	[tilespmem:s23], [sflag:$0x5] =	stream.linear.gather [hbm4b:s11+s4], $0x4000, $0x38;
	[tilespmem:$0x1C000] =	vst v63  }
0x4ea: {  	s12 =	sand.u32 $0x1C00, s4;
	s6 =	sand.u32 $0x2000, s5;
	_ =	swait.ge [sflag:s24], $0x4000  }
0x4eb: {  	s13 =	sand.u32 $0x380, s4;
	s6 =	sor.u32 s6, s12;
	[sflag:s24] =	ssyncset.done $0x0  }
0x4ec: {  	s6 =	sor.u32 s13, s6;
	[sflag:s24] =	ssyncadd.s32 $0xFFFFC000  }
0x4ed: {  	v0 =	vld [tilespmem:s6+$0x14070]  }
0x4ee: {  	v4 =	vld [tilespmem:s6+$0x14000]  }
0x4ef: {  	v5 =	vld [tilespmem:s6+$0x14010]  }
0x4f0: {  	v6 =	vld [tilespmem:s6+$0x14020]  }
0x4f1: {  	v2 =	vld [tilespmem:s6+$0x14030]  }
0x4f2: {  	v3 =	vld [tilespmem:s6+$0x14040]  }
0x4f3: {  	s7 =	sor.u32 $0x8070, s6;
	v1 =	vld [tilespmem:s6+$0x14060]  }
0x4f4: {  	[tilespmem:s7+$0x0] =	vst.add.f32.msk $0xffff, v0  }
0x4f5: {  	s14 =	sor.u32 $0x8000, s6;
	v0 =	vld [tilespmem:s6+$0x14050]  }
0x4f6: {  	s15 =	sor.u32 $0x8010, s6;
	[tilespmem:s14+$0x0] =	vst.add.f32.msk $0xffff, v4  }
0x4f7: {  	s10 =	sor.u32 $0x8030, s6;
	s9 =	sor.u32 $0x8040, s6;
	s11 =	sor.u32 $0x8020, s6;
	[tilespmem:s15+$0x0] =	vst.add.f32.msk $0xffff, v5  }
0x4f8: {  	s8 =	sor.u32 $0x8060, s6;
	s7 =	sor.u32 $0x8050, s6;
	[tilespmem:s11+$0x0] =	vst.add.f32.msk $0xffff, v6;
	s6 =	simm.s32 $0x0  }
.LBB2_56:
0x4f9: {  	s5 =	sadd.s32 $0x80, s5;
	[tilespmem:s10+$0x0] =	vst.add.f32.msk $0xffff, v2;
	s4 =	sadd.s32 $0x400, s4  }
0x4fa: {  	s6 =	sadd.s32 $0x10, s6;
	s10 =	sand.u32 $0x2000, s5;
	s11 =	sand.u32 $0x1C00, s4;
	[tilespmem:s9+$0x0] =	vst.add.f32.msk $0xffff, v3  }
0x4fb: {  	p0 =	slt.u32 s5, $0x3F80;
	s9 =	sor.u32 s10, s11;
	s10 =	sand.u32 $0x380, s6;
	[tilespmem:s7+$0x0] =	vst.add.f32.msk $0xffff, v0  }
0x4fc: {  	s11 =	sor.u32 s10, s9;
	[tilespmem:s8+$0x0] =	vst.add.f32.msk $0xffff, v1  }
0x4fd: {  	s12 =	sor.u32 $0x8000, s11;
	s13 =	sor.u32 $0x8010, s11;
	s14 =	sor.u32 $0x8020, s11;
	v0 =	vld [tilespmem:s11+$0x14070]  }
0x4fe: {  	s10 =	sor.u32 $0x8030, s11;
	s9 =	sor.u32 $0x8040, s11;
	s7 =	sor.u32 $0x8050, s11;
	v4 =	vld [tilespmem:s11+$0x14000]  }
0x4ff: {  	s8 =	sor.u32 $0x8060, s11;
	v5 =	vld [tilespmem:s11+$0x14010]  }
0x500: {  	v6 =	vld [tilespmem:s11+$0x14020]  }
0x501: {  	s15 =	sor.u32 $0x8070, s11;
	v2 =	vld [tilespmem:s11+$0x14030]  }
0x502: {  	[tilespmem:s15+$0x0] =	vst.add.f32.msk $0xffff, v0  }
0x503: {  	v3 =	vld [tilespmem:s11+$0x14040]  }
.Ltmp27:
0x504: {  	v0 =	vld [tilespmem:s11+$0x14050];
	(pc) =	sbr.rel @p0 .LBB2_56-.Ltmp27, $4  }
0x505: {  	v1 =	vld [tilespmem:s11+$0x14060]  }
0x506: {  	[tilespmem:s12+$0x0] =	vst.add.f32.msk $0xffff, v4  }
0x507: {  	[tilespmem:s13+$0x0] =	vst.add.f32.msk $0xffff, v5  }
0x508: {  	[tilespmem:s14+$0x0] =	vst.add.f32.msk $0xffff, v6  }
0x509: {  	[tilespmem:s10+$0x0] =	vst.add.f32.msk $0xffff, v2  }
0x50a: {  	[tilespmem:s9+$0x0] =	vst.add.f32.msk $0xffff, v3  }
0x50b: {  	[tilespmem:s7+$0x0] =	vst.add.f32.msk $0xffff, v0  }
0x50c: {  	[tilespmem:s8+$0x0] =	vst.add.f32.msk $0xffff, v1  }
0x50d: {  	s5 =	sld [smem:$0x7F0];
	_ =	sdelay $0x1  }
0x50e: {  	s4 =	simm.s32 $0x0  }
0x50f: {  	[hbm4b:s5+s4] =	stream.linear.scatter [tilespmem:s17], [sflag:$0x7], $0x4000, $0x38;
	[tilespmem:$0x1C000] =	vst v63  }
0x510: {  	_ =	swait.ge [sflag:s25], $0x4000  }
0x511: {  	s11 =	sld [smem:$0x7F7]  }
0x512: {  	[sflag:s25] =	ssyncset.done $0x0  }
0x513: {  	[sflag:s25] =	ssyncadd.s32 $0xFFFFC000  }
0x514: {  	[tilespmem:s4], [sflag:$0x1] =	stream.linear.gather [hbm4b:s11+s4], $0x4000, $0x38;
	[tilespmem:$0x1C000] =	vst v63  }
0x515: {  	_ =	swait.ge [sflag:s26], $0x4000  }
0x516: {  	[sflag:s26] =	ssyncset.done $0x0  }
0x517: {  	s5 =	simm.s32 $0x0;
	[sflag:s26] =	ssyncadd.s32 $0xFFFFC000  }
0x518: {  	s12 =	sand.u32 $0x1C00, s4;
	s6 =	sand.u32 $0x2000, s5;
	_ =	swait.ge [sflag:s30], $0x4000  }
0x519: {  	s13 =	sand.u32 $0x380, s4;
	s6 =	sor.u32 s6, s12;
	[sflag:s30] =	ssyncset.done $0x0  }
0x51a: {  	s6 =	sor.u32 s13, s6;
	[sflag:s30] =	ssyncadd.s32 $0xFFFFC000  }
0x51b: {  	v0 =	vld [tilespmem:s6+$0x18070]  }
0x51c: {  	v4 =	vld [tilespmem:s6+$0x18000]  }
0x51d: {  	v5 =	vld [tilespmem:s6+$0x18010]  }
0x51e: {  	v6 =	vld [tilespmem:s6+$0x18020]  }
0x51f: {  	v2 =	vld [tilespmem:s6+$0x18030]  }
0x520: {  	v3 =	vld [tilespmem:s6+$0x18040]  }
0x521: {  	s7 =	sor.u32 $0xC070, s6;
	v1 =	vld [tilespmem:s6+$0x18060]  }
0x522: {  	[tilespmem:s7+$0x0] =	vst.add.f32.msk $0xffff, v0  }
0x523: {  	s14 =	sor.u32 $0xC000, s6;
	v0 =	vld [tilespmem:s6+$0x18050]  }
0x524: {  	s15 =	sor.u32 $0xC010, s6;
	[tilespmem:s14+$0x0] =	vst.add.f32.msk $0xffff, v4  }
0x525: {  	s10 =	sor.u32 $0xC030, s6;
	s9 =	sor.u32 $0xC040, s6;
	s11 =	sor.u32 $0xC020, s6;
	[tilespmem:s15+$0x0] =	vst.add.f32.msk $0xffff, v5  }
0x526: {  	s8 =	sor.u32 $0xC060, s6;
	s7 =	sor.u32 $0xC050, s6;
	[tilespmem:s11+$0x0] =	vst.add.f32.msk $0xffff, v6;
	s6 =	simm.s32 $0x0  }
.LBB2_58:
0x527: {  	s5 =	sadd.s32 $0x80, s5;
	[tilespmem:s10+$0x0] =	vst.add.f32.msk $0xffff, v2;
	s4 =	sadd.s32 $0x400, s4  }
0x528: {  	s6 =	sadd.s32 $0x10, s6;
	s10 =	sand.u32 $0x2000, s5;
	s11 =	sand.u32 $0x1C00, s4;
	[tilespmem:s9+$0x0] =	vst.add.f32.msk $0xffff, v3  }
0x529: {  	p0 =	slt.u32 s5, $0x3F80;
	s9 =	sor.u32 s10, s11;
	s10 =	sand.u32 $0x380, s6;
	[tilespmem:s7+$0x0] =	vst.add.f32.msk $0xffff, v0  }
0x52a: {  	s11 =	sor.u32 s10, s9;
	[tilespmem:s8+$0x0] =	vst.add.f32.msk $0xffff, v1  }
0x52b: {  	s12 =	sor.u32 $0xC000, s11;
	s13 =	sor.u32 $0xC010, s11;
	s14 =	sor.u32 $0xC020, s11;
	v0 =	vld [tilespmem:s11+$0x18070]  }
0x52c: {  	s10 =	sor.u32 $0xC030, s11;
	s9 =	sor.u32 $0xC040, s11;
	s7 =	sor.u32 $0xC050, s11;
	v4 =	vld [tilespmem:s11+$0x18000]  }
0x52d: {  	s8 =	sor.u32 $0xC060, s11;
	v5 =	vld [tilespmem:s11+$0x18010]  }
0x52e: {  	v6 =	vld [tilespmem:s11+$0x18020]  }
0x52f: {  	s15 =	sor.u32 $0xC070, s11;
	v2 =	vld [tilespmem:s11+$0x18030]  }
0x530: {  	[tilespmem:s15+$0x0] =	vst.add.f32.msk $0xffff, v0  }
0x531: {  	v3 =	vld [tilespmem:s11+$0x18040]  }
.Ltmp28:
0x532: {  	v0 =	vld [tilespmem:s11+$0x18050];
	(pc) =	sbr.rel @p0 .LBB2_58-.Ltmp28, $4  }
0x533: {  	v1 =	vld [tilespmem:s11+$0x18060]  }
0x534: {  	[tilespmem:s12+$0x0] =	vst.add.f32.msk $0xffff, v4  }
0x535: {  	[tilespmem:s13+$0x0] =	vst.add.f32.msk $0xffff, v5  }
0x536: {  	[tilespmem:s14+$0x0] =	vst.add.f32.msk $0xffff, v6  }
0x537: {  	[tilespmem:s10+$0x0] =	vst.add.f32.msk $0xffff, v2  }
0x538: {  	[tilespmem:s9+$0x0] =	vst.add.f32.msk $0xffff, v3  }
0x539: {  	[tilespmem:s7+$0x0] =	vst.add.f32.msk $0xffff, v0  }
0x53a: {  	[tilespmem:s8+$0x0] =	vst.add.f32.msk $0xffff, v1  }
0x53b: {  	s5 =	sld [smem:$0x7F2];
	_ =	sdelay $0x1  }
0x53c: {  	s4 =	simm.s32 $0x0  }
0x53d: {  	[hbm4b:s5+s4] =	stream.linear.scatter [tilespmem:s18], [sflag:$0x8], $0x4000, $0x38;
	[tilespmem:$0x1C000] =	vst v63  }
0x53e: {  	_ =	swait.ge [sflag:s28], $0x4000  }
0x53f: {  	s11 =	sld [smem:$0x7F8]  }
0x540: {  	[sflag:s28] =	ssyncset.done $0x0  }
0x541: {  	s5 =	simm.s32 $0x0;
	[sflag:s28] =	ssyncadd.s32 $0xFFFFC000  }
0x542: {  	[tilespmem:s17], [sflag:$0x2] =	stream.linear.gather [hbm4b:s11+s4], $0x4000, $0x38;
	[tilespmem:$0x1C000] =	vst v63  }
0x543: {  	s12 =	sand.u32 $0x1C00, s4;
	s6 =	sand.u32 $0x2000, s5;
	_ =	swait.ge [sflag:s29], $0x4000  }
0x544: {  	s13 =	sand.u32 $0x380, s4;
	s6 =	sor.u32 s6, s12;
	[sflag:s29] =	ssyncset.done $0x0  }
0x545: {  	s6 =	sor.u32 s13, s6;
	[sflag:s29] =	ssyncadd.s32 $0xFFFFC000  }
0x546: {  	v0 =	vld [tilespmem:s6+$0x18070]  }
0x547: {  	v4 =	vld [tilespmem:s6+$0x18000]  }
0x548: {  	v5 =	vld [tilespmem:s6+$0x18010]  }
0x549: {  	v6 =	vld [tilespmem:s6+$0x18020]  }
0x54a: {  	v2 =	vld [tilespmem:s6+$0x18030]  }
0x54b: {  	v3 =	vld [tilespmem:s6+$0x18040]  }
0x54c: {  	s7 =	sor.u32 $0x10070, s6;
	v1 =	vld [tilespmem:s6+$0x18060]  }
0x54d: {  	[tilespmem:s7+$0x0] =	vst.add.f32.msk $0xffff, v0  }
0x54e: {  	s14 =	sor.u32 $0x10000, s6;
	v0 =	vld [tilespmem:s6+$0x18050]  }
0x54f: {  	s15 =	sor.u32 $0x10010, s6;
	[tilespmem:s14+$0x0] =	vst.add.f32.msk $0xffff, v4  }
0x550: {  	s10 =	sor.u32 $0x10030, s6;
	s9 =	sor.u32 $0x10040, s6;
	s11 =	sor.u32 $0x10020, s6;
	[tilespmem:s15+$0x0] =	vst.add.f32.msk $0xffff, v5  }
0x551: {  	s8 =	sor.u32 $0x10060, s6;
	s7 =	sor.u32 $0x10050, s6;
	[tilespmem:s11+$0x0] =	vst.add.f32.msk $0xffff, v6;
	s6 =	simm.s32 $0x0  }
.LBB2_60:
0x552: {  	s5 =	sadd.s32 $0x80, s5;
	[tilespmem:s10+$0x0] =	vst.add.f32.msk $0xffff, v2;
	s4 =	sadd.s32 $0x400, s4  }
0x553: {  	s6 =	sadd.s32 $0x10, s6;
	s10 =	sand.u32 $0x2000, s5;
	s11 =	sand.u32 $0x1C00, s4;
	[tilespmem:s9+$0x0] =	vst.add.f32.msk $0xffff, v3  }
0x554: {  	p0 =	slt.u32 s5, $0x3F80;
	s9 =	sor.u32 s10, s11;
	s10 =	sand.u32 $0x380, s6;
	[tilespmem:s7+$0x0] =	vst.add.f32.msk $0xffff, v0  }
0x555: {  	s11 =	sor.u32 s10, s9;
	[tilespmem:s8+$0x0] =	vst.add.f32.msk $0xffff, v1  }
0x556: {  	s12 =	sor.u32 $0x10000, s11;
	s13 =	sor.u32 $0x10010, s11;
	s14 =	sor.u32 $0x10020, s11;
	v0 =	vld [tilespmem:s11+$0x18070]  }
0x557: {  	s10 =	sor.u32 $0x10030, s11;
	s9 =	sor.u32 $0x10040, s11;
	s7 =	sor.u32 $0x10050, s11;
	v4 =	vld [tilespmem:s11+$0x18000]  }
0x558: {  	s8 =	sor.u32 $0x10060, s11;
	v5 =	vld [tilespmem:s11+$0x18010]  }
0x559: {  	v6 =	vld [tilespmem:s11+$0x18020]  }
0x55a: {  	s15 =	sor.u32 $0x10070, s11;
	v2 =	vld [tilespmem:s11+$0x18030]  }
0x55b: {  	[tilespmem:s15+$0x0] =	vst.add.f32.msk $0xffff, v0  }
0x55c: {  	v3 =	vld [tilespmem:s11+$0x18040]  }
.Ltmp29:
0x55d: {  	v0 =	vld [tilespmem:s11+$0x18050];
	(pc) =	sbr.rel @p0 .LBB2_60-.Ltmp29, $4  }
0x55e: {  	v1 =	vld [tilespmem:s11+$0x18060]  }
0x55f: {  	[tilespmem:s12+$0x0] =	vst.add.f32.msk $0xffff, v4  }
0x560: {  	[tilespmem:s13+$0x0] =	vst.add.f32.msk $0xffff, v5  }
0x561: {  	[tilespmem:s14+$0x0] =	vst.add.f32.msk $0xffff, v6  }
0x562: {  	[tilespmem:s10+$0x0] =	vst.add.f32.msk $0xffff, v2  }
0x563: {  	[tilespmem:s9+$0x0] =	vst.add.f32.msk $0xffff, v3  }
0x564: {  	[tilespmem:s7+$0x0] =	vst.add.f32.msk $0xffff, v0  }
0x565: {  	[tilespmem:s8+$0x0] =	vst.add.f32.msk $0xffff, v1  }
0x566: {  	s5 =	sld [smem:$0x7F9];
	_ =	sdelay $0x1  }
0x567: {  	s4 =	simm.s32 $0x0  }
0x568: {  	[hbm4b:s5+s4] =	stream.linear.scatter [tilespmem:s21], [sflag:$0x9], $0x4000, $0x38;
	[tilespmem:$0x1C000] =	vst v63  }
0x569: {  	s5 =	simm.s32 $0x0  }
0x56a: {  	s13 =	sand.u32 $0x1C00, s4;
	_ =	swait.ge [sflag:s19], $0x4000;
	s6 =	sand.u32 $0x2000, s5  }
0x56b: {  	s14 =	sand.u32 $0x380, s4;
	[sflag:s19] =	ssyncset.done $0x0;
	s6 =	sor.u32 s6, s13  }
0x56c: {  	[sflag:s19] =	ssyncadd.s32 $0xFFFFC000;
	s6 =	sor.u32 s14, s6  }
0x56d: {  	v0 =	vld [tilespmem:s6+$0x18070]  }
0x56e: {  	v4 =	vld [tilespmem:s6+$0x18000]  }
0x56f: {  	v5 =	vld [tilespmem:s6+$0x18010]  }
0x570: {  	v6 =	vld [tilespmem:s6+$0x18020]  }
0x571: {  	v2 =	vld [tilespmem:s6+$0x18030]  }
0x572: {  	v3 =	vld [tilespmem:s6+$0x18040]  }
0x573: {  	s7 =	sor.u32 $0x70, s6;
	v1 =	vld [tilespmem:s6+$0x18050]  }
0x574: {  	[tilespmem:s7+$0x0] =	vst.add.f32.msk $0xffff, v0  }
0x575: {  	v0 =	vld [tilespmem:s6+$0x18060]  }
0x576: {  	s15 =	sor.u32 $0x10, s6;
	[tilespmem:s6+$0x0] =	vst.add.f32.msk $0xffff, v4  }
0x577: {  	s11 =	sor.u32 $0x20, s6;
	s10 =	sor.u32 $0x30, s6;
	s9 =	sor.u32 $0x40, s6;
	[tilespmem:s15+$0x0] =	vst.add.f32.msk $0xffff, v5  }
0x578: {  	s8 =	sor.u32 $0x50, s6;
	s7 =	sor.u32 $0x60, s6;
	[tilespmem:s11+$0x0] =	vst.add.f32.msk $0xffff, v6;
	s6 =	simm.s32 $0x0  }
.LBB2_62:
0x579: {  	s5 =	sadd.s32 $0x80, s5;
	[tilespmem:s10+$0x0] =	vst.add.f32.msk $0xffff, v2;
	s4 =	sadd.s32 $0x400, s4  }
0x57a: {  	s6 =	sadd.s32 $0x10, s6;
	s10 =	sand.u32 $0x2000, s5;
	s11 =	sand.u32 $0x1C00, s4;
	[tilespmem:s9+$0x0] =	vst.add.f32.msk $0xffff, v3  }
0x57b: {  	p0 =	slt.u32 s5, $0x3F80;
	s9 =	sor.u32 s10, s11;
	s10 =	sand.u32 $0x380, s6;
	[tilespmem:s8+$0x0] =	vst.add.f32.msk $0xffff, v1  }
0x57c: {  	s11 =	sor.u32 s10, s9;
	[tilespmem:s7+$0x0] =	vst.add.f32.msk $0xffff, v0  }
0x57d: {  	s12 =	sor.u32 $0x10, s11;
	s13 =	sor.u32 $0x20, s11;
	s10 =	sor.u32 $0x30, s11;
	v0 =	vld [tilespmem:s11+$0x18070]  }
0x57e: {  	s9 =	sor.u32 $0x40, s11;
	s8 =	sor.u32 $0x50, s11;
	s7 =	sor.u32 $0x60, s11;
	v4 =	vld [tilespmem:s11+$0x18000]  }
0x57f: {  	v5 =	vld [tilespmem:s11+$0x18010]  }
0x580: {  	v6 =	vld [tilespmem:s11+$0x18020]  }
0x581: {  	s14 =	sor.u32 $0x70, s11;
	v2 =	vld [tilespmem:s11+$0x18030]  }
0x582: {  	[tilespmem:s14+$0x0] =	vst.add.f32.msk $0xffff, v0  }
0x583: {  	v3 =	vld [tilespmem:s11+$0x18040]  }
.Ltmp30:
0x584: {  	v1 =	vld [tilespmem:s11+$0x18050];
	(pc) =	sbr.rel @p0 .LBB2_62-.Ltmp30, $4  }
0x585: {  	v0 =	vld [tilespmem:s11+$0x18060]  }
0x586: {  	[tilespmem:s11+$0x0] =	vst.add.f32.msk $0xffff, v4  }
0x587: {  	[tilespmem:s12+$0x0] =	vst.add.f32.msk $0xffff, v5  }
0x588: {  	[tilespmem:s13+$0x0] =	vst.add.f32.msk $0xffff, v6  }
0x589: {  	[tilespmem:s10+$0x0] =	vst.add.f32.msk $0xffff, v2  }
0x58a: {  	[tilespmem:s9+$0x0] =	vst.add.f32.msk $0xffff, v3  }
0x58b: {  	[tilespmem:s8+$0x0] =	vst.add.f32.msk $0xffff, v1  }
0x58c: {  	[tilespmem:s7+$0x0] =	vst.add.f32.msk $0xffff, v0  }
0x58d: {  	s5 =	sld [smem:$0x7FA];
	_ =	sdelay $0x1  }
0x58e: {  	s4 =	simm.s32 $0x0  }
0x58f: {  	[hbm4b:s5+s4] =	stream.linear.scatter [tilespmem:s23], [sflag:$0xA], $0x4000, $0x38;
	[tilespmem:$0x1C000] =	vst v63  }
0x590: {  	s5 =	simm.s32 $0x0  }
0x591: {  	s12 =	sand.u32 $0x1C00, s4;
	_ =	swait.ge [sflag:s22], $0x4000;
	s6 =	sand.u32 $0x2000, s5  }
0x592: {  	s13 =	sand.u32 $0x380, s4;
	[sflag:s22] =	ssyncset.done $0x0;
	s6 =	sor.u32 s6, s12  }
0x593: {  	[sflag:s22] =	ssyncadd.s32 $0xFFFFC000;
	s6 =	sor.u32 s13, s6  }
0x594: {  	v0 =	vld [tilespmem:s6+$0x18070]  }
0x595: {  	v4 =	vld [tilespmem:s6+$0x18000]  }
0x596: {  	v5 =	vld [tilespmem:s6+$0x18010]  }
0x597: {  	v6 =	vld [tilespmem:s6+$0x18020]  }
0x598: {  	v2 =	vld [tilespmem:s6+$0x18030]  }
0x599: {  	v3 =	vld [tilespmem:s6+$0x18040]  }
0x59a: {  	s7 =	sor.u32 $0x4070, s6;
	v1 =	vld [tilespmem:s6+$0x18060]  }
0x59b: {  	[tilespmem:s7+$0x0] =	vst.add.f32.msk $0xffff, v0  }
0x59c: {  	s14 =	sor.u32 $0x4000, s6;
	v0 =	vld [tilespmem:s6+$0x18050]  }
0x59d: {  	s15 =	sor.u32 $0x4010, s6;
	[tilespmem:s14+$0x0] =	vst.add.f32.msk $0xffff, v4  }
0x59e: {  	s11 =	sor.u32 $0x4020, s6;
	s10 =	sor.u32 $0x4030, s6;
	s9 =	sor.u32 $0x4040, s6;
	[tilespmem:s15+$0x0] =	vst.add.f32.msk $0xffff, v5  }
0x59f: {  	s8 =	sor.u32 $0x4060, s6;
	s7 =	sor.u32 $0x4050, s6;
	[tilespmem:s11+$0x0] =	vst.add.f32.msk $0xffff, v6;
	s6 =	simm.s32 $0x0  }
.LBB2_64:
0x5a0: {  	s5 =	sadd.s32 $0x80, s5;
	[tilespmem:s10+$0x0] =	vst.add.f32.msk $0xffff, v2;
	s4 =	sadd.s32 $0x400, s4  }
0x5a1: {  	s6 =	sadd.s32 $0x10, s6;
	s10 =	sand.u32 $0x2000, s5;
	s11 =	sand.u32 $0x1C00, s4;
	[tilespmem:s9+$0x0] =	vst.add.f32.msk $0xffff, v3  }
0x5a2: {  	p0 =	slt.u32 s5, $0x3F80;
	s9 =	sor.u32 s10, s11;
	s10 =	sand.u32 $0x380, s6;
	[tilespmem:s7+$0x0] =	vst.add.f32.msk $0xffff, v0  }
0x5a3: {  	s11 =	sor.u32 s10, s9;
	[tilespmem:s8+$0x0] =	vst.add.f32.msk $0xffff, v1  }
0x5a4: {  	s12 =	sor.u32 $0x4000, s11;
	s13 =	sor.u32 $0x4010, s11;
	s14 =	sor.u32 $0x4020, s11;
	v0 =	vld [tilespmem:s11+$0x18070]  }
0x5a5: {  	s10 =	sor.u32 $0x4030, s11;
	s9 =	sor.u32 $0x4040, s11;
	s7 =	sor.u32 $0x4050, s11;
	v4 =	vld [tilespmem:s11+$0x18000]  }
0x5a6: {  	s8 =	sor.u32 $0x4060, s11;
	v5 =	vld [tilespmem:s11+$0x18010]  }
0x5a7: {  	v6 =	vld [tilespmem:s11+$0x18020]  }
0x5a8: {  	s15 =	sor.u32 $0x4070, s11;
	v2 =	vld [tilespmem:s11+$0x18030]  }
0x5a9: {  	[tilespmem:s15+$0x0] =	vst.add.f32.msk $0xffff, v0  }
0x5aa: {  	v3 =	vld [tilespmem:s11+$0x18040]  }
.Ltmp31:
0x5ab: {  	v0 =	vld [tilespmem:s11+$0x18050];
	(pc) =	sbr.rel @p0 .LBB2_64-.Ltmp31, $4  }
0x5ac: {  	v1 =	vld [tilespmem:s11+$0x18060]  }
0x5ad: {  	[tilespmem:s12+$0x0] =	vst.add.f32.msk $0xffff, v4  }
0x5ae: {  	[tilespmem:s13+$0x0] =	vst.add.f32.msk $0xffff, v5  }
0x5af: {  	[tilespmem:s14+$0x0] =	vst.add.f32.msk $0xffff, v6  }
0x5b0: {  	[tilespmem:s10+$0x0] =	vst.add.f32.msk $0xffff, v2  }
0x5b1: {  	[tilespmem:s9+$0x0] =	vst.add.f32.msk $0xffff, v3  }
0x5b2: {  	[tilespmem:s7+$0x0] =	vst.add.f32.msk $0xffff, v0  }
0x5b3: {  	[tilespmem:s8+$0x0] =	vst.add.f32.msk $0xffff, v1  }
0x5b4: {  	s4 =	sld [smem:$0x7FB];
	_ =	sdelay $0x1  }
0x5b5: {  	s14 =	sld [smem:$0x7FC]  }
0x5b6: {  	[hbm4b:s4+s1] =	stream.linear.scatter [tilespmem:s1], [sflag:$0x6], $0x4000, $0x38;
	[tilespmem:$0x1C000] =	vst v63  }
0x5b7: {  	_ = 	snop  }
0x5b8: {  	[hbm4b:s14+s1] =	stream.linear.scatter [tilespmem:s17], [sflag:$0x7], $0x4000, $0x38;
	[tilespmem:$0x1C000] =	vst v63  }
0x5b9: {  	_ =	swait.ge [sflag:s31], $0x4000  }
0x5ba: {  	[sflag:s31] =	ssyncset.done $0x0  }
0x5bb: {  	[sflag:s31] =	ssyncadd.s32 $0xFFFFC000  }
0x5bc: {  	_ =	swait.ge [sflag:s0], $0x4000  }
0x5bd: {  	[sflag:s0] =	ssyncset.done $0x0  }
0x5be: {  	[sflag:s0] =	ssyncadd.s32 $0xFFFFC000  }
0x5bf: {  	_ =	swait.ge [sflag:s2], $0x4000  }
0x5c0: {  	[sflag:s2] =	ssyncset.done $0x0  }
0x5c1: {  	[sflag:s2] =	ssyncadd.s32 $0xFFFFC000  }
0x5c2: {  	_ =	swait.ge [sflag:s25], $0x4000  }
0x5c3: {  	[sflag:s25] =	ssyncset.done $0x0  }
0x5c4: {  	[sflag:s25] =	ssyncadd.s32 $0xFFFFC000  }
0x5c5: {  	_ =	swait.ge [sflag:s28], $0x4000  }
0x5c6: {  	s15 =	sld [smem:$0x7FD];
	_ =	sdelay $0x1  }
0x5c7: {  	s3 =	sadd.s32 $0x1, s3  }
0x5c8: {  	p0 =	sne.s32 s3, s15  }
.Ltmp32:
0x5c9: {  	_ = 	snop;
	(pc) =	sbr.rel @p0 .LBB2_1-.Ltmp32, $3  }
0x5ca: {  	_ =	sdelay $0x1  }
0x5cb: {  	[sflag:s28] =	ssyncset.done $0x0  }
0x5cc: {  	[sflag:s28] =	ssyncadd.s32 $0xFFFFC000  }
0x5cd: {  	_ =	sfence.sel $0x180000  }
0x5ce: {  	[bflag:$0x0] =	sbarrier.arrive $0xFFFF  }
0x5cf: {  	_ =	strace $0x90000047  }
0x5d0: {  	s0 =	stileid.u32;
	[bflag:$0x2] =	sbarrier.arrive $0xFFFF  }
0x5d1: {  	p0 =	sne.s32 s0, $0x0;
	s0 =	rddreg [dreg:$0x3]  }
0x5d2: {  	s0 =	sadd.s32 @!p0 $0x100000, s0  }
0x5d3: {  	[sflag:s0] =	ssyncadd.tile.s32 @!p0 $0x1;
	_ =	shalt  }
.Lfunc_end2:
_tile_overlayer_lowered:
.L_overlay_start_2:
0x5d4: {  	(tag) =	ssettag $0x2  }
0x5d5: {  	s0 =	rddreg [dreg:$0x0];
	s2 =	stileid.u32  }
0x5d6: {  	s1 =	rddreg [dreg:$0x1];
	p0 =	sne.s32 s2, $0x0  }
0x5d7: {  	s3 =	rddreg [dreg:$0x2];
	[bflag:$0x3] =	sbarrier.arrive $0xFFFF;
	s2 =	simm.s32 @!p0 $0x1C0D  }
0x5d8: {  	[timem:s3], [sflag:s2] =	dma.local @!p0 [hbm:s0], s1  }
0x5d9: {  	s0 =	simm.s32 @!p0 $0xD  }
0x5da: {  	_ =	swait.ge @!p0 [sflag:s0], s1  }
0x5db: {  	s1 =	ssub.s32 @!p0 $0x0, s1;
	[sflag:s0] =	ssyncset.done @!p0 $0x0  }
0x5dc: {  	[sflag:s0] =	ssyncadd.s32 @!p0 s1  }
0x5dd: {  	[bflag:$0x3] =	sbarrier.arrive $0xFFFF  }
0x5de: {  	_ =	shalt  }

</sc_bundles>
